<compile_context>
chip_gen: v7x
topology: tpu7x:2x2x1
jax: 0.10.2.dev20260603
libtpu: 0.0.44.dev20260713+nightly
codegen_flags: <defaults>
</compile_context>

<pallas_src>
import functools

import jax
import jax.numpy as jnp
from jax import lax
from jax.experimental import pallas as pl
from jax.experimental.pallas import tpu as pltpu
from jax.experimental.pallas import tpu_sc as plsc

_NC = 2
_NS = 16
_L = 16
_CHUNK = 128


@functools.cache
def _build(B, D):
    NW = _NC * _NS
    bpw = B // NW
    nch = bpw // _CHUNK
    groups = bpw // _L
    mesh = plsc.VectorSubcoreMesh(core_axis_name="c", subcore_axis_name="s",
                                  num_cores=_NC, num_subcores=_NS)

    @functools.partial(
        pl.kernel,
        out_type=jax.ShapeDtypeStruct((B,), jnp.float32),
        mesh=mesh,
        scratch_types=[
            pltpu.VMEM((nch, _CHUNK), jnp.int32),
            pltpu.VMEM((nch, _CHUNK), jnp.int32),
            pltpu.VMEM((bpw // 2, 32), jnp.float32),
            pltpu.VMEM((bpw // 2, 32), jnp.float32),
            pltpu.VMEM((bpw,), jnp.float32),
            pltpu.SemaphoreType.DMA,
            pltpu.SemaphoreType.DMA,
            pltpu.SemaphoreType.DMA,
            pltpu.SemaphoreType.DMA,
        ],
        compiler_params=pltpu.CompilerParams(
            needs_layout_passes=False, use_tc_tiling_on_sc=True),
    )
    def sc_kernel(ut, it, uid, iid, out,
                  uidv, iidv, urow, irow, outv, s0, s1, s2, s3):
        sems = (s0, s1, s2, s3)
        wid = lax.axis_index("s") * _NC + lax.axis_index("c")
        base = wid * bpw
        for j in range(nch):
            off = base + j * _CHUNK
            pltpu.sync_copy(uid.at[pl.ds(off, _CHUNK)], uidv.at[j])
            pltpu.sync_copy(iid.at[pl.ds(off, _CHUNK)], iidv.at[j])

        hb = bpw // 2
        hgroups = hb // _L
        lane = lax.iota(jnp.int32, _L)

        for h in range(2):
            hoff = h * hgroups

            def issue(g, carry):
                gg = g + hoff
                s = pl.ds((gg & 7) * _L, _L)
                uvec = uidv.at[gg >> 3][s]
                ivec = iidv.at[gg >> 3][s]
                for kk in range(_L):
                    r = pl.ds(g * _L + kk, 1)
                    pltpu.async_copy(ut.at[pl.ds(uvec[kk], 1)],
                                     urow.at[r], sems[kk & 3])
                    pltpu.async_copy(it.at[pl.ds(ivec[kk], 1)],
                                     irow.at[r], sems[kk & 3])
                return carry

            lax.fori_loop(0, hgroups, issue, 0)
            for q in range(4):
                pltpu.make_async_copy(ut.at[pl.ds(0, hb // 4)],
                                      urow.at[pl.ds(0, hb // 4)],
                                      sems[q]).wait()
                pltpu.make_async_copy(it.at[pl.ds(0, hb // 4)],
                                      irow.at[pl.ds(0, hb // 4)],
                                      sems[q]).wait()

            def body(g, carry):
                rows = g * _L + lane
                acc = jnp.zeros((_L,), jnp.float32)
                for d in range(D):
                    dv = jnp.full((_L,), d, jnp.int32)
                    acc = acc + (plsc.load_gather(urow, [rows, dv]) *
                                 plsc.load_gather(irow, [rows, dv]))
                outv[pl.ds((g + hoff) * _L, _L)] = acc
                return carry

            lax.fori_loop(0, hgroups, body, 0)
        pltpu.sync_copy(outv, out.at[pl.ds(base, bpw)])

    return sc_kernel


def kernel(user_table, item_table, user_bias_table, item_bias_table,
           user_ids, item_ids):
    B = user_ids.shape[0]
    D = user_table.shape[1]
    f = _build(B, D)
    uid = user_ids.reshape(B)
    iid = item_ids.reshape(B)
    dot = f(user_table, item_table, uid, iid)
    bias = user_bias_table[uid, 0] + item_bias_table[iid, 0]
    return (dot + bias).reshape(B, 1)

# --- scband reference (transcript-rebuilt; emitter-appended) ---
"""Pipeline reference for scband-matrix-factorization-model-50886772523308 (READ-ONLY COPY).

The authoritative reference and input builder live on the scoring server;
editing this copy changes nothing except your own understanding.
"""

import jax, jax.numpy as jnp
import numpy as np

USER_SIZE = 1000000
ITEM_SIZE = 1000000
EMBED_DIM = 32
BATCH = 16384


def setup_inputs(seed: int = 0) -> dict:
    key = jax.random.key(seed)
    k1, k2, k3, k4, k5, k6 = jax.random.split(key, 6)
    user_ids = jax.random.randint(k1, (BATCH, 1), 0, USER_SIZE, dtype=jnp.int64 if jax.config.jax_enable_x64 else jnp.int32)
    item_ids = jax.random.randint(k2, (BATCH, 1), 0, ITEM_SIZE, dtype=jnp.int64 if jax.config.jax_enable_x64 else jnp.int32)
    user_table = jax.random.normal(k3, (USER_SIZE, EMBED_DIM), dtype=jnp.float32) * 0.01
    item_table = jax.random.normal(k4, (ITEM_SIZE, EMBED_DIM), dtype=jnp.float32) * 0.01
    user_bias_table = jax.random.normal(k5, (USER_SIZE, 1), dtype=jnp.float32) * 0.01
    item_bias_table = jax.random.normal(k6, (ITEM_SIZE, 1), dtype=jnp.float32) * 0.01
    return {
        "user_table": user_table,
        "item_table": item_table,
        "user_bias_table": user_bias_table,
        "item_bias_table": item_bias_table,
        "user_ids": user_ids,
        "item_ids": item_ids,
    }


def reference(user_table, item_table, user_bias_table, item_bias_table, user_ids, item_ids):
    # Embedding lookups (gather -> SparseCore friendly)
    user_embeddings = jnp.take(user_table, user_ids, axis=0)        # [B, 1, D]
    item_embeddings = jnp.take(item_table, item_ids, axis=0)        # [B, 1, D]
    user_bias = jnp.take(user_bias_table, user_ids, axis=0)          # [B, 1, 1]
    item_bias = jnp.take(item_bias_table, item_ids, axis=0)          # [B, 1, 1]
    # tf.keras.layers.Dot(axes=2): batched dot over last axis -> [B, 1, 1]
    x = jnp.einsum('bld,bmd->blm', user_embeddings, item_embeddings)
    # Add with biases [B, 1, 1]
    x = x + user_bias + item_bias
    # Flatten -> [B, 1]
    return x.reshape(x.shape[0], -1)

if __name__ == "__main__":
    import jax
    _d = setup_inputs()
    print(jax.jit(kernel)(*tuple(_d.values())))

</pallas_src>

<mosaic_0001>
#map = affine_map<(d0, d1) -> (0, 0)>
#map1 = affine_map<(d0, d1) -> (0)>
module attributes {stable_mosaic.version = 14 : i64} {
  func.func @sc_kernel(%arg0: i32, %arg1: i32, %arg2: memref<1000000x32xf32, #tpu.memory_space<hbm>>, %arg3: memref<1000000x32xf32, #tpu.memory_space<hbm>>, %arg4: memref<16384xi32, #tpu.memory_space<hbm>>, %arg5: memref<16384xi32, #tpu.memory_space<hbm>>, %arg6: memref<16384xf32, #tpu.memory_space<hbm>>, %arg7: memref<4x128xi32, #tpu.memory_space<vmem>>, %arg8: memref<4x128xi32, #tpu.memory_space<vmem>>, %arg9: memref<256x32xf32, #tpu.memory_space<vmem>>, %arg10: memref<256x32xf32, #tpu.memory_space<vmem>>, %arg11: memref<512xf32, #tpu.memory_space<vmem>>, %arg12: memref<!tpu.dma_semaphore, #tpu.memory_space<semaphore_mem>>, %arg13: memref<!tpu.dma_semaphore, #tpu.memory_space<semaphore_mem>>, %arg14: memref<!tpu.dma_semaphore, #tpu.memory_space<semaphore_mem>>, %arg15: memref<!tpu.dma_semaphore, #tpu.memory_space<semaphore_mem>>) attributes {dimension_semantics = [#tpu.dimension_semantics<core_parallel>, #tpu.dimension_semantics<subcore_parallel>], iteration_bounds = array<i64: 2, 16>, scalar_prefetch = 0 : i64, scratch_operands = 9 : i64, tpu.core_type = #tpu.core_type<sc_vector_subcore>, window_params = [{transform_indices = #map}, {transform_indices = #map}, {transform_indices = #map1}, {transform_indices = #map1}, {transform_indices = #map1}]} {
    %mul3A = arith.constant 2 : i32
    %mul3A_0 = arith.muli %arg1, %mul3A : i32
    %add3A = arith.addi %mul3A_0, %arg0 : i32
    %mul3A_1 = arith.constant 512 : i32
    %mul3A_2 = arith.muli %add3A, %mul3A_1 : i32
    %add3A_3 = arith.constant 0 : i32
    %add3A_4 = arith.addi %mul3A_2, %add3A_3 : i32
    %run_scoped3A = arith.constant 0 : i32
    "tpu.region"() ({
      %run_scoped3A_232 = tpu.sem_alloc : memref<!tpu.dma_semaphore, #tpu.memory_space<semaphore_mem>>
      %dma_start3A = arith.constant 0 : i32
      %dma_start3A_233 = tpu.memref_slice %arg7[%run_scoped3A, %dma_start3A] : memref<4x128xi32, #tpu.memory_space<vmem>> -> memref<1x128xi32, #tpu.memory_space<vmem>>
      %dma_start3A_234 = tpu.memref_squeeze %dma_start3A_233 : memref<1x128xi32, #tpu.memory_space<vmem>> -> memref<128xi32, #tpu.memory_space<vmem>>
      %dma_start3A_235 = tpu.memref_slice %arg4[%add3A_4] : memref<16384xi32, #tpu.memory_space<hbm>> -> memref<128xi32, #tpu.memory_space<hbm>>
      %dma_start3A_236 = arith.constant 0 : i32
      %dma_start3A_237 = tpu.memref_slice %arg7[%run_scoped3A, %dma_start3A_236] : memref<4x128xi32, #tpu.memory_space<vmem>> -> memref<1x128xi32, #tpu.memory_space<vmem>>
      %dma_start3A_238 = tpu.memref_squeeze %dma_start3A_237 : memref<1x128xi32, #tpu.memory_space<vmem>> -> memref<128xi32, #tpu.memory_space<vmem>>
      %dma_start3A_239 = tpu.memref_slice %arg4[%add3A_4] : memref<16384xi32, #tpu.memory_space<hbm>> -> memref<128xi32, #tpu.memory_space<hbm>>
      tpu.enqueue_dma source(%dma_start3A_239 : memref<128xi32, #tpu.memory_space<hbm>>) target(%dma_start3A_238 : memref<128xi32, #tpu.memory_space<vmem>>) target_semaphore(%run_scoped3A_232 : memref<!tpu.dma_semaphore, #tpu.memory_space<semaphore_mem>>)
      %dma_wait3A_240 = arith.constant 0 : i32
      %dma_wait3A_241 = tpu.memref_slice %arg7[%run_scoped3A, %dma_wait3A_240] : memref<4x128xi32, #tpu.memory_space<vmem>> -> memref<1x128xi32, #tpu.memory_space<vmem>>
      %dma_wait3A_242 = tpu.memref_squeeze %dma_wait3A_241 : memref<1x128xi32, #tpu.memory_space<vmem>> -> memref<128xi32, #tpu.memory_space<vmem>>
      %dma_wait3A_243 = tpu.memref_slice %arg4[%add3A_4] : memref<16384xi32, #tpu.memory_space<hbm>> -> memref<128xi32, #tpu.memory_space<hbm>>
      %dma_wait3A_244 = arith.constant 0 : i32
      %dma_wait3A_245 = tpu.memref_slice %arg7[%run_scoped3A, %dma_wait3A_244] : memref<4x128xi32, #tpu.memory_space<vmem>> -> memref<1x128xi32, #tpu.memory_space<vmem>>
      %dma_wait3A_246 = tpu.memref_squeeze %dma_wait3A_245 : memref<1x128xi32, #tpu.memory_space<vmem>> -> memref<128xi32, #tpu.memory_space<vmem>>
      %dma_wait3A_247 = tpu.memref_slice %arg4[%add3A_4] : memref<16384xi32, #tpu.memory_space<hbm>> -> memref<128xi32, #tpu.memory_space<hbm>>
      tpu.wait_dma2 semaphore(%run_scoped3A_232 : memref<!tpu.dma_semaphore, #tpu.memory_space<semaphore_mem>>) src(%dma_wait3A_247 : memref<128xi32, #tpu.memory_space<hbm>>) dst(%dma_wait3A_246 : memref<128xi32, #tpu.memory_space<vmem>>)
      tpu.yield
    }) : () -> ()
    %run_scoped3A_5 = arith.constant 0 : i32
    "tpu.region"() ({
      %run_scoped3A_232 = tpu.sem_alloc : memref<!tpu.dma_semaphore, #tpu.memory_space<semaphore_mem>>
      %dma_start3A = arith.constant 0 : i32
      %dma_start3A_233 = tpu.memref_slice %arg8[%run_scoped3A_5, %dma_start3A] : memref<4x128xi32, #tpu.memory_space<vmem>> -> memref<1x128xi32, #tpu.memory_space<vmem>>
      %dma_start3A_234 = tpu.memref_squeeze %dma_start3A_233 : memref<1x128xi32, #tpu.memory_space<vmem>> -> memref<128xi32, #tpu.memory_space<vmem>>
      %dma_start3A_235 = tpu.memref_slice %arg5[%add3A_4] : memref<16384xi32, #tpu.memory_space<hbm>> -> memref<128xi32, #tpu.memory_space<hbm>>
      %dma_start3A_236 = arith.constant 0 : i32
      %dma_start3A_237 = tpu.memref_slice %arg8[%run_scoped3A_5, %dma_start3A_236] : memref<4x128xi32, #tpu.memory_space<vmem>> -> memref<1x128xi32, #tpu.memory_space<vmem>>
      %dma_start3A_238 = tpu.memref_squeeze %dma_start3A_237 : memref<1x128xi32, #tpu.memory_space<vmem>> -> memref<128xi32, #tpu.memory_space<vmem>>
      %dma_start3A_239 = tpu.memref_slice %arg5[%add3A_4] : memref<16384xi32, #tpu.memory_space<hbm>> -> memref<128xi32, #tpu.memory_space<hbm>>
      tpu.enqueue_dma source(%dma_start3A_239 : memref<128xi32, #tpu.memory_space<hbm>>) target(%dma_start3A_238 : memref<128xi32, #tpu.memory_space<vmem>>) target_semaphore(%run_scoped3A_232 : memref<!tpu.dma_semaphore, #tpu.memory_space<semaphore_mem>>)
      %dma_wait3A_240 = arith.constant 0 : i32
      %dma_wait3A_241 = tpu.memref_slice %arg8[%run_scoped3A_5, %dma_wait3A_240] : memref<4x128xi32, #tpu.memory_space<vmem>> -> memref<1x128xi32, #tpu.memory_space<vmem>>
      %dma_wait3A_242 = tpu.memref_squeeze %dma_wait3A_241 : memref<1x128xi32, #tpu.memory_space<vmem>> -> memref<128xi32, #tpu.memory_space<vmem>>
      %dma_wait3A_243 = tpu.memref_slice %arg5[%add3A_4] : memref<16384xi32, #tpu.memory_space<hbm>> -> memref<128xi32, #tpu.memory_space<hbm>>
      %dma_wait3A_244 = arith.constant 0 : i32
      %dma_wait3A_245 = tpu.memref_slice %arg8[%run_scoped3A_5, %dma_wait3A_244] : memref<4x128xi32, #tpu.memory_space<vmem>> -> memref<1x128xi32, #tpu.memory_space<vmem>>
      %dma_wait3A_246 = tpu.memref_squeeze %dma_wait3A_245 : memref<1x128xi32, #tpu.memory_space<vmem>> -> memref<128xi32, #tpu.memory_space<vmem>>
      %dma_wait3A_247 = tpu.memref_slice %arg5[%add3A_4] : memref<16384xi32, #tpu.memory_space<hbm>> -> memref<128xi32, #tpu.memory_space<hbm>>
      tpu.wait_dma2 semaphore(%run_scoped3A_232 : memref<!tpu.dma_semaphore, #tpu.memory_space<semaphore_mem>>) src(%dma_wait3A_247 : memref<128xi32, #tpu.memory_space<hbm>>) dst(%dma_wait3A_246 : memref<128xi32, #tpu.memory_space<vmem>>)
      tpu.yield
    }) : () -> ()
    %add3A_6 = arith.constant 128 : i32
    %add3A_7 = arith.addi %mul3A_2, %add3A_6 : i32
    %run_scoped3A_8 = arith.constant 1 : i32
    "tpu.region"() ({
      %run_scoped3A_232 = tpu.sem_alloc : memref<!tpu.dma_semaphore, #tpu.memory_space<semaphore_mem>>
      %dma_start3A = arith.constant 0 : i32
      %dma_start3A_233 = tpu.memref_slice %arg7[%run_scoped3A_8, %dma_start3A] : memref<4x128xi32, #tpu.memory_space<vmem>> -> memref<1x128xi32, #tpu.memory_space<vmem>>
      %dma_start3A_234 = tpu.memref_squeeze %dma_start3A_233 : memref<1x128xi32, #tpu.memory_space<vmem>> -> memref<128xi32, #tpu.memory_space<vmem>>
      %dma_start3A_235 = tpu.memref_slice %arg4[%add3A_7] : memref<16384xi32, #tpu.memory_space<hbm>> -> memref<128xi32, #tpu.memory_space<hbm>>
      %dma_start3A_236 = arith.constant 0 : i32
      %dma_start3A_237 = tpu.memref_slice %arg7[%run_scoped3A_8, %dma_start3A_236] : memref<4x128xi32, #tpu.memory_space<vmem>> -> memref<1x128xi32, #tpu.memory_space<vmem>>
      %dma_start3A_238 = tpu.memref_squeeze %dma_start3A_237 : memref<1x128xi32, #tpu.memory_space<vmem>> -> memref<128xi32, #tpu.memory_space<vmem>>
      %dma_start3A_239 = tpu.memref_slice %arg4[%add3A_7] : memref<16384xi32, #tpu.memory_space<hbm>> -> memref<128xi32, #tpu.memory_space<hbm>>
      tpu.enqueue_dma source(%dma_start3A_239 : memref<128xi32, #tpu.memory_space<hbm>>) target(%dma_start3A_238 : memref<128xi32, #tpu.memory_space<vmem>>) target_semaphore(%run_scoped3A_232 : memref<!tpu.dma_semaphore, #tpu.memory_space<semaphore_mem>>)
      %dma_wait3A_240 = arith.constant 0 : i32
      %dma_wait3A_241 = tpu.memref_slice %arg7[%run_scoped3A_8, %dma_wait3A_240] : memref<4x128xi32, #tpu.memory_space<vmem>> -> memref<1x128xi32, #tpu.memory_space<vmem>>
      %dma_wait3A_242 = tpu.memref_squeeze %dma_wait3A_241 : memref<1x128xi32, #tpu.memory_space<vmem>> -> memref<128xi32, #tpu.memory_space<vmem>>
      %dma_wait3A_243 = tpu.memref_slice %arg4[%add3A_7] : memref<16384xi32, #tpu.memory_space<hbm>> -> memref<128xi32, #tpu.memory_space<hbm>>
      %dma_wait3A_244 = arith.constant 0 : i32
      %dma_wait3A_245 = tpu.memref_slice %arg7[%run_scoped3A_8, %dma_wait3A_244] : memref<4x128xi32, #tpu.memory_space<vmem>> -> memref<1x128xi32, #tpu.memory_space<vmem>>
      %dma_wait3A_246 = tpu.memref_squeeze %dma_wait3A_245 : memref<1x128xi32, #tpu.memory_space<vmem>> -> memref<128xi32, #tpu.memory_space<vmem>>
      %dma_wait3A_247 = tpu.memref_slice %arg4[%add3A_7] : memref<16384xi32, #tpu.memory_space<hbm>> -> memref<128xi32, #tpu.memory_space<hbm>>
      tpu.wait_dma2 semaphore(%run_scoped3A_232 : memref<!tpu.dma_semaphore, #tpu.memory_space<semaphore_mem>>) src(%dma_wait3A_247 : memref<128xi32, #tpu.memory_space<hbm>>) dst(%dma_wait3A_246 : memref<128xi32, #tpu.memory_space<vmem>>)
      tpu.yield
    }) : () -> ()
    %run_scoped3A_9 = arith.constant 1 : i32
    "tpu.region"() ({
      %run_scoped3A_232 = tpu.sem_alloc : memref<!tpu.dma_semaphore, #tpu.memory_space<semaphore_mem>>
      %dma_start3A = arith.constant 0 : i32
      %dma_start3A_233 = tpu.memref_slice %arg8[%run_scoped3A_9, %dma_start3A] : memref<4x128xi32, #tpu.memory_space<vmem>> -> memref<1x128xi32, #tpu.memory_space<vmem>>
      %dma_start3A_234 = tpu.memref_squeeze %dma_start3A_233 : memref<1x128xi32, #tpu.memory_space<vmem>> -> memref<128xi32, #tpu.memory_space<vmem>>
      %dma_start3A_235 = tpu.memref_slice %arg5[%add3A_7] : memref<16384xi32, #tpu.memory_space<hbm>> -> memref<128xi32, #tpu.memory_space<hbm>>
      %dma_start3A_236 = arith.constant 0 : i32
      %dma_start3A_237 = tpu.memref_slice %arg8[%run_scoped3A_9, %dma_start3A_236] : memref<4x128xi32, #tpu.memory_space<vmem>> -> memref<1x128xi32, #tpu.memory_space<vmem>>
      %dma_start3A_238 = tpu.memref_squeeze %dma_start3A_237 : memref<1x128xi32, #tpu.memory_space<vmem>> -> memref<128xi32, #tpu.memory_space<vmem>>
      %dma_start3A_239 = tpu.memref_slice %arg5[%add3A_7] : memref<16384xi32, #tpu.memory_space<hbm>> -> memref<128xi32, #tpu.memory_space<hbm>>
      tpu.enqueue_dma source(%dma_start3A_239 : memref<128xi32, #tpu.memory_space<hbm>>) target(%dma_start3A_238 : memref<128xi32, #tpu.memory_space<vmem>>) target_semaphore(%run_scoped3A_232 : memref<!tpu.dma_semaphore, #tpu.memory_space<semaphore_mem>>)
      %dma_wait3A_240 = arith.constant 0 : i32
      %dma_wait3A_241 = tpu.memref_slice %arg8[%run_scoped3A_9, %dma_wait3A_240] : memref<4x128xi32, #tpu.memory_space<vmem>> -> memref<1x128xi32, #tpu.memory_space<vmem>>
      %dma_wait3A_242 = tpu.memref_squeeze %dma_wait3A_241 : memref<1x128xi32, #tpu.memory_space<vmem>> -> memref<128xi32, #tpu.memory_space<vmem>>
      %dma_wait3A_243 = tpu.memref_slice %arg5[%add3A_7] : memref<16384xi32, #tpu.memory_space<hbm>> -> memref<128xi32, #tpu.memory_space<hbm>>
      %dma_wait3A_244 = arith.constant 0 : i32
      %dma_wait3A_245 = tpu.memref_slice %arg8[%run_scoped3A_9, %dma_wait3A_244] : memref<4x128xi32, #tpu.memory_space<vmem>> -> memref<1x128xi32, #tpu.memory_space<vmem>>
      %dma_wait3A_246 = tpu.memref_squeeze %dma_wait3A_245 : memref<1x128xi32, #tpu.memory_space<vmem>> -> memref<128xi32, #tpu.memory_space<vmem>>
      %dma_wait3A_247 = tpu.memref_slice %arg5[%add3A_7] : memref<16384xi32, #tpu.memory_space<hbm>> -> memref<128xi32, #tpu.memory_space<hbm>>
      tpu.wait_dma2 semaphore(%run_scoped3A_232 : memref<!tpu.dma_semaphore, #tpu.memory_space<semaphore_mem>>) src(%dma_wait3A_247 : memref<128xi32, #tpu.memory_space<hbm>>) dst(%dma_wait3A_246 : memref<128xi32, #tpu.memory_space<vmem>>)
      tpu.yield
    }) : () -> ()
    %add3A_10 = arith.constant 256 : i32
    %add3A_11 = arith.addi %mul3A_2, %add3A_10 : i32
    %run_scoped3A_12 = arith.constant 2 : i32
    "tpu.region"() ({
      %run_scoped3A_232 = tpu.sem_alloc : memref<!tpu.dma_semaphore, #tpu.memory_space<semaphore_mem>>
      %dma_start3A = arith.constant 0 : i32
      %dma_start3A_233 = tpu.memref_slice %arg7[%run_scoped3A_12, %dma_start3A] : memref<4x128xi32, #tpu.memory_space<vmem>> -> memref<1x128xi32, #tpu.memory_space<vmem>>
      %dma_start3A_234 = tpu.memref_squeeze %dma_start3A_233 : memref<1x128xi32, #tpu.memory_space<vmem>> -> memref<128xi32, #tpu.memory_space<vmem>>
      %dma_start3A_235 = tpu.memref_slice %arg4[%add3A_11] : memref<16384xi32, #tpu.memory_space<hbm>> -> memref<128xi32, #tpu.memory_space<hbm>>
      %dma_start3A_236 = arith.constant 0 : i32
      %dma_start3A_237 = tpu.memref_slice %arg7[%run_scoped3A_12, %dma_start3A_236] : memref<4x128xi32, #tpu.memory_space<vmem>> -> memref<1x128xi32, #tpu.memory_space<vmem>>
      %dma_start3A_238 = tpu.memref_squeeze %dma_start3A_237 : memref<1x128xi32, #tpu.memory_space<vmem>> -> memref<128xi32, #tpu.memory_space<vmem>>
      %dma_start3A_239 = tpu.memref_slice %arg4[%add3A_11] : memref<16384xi32, #tpu.memory_space<hbm>> -> memref<128xi32, #tpu.memory_space<hbm>>
      tpu.enqueue_dma source(%dma_start3A_239 : memref<128xi32, #tpu.memory_space<hbm>>) target(%dma_start3A_238 : memref<128xi32, #tpu.memory_space<vmem>>) target_semaphore(%run_scoped3A_232 : memref<!tpu.dma_semaphore, #tpu.memory_space<semaphore_mem>>)
      %dma_wait3A_240 = arith.constant 0 : i32
      %dma_wait3A_241 = tpu.memref_slice %arg7[%run_scoped3A_12, %dma_wait3A_240] : memref<4x128xi32, #tpu.memory_space<vmem>> -> memref<1x128xi32, #tpu.memory_space<vmem>>
      %dma_wait3A_242 = tpu.memref_squeeze %dma_wait3A_241 : memref<1x128xi32, #tpu.memory_space<vmem>> -> memref<128xi32, #tpu.memory_space<vmem>>
      %dma_wait3A_243 = tpu.memref_slice %arg4[%add3A_11] : memref<16384xi32, #tpu.memory_space<hbm>> -> memref<128xi32, #tpu.memory_space<hbm>>
      %dma_wait3A_244 = arith.constant 0 : i32
      %dma_wait3A_245 = tpu.memref_slice %arg7[%run_scoped3A_12, %dma_wait3A_244] : memref<4x128xi32, #tpu.memory_space<vmem>> -> memref<1x128xi32, #tpu.memory_space<vmem>>
      %dma_wait3A_246 = tpu.memref_squeeze %dma_wait3A_245 : memref<1x128xi32, #tpu.memory_space<vmem>> -> memref<128xi32, #tpu.memory_space<vmem>>
      %dma_wait3A_247 = tpu.memref_slice %arg4[%add3A_11] : memref<16384xi32, #tpu.memory_space<hbm>> -> memref<128xi32, #tpu.memory_space<hbm>>
      tpu.wait_dma2 semaphore(%run_scoped3A_232 : memref<!tpu.dma_semaphore, #tpu.memory_space<semaphore_mem>>) src(%dma_wait3A_247 : memref<128xi32, #tpu.memory_space<hbm>>) dst(%dma_wait3A_246 : memref<128xi32, #tpu.memory_space<vmem>>)
      tpu.yield
    }) : () -> ()
    %run_scoped3A_13 = arith.constant 2 : i32
    "tpu.region"() ({
      %run_scoped3A_232 = tpu.sem_alloc : memref<!tpu.dma_semaphore, #tpu.memory_space<semaphore_mem>>
      %dma_start3A = arith.constant 0 : i32
      %dma_start3A_233 = tpu.memref_slice %arg8[%run_scoped3A_13, %dma_start3A] : memref<4x128xi32, #tpu.memory_space<vmem>> -> memref<1x128xi32, #tpu.memory_space<vmem>>
      %dma_start3A_234 = tpu.memref_squeeze %dma_start3A_233 : memref<1x128xi32, #tpu.memory_space<vmem>> -> memref<128xi32, #tpu.memory_space<vmem>>
      %dma_start3A_235 = tpu.memref_slice %arg5[%add3A_11] : memref<16384xi32, #tpu.memory_space<hbm>> -> memref<128xi32, #tpu.memory_space<hbm>>
      %dma_start3A_236 = arith.constant 0 : i32
      %dma_start3A_237 = tpu.memref_slice %arg8[%run_scoped3A_13, %dma_start3A_236] : memref<4x128xi32, #tpu.memory_space<vmem>> -> memref<1x128xi32, #tpu.memory_space<vmem>>
      %dma_start3A_238 = tpu.memref_squeeze %dma_start3A_237 : memref<1x128xi32, #tpu.memory_space<vmem>> -> memref<128xi32, #tpu.memory_space<vmem>>
      %dma_start3A_239 = tpu.memref_slice %arg5[%add3A_11] : memref<16384xi32, #tpu.memory_space<hbm>> -> memref<128xi32, #tpu.memory_space<hbm>>
      tpu.enqueue_dma source(%dma_start3A_239 : memref<128xi32, #tpu.memory_space<hbm>>) target(%dma_start3A_238 : memref<128xi32, #tpu.memory_space<vmem>>) target_semaphore(%run_scoped3A_232 : memref<!tpu.dma_semaphore, #tpu.memory_space<semaphore_mem>>)
      %dma_wait3A_240 = arith.constant 0 : i32
      %dma_wait3A_241 = tpu.memref_slice %arg8[%run_scoped3A_13, %dma_wait3A_240] : memref<4x128xi32, #tpu.memory_space<vmem>> -> memref<1x128xi32, #tpu.memory_space<vmem>>
      %dma_wait3A_242 = tpu.memref_squeeze %dma_wait3A_241 : memref<1x128xi32, #tpu.memory_space<vmem>> -> memref<128xi32, #tpu.memory_space<vmem>>
      %dma_wait3A_243 = tpu.memref_slice %arg5[%add3A_11] : memref<16384xi32, #tpu.memory_space<hbm>> -> memref<128xi32, #tpu.memory_space<hbm>>
      %dma_wait3A_244 = arith.constant 0 : i32
      %dma_wait3A_245 = tpu.memref_slice %arg8[%run_scoped3A_13, %dma_wait3A_244] : memref<4x128xi32, #tpu.memory_space<vmem>> -> memref<1x128xi32, #tpu.memory_space<vmem>>
      %dma_wait3A_246 = tpu.memref_squeeze %dma_wait3A_245 : memref<1x128xi32, #tpu.memory_space<vmem>> -> memref<128xi32, #tpu.memory_space<vmem>>
      %dma_wait3A_247 = tpu.memref_slice %arg5[%add3A_11] : memref<16384xi32, #tpu.memory_space<hbm>> -> memref<128xi32, #tpu.memory_space<hbm>>
      tpu.wait_dma2 semaphore(%run_scoped3A_232 : memref<!tpu.dma_semaphore, #tpu.memory_space<semaphore_mem>>) src(%dma_wait3A_247 : memref<128xi32, #tpu.memory_space<hbm>>) dst(%dma_wait3A_246 : memref<128xi32, #tpu.memory_space<vmem>>)
      tpu.yield
    }) : () -> ()
    %add3A_14 = arith.constant 384 : i32
    %add3A_15 = arith.addi %mul3A_2, %add3A_14 : i32
    %run_scoped3A_16 = arith.constant 3 : i32
    "tpu.region"() ({
      %run_scoped3A_232 = tpu.sem_alloc : memref<!tpu.dma_semaphore, #tpu.memory_space<semaphore_mem>>
      %dma_start3A = arith.constant 0 : i32
      %dma_start3A_233 = tpu.memref_slice %arg7[%run_scoped3A_16, %dma_start3A] : memref<4x128xi32, #tpu.memory_space<vmem>> -> memref<1x128xi32, #tpu.memory_space<vmem>>
      %dma_start3A_234 = tpu.memref_squeeze %dma_start3A_233 : memref<1x128xi32, #tpu.memory_space<vmem>> -> memref<128xi32, #tpu.memory_space<vmem>>
      %dma_start3A_235 = tpu.memref_slice %arg4[%add3A_15] : memref<16384xi32, #tpu.memory_space<hbm>> -> memref<128xi32, #tpu.memory_space<hbm>>
      %dma_start3A_236 = arith.constant 0 : i32
      %dma_start3A_237 = tpu.memref_slice %arg7[%run_scoped3A_16, %dma_start3A_236] : memref<4x128xi32, #tpu.memory_space<vmem>> -> memref<1x128xi32, #tpu.memory_space<vmem>>
      %dma_start3A_238 = tpu.memref_squeeze %dma_start3A_237 : memref<1x128xi32, #tpu.memory_space<vmem>> -> memref<128xi32, #tpu.memory_space<vmem>>
      %dma_start3A_239 = tpu.memref_slice %arg4[%add3A_15] : memref<16384xi32, #tpu.memory_space<hbm>> -> memref<128xi32, #tpu.memory_space<hbm>>
      tpu.enqueue_dma source(%dma_start3A_239 : memref<128xi32, #tpu.memory_space<hbm>>) target(%dma_start3A_238 : memref<128xi32, #tpu.memory_space<vmem>>) target_semaphore(%run_scoped3A_232 : memref<!tpu.dma_semaphore, #tpu.memory_space<semaphore_mem>>)
      %dma_wait3A_240 = arith.constant 0 : i32
      %dma_wait3A_241 = tpu.memref_slice %arg7[%run_scoped3A_16, %dma_wait3A_240] : memref<4x128xi32, #tpu.memory_space<vmem>> -> memref<1x128xi32, #tpu.memory_space<vmem>>
      %dma_wait3A_242 = tpu.memref_squeeze %dma_wait3A_241 : memref<1x128xi32, #tpu.memory_space<vmem>> -> memref<128xi32, #tpu.memory_space<vmem>>
      %dma_wait3A_243 = tpu.memref_slice %arg4[%add3A_15] : memref<16384xi32, #tpu.memory_space<hbm>> -> memref<128xi32, #tpu.memory_space<hbm>>
      %dma_wait3A_244 = arith.constant 0 : i32
      %dma_wait3A_245 = tpu.memref_slice %arg7[%run_scoped3A_16, %dma_wait3A_244] : memref<4x128xi32, #tpu.memory_space<vmem>> -> memref<1x128xi32, #tpu.memory_space<vmem>>
      %dma_wait3A_246 = tpu.memref_squeeze %dma_wait3A_245 : memref<1x128xi32, #tpu.memory_space<vmem>> -> memref<128xi32, #tpu.memory_space<vmem>>
      %dma_wait3A_247 = tpu.memref_slice %arg4[%add3A_15] : memref<16384xi32, #tpu.memory_space<hbm>> -> memref<128xi32, #tpu.memory_space<hbm>>
      tpu.wait_dma2 semaphore(%run_scoped3A_232 : memref<!tpu.dma_semaphore, #tpu.memory_space<semaphore_mem>>) src(%dma_wait3A_247 : memref<128xi32, #tpu.memory_space<hbm>>) dst(%dma_wait3A_246 : memref<128xi32, #tpu.memory_space<vmem>>)
      tpu.yield
    }) : () -> ()
    %run_scoped3A_17 = arith.constant 3 : i32
    "tpu.region"() ({
      %run_scoped3A_232 = tpu.sem_alloc : memref<!tpu.dma_semaphore, #tpu.memory_space<semaphore_mem>>
      %dma_start3A = arith.constant 0 : i32
      %dma_start3A_233 = tpu.memref_slice %arg8[%run_scoped3A_17, %dma_start3A] : memref<4x128xi32, #tpu.memory_space<vmem>> -> memref<1x128xi32, #tpu.memory_space<vmem>>
      %dma_start3A_234 = tpu.memref_squeeze %dma_start3A_233 : memref<1x128xi32, #tpu.memory_space<vmem>> -> memref<128xi32, #tpu.memory_space<vmem>>
      %dma_start3A_235 = tpu.memref_slice %arg5[%add3A_15] : memref<16384xi32, #tpu.memory_space<hbm>> -> memref<128xi32, #tpu.memory_space<hbm>>
      %dma_start3A_236 = arith.constant 0 : i32
      %dma_start3A_237 = tpu.memref_slice %arg8[%run_scoped3A_17, %dma_start3A_236] : memref<4x128xi32, #tpu.memory_space<vmem>> -> memref<1x128xi32, #tpu.memory_space<vmem>>
      %dma_start3A_238 = tpu.memref_squeeze %dma_start3A_237 : memref<1x128xi32, #tpu.memory_space<vmem>> -> memref<128xi32, #tpu.memory_space<vmem>>
      %dma_start3A_239 = tpu.memref_slice %arg5[%add3A_15] : memref<16384xi32, #tpu.memory_space<hbm>> -> memref<128xi32, #tpu.memory_space<hbm>>
      tpu.enqueue_dma source(%dma_start3A_239 : memref<128xi32, #tpu.memory_space<hbm>>) target(%dma_start3A_238 : memref<128xi32, #tpu.memory_space<vmem>>) target_semaphore(%run_scoped3A_232 : memref<!tpu.dma_semaphore, #tpu.memory_space<semaphore_mem>>)
      %dma_wait3A_240 = arith.constant 0 : i32
      %dma_wait3A_241 = tpu.memref_slice %arg8[%run_scoped3A_17, %dma_wait3A_240] : memref<4x128xi32, #tpu.memory_space<vmem>> -> memref<1x128xi32, #tpu.memory_space<vmem>>
      %dma_wait3A_242 = tpu.memref_squeeze %dma_wait3A_241 : memref<1x128xi32, #tpu.memory_space<vmem>> -> memref<128xi32, #tpu.memory_space<vmem>>
      %dma_wait3A_243 = tpu.memref_slice %arg5[%add3A_15] : memref<16384xi32, #tpu.memory_space<hbm>> -> memref<128xi32, #tpu.memory_space<hbm>>
      %dma_wait3A_244 = arith.constant 0 : i32
      %dma_wait3A_245 = tpu.memref_slice %arg8[%run_scoped3A_17, %dma_wait3A_244] : memref<4x128xi32, #tpu.memory_space<vmem>> -> memref<1x128xi32, #tpu.memory_space<vmem>>
      %dma_wait3A_246 = tpu.memref_squeeze %dma_wait3A_245 : memref<1x128xi32, #tpu.memory_space<vmem>> -> memref<128xi32, #tpu.memory_space<vmem>>
      %dma_wait3A_247 = tpu.memref_slice %arg5[%add3A_15] : memref<16384xi32, #tpu.memory_space<hbm>> -> memref<128xi32, #tpu.memory_space<hbm>>
      tpu.wait_dma2 semaphore(%run_scoped3A_232 : memref<!tpu.dma_semaphore, #tpu.memory_space<semaphore_mem>>) src(%dma_wait3A_247 : memref<128xi32, #tpu.memory_space<hbm>>) dst(%dma_wait3A_246 : memref<128xi32, #tpu.memory_space<vmem>>)
      tpu.yield
    }) : () -> ()
    %iota3A = tpu.iota {dimensions = array<i32: 0>} : vector<16xi32>
    %scan3A = arith.constant 0 : i32
    %scan3A_18 = arith.constant 0 : i32
    %scan3A_19 = arith.constant 16 : i32
    %scan3A_20 = arith.addi %scan3A_18, %scan3A_19 : i32
    %scan3A_21 = arith.constant 1 : i32
    scf.for %scan3A_232 = %scan3A_18 to %scan3A_20 step %scan3A_21  : i32 {
      %add3A_233 = arith.constant 0 : i32
      %add3A_234 = arith.addi %scan3A_232, %add3A_233 : i32
      %and3A = arith.constant 7 : i32
      %and3A_235 = arith.andi %add3A_234, %and3A : i32
      %mul3A_236 = arith.constant 16 : i32
      %mul3A_237 = arith.muli %and3A_235, %mul3A_236 : i32
      %shift_right_arithmetic3A = arith.constant 3 : i32
      %shift_right_arithmetic3A_238 = arith.shrsi %add3A_234, %shift_right_arithmetic3A : i32
      %get3A = arith.constant 0 : i32
      %get3A_239 = tpu.memref_slice %arg7[%shift_right_arithmetic3A_238, %get3A] : memref<4x128xi32, #tpu.memory_space<vmem>> -> memref<1x128xi32, #tpu.memory_space<vmem>>
      %get3A_240 = tpu.memref_squeeze %get3A_239 : memref<1x128xi32, #tpu.memory_space<vmem>> -> memref<128xi32, #tpu.memory_space<vmem>>
      %get3A_241 = arith.index_cast %mul3A_237 : i32 to index
      %get3A_242 = tpu.vector_load %get3A_240[%get3A_241] {strides = array<i32>} : memref<128xi32, #tpu.memory_space<vmem>>, vector<16xi32>,
      %shift_right_arithmetic3A_243 = arith.constant 3 : i32
      %shift_right_arithmetic3A_244 = arith.shrsi %add3A_234, %shift_right_arithmetic3A_243 : i32
      %get3A_245 = arith.constant 0 : i32
      %get3A_246 = tpu.memref_slice %arg8[%shift_right_arithmetic3A_244, %get3A_245] : memref<4x128xi32, #tpu.memory_space<vmem>> -> memref<1x128xi32, #tpu.memory_space<vmem>>
      %get3A_247 = tpu.memref_squeeze %get3A_246 : memref<1x128xi32, #tpu.memory_space<vmem>> -> memref<128xi32, #tpu.memory_space<vmem>>
      %get3A_248 = arith.index_cast %mul3A_237 : i32 to index
      %get3A_249 = tpu.vector_load %get3A_247[%get3A_248] {strides = array<i32>} : memref<128xi32, #tpu.memory_space<vmem>>, vector<16xi32>,
      %mul3A_250 = arith.constant 16 : i32
      %mul3A_251 = arith.muli %scan3A_232, %mul3A_250 : i32
      %add3A_252 = arith.constant 0 : i32
      %add3A_253 = arith.addi %mul3A_251, %add3A_252 : i32
      %slice3A = vector.extract_strided_slice %get3A_242 {offsets = [0], sizes = [1], strides = [1]} : vector<16xi32> to vector<1xi32>
      %squeeze3A = vector.extract %slice3A[0] : i32 from vector<1xi32>
      %dma_start3A = arith.constant 0 : i32
      %dma_start3A_254 = tpu.memref_slice %arg9[%add3A_253, %dma_start3A] : memref<256x32xf32, #tpu.memory_space<vmem>> -> memref<1x32xf32, #tpu.memory_space<vmem>>
      %dma_start3A_255 = arith.constant 0 : i32
      %dma_start3A_256 = tpu.memref_slice %arg2[%squeeze3A, %dma_start3A_255] : memref<1000000x32xf32, #tpu.memory_space<hbm>> -> memref<1x32xf32, #tpu.memory_space<hbm>>
      %dma_start3A_257 = arith.constant 0 : i32
      %dma_start3A_258 = tpu.memref_slice %arg9[%add3A_253, %dma_start3A_257] : memref<256x32xf32, #tpu.memory_space<vmem>> -> memref<1x32xf32, #tpu.memory_space<vmem>>
      %dma_start3A_259 = arith.constant 0 : i32
      %dma_start3A_260 = tpu.memref_slice %arg2[%squeeze3A, %dma_start3A_259] : memref<1000000x32xf32, #tpu.memory_space<hbm>> -> memref<1x32xf32, #tpu.memory_space<hbm>>
      tpu.enqueue_dma source(%dma_start3A_260 : memref<1x32xf32, #tpu.memory_space<hbm>>) target(%dma_start3A_258 : memref<1x32xf32, #tpu.memory_space<vmem>>) target_semaphore(%arg12 : memref<!tpu.dma_semaphore, #tpu.memory_space<semaphore_mem>>)
      %slice3A_261 = vector.extract_strided_slice %get3A_249 {offsets = [0], sizes = [1], strides = [1]} : vector<16xi32> to vector<1xi32>
      %squeeze3A_262 = vector.extract %slice3A_261[0] : i32 from vector<1xi32>
      %dma_start3A_263 = arith.constant 0 : i32
      %dma_start3A_264 = tpu.memref_slice %arg10[%add3A_253, %dma_start3A_263] : memref<256x32xf32, #tpu.memory_space<vmem>> -> memref<1x32xf32, #tpu.memory_space<vmem>>
      %dma_start3A_265 = arith.constant 0 : i32
      %dma_start3A_266 = tpu.memref_slice %arg3[%squeeze3A_262, %dma_start3A_265] : memref<1000000x32xf32, #tpu.memory_space<hbm>> -> memref<1x32xf32, #tpu.memory_space<hbm>>
      %dma_start3A_267 = arith.constant 0 : i32
      %dma_start3A_268 = tpu.memref_slice %arg10[%add3A_253, %dma_start3A_267] : memref<256x32xf32, #tpu.memory_space<vmem>> -> memref<1x32xf32, #tpu.memory_space<vmem>>
      %dma_start3A_269 = arith.constant 0 : i32
      %dma_start3A_270 = tpu.memref_slice %arg3[%squeeze3A_262, %dma_start3A_269] : memref<1000000x32xf32, #tpu.memory_space<hbm>> -> memref<1x32xf32, #tpu.memory_space<hbm>>
      tpu.enqueue_dma source(%dma_start3A_270 : memref<1x32xf32, #tpu.memory_space<hbm>>) target(%dma_start3A_268 : memref<1x32xf32, #tpu.memory_space<vmem>>) target_semaphore(%arg12 : memref<!tpu.dma_semaphore, #tpu.memory_space<semaphore_mem>>)
      %mul3A_271 = arith.constant 16 : i32
      %mul3A_272 = arith.muli %scan3A_232, %mul3A_271 : i32
      %add3A_273 = arith.constant 1 : i32
      %add3A_274 = arith.addi %mul3A_272, %add3A_273 : i32
      %slice3A_275 = vector.extract_strided_slice %get3A_242 {offsets = [1], sizes = [1], strides = [1]} : vector<16xi32> to vector<1xi32>
      %squeeze3A_276 = vector.extract %slice3A_275[0] : i32 from vector<1xi32>
      %dma_start3A_277 = arith.constant 0 : i32
      %dma_start3A_278 = tpu.memref_slice %arg9[%add3A_274, %dma_start3A_277] : memref<256x32xf32, #tpu.memory_space<vmem>> -> memref<1x32xf32, #tpu.memory_space<vmem>>
      %dma_start3A_279 = arith.constant 0 : i32
      %dma_start3A_280 = tpu.memref_slice %arg2[%squeeze3A_276, %dma_start3A_279] : memref<1000000x32xf32, #tpu.memory_space<hbm>> -> memref<1x32xf32, #tpu.memory_space<hbm>>
      %dma_start3A_281 = arith.constant 0 : i32
      %dma_start3A_282 = tpu.memref_slice %arg9[%add3A_274, %dma_start3A_281] : memref<256x32xf32, #tpu.memory_space<vmem>> -> memref<1x32xf32, #tpu.memory_space<vmem>>
      %dma_start3A_283 = arith.constant 0 : i32
      %dma_start3A_284 = tpu.memref_slice %arg2[%squeeze3A_276, %dma_start3A_283] : memref<1000000x32xf32, #tpu.memory_space<hbm>> -> memref<1x32xf32, #tpu.memory_space<hbm>>
      tpu.enqueue_dma source(%dma_start3A_284 : memref<1x32xf32, #tpu.memory_space<hbm>>) target(%dma_start3A_282 : memref<1x32xf32, #tpu.memory_space<vmem>>) target_semaphore(%arg13 : memref<!tpu.dma_semaphore, #tpu.memory_space<semaphore_mem>>)
      %slice3A_285 = vector.extract_strided_slice %get3A_249 {offsets = [1], sizes = [1], strides = [1]} : vector<16xi32> to vector<1xi32>
      %squeeze3A_286 = vector.extract %slice3A_285[0] : i32 from vector<1xi32>
      %dma_start3A_287 = arith.constant 0 : i32
      %dma_start3A_288 = tpu.memref_slice %arg10[%add3A_274, %dma_start3A_287] : memref<256x32xf32, #tpu.memory_space<vmem>> -> memref<1x32xf32, #tpu.memory_space<vmem>>
      %dma_start3A_289 = arith.constant 0 : i32
      %dma_start3A_290 = tpu.memref_slice %arg3[%squeeze3A_286, %dma_start3A_289] : memref<1000000x32xf32, #tpu.memory_space<hbm>> -> memref<1x32xf32, #tpu.memory_space<hbm>>
      %dma_start3A_291 = arith.constant 0 : i32
      %dma_start3A_292 = tpu.memref_slice %arg10[%add3A_274, %dma_start3A_291] : memref<256x32xf32, #tpu.memory_space<vmem>> -> memref<1x32xf32, #tpu.memory_space<vmem>>
      %dma_start3A_293 = arith.constant 0 : i32
      %dma_start3A_294 = tpu.memref_slice %arg3[%squeeze3A_286, %dma_start3A_293] : memref<1000000x32xf32, #tpu.memory_space<hbm>> -> memref<1x32xf32, #tpu.memory_space<hbm>>
      tpu.enqueue_dma source(%dma_start3A_294 : memref<1x32xf32, #tpu.memory_space<hbm>>) target(%dma_start3A_292 : memref<1x32xf32, #tpu.memory_space<vmem>>) target_semaphore(%arg13 : memref<!tpu.dma_semaphore, #tpu.memory_space<semaphore_mem>>)
      %mul3A_295 = arith.constant 16 : i32
      %mul3A_296 = arith.muli %scan3A_232, %mul3A_295 : i32
      %add3A_297 = arith.constant 2 : i32
      %add3A_298 = arith.addi %mul3A_296, %add3A_297 : i32
      %slice3A_299 = vector.extract_strided_slice %get3A_242 {offsets = [2], sizes = [1], strides = [1]} : vector<16xi32> to vector<1xi32>
      %squeeze3A_300 = vector.extract %slice3A_299[0] : i32 from vector<1xi32>
      %dma_start3A_301 = arith.constant 0 : i32
      %dma_start3A_302 = tpu.memref_slice %arg9[%add3A_298, %dma_start3A_301] : memref<256x32xf32, #tpu.memory_space<vmem>> -> memref<1x32xf32, #tpu.memory_space<vmem>>
      %dma_start3A_303 = arith.constant 0 : i32
      %dma_start3A_304 = tpu.memref_slice %arg2[%squeeze3A_300, %dma_start3A_303] : memref<1000000x32xf32, #tpu.memory_space<hbm>> -> memref<1x32xf32, #tpu.memory_space<hbm>>
      %dma_start3A_305 = arith.constant 0 : i32
      %dma_start3A_306 = tpu.memref_slice %arg9[%add3A_298, %dma_start3A_305] : memref<256x32xf32, #tpu.memory_space<vmem>> -> memref<1x32xf32, #tpu.memory_space<vmem>>
      %dma_start3A_307 = arith.constant 0 : i32
      %dma_start3A_308 = tpu.memref_slice %arg2[%squeeze3A_300, %dma_start3A_307] : memref<1000000x32xf32, #tpu.memory_space<hbm>> -> memref<1x32xf32, #tpu.memory_space<hbm>>
      tpu.enqueue_dma source(%dma_start3A_308 : memref<1x32xf32, #tpu.memory_space<hbm>>) target(%dma_start3A_306 : memref<1x32xf32, #tpu.memory_space<vmem>>) target_semaphore(%arg14 : memref<!tpu.dma_semaphore, #tpu.memory_space<semaphore_mem>>)
      %slice3A_309 = vector.extract_strided_slice %get3A_249 {offsets = [2], sizes = [1], strides = [1]} : vector<16xi32> to vector<1xi32>
      %squeeze3A_310 = vector.extract %slice3A_309[0] : i32 from vector<1xi32>
      %dma_start3A_311 = arith.constant 0 : i32
      %dma_start3A_312 = tpu.memref_slice %arg10[%add3A_298, %dma_start3A_311] : memref<256x32xf32, #tpu.memory_space<vmem>> -> memref<1x32xf32, #tpu.memory_space<vmem>>
      %dma_start3A_313 = arith.constant 0 : i32
      %dma_start3A_314 = tpu.memref_slice %arg3[%squeeze3A_310, %dma_start3A_313] : memref<1000000x32xf32, #tpu.memory_space<hbm>> -> memref<1x32xf32, #tpu.memory_space<hbm>>
      %dma_start3A_315 = arith.constant 0 : i32
      %dma_start3A_316 = tpu.memref_slice %arg10[%add3A_298, %dma_start3A_315] : memref<256x32xf32, #tpu.memory_space<vmem>> -> memref<1x32xf32, #tpu.memory_space<vmem>>
      %dma_start3A_317 = arith.constant 0 : i32
      %dma_start3A_318 = tpu.memref_slice %arg3[%squeeze3A_310, %dma_start3A_317] : memref<1000000x32xf32, #tpu.memory_space<hbm>> -> memref<1x32xf32, #tpu.memory_space<hbm>>
      tpu.enqueue_dma source(%dma_start3A_318 : memref<1x32xf32, #tpu.memory_space<hbm>>) target(%dma_start3A_316 : memref<1x32xf32, #tpu.memory_space<vmem>>) target_semaphore(%arg14 : memref<!tpu.dma_semaphore, #tpu.memory_space<semaphore_mem>>)
      %mul3A_319 = arith.constant 16 : i32
      %mul3A_320 = arith.muli %scan3A_232, %mul3A_319 : i32
      %add3A_321 = arith.constant 3 : i32
      %add3A_322 = arith.addi %mul3A_320, %add3A_321 : i32
      %slice3A_323 = vector.extract_strided_slice %get3A_242 {offsets = [3], sizes = [1], strides = [1]} : vector<16xi32> to vector<1xi32>
      %squeeze3A_324 = vector.extract %slice3A_323[0] : i32 from vector<1xi32>
      %dma_start3A_325 = arith.constant 0 : i32
      %dma_start3A_326 = tpu.memref_slice %arg9[%add3A_322, %dma_start3A_325] : memref<256x32xf32, #tpu.memory_space<vmem>> -> memref<1x32xf32, #tpu.memory_space<vmem>>
      %dma_start3A_327 = arith.constant 0 : i32
      %dma_start3A_328 = tpu.memref_slice %arg2[%squeeze3A_324, %dma_start3A_327] : memref<1000000x32xf32, #tpu.memory_space<hbm>> -> memref<1x32xf32, #tpu.memory_space<hbm>>
      %dma_start3A_329 = arith.constant 0 : i32
      %dma_start3A_330 = tpu.memref_slice %arg9[%add3A_322, %dma_start3A_329] : memref<256x32xf32, #tpu.memory_space<vmem>> -> memref<1x32xf32, #tpu.memory_space<vmem>>
      %dma_start3A_331 = arith.constant 0 : i32
      %dma_start3A_332 = tpu.memref_slice %arg2[%squeeze3A_324, %dma_start3A_331] : memref<1000000x32xf32, #tpu.memory_space<hbm>> -> memref<1x32xf32, #tpu.memory_space<hbm>>
      tpu.enqueue_dma source(%dma_start3A_332 : memref<1x32xf32, #tpu.memory_space<hbm>>) target(%dma_start3A_330 : memref<1x32xf32, #tpu.memory_space<vmem>>) target_semaphore(%arg15 : memref<!tpu.dma_semaphore, #tpu.memory_space<semaphore_mem>>)
      %slice3A_333 = vector.extract_strided_slice %get3A_249 {offsets = [3], sizes = [1], strides = [1]} : vector<16xi32> to vector<1xi32>
      %squeeze3A_334 = vector.extract %slice3A_333[0] : i32 from vector<1xi32>
      %dma_start3A_335 = arith.constant 0 : i32
      %dma_start3A_336 = tpu.memref_slice %arg10[%add3A_322, %dma_start3A_335] : memref<256x32xf32, #tpu.memory_space<vmem>> -> memref<1x32xf32, #tpu.memory_space<vmem>>
      %dma_start3A_337 = arith.constant 0 : i32
      %dma_start3A_338 = tpu.memref_slice %arg3[%squeeze3A_334, %dma_start3A_337] : memref<1000000x32xf32, #tpu.memory_space<hbm>> -> memref<1x32xf32, #tpu.memory_space<hbm>>
      %dma_start3A_339 = arith.constant 0 : i32
      %dma_start3A_340 = tpu.memref_slice %arg10[%add3A_322, %dma_start3A_339] : memref<256x32xf32, #tpu.memory_space<vmem>> -> memref<1x32xf32, #tpu.memory_space<vmem>>
      %dma_start3A_341 = arith.constant 0 : i32
      %dma_start3A_342 = tpu.memref_slice %arg3[%squeeze3A_334, %dma_start3A_341] : memref<1000000x32xf32, #tpu.memory_space<hbm>> -> memref<1x32xf32, #tpu.memory_space<hbm>>
      tpu.enqueue_dma source(%dma_start3A_342 : memref<1x32xf32, #tpu.memory_space<hbm>>) target(%dma_start3A_340 : memref<1x32xf32, #tpu.memory_space<vmem>>) target_semaphore(%arg15 : memref<!tpu.dma_semaphore, #tpu.memory_space<semaphore_mem>>)
      %mul3A_343 = arith.constant 16 : i32
      %mul3A_344 = arith.muli %scan3A_232, %mul3A_343 : i32
      %add3A_345 = arith.constant 4 : i32
      %add3A_346 = arith.addi %mul3A_344, %add3A_345 : i32
      %slice3A_347 = vector.extract_strided_slice %get3A_242 {offsets = [4], sizes = [1], strides = [1]} : vector<16xi32> to vector<1xi32>
      %squeeze3A_348 = vector.extract %slice3A_347[0] : i32 from vector<1xi32>
      %dma_start3A_349 = arith.constant 0 : i32
      %dma_start3A_350 = tpu.memref_slice %arg9[%add3A_346, %dma_start3A_349] : memref<256x32xf32, #tpu.memory_space<vmem>> -> memref<1x32xf32, #tpu.memory_space<vmem>>
      %dma_start3A_351 = arith.constant 0 : i32
      %dma_start3A_352 = tpu.memref_slice %arg2[%squeeze3A_348, %dma_start3A_351] : memref<1000000x32xf32, #tpu.memory_space<hbm>> -> memref<1x32xf32, #tpu.memory_space<hbm>>
      %dma_start3A_353 = arith.constant 0 : i32
      %dma_start3A_354 = tpu.memref_slice %arg9[%add3A_346, %dma_start3A_353] : memref<256x32xf32, #tpu.memory_space<vmem>> -> memref<1x32xf32, #tpu.memory_space<vmem>>
      %dma_start3A_355 = arith.constant 0 : i32
      %dma_start3A_356 = tpu.memref_slice %arg2[%squeeze3A_348, %dma_start3A_355] : memref<1000000x32xf32, #tpu.memory_space<hbm>> -> memref<1x32xf32, #tpu.memory_space<hbm>>
      tpu.enqueue_dma source(%dma_start3A_356 : memref<1x32xf32, #tpu.memory_space<hbm>>) target(%dma_start3A_354 : memref<1x32xf32, #tpu.memory_space<vmem>>) target_semaphore(%arg12 : memref<!tpu.dma_semaphore, #tpu.memory_space<semaphore_mem>>)
      %slice3A_357 = vector.extract_strided_slice %get3A_249 {offsets = [4], sizes = [1], strides = [1]} : vector<16xi32> to vector<1xi32>
      %squeeze3A_358 = vector.extract %slice3A_357[0] : i32 from vector<1xi32>
      %dma_start3A_359 = arith.constant 0 : i32
      %dma_start3A_360 = tpu.memref_slice %arg10[%add3A_346, %dma_start3A_359] : memref<256x32xf32, #tpu.memory_space<vmem>> -> memref<1x32xf32, #tpu.memory_space<vmem>>
      %dma_start3A_361 = arith.constant 0 : i32
      %dma_start3A_362 = tpu.memref_slice %arg3[%squeeze3A_358, %dma_start3A_361] : memref<1000000x32xf32, #tpu.memory_space<hbm>> -> memref<1x32xf32, #tpu.memory_space<hbm>>
      %dma_start3A_363 = arith.constant 0 : i32
      %dma_start3A_364 = tpu.memref_slice %arg10[%add3A_346, %dma_start3A_363] : memref<256x32xf32, #tpu.memory_space<vmem>> -> memref<1x32xf32, #tpu.memory_space<vmem>>
      %dma_start3A_365 = arith.constant 0 : i32
      %dma_start3A_366 = tpu.memref_slice %arg3[%squeeze3A_358, %dma_start3A_365] : memref<1000000x32xf32, #tpu.memory_space<hbm>> -> memref<1x32xf32, #tpu.memory_space<hbm>>
      tpu.enqueue_dma source(%dma_start3A_366 : memref<1x32xf32, #tpu.memory_space<hbm>>) target(%dma_start3A_364 : memref<1x32xf32, #tpu.memory_space<vmem>>) target_semaphore(%arg12 : memref<!tpu.dma_semaphore, #tpu.memory_space<semaphore_mem>>)
      %mul3A_367 = arith.constant 16 : i32
      %mul3A_368 = arith.muli %scan3A_232, %mul3A_367 : i32
      %add3A_369 = arith.constant 5 : i32
      %add3A_370 = arith.addi %mul3A_368, %add3A_369 : i32
      %slice3A_371 = vector.extract_strided_slice %get3A_242 {offsets = [5], sizes = [1], strides = [1]} : vector<16xi32> to vector<1xi32>
      %squeeze3A_372 = vector.extract %slice3A_371[0] : i32 from vector<1xi32>
      %dma_start3A_373 = arith.constant 0 : i32
      %dma_start3A_374 = tpu.memref_slice %arg9[%add3A_370, %dma_start3A_373] : memref<256x32xf32, #tpu.memory_space<vmem>> -> memref<1x32xf32, #tpu.memory_space<vmem>>
      %dma_start3A_375 = arith.constant 0 : i32
      %dma_start3A_376 = tpu.memref_slice %arg2[%squeeze3A_372, %dma_start3A_375] : memref<1000000x32xf32, #tpu.memory_space<hbm>> -> memref<1x32xf32, #tpu.memory_space<hbm>>
      %dma_start3A_377 = arith.constant 0 : i32
      %dma_start3A_378 = tpu.memref_slice %arg9[%add3A_370, %dma_start3A_377] : memref<256x32xf32, #tpu.memory_space<vmem>> -> memref<1x32xf32, #tpu.memory_space<vmem>>
      %dma_start3A_379 = arith.constant 0 : i32
      %dma_start3A_380 = tpu.memref_slice %arg2[%squeeze3A_372, %dma_start3A_379] : memref<1000000x32xf32, #tpu.memory_space<hbm>> -> memref<1x32xf32, #tpu.memory_space<hbm>>
      tpu.enqueue_dma source(%dma_start3A_380 : memref<1x32xf32, #tpu.memory_space<hbm>>) target(%dma_start3A_378 : memref<1x32xf32, #tpu.memory_space<vmem>>) target_semaphore(%arg13 : memref<!tpu.dma_semaphore, #tpu.memory_space<semaphore_mem>>)
      %slice3A_381 = vector.extract_strided_slice %get3A_249 {offsets = [5], sizes = [1], strides = [1]} : vector<16xi32> to vector<1xi32>
      %squeeze3A_382 = vector.extract %slice3A_381[0] : i32 from vector<1xi32>
      %dma_start3A_383 = arith.constant 0 : i32
      %dma_start3A_384 = tpu.memref_slice %arg10[%add3A_370, %dma_start3A_383] : memref<256x32xf32, #tpu.memory_space<vmem>> -> memref<1x32xf32, #tpu.memory_space<vmem>>
      %dma_start3A_385 = arith.constant 0 : i32
      %dma_start3A_386 = tpu.memref_slice %arg3[%squeeze3A_382, %dma_start3A_385] : memref<1000000x32xf32, #tpu.memory_space<hbm>> -> memref<1x32xf32, #tpu.memory_space<hbm>>
      %dma_start3A_387 = arith.constant 0 : i32
      %dma_start3A_388 = tpu.memref_slice %arg10[%add3A_370, %dma_start3A_387] : memref<256x32xf32, #tpu.memory_space<vmem>> -> memref<1x32xf32, #tpu.memory_space<vmem>>
      %dma_start3A_389 = arith.constant 0 : i32
      %dma_start3A_390 = tpu.memref_slice %arg3[%squeeze3A_382, %dma_start3A_389] : memref<1000000x32xf32, #tpu.memory_space<hbm>> -> memref<1x32xf32, #tpu.memory_space<hbm>>
      tpu.enqueue_dma source(%dma_start3A_390 : memref<1x32xf32, #tpu.memory_space<hbm>>) target(%dma_start3A_388 : memref<1x32xf32, #tpu.memory_space<vmem>>) target_semaphore(%arg13 : memref<!tpu.dma_semaphore, #tpu.memory_space<semaphore_mem>>)
      %mul3A_391 = arith.constant 16 : i32
      %mul3A_392 = arith.muli %scan3A_232, %mul3A_391 : i32
      %add3A_393 = arith.constant 6 : i32
      %add3A_394 = arith.addi %mul3A_392, %add3A_393 : i32
      %slice3A_395 = vector.extract_strided_slice %get3A_242 {offsets = [6], sizes = [1], strides = [1]} : vector<16xi32> to vector<1xi32>
      %squeeze3A_396 = vector.extract %slice3A_395[0] : i32 from vector<1xi32>
      %dma_start3A_397 = arith.constant 0 : i32
      %dma_start3A_398 = tpu.memref_slice %arg9[%add3A_394, %dma_start3A_397] : memref<256x32xf32, #tpu.memory_space<vmem>> -> memref<1x32xf32, #tpu.memory_space<vmem>>
      %dma_start3A_399 = arith.constant 0 : i32
      %dma_start3A_400 = tpu.memref_slice %arg2[%squeeze3A_396, %dma_start3A_399] : memref<1000000x32xf32, #tpu.memory_space<hbm>> -> memref<1x32xf32, #tpu.memory_space<hbm>>
      %dma_start3A_401 = arith.constant 0 : i32
      %dma_start3A_402 = tpu.memref_slice %arg9[%add3A_394, %dma_start3A_401] : memref<256x32xf32, #tpu.memory_space<vmem>> -> memref<1x32xf32, #tpu.memory_space<vmem>>
      %dma_start3A_403 = arith.constant 0 : i32
      %dma_start3A_404 = tpu.memref_slice %arg2[%squeeze3A_396, %dma_start3A_403] : memref<1000000x32xf32, #tpu.memory_space<hbm>> -> memref<1x32xf32, #tpu.memory_space<hbm>>
      tpu.enqueue_dma source(%dma_start3A_404 : memref<1x32xf32, #tpu.memory_space<hbm>>) target(%dma_start3A_402 : memref<1x32xf32, #tpu.memory_space<vmem>>) target_semaphore(%arg14 : memref<!tpu.dma_semaphore, #tpu.memory_space<semaphore_mem>>)
      %slice3A_405 = vector.extract_strided_slice %get3A_249 {offsets = [6], sizes = [1], strides = [1]} : vector<16xi32> to vector<1xi32>
      %squeeze3A_406 = vector.extract %slice3A_405[0] : i32 from vector<1xi32>
      %dma_start3A_407 = arith.constant 0 : i32
      %dma_start3A_408 = tpu.memref_slice %arg10[%add3A_394, %dma_start3A_407] : memref<256x32xf32, #tpu.memory_space<vmem>> -> memref<1x32xf32, #tpu.memory_space<vmem>>
      %dma_start3A_409 = arith.constant 0 : i32
      %dma_start3A_410 = tpu.memref_slice %arg3[%squeeze3A_406, %dma_start3A_409] : memref<1000000x32xf32, #tpu.memory_space<hbm>> -> memref<1x32xf32, #tpu.memory_space<hbm>>
      %dma_start3A_411 = arith.constant 0 : i32
      %dma_start3A_412 = tpu.memref_slice %arg10[%add3A_394, %dma_start3A_411] : memref<256x32xf32, #tpu.memory_space<vmem>> -> memref<1x32xf32, #tpu.memory_space<vmem>>
      %dma_start3A_413 = arith.constant 0 : i32
      %dma_start3A_414 = tpu.memref_slice %arg3[%squeeze3A_406, %dma_start3A_413] : memref<1000000x32xf32, #tpu.memory_space<hbm>> -> memref<1x32xf32, #tpu.memory_space<hbm>>
      tpu.enqueue_dma source(%dma_start3A_414 : memref<1x32xf32, #tpu.memory_space<hbm>>) target(%dma_start3A_412 : memref<1x32xf32, #tpu.memory_space<vmem>>) target_semaphore(%arg14 : memref<!tpu.dma_semaphore, #tpu.memory_space<semaphore_mem>>)
      %mul3A_415 = arith.constant 16 : i32
      %mul3A_416 = arith.muli %scan3A_232, %mul3A_415 : i32
      %add3A_417 = arith.constant 7 : i32
      %add3A_418 = arith.addi %mul3A_416, %add3A_417 : i32
      %slice3A_419 = vector.extract_strided_slice %get3A_242 {offsets = [7], sizes = [1], strides = [1]} : vector<16xi32> to vector<1xi32>
      %squeeze3A_420 = vector.extract %slice3A_419[0] : i32 from vector<1xi32>
      %dma_start3A_421 = arith.constant 0 : i32
      %dma_start3A_422 = tpu.memref_slice %arg9[%add3A_418, %dma_start3A_421] : memref<256x32xf32, #tpu.memory_space<vmem>> -> memref<1x32xf32, #tpu.memory_space<vmem>>
      %dma_start3A_423 = arith.constant 0 : i32
      %dma_start3A_424 = tpu.memref_slice %arg2[%squeeze3A_420, %dma_start3A_423] : memref<1000000x32xf32, #tpu.memory_space<hbm>> -> memref<1x32xf32, #tpu.memory_space<hbm>>
      %dma_start3A_425 = arith.constant 0 : i32
      %dma_start3A_426 = tpu.memref_slice %arg9[%add3A_418, %dma_start3A_425] : memref<256x32xf32, #tpu.memory_space<vmem>> -> memref<1x32xf32, #tpu.memory_space<vmem>>
      %dma_start3A_427 = arith.constant 0 : i32
      %dma_start3A_428 = tpu.memref_slice %arg2[%squeeze3A_420, %dma_start3A_427] : memref<1000000x32xf32, #tpu.memory_space<hbm>> -> memref<1x32xf32, #tpu.memory_space<hbm>>
      tpu.enqueue_dma source(%dma_start3A_428 : memref<1x32xf32, #tpu.memory_space<hbm>>) target(%dma_start3A_426 : memref<1x32xf32, #tpu.memory_space<vmem>>) target_semaphore(%arg15 : memref<!tpu.dma_semaphore, #tpu.memory_space<semaphore_mem>>)
      %slice3A_429 = vector.extract_strided_slice %get3A_249 {offsets = [7], sizes = [1], strides = [1]} : vector<16xi32> to vector<1xi32>
      %squeeze3A_430 = vector.extract %slice3A_429[0] : i32 from vector<1xi32>
      %dma_start3A_431 = arith.constant 0 : i32
      %dma_start3A_432 = tpu.memref_slice %arg10[%add3A_418, %dma_start3A_431] : memref<256x32xf32, #tpu.memory_space<vmem>> -> memref<1x32xf32, #tpu.memory_space<vmem>>
      %dma_start3A_433 = arith.constant 0 : i32
      %dma_start3A_434 = tpu.memref_slice %arg3[%squeeze3A_430, %dma_start3A_433] : memref<1000000x32xf32, #tpu.memory_space<hbm>> -> memref<1x32xf32, #tpu.memory_space<hbm>>
      %dma_start3A_435 = arith.constant 0 : i32
      %dma_start3A_436 = tpu.memref_slice %arg10[%add3A_418, %dma_start3A_435] : memref<256x32xf32, #tpu.memory_space<vmem>> -> memref<1x32xf32, #tpu.memory_space<vmem>>
      %dma_start3A_437 = arith.constant 0 : i32
      %dma_start3A_438 = tpu.memref_slice %arg3[%squeeze3A_430, %dma_start3A_437] : memref<1000000x32xf32, #tpu.memory_space<hbm>> -> memref<1x32xf32, #tpu.memory_space<hbm>>
      tpu.enqueue_dma source(%dma_start3A_438 : memref<1x32xf32, #tpu.memory_space<hbm>>) target(%dma_start3A_436 : memref<1x32xf32, #tpu.memory_space<vmem>>) target_semaphore(%arg15 : memref<!tpu.dma_semaphore, #tpu.memory_space<semaphore_mem>>)
      %mul3A_439 = arith.constant 16 : i32
      %mul3A_440 = arith.muli %scan3A_232, %mul3A_439 : i32
      %add3A_441 = arith.constant 8 : i32
      %add3A_442 = arith.addi %mul3A_440, %add3A_441 : i32
      %slice3A_443 = vector.extract_strided_slice %get3A_242 {offsets = [8], sizes = [1], strides = [1]} : vector<16xi32> to vector<1xi32>
      %squeeze3A_444 = vector.extract %slice3A_443[0] : i32 from vector<1xi32>
      %dma_start3A_445 = arith.constant 0 : i32
      %dma_start3A_446 = tpu.memref_slice %arg9[%add3A_442, %dma_start3A_445] : memref<256x32xf32, #tpu.memory_space<vmem>> -> memref<1x32xf32, #tpu.memory_space<vmem>>
      %dma_start3A_447 = arith.constant 0 : i32
      %dma_start3A_448 = tpu.memref_slice %arg2[%squeeze3A_444, %dma_start3A_447] : memref<1000000x32xf32, #tpu.memory_space<hbm>> -> memref<1x32xf32, #tpu.memory_space<hbm>>
      %dma_start3A_449 = arith.constant 0 : i32
      %dma_start3A_450 = tpu.memref_slice %arg9[%add3A_442, %dma_start3A_449] : memref<256x32xf32, #tpu.memory_space<vmem>> -> memref<1x32xf32, #tpu.memory_space<vmem>>
      %dma_start3A_451 = arith.constant 0 : i32
      %dma_start3A_452 = tpu.memref_slice %arg2[%squeeze3A_444, %dma_start3A_451] : memref<1000000x32xf32, #tpu.memory_space<hbm>> -> memref<1x32xf32, #tpu.memory_space<hbm>>
      tpu.enqueue_dma source(%dma_start3A_452 : memref<1x32xf32, #tpu.memory_space<hbm>>) target(%dma_start3A_450 : memref<1x32xf32, #tpu.memory_space<vmem>>) target_semaphore(%arg12 : memref<!tpu.dma_semaphore, #tpu.memory_space<semaphore_mem>>)
      %slice3A_453 = vector.extract_strided_slice %get3A_249 {offsets = [8], sizes = [1], strides = [1]} : vector<16xi32> to vector<1xi32>
      %squeeze3A_454 = vector.extract %slice3A_453[0] : i32 from vector<1xi32>
      %dma_start3A_455 = arith.constant 0 : i32
      %dma_start3A_456 = tpu.memref_slice %arg10[%add3A_442, %dma_start3A_455] : memref<256x32xf32, #tpu.memory_space<vmem>> -> memref<1x32xf32, #tpu.memory_space<vmem>>
      %dma_start3A_457 = arith.constant 0 : i32
      %dma_start3A_458 = tpu.memref_slice %arg3[%squeeze3A_454, %dma_start3A_457] : memref<1000000x32xf32, #tpu.memory_space<hbm>> -> memref<1x32xf32, #tpu.memory_space<hbm>>
      %dma_start3A_459 = arith.constant 0 : i32
      %dma_start3A_460 = tpu.memref_slice %arg10[%add3A_442, %dma_start3A_459] : memref<256x32xf32, #tpu.memory_space<vmem>> -> memref<1x32xf32, #tpu.memory_space<vmem>>
      %dma_start3A_461 = arith.constant 0 : i32
      %dma_start3A_462 = tpu.memref_slice %arg3[%squeeze3A_454, %dma_start3A_461] : memref<1000000x32xf32, #tpu.memory_space<hbm>> -> memref<1x32xf32, #tpu.memory_space<hbm>>
      tpu.enqueue_dma source(%dma_start3A_462 : memref<1x32xf32, #tpu.memory_space<hbm>>) target(%dma_start3A_460 : memref<1x32xf32, #tpu.memory_space<vmem>>) target_semaphore(%arg12 : memref<!tpu.dma_semaphore, #tpu.memory_space<semaphore_mem>>)
      %mul3A_463 = arith.constant 16 : i32
      %mul3A_464 = arith.muli %scan3A_232, %mul3A_463 : i32
      %add3A_465 = arith.constant 9 : i32
      %add3A_466 = arith.addi %mul3A_464, %add3A_465 : i32
      %slice3A_467 = vector.extract_strided_slice %get3A_242 {offsets = [9], sizes = [1], strides = [1]} : vector<16xi32> to vector<1xi32>
      %squeeze3A_468 = vector.extract %slice3A_467[0] : i32 from vector<1xi32>
      %dma_start3A_469 = arith.constant 0 : i32
      %dma_start3A_470 = tpu.memref_slice %arg9[%add3A_466, %dma_start3A_469] : memref<256x32xf32, #tpu.memory_space<vmem>> -> memref<1x32xf32, #tpu.memory_space<vmem>>
      %dma_start3A_471 = arith.constant 0 : i32
      %dma_start3A_472 = tpu.memref_slice %arg2[%squeeze3A_468, %dma_start3A_471] : memref<1000000x32xf32, #tpu.memory_space<hbm>> -> memref<1x32xf32, #tpu.memory_space<hbm>>
      %dma_start3A_473 = arith.constant 0 : i32
      %dma_start3A_474 = tpu.memref_slice %arg9[%add3A_466, %dma_start3A_473] : memref<256x32xf32, #tpu.memory_space<vmem>> -> memref<1x32xf32, #tpu.memory_space<vmem>>
      %dma_start3A_475 = arith.constant 0 : i32
      %dma_start3A_476 = tpu.memref_slice %arg2[%squeeze3A_468, %dma_start3A_475] : memref<1000000x32xf32, #tpu.memory_space<hbm>> -> memref<1x32xf32, #tpu.memory_space<hbm>>
      tpu.enqueue_dma source(%dma_start3A_476 : memref<1x32xf32, #tpu.memory_space<hbm>>) target(%dma_start3A_474 : memref<1x32xf32, #tpu.memory_space<vmem>>) target_semaphore(%arg13 : memref<!tpu.dma_semaphore, #tpu.memory_space<semaphore_mem>>)
      %slice3A_477 = vector.extract_strided_slice %get3A_249 {offsets = [9], sizes = [1], strides = [1]} : vector<16xi32> to vector<1xi32>
      %squeeze3A_478 = vector.extract %slice3A_477[0] : i32 from vector<1xi32>
      %dma_start3A_479 = arith.constant 0 : i32
      %dma_start3A_480 = tpu.memref_slice %arg10[%add3A_466, %dma_start3A_479] : memref<256x32xf32, #tpu.memory_space<vmem>> -> memref<1x32xf32, #tpu.memory_space<vmem>>
      %dma_start3A_481 = arith.constant 0 : i32
      %dma_start3A_482 = tpu.memref_slice %arg3[%squeeze3A_478, %dma_start3A_481] : memref<1000000x32xf32, #tpu.memory_space<hbm>> -> memref<1x32xf32, #tpu.memory_space<hbm>>
      %dma_start3A_483 = arith.constant 0 : i32
      %dma_start3A_484 = tpu.memref_slice %arg10[%add3A_466, %dma_start3A_483] : memref<256x32xf32, #tpu.memory_space<vmem>> -> memref<1x32xf32, #tpu.memory_space<vmem>>
      %dma_start3A_485 = arith.constant 0 : i32
      %dma_start3A_486 = tpu.memref_slice %arg3[%squeeze3A_478, %dma_start3A_485] : memref<1000000x32xf32, #tpu.memory_space<hbm>> -> memref<1x32xf32, #tpu.memory_space<hbm>>
      tpu.enqueue_dma source(%dma_start3A_486 : memref<1x32xf32, #tpu.memory_space<hbm>>) target(%dma_start3A_484 : memref<1x32xf32, #tpu.memory_space<vmem>>) target_semaphore(%arg13 : memref<!tpu.dma_semaphore, #tpu.memory_space<semaphore_mem>>)
      %mul3A_487 = arith.constant 16 : i32
      %mul3A_488 = arith.muli %scan3A_232, %mul3A_487 : i32
      %add3A_489 = arith.constant 10 : i32
      %add3A_490 = arith.addi %mul3A_488, %add3A_489 : i32
      %slice3A_491 = vector.extract_strided_slice %get3A_242 {offsets = [10], sizes = [1], strides = [1]} : vector<16xi32> to vector<1xi32>
      %squeeze3A_492 = vector.extract %slice3A_491[0] : i32 from vector<1xi32>
      %dma_start3A_493 = arith.constant 0 : i32
      %dma_start3A_494 = tpu.memref_slice %arg9[%add3A_490, %dma_start3A_493] : memref<256x32xf32, #tpu.memory_space<vmem>> -> memref<1x32xf32, #tpu.memory_space<vmem>>
      %dma_start3A_495 = arith.constant 0 : i32
      %dma_start3A_496 = tpu.memref_slice %arg2[%squeeze3A_492, %dma_start3A_495] : memref<1000000x32xf32, #tpu.memory_space<hbm>> -> memref<1x32xf32, #tpu.memory_space<hbm>>
      %dma_start3A_497 = arith.constant 0 : i32
      %dma_start3A_498 = tpu.memref_slice %arg9[%add3A_490, %dma_start3A_497] : memref<256x32xf32, #tpu.memory_space<vmem>> -> memref<1x32xf32, #tpu.memory_space<vmem>>
      %dma_start3A_499 = arith.constant 0 : i32
      %dma_start3A_500 = tpu.memref_slice %arg2[%squeeze3A_492, %dma_start3A_499] : memref<1000000x32xf32, #tpu.memory_space<hbm>> -> memref<1x32xf32, #tpu.memory_space<hbm>>
      tpu.enqueue_dma source(%dma_start3A_500 : memref<1x32xf32, #tpu.memory_space<hbm>>) target(%dma_start3A_498 : memref<1x32xf32, #tpu.memory_space<vmem>>) target_semaphore(%arg14 : memref<!tpu.dma_semaphore, #tpu.memory_space<semaphore_mem>>)
      %slice3A_501 = vector.extract_strided_slice %get3A_249 {offsets = [10], sizes = [1], strides = [1]} : vector<16xi32> to vector<1xi32>
      %squeeze3A_502 = vector.extract %slice3A_501[0] : i32 from vector<1xi32>
      %dma_start3A_503 = arith.constant 0 : i32
      %dma_start3A_504 = tpu.memref_slice %arg10[%add3A_490, %dma_start3A_503] : memref<256x32xf32, #tpu.memory_space<vmem>> -> memref<1x32xf32, #tpu.memory_space<vmem>>
      %dma_start3A_505 = arith.constant 0 : i32
      %dma_start3A_506 = tpu.memref_slice %arg3[%squeeze3A_502, %dma_start3A_505] : memref<1000000x32xf32, #tpu.memory_space<hbm>> -> memref<1x32xf32, #tpu.memory_space<hbm>>
      %dma_start3A_507 = arith.constant 0 : i32
      %dma_start3A_508 = tpu.memref_slice %arg10[%add3A_490, %dma_start3A_507] : memref<256x32xf32, #tpu.memory_space<vmem>> -> memref<1x32xf32, #tpu.memory_space<vmem>>
      %dma_start3A_509 = arith.constant 0 : i32
      %dma_start3A_510 = tpu.memref_slice %arg3[%squeeze3A_502, %dma_start3A_509] : memref<1000000x32xf32, #tpu.memory_space<hbm>> -> memref<1x32xf32, #tpu.memory_space<hbm>>
      tpu.enqueue_dma source(%dma_start3A_510 : memref<1x32xf32, #tpu.memory_space<hbm>>) target(%dma_start3A_508 : memref<1x32xf32, #tpu.memory_space<vmem>>) target_semaphore(%arg14 : memref<!tpu.dma_semaphore, #tpu.memory_space<semaphore_mem>>)
      %mul3A_511 = arith.constant 16 : i32
      %mul3A_512 = arith.muli %scan3A_232, %mul3A_511 : i32
      %add3A_513 = arith.constant 11 : i32
      %add3A_514 = arith.addi %mul3A_512, %add3A_513 : i32
      %slice3A_515 = vector.extract_strided_slice %get3A_242 {offsets = [11], sizes = [1], strides = [1]} : vector<16xi32> to vector<1xi32>
      %squeeze3A_516 = vector.extract %slice3A_515[0] : i32 from vector<1xi32>
      %dma_start3A_517 = arith.constant 0 : i32
      %dma_start3A_518 = tpu.memref_slice %arg9[%add3A_514, %dma_start3A_517] : memref<256x32xf32, #tpu.memory_space<vmem>> -> memref<1x32xf32, #tpu.memory_space<vmem>>
      %dma_start3A_519 = arith.constant 0 : i32
      %dma_start3A_520 = tpu.memref_slice %arg2[%squeeze3A_516, %dma_start3A_519] : memref<1000000x32xf32, #tpu.memory_space<hbm>> -> memref<1x32xf32, #tpu.memory_space<hbm>>
      %dma_start3A_521 = arith.constant 0 : i32
      %dma_start3A_522 = tpu.memref_slice %arg9[%add3A_514, %dma_start3A_521] : memref<256x32xf32, #tpu.memory_space<vmem>> -> memref<1x32xf32, #tpu.memory_space<vmem>>
      %dma_start3A_523 = arith.constant 0 : i32
      %dma_start3A_524 = tpu.memref_slice %arg2[%squeeze3A_516, %dma_start3A_523] : memref<1000000x32xf32, #tpu.memory_space<hbm>> -> memref<1x32xf32, #tpu.memory_space<hbm>>
      tpu.enqueue_dma source(%dma_start3A_524 : memref<1x32xf32, #tpu.memory_space<hbm>>) target(%dma_start3A_522 : memref<1x32xf32, #tpu.memory_space<vmem>>) target_semaphore(%arg15 : memref<!tpu.dma_semaphore, #tpu.memory_space<semaphore_mem>>)
      %slice3A_525 = vector.extract_strided_slice %get3A_249 {offsets = [11], sizes = [1], strides = [1]} : vector<16xi32> to vector<1xi32>
      %squeeze3A_526 = vector.extract %slice3A_525[0] : i32 from vector<1xi32>
      %dma_start3A_527 = arith.constant 0 : i32
      %dma_start3A_528 = tpu.memref_slice %arg10[%add3A_514, %dma_start3A_527] : memref<256x32xf32, #tpu.memory_space<vmem>> -> memref<1x32xf32, #tpu.memory_space<vmem>>
      %dma_start3A_529 = arith.constant 0 : i32
      %dma_start3A_530 = tpu.memref_slice %arg3[%squeeze3A_526, %dma_start3A_529] : memref<1000000x32xf32, #tpu.memory_space<hbm>> -> memref<1x32xf32, #tpu.memory_space<hbm>>
      %dma_start3A_531 = arith.constant 0 : i32
      %dma_start3A_532 = tpu.memref_slice %arg10[%add3A_514, %dma_start3A_531] : memref<256x32xf32, #tpu.memory_space<vmem>> -> memref<1x32xf32, #tpu.memory_space<vmem>>
      %dma_start3A_533 = arith.constant 0 : i32
      %dma_start3A_534 = tpu.memref_slice %arg3[%squeeze3A_526, %dma_start3A_533] : memref<1000000x32xf32, #tpu.memory_space<hbm>> -> memref<1x32xf32, #tpu.memory_space<hbm>>
      tpu.enqueue_dma source(%dma_start3A_534 : memref<1x32xf32, #tpu.memory_space<hbm>>) target(%dma_start3A_532 : memref<1x32xf32, #tpu.memory_space<vmem>>) target_semaphore(%arg15 : memref<!tpu.dma_semaphore, #tpu.memory_space<semaphore_mem>>)
      %mul3A_535 = arith.constant 16 : i32
      %mul3A_536 = arith.muli %scan3A_232, %mul3A_535 : i32
      %add3A_537 = arith.constant 12 : i32
      %add3A_538 = arith.addi %mul3A_536, %add3A_537 : i32
      %slice3A_539 = vector.extract_strided_slice %get3A_242 {offsets = [12], sizes = [1], strides = [1]} : vector<16xi32> to vector<1xi32>
      %squeeze3A_540 = vector.extract %slice3A_539[0] : i32 from vector<1xi32>
      %dma_start3A_541 = arith.constant 0 : i32
      %dma_start3A_542 = tpu.memref_slice %arg9[%add3A_538, %dma_start3A_541] : memref<256x32xf32, #tpu.memory_space<vmem>> -> memref<1x32xf32, #tpu.memory_space<vmem>>
      %dma_start3A_543 = arith.constant 0 : i32
      %dma_start3A_544 = tpu.memref_slice %arg2[%squeeze3A_540, %dma_start3A_543] : memref<1000000x32xf32, #tpu.memory_space<hbm>> -> memref<1x32xf32, #tpu.memory_space<hbm>>
      %dma_start3A_545 = arith.constant 0 : i32
      %dma_start3A_546 = tpu.memref_slice %arg9[%add3A_538, %dma_start3A_545] : memref<256x32xf32, #tpu.memory_space<vmem>> -> memref<1x32xf32, #tpu.memory_space<vmem>>
      %dma_start3A_547 = arith.constant 0 : i32
      %dma_start3A_548 = tpu.memref_slice %arg2[%squeeze3A_540, %dma_start3A_547] : memref<1000000x32xf32, #tpu.memory_space<hbm>> -> memref<1x32xf32, #tpu.memory_space<hbm>>
      tpu.enqueue_dma source(%dma_start3A_548 : memref<1x32xf32, #tpu.memory_space<hbm>>) target(%dma_start3A_546 : memref<1x32xf32, #tpu.memory_space<vmem>>) target_semaphore(%arg12 : memref<!tpu.dma_semaphore, #tpu.memory_space<semaphore_mem>>)
      %slice3A_549 = vector.extract_strided_slice %get3A_249 {offsets = [12], sizes = [1], strides = [1]} : vector<16xi32> to vector<1xi32>
      %squeeze3A_550 = vector.extract %slice3A_549[0] : i32 from vector<1xi32>
      %dma_start3A_551 = arith.constant 0 : i32
      %dma_start3A_552 = tpu.memref_slice %arg10[%add3A_538, %dma_start3A_551] : memref<256x32xf32, #tpu.memory_space<vmem>> -> memref<1x32xf32, #tpu.memory_space<vmem>>
      %dma_start3A_553 = arith.constant 0 : i32
      %dma_start3A_554 = tpu.memref_slice %arg3[%squeeze3A_550, %dma_start3A_553] : memref<1000000x32xf32, #tpu.memory_space<hbm>> -> memref<1x32xf32, #tpu.memory_space<hbm>>
      %dma_start3A_555 = arith.constant 0 : i32
      %dma_start3A_556 = tpu.memref_slice %arg10[%add3A_538, %dma_start3A_555] : memref<256x32xf32, #tpu.memory_space<vmem>> -> memref<1x32xf32, #tpu.memory_space<vmem>>
      %dma_start3A_557 = arith.constant 0 : i32
      %dma_start3A_558 = tpu.memref_slice %arg3[%squeeze3A_550, %dma_start3A_557] : memref<1000000x32xf32, #tpu.memory_space<hbm>> -> memref<1x32xf32, #tpu.memory_space<hbm>>
      tpu.enqueue_dma source(%dma_start3A_558 : memref<1x32xf32, #tpu.memory_space<hbm>>) target(%dma_start3A_556 : memref<1x32xf32, #tpu.memory_space<vmem>>) target_semaphore(%arg12 : memref<!tpu.dma_semaphore, #tpu.memory_space<semaphore_mem>>)
      %mul3A_559 = arith.constant 16 : i32
      %mul3A_560 = arith.muli %scan3A_232, %mul3A_559 : i32
      %add3A_561 = arith.constant 13 : i32
      %add3A_562 = arith.addi %mul3A_560, %add3A_561 : i32
      %slice3A_563 = vector.extract_strided_slice %get3A_242 {offsets = [13], sizes = [1], strides = [1]} : vector<16xi32> to vector<1xi32>
      %squeeze3A_564 = vector.extract %slice3A_563[0] : i32 from vector<1xi32>
      %dma_start3A_565 = arith.constant 0 : i32
      %dma_start3A_566 = tpu.memref_slice %arg9[%add3A_562, %dma_start3A_565] : memref<256x32xf32, #tpu.memory_space<vmem>> -> memref<1x32xf32, #tpu.memory_space<vmem>>
      %dma_start3A_567 = arith.constant 0 : i32
      %dma_start3A_568 = tpu.memref_slice %arg2[%squeeze3A_564, %dma_start3A_567] : memref<1000000x32xf32, #tpu.memory_space<hbm>> -> memref<1x32xf32, #tpu.memory_space<hbm>>
      %dma_start3A_569 = arith.constant 0 : i32
      %dma_start3A_570 = tpu.memref_slice %arg9[%add3A_562, %dma_start3A_569] : memref<256x32xf32, #tpu.memory_space<vmem>> -> memref<1x32xf32, #tpu.memory_space<vmem>>
      %dma_start3A_571 = arith.constant 0 : i32
      %dma_start3A_572 = tpu.memref_slice %arg2[%squeeze3A_564, %dma_start3A_571] : memref<1000000x32xf32, #tpu.memory_space<hbm>> -> memref<1x32xf32, #tpu.memory_space<hbm>>
      tpu.enqueue_dma source(%dma_start3A_572 : memref<1x32xf32, #tpu.memory_space<hbm>>) target(%dma_start3A_570 : memref<1x32xf32, #tpu.memory_space<vmem>>) target_semaphore(%arg13 : memref<!tpu.dma_semaphore, #tpu.memory_space<semaphore_mem>>)
      %slice3A_573 = vector.extract_strided_slice %get3A_249 {offsets = [13], sizes = [1], strides = [1]} : vector<16xi32> to vector<1xi32>
      %squeeze3A_574 = vector.extract %slice3A_573[0] : i32 from vector<1xi32>
      %dma_start3A_575 = arith.constant 0 : i32
      %dma_start3A_576 = tpu.memref_slice %arg10[%add3A_562, %dma_start3A_575] : memref<256x32xf32, #tpu.memory_space<vmem>> -> memref<1x32xf32, #tpu.memory_space<vmem>>
      %dma_start3A_577 = arith.constant 0 : i32
      %dma_start3A_578 = tpu.memref_slice %arg3[%squeeze3A_574, %dma_start3A_577] : memref<1000000x32xf32, #tpu.memory_space<hbm>> -> memref<1x32xf32, #tpu.memory_space<hbm>>
      %dma_start3A_579 = arith.constant 0 : i32
      %dma_start3A_580 = tpu.memref_slice %arg10[%add3A_562, %dma_start3A_579] : memref<256x32xf32, #tpu.memory_space<vmem>> -> memref<1x32xf32, #tpu.memory_space<vmem>>
      %dma_start3A_581 = arith.constant 0 : i32
      %dma_start3A_582 = tpu.memref_slice %arg3[%squeeze3A_574, %dma_start3A_581] : memref<1000000x32xf32, #tpu.memory_space<hbm>> -> memref<1x32xf32, #tpu.memory_space<hbm>>
      tpu.enqueue_dma source(%dma_start3A_582 : memref<1x32xf32, #tpu.memory_space<hbm>>) target(%dma_start3A_580 : memref<1x32xf32, #tpu.memory_space<vmem>>) target_semaphore(%arg13 : memref<!tpu.dma_semaphore, #tpu.memory_space<semaphore_mem>>)
      %mul3A_583 = arith.constant 16 : i32
      %mul3A_584 = arith.muli %scan3A_232, %mul3A_583 : i32
      %add3A_585 = arith.constant 14 : i32
      %add3A_586 = arith.addi %mul3A_584, %add3A_585 : i32
      %slice3A_587 = vector.extract_strided_slice %get3A_242 {offsets = [14], sizes = [1], strides = [1]} : vector<16xi32> to vector<1xi32>
      %squeeze3A_588 = vector.extract %slice3A_587[0] : i32 from vector<1xi32>
      %dma_start3A_589 = arith.constant 0 : i32
      %dma_start3A_590 = tpu.memref_slice %arg9[%add3A_586, %dma_start3A_589] : memref<256x32xf32, #tpu.memory_space<vmem>> -> memref<1x32xf32, #tpu.memory_space<vmem>>
      %dma_start3A_591 = arith.constant 0 : i32
      %dma_start3A_592 = tpu.memref_slice %arg2[%squeeze3A_588, %dma_start3A_591] : memref<1000000x32xf32, #tpu.memory_space<hbm>> -> memref<1x32xf32, #tpu.memory_space<hbm>>
      %dma_start3A_593 = arith.constant 0 : i32
      %dma_start3A_594 = tpu.memref_slice %arg9[%add3A_586, %dma_start3A_593] : memref<256x32xf32, #tpu.memory_space<vmem>> -> memref<1x32xf32, #tpu.memory_space<vmem>>
      %dma_start3A_595 = arith.constant 0 : i32
      %dma_start3A_596 = tpu.memref_slice %arg2[%squeeze3A_588, %dma_start3A_595] : memref<1000000x32xf32, #tpu.memory_space<hbm>> -> memref<1x32xf32, #tpu.memory_space<hbm>>
      tpu.enqueue_dma source(%dma_start3A_596 : memref<1x32xf32, #tpu.memory_space<hbm>>) target(%dma_start3A_594 : memref<1x32xf32, #tpu.memory_space<vmem>>) target_semaphore(%arg14 : memref<!tpu.dma_semaphore, #tpu.memory_space<semaphore_mem>>)
      %slice3A_597 = vector.extract_strided_slice %get3A_249 {offsets = [14], sizes = [1], strides = [1]} : vector<16xi32> to vector<1xi32>
      %squeeze3A_598 = vector.extract %slice3A_597[0] : i32 from vector<1xi32>
      %dma_start3A_599 = arith.constant 0 : i32
      %dma_start3A_600 = tpu.memref_slice %arg10[%add3A_586, %dma_start3A_599] : memref<256x32xf32, #tpu.memory_space<vmem>> -> memref<1x32xf32, #tpu.memory_space<vmem>>
      %dma_start3A_601 = arith.constant 0 : i32
      %dma_start3A_602 = tpu.memref_slice %arg3[%squeeze3A_598, %dma_start3A_601] : memref<1000000x32xf32, #tpu.memory_space<hbm>> -> memref<1x32xf32, #tpu.memory_space<hbm>>
      %dma_start3A_603 = arith.constant 0 : i32
      %dma_start3A_604 = tpu.memref_slice %arg10[%add3A_586, %dma_start3A_603] : memref<256x32xf32, #tpu.memory_space<vmem>> -> memref<1x32xf32, #tpu.memory_space<vmem>>
      %dma_start3A_605 = arith.constant 0 : i32
      %dma_start3A_606 = tpu.memref_slice %arg3[%squeeze3A_598, %dma_start3A_605] : memref<1000000x32xf32, #tpu.memory_space<hbm>> -> memref<1x32xf32, #tpu.memory_space<hbm>>
      tpu.enqueue_dma source(%dma_start3A_606 : memref<1x32xf32, #tpu.memory_space<hbm>>) target(%dma_start3A_604 : memref<1x32xf32, #tpu.memory_space<vmem>>) target_semaphore(%arg14 : memref<!tpu.dma_semaphore, #tpu.memory_space<semaphore_mem>>)
      %mul3A_607 = arith.constant 16 : i32
      %mul3A_608 = arith.muli %scan3A_232, %mul3A_607 : i32
      %add3A_609 = arith.constant 15 : i32
      %add3A_610 = arith.addi %mul3A_608, %add3A_609 : i32
      %slice3A_611 = vector.extract_strided_slice %get3A_242 {offsets = [15], sizes = [1], strides = [1]} : vector<16xi32> to vector<1xi32>
      %squeeze3A_612 = vector.extract %slice3A_611[0] : i32 from vector<1xi32>
      %dma_start3A_613 = arith.constant 0 : i32
      %dma_start3A_614 = tpu.memref_slice %arg9[%add3A_610, %dma_start3A_613] : memref<256x32xf32, #tpu.memory_space<vmem>> -> memref<1x32xf32, #tpu.memory_space<vmem>>
      %dma_start3A_615 = arith.constant 0 : i32
      %dma_start3A_616 = tpu.memref_slice %arg2[%squeeze3A_612, %dma_start3A_615] : memref<1000000x32xf32, #tpu.memory_space<hbm>> -> memref<1x32xf32, #tpu.memory_space<hbm>>
      %dma_start3A_617 = arith.constant 0 : i32
      %dma_start3A_618 = tpu.memref_slice %arg9[%add3A_610, %dma_start3A_617] : memref<256x32xf32, #tpu.memory_space<vmem>> -> memref<1x32xf32, #tpu.memory_space<vmem>>
      %dma_start3A_619 = arith.constant 0 : i32
      %dma_start3A_620 = tpu.memref_slice %arg2[%squeeze3A_612, %dma_start3A_619] : memref<1000000x32xf32, #tpu.memory_space<hbm>> -> memref<1x32xf32, #tpu.memory_space<hbm>>
      tpu.enqueue_dma source(%dma_start3A_620 : memref<1x32xf32, #tpu.memory_space<hbm>>) target(%dma_start3A_618 : memref<1x32xf32, #tpu.memory_space<vmem>>) target_semaphore(%arg15 : memref<!tpu.dma_semaphore, #tpu.memory_space<semaphore_mem>>)
      %slice3A_621 = vector.extract_strided_slice %get3A_249 {offsets = [15], sizes = [1], strides = [1]} : vector<16xi32> to vector<1xi32>
      %squeeze3A_622 = vector.extract %slice3A_621[0] : i32 from vector<1xi32>
      %dma_start3A_623 = arith.constant 0 : i32
      %dma_start3A_624 = tpu.memref_slice %arg10[%add3A_610, %dma_start3A_623] : memref<256x32xf32, #tpu.memory_space<vmem>> -> memref<1x32xf32, #tpu.memory_space<vmem>>
      %dma_start3A_625 = arith.constant 0 : i32
      %dma_start3A_626 = tpu.memref_slice %arg3[%squeeze3A_622, %dma_start3A_625] : memref<1000000x32xf32, #tpu.memory_space<hbm>> -> memref<1x32xf32, #tpu.memory_space<hbm>>
      %dma_start3A_627 = arith.constant 0 : i32
      %dma_start3A_628 = tpu.memref_slice %arg10[%add3A_610, %dma_start3A_627] : memref<256x32xf32, #tpu.memory_space<vmem>> -> memref<1x32xf32, #tpu.memory_space<vmem>>
      %dma_start3A_629 = arith.constant 0 : i32
      %dma_start3A_630 = tpu.memref_slice %arg3[%squeeze3A_622, %dma_start3A_629] : memref<1000000x32xf32, #tpu.memory_space<hbm>> -> memref<1x32xf32, #tpu.memory_space<hbm>>
      tpu.enqueue_dma source(%dma_start3A_630 : memref<1x32xf32, #tpu.memory_space<hbm>>) target(%dma_start3A_628 : memref<1x32xf32, #tpu.memory_space<vmem>>) target_semaphore(%arg15 : memref<!tpu.dma_semaphore, #tpu.memory_space<semaphore_mem>>)
    }
    %scan3A_22 = arith.constant 16 : i32
    %dma_wait3A = arith.constant 0 : i32
    %dma_wait3A_23 = arith.constant 0 : i32
    %dma_wait3A_24 = tpu.memref_slice %arg9[%dma_wait3A, %dma_wait3A_23] : memref<256x32xf32, #tpu.memory_space<vmem>> -> memref<64x32xf32, #tpu.memory_space<vmem>>
    %dma_wait3A_25 = arith.constant 0 : i32
    %dma_wait3A_26 = arith.constant 0 : i32
    %dma_wait3A_27 = tpu.memref_slice %arg2[%dma_wait3A_25, %dma_wait3A_26] : memref<1000000x32xf32, #tpu.memory_space<hbm>> -> memref<64x32xf32, #tpu.memory_space<hbm>>
    %dma_wait3A_28 = arith.constant 0 : i32
    %dma_wait3A_29 = arith.constant 0 : i32
    %dma_wait3A_30 = tpu.memref_slice %arg9[%dma_wait3A_28, %dma_wait3A_29] : memref<256x32xf32, #tpu.memory_space<vmem>> -> memref<64x32xf32, #tpu.memory_space<vmem>>
    %dma_wait3A_31 = arith.constant 0 : i32
    %dma_wait3A_32 = arith.constant 0 : i32
    %dma_wait3A_33 = tpu.memref_slice %arg2[%dma_wait3A_31, %dma_wait3A_32] : memref<1000000x32xf32, #tpu.memory_space<hbm>> -> memref<64x32xf32, #tpu.memory_space<hbm>>
    tpu.wait_dma2 semaphore(%arg12 : memref<!tpu.dma_semaphore, #tpu.memory_space<semaphore_mem>>) src(%dma_wait3A_33 : memref<64x32xf32, #tpu.memory_space<hbm>>) dst(%dma_wait3A_30 : memref<64x32xf32, #tpu.memory_space<vmem>>)
    %dma_wait3A_34 = arith.constant 0 : i32
    %dma_wait3A_35 = arith.constant 0 : i32
    %dma_wait3A_36 = tpu.memref_slice %arg10[%dma_wait3A_34, %dma_wait3A_35] : memref<256x32xf32, #tpu.memory_space<vmem>> -> memref<64x32xf32, #tpu.memory_space<vmem>>
    %dma_wait3A_37 = arith.constant 0 : i32
    %dma_wait3A_38 = arith.constant 0 : i32
    %dma_wait3A_39 = tpu.memref_slice %arg3[%dma_wait3A_37, %dma_wait3A_38] : memref<1000000x32xf32, #tpu.memory_space<hbm>> -> memref<64x32xf32, #tpu.memory_space<hbm>>
    %dma_wait3A_40 = arith.constant 0 : i32
    %dma_wait3A_41 = arith.constant 0 : i32
    %dma_wait3A_42 = tpu.memref_slice %arg10[%dma_wait3A_40, %dma_wait3A_41] : memref<256x32xf32, #tpu.memory_space<vmem>> -> memref<64x32xf32, #tpu.memory_space<vmem>>
    %dma_wait3A_43 = arith.constant 0 : i32
    %dma_wait3A_44 = arith.constant 0 : i32
    %dma_wait3A_45 = tpu.memref_slice %arg3[%dma_wait3A_43, %dma_wait3A_44] : memref<1000000x32xf32, #tpu.memory_space<hbm>> -> memref<64x32xf32, #tpu.memory_space<hbm>>
    tpu.wait_dma2 semaphore(%arg12 : memref<!tpu.dma_semaphore, #tpu.memory_space<semaphore_mem>>) src(%dma_wait3A_45 : memref<64x32xf32, #tpu.memory_space<hbm>>) dst(%dma_wait3A_42 : memref<64x32xf32, #tpu.memory_space<vmem>>)
    %dma_wait3A_46 = arith.constant 0 : i32
    %dma_wait3A_47 = arith.constant 0 : i32
    %dma_wait3A_48 = tpu.memref_slice %arg9[%dma_wait3A_46, %dma_wait3A_47] : memref<256x32xf32, #tpu.memory_space<vmem>> -> memref<64x32xf32, #tpu.memory_space<vmem>>
    %dma_wait3A_49 = arith.constant 0 : i32
    %dma_wait3A_50 = arith.constant 0 : i32
    %dma_wait3A_51 = tpu.memref_slice %arg2[%dma_wait3A_49, %dma_wait3A_50] : memref<1000000x32xf32, #tpu.memory_space<hbm>> -> memref<64x32xf32, #tpu.memory_space<hbm>>
    %dma_wait3A_52 = arith.constant 0 : i32
    %dma_wait3A_53 = arith.constant 0 : i32
    %dma_wait3A_54 = tpu.memref_slice %arg9[%dma_wait3A_52, %dma_wait3A_53] : memref<256x32xf32, #tpu.memory_space<vmem>> -> memref<64x32xf32, #tpu.memory_space<vmem>>
    %dma_wait3A_55 = arith.constant 0 : i32
    %dma_wait3A_56 = arith.constant 0 : i32
    %dma_wait3A_57 = tpu.memref_slice %arg2[%dma_wait3A_55, %dma_wait3A_56] : memref<1000000x32xf32, #tpu.memory_space<hbm>> -> memref<64x32xf32, #tpu.memory_space<hbm>>
    tpu.wait_dma2 semaphore(%arg13 : memref<!tpu.dma_semaphore, #tpu.memory_space<semaphore_mem>>) src(%dma_wait3A_57 : memref<64x32xf32, #tpu.memory_space<hbm>>) dst(%dma_wait3A_54 : memref<64x32xf32, #tpu.memory_space<vmem>>)
    %dma_wait3A_58 = arith.constant 0 : i32
    %dma_wait3A_59 = arith.constant 0 : i32
    %dma_wait3A_60 = tpu.memref_slice %arg10[%dma_wait3A_58, %dma_wait3A_59] : memref<256x32xf32, #tpu.memory_space<vmem>> -> memref<64x32xf32, #tpu.memory_space<vmem>>
    %dma_wait3A_61 = arith.constant 0 : i32
    %dma_wait3A_62 = arith.constant 0 : i32
    %dma_wait3A_63 = tpu.memref_slice %arg3[%dma_wait3A_61, %dma_wait3A_62] : memref<1000000x32xf32, #tpu.memory_space<hbm>> -> memref<64x32xf32, #tpu.memory_space<hbm>>
    %dma_wait3A_64 = arith.constant 0 : i32
    %dma_wait3A_65 = arith.constant 0 : i32
    %dma_wait3A_66 = tpu.memref_slice %arg10[%dma_wait3A_64, %dma_wait3A_65] : memref<256x32xf32, #tpu.memory_space<vmem>> -> memref<64x32xf32, #tpu.memory_space<vmem>>
    %dma_wait3A_67 = arith.constant 0 : i32
    %dma_wait3A_68 = arith.constant 0 : i32
    %dma_wait3A_69 = tpu.memref_slice %arg3[%dma_wait3A_67, %dma_wait3A_68] : memref<1000000x32xf32, #tpu.memory_space<hbm>> -> memref<64x32xf32, #tpu.memory_space<hbm>>
    tpu.wait_dma2 semaphore(%arg13 : memref<!tpu.dma_semaphore, #tpu.memory_space<semaphore_mem>>) src(%dma_wait3A_69 : memref<64x32xf32, #tpu.memory_space<hbm>>) dst(%dma_wait3A_66 : memref<64x32xf32, #tpu.memory_space<vmem>>)
    %dma_wait3A_70 = arith.constant 0 : i32
    %dma_wait3A_71 = arith.constant 0 : i32
    %dma_wait3A_72 = tpu.memref_slice %arg9[%dma_wait3A_70, %dma_wait3A_71] : memref<256x32xf32, #tpu.memory_space<vmem>> -> memref<64x32xf32, #tpu.memory_space<vmem>>
    %dma_wait3A_73 = arith.constant 0 : i32
    %dma_wait3A_74 = arith.constant 0 : i32
    %dma_wait3A_75 = tpu.memref_slice %arg2[%dma_wait3A_73, %dma_wait3A_74] : memref<1000000x32xf32, #tpu.memory_space<hbm>> -> memref<64x32xf32, #tpu.memory_space<hbm>>
    %dma_wait3A_76 = arith.constant 0 : i32
    %dma_wait3A_77 = arith.constant 0 : i32
    %dma_wait3A_78 = tpu.memref_slice %arg9[%dma_wait3A_76, %dma_wait3A_77] : memref<256x32xf32, #tpu.memory_space<vmem>> -> memref<64x32xf32, #tpu.memory_space<vmem>>
    %dma_wait3A_79 = arith.constant 0 : i32
    %dma_wait3A_80 = arith.constant 0 : i32
    %dma_wait3A_81 = tpu.memref_slice %arg2[%dma_wait3A_79, %dma_wait3A_80] : memref<1000000x32xf32, #tpu.memory_space<hbm>> -> memref<64x32xf32, #tpu.memory_space<hbm>>
    tpu.wait_dma2 semaphore(%arg14 : memref<!tpu.dma_semaphore, #tpu.memory_space<semaphore_mem>>) src(%dma_wait3A_81 : memref<64x32xf32, #tpu.memory_space<hbm>>) dst(%dma_wait3A_78 : memref<64x32xf32, #tpu.memory_space<vmem>>)
    %dma_wait3A_82 = arith.constant 0 : i32
    %dma_wait3A_83 = arith.constant 0 : i32
    %dma_wait3A_84 = tpu.memref_slice %arg10[%dma_wait3A_82, %dma_wait3A_83] : memref<256x32xf32, #tpu.memory_space<vmem>> -> memref<64x32xf32, #tpu.memory_space<vmem>>
    %dma_wait3A_85 = arith.constant 0 : i32
    %dma_wait3A_86 = arith.constant 0 : i32
    %dma_wait3A_87 = tpu.memref_slice %arg3[%dma_wait3A_85, %dma_wait3A_86] : memref<1000000x32xf32, #tpu.memory_space<hbm>> -> memref<64x32xf32, #tpu.memory_space<hbm>>
    %dma_wait3A_88 = arith.constant 0 : i32
    %dma_wait3A_89 = arith.constant 0 : i32
    %dma_wait3A_90 = tpu.memref_slice %arg10[%dma_wait3A_88, %dma_wait3A_89] : memref<256x32xf32, #tpu.memory_space<vmem>> -> memref<64x32xf32, #tpu.memory_space<vmem>>
    %dma_wait3A_91 = arith.constant 0 : i32
    %dma_wait3A_92 = arith.constant 0 : i32
    %dma_wait3A_93 = tpu.memref_slice %arg3[%dma_wait3A_91, %dma_wait3A_92] : memref<1000000x32xf32, #tpu.memory_space<hbm>> -> memref<64x32xf32, #tpu.memory_space<hbm>>
    tpu.wait_dma2 semaphore(%arg14 : memref<!tpu.dma_semaphore, #tpu.memory_space<semaphore_mem>>) src(%dma_wait3A_93 : memref<64x32xf32, #tpu.memory_space<hbm>>) dst(%dma_wait3A_90 : memref<64x32xf32, #tpu.memory_space<vmem>>)
    %dma_wait3A_94 = arith.constant 0 : i32
    %dma_wait3A_95 = arith.constant 0 : i32
    %dma_wait3A_96 = tpu.memref_slice %arg9[%dma_wait3A_94, %dma_wait3A_95] : memref<256x32xf32, #tpu.memory_space<vmem>> -> memref<64x32xf32, #tpu.memory_space<vmem>>
    %dma_wait3A_97 = arith.constant 0 : i32
    %dma_wait3A_98 = arith.constant 0 : i32
    %dma_wait3A_99 = tpu.memref_slice %arg2[%dma_wait3A_97, %dma_wait3A_98] : memref<1000000x32xf32, #tpu.memory_space<hbm>> -> memref<64x32xf32, #tpu.memory_space<hbm>>
    %dma_wait3A_100 = arith.constant 0 : i32
    %dma_wait3A_101 = arith.constant 0 : i32
    %dma_wait3A_102 = tpu.memref_slice %arg9[%dma_wait3A_100, %dma_wait3A_101] : memref<256x32xf32, #tpu.memory_space<vmem>> -> memref<64x32xf32, #tpu.memory_space<vmem>>
    %dma_wait3A_103 = arith.constant 0 : i32
    %dma_wait3A_104 = arith.constant 0 : i32
    %dma_wait3A_105 = tpu.memref_slice %arg2[%dma_wait3A_103, %dma_wait3A_104] : memref<1000000x32xf32, #tpu.memory_space<hbm>> -> memref<64x32xf32, #tpu.memory_space<hbm>>
    tpu.wait_dma2 semaphore(%arg15 : memref<!tpu.dma_semaphore, #tpu.memory_space<semaphore_mem>>) src(%dma_wait3A_105 : memref<64x32xf32, #tpu.memory_space<hbm>>) dst(%dma_wait3A_102 : memref<64x32xf32, #tpu.memory_space<vmem>>)
    %dma_wait3A_106 = arith.constant 0 : i32
    %dma_wait3A_107 = arith.constant 0 : i32
    %dma_wait3A_108 = tpu.memref_slice %arg10[%dma_wait3A_106, %dma_wait3A_107] : memref<256x32xf32, #tpu.memory_space<vmem>> -> memref<64x32xf32, #tpu.memory_space<vmem>>
    %dma_wait3A_109 = arith.constant 0 : i32
    %dma_wait3A_110 = arith.constant 0 : i32
    %dma_wait3A_111 = tpu.memref_slice %arg3[%dma_wait3A_109, %dma_wait3A_110] : memref<1000000x32xf32, #tpu.memory_space<hbm>> -> memref<64x32xf32, #tpu.memory_space<hbm>>
    %dma_wait3A_112 = arith.constant 0 : i32
    %dma_wait3A_113 = arith.constant 0 : i32
    %dma_wait3A_114 = tpu.memref_slice %arg10[%dma_wait3A_112, %dma_wait3A_113] : memref<256x32xf32, #tpu.memory_space<vmem>> -> memref<64x32xf32, #tpu.memory_space<vmem>>
    %dma_wait3A_115 = arith.constant 0 : i32
    %dma_wait3A_116 = arith.constant 0 : i32
    %dma_wait3A_117 = tpu.memref_slice %arg3[%dma_wait3A_115, %dma_wait3A_116] : memref<1000000x32xf32, #tpu.memory_space<hbm>> -> memref<64x32xf32, #tpu.memory_space<hbm>>
    tpu.wait_dma2 semaphore(%arg15 : memref<!tpu.dma_semaphore, #tpu.memory_space<semaphore_mem>>) src(%dma_wait3A_117 : memref<64x32xf32, #tpu.memory_space<hbm>>) dst(%dma_wait3A_114 : memref<64x32xf32, #tpu.memory_space<vmem>>)
    %scan3A_118 = arith.constant 0 : i32
    %scan3A_119 = arith.constant 0 : i32
    %scan3A_120 = arith.constant 16 : i32
    %scan3A_121 = arith.addi %scan3A_119, %scan3A_120 : i32
    %scan3A_122 = arith.constant 1 : i32
    scf.for %scan3A_232 = %scan3A_119 to %scan3A_121 step %scan3A_122  : i32 {
      %mul3A_233 = arith.constant 16 : i32
      %mul3A_234 = arith.muli %scan3A_232, %mul3A_233 : i32
      %add3A_235 = vector.broadcast %mul3A_234 : i32 to vector<16xi32>
      %add3A_236 = arith.addi %add3A_235, %iota3A : vector<16xi32>
      %broadcast_in_dim3A = arith.constant 0.000000e+00 : f32
      %broadcast_in_dim3A_237 = vector.broadcast %broadcast_in_dim3A : f32 to vector<16xf32>
      %broadcast_in_dim3A_238 = arith.constant 0 : i32
      %broadcast_in_dim3A_239 = vector.broadcast %broadcast_in_dim3A_238 : i32 to vector<16xi32>
      %gather3A = tpu.vector_load_idx %arg9[%add3A_236, %broadcast_in_dim3A_239] : memref<256x32xf32, #tpu.memory_space<vmem>>[vector<16xi32>, vector<16xi32>], vector<16xf32>,
      %gather3A_240 = tpu.vector_load_idx %arg10[%add3A_236, %broadcast_in_dim3A_239] : memref<256x32xf32, #tpu.memory_space<vmem>>[vector<16xi32>, vector<16xi32>], vector<16xf32>,
      %mul3A_241 = arith.mulf %gather3A, %gather3A_240 : vector<16xf32>
      %add3A_242 = arith.addf %broadcast_in_dim3A_237, %mul3A_241 : vector<16xf32>
      %broadcast_in_dim3A_243 = arith.constant 1 : i32
      %broadcast_in_dim3A_244 = vector.broadcast %broadcast_in_dim3A_243 : i32 to vector<16xi32>
      %gather3A_245 = tpu.vector_load_idx %arg9[%add3A_236, %broadcast_in_dim3A_244] : memref<256x32xf32, #tpu.memory_space<vmem>>[vector<16xi32>, vector<16xi32>], vector<16xf32>,
      %gather3A_246 = tpu.vector_load_idx %arg10[%add3A_236, %broadcast_in_dim3A_244] : memref<256x32xf32, #tpu.memory_space<vmem>>[vector<16xi32>, vector<16xi32>], vector<16xf32>,
      %mul3A_247 = arith.mulf %gather3A_245, %gather3A_246 : vector<16xf32>
      %add3A_248 = arith.addf %add3A_242, %mul3A_247 : vector<16xf32>
      %broadcast_in_dim3A_249 = arith.constant 2 : i32
      %broadcast_in_dim3A_250 = vector.broadcast %broadcast_in_dim3A_249 : i32 to vector<16xi32>
      %gather3A_251 = tpu.vector_load_idx %arg9[%add3A_236, %broadcast_in_dim3A_250] : memref<256x32xf32, #tpu.memory_space<vmem>>[vector<16xi32>, vector<16xi32>], vector<16xf32>,
      %gather3A_252 = tpu.vector_load_idx %arg10[%add3A_236, %broadcast_in_dim3A_250] : memref<256x32xf32, #tpu.memory_space<vmem>>[vector<16xi32>, vector<16xi32>], vector<16xf32>,
      %mul3A_253 = arith.mulf %gather3A_251, %gather3A_252 : vector<16xf32>
      %add3A_254 = arith.addf %add3A_248, %mul3A_253 : vector<16xf32>
      %broadcast_in_dim3A_255 = arith.constant 3 : i32
      %broadcast_in_dim3A_256 = vector.broadcast %broadcast_in_dim3A_255 : i32 to vector<16xi32>
      %gather3A_257 = tpu.vector_load_idx %arg9[%add3A_236, %broadcast_in_dim3A_256] : memref<256x32xf32, #tpu.memory_space<vmem>>[vector<16xi32>, vector<16xi32>], vector<16xf32>,
      %gather3A_258 = tpu.vector_load_idx %arg10[%add3A_236, %broadcast_in_dim3A_256] : memref<256x32xf32, #tpu.memory_space<vmem>>[vector<16xi32>, vector<16xi32>], vector<16xf32>,
      %mul3A_259 = arith.mulf %gather3A_257, %gather3A_258 : vector<16xf32>
      %add3A_260 = arith.addf %add3A_254, %mul3A_259 : vector<16xf32>
      %broadcast_in_dim3A_261 = arith.constant 4 : i32
      %broadcast_in_dim3A_262 = vector.broadcast %broadcast_in_dim3A_261 : i32 to vector<16xi32>
      %gather3A_263 = tpu.vector_load_idx %arg9[%add3A_236, %broadcast_in_dim3A_262] : memref<256x32xf32, #tpu.memory_space<vmem>>[vector<16xi32>, vector<16xi32>], vector<16xf32>,
      %gather3A_264 = tpu.vector_load_idx %arg10[%add3A_236, %broadcast_in_dim3A_262] : memref<256x32xf32, #tpu.memory_space<vmem>>[vector<16xi32>, vector<16xi32>], vector<16xf32>,
      %mul3A_265 = arith.mulf %gather3A_263, %gather3A_264 : vector<16xf32>
      %add3A_266 = arith.addf %add3A_260, %mul3A_265 : vector<16xf32>
      %broadcast_in_dim3A_267 = arith.constant 5 : i32
      %broadcast_in_dim3A_268 = vector.broadcast %broadcast_in_dim3A_267 : i32 to vector<16xi32>
      %gather3A_269 = tpu.vector_load_idx %arg9[%add3A_236, %broadcast_in_dim3A_268] : memref<256x32xf32, #tpu.memory_space<vmem>>[vector<16xi32>, vector<16xi32>], vector<16xf32>,
      %gather3A_270 = tpu.vector_load_idx %arg10[%add3A_236, %broadcast_in_dim3A_268] : memref<256x32xf32, #tpu.memory_space<vmem>>[vector<16xi32>, vector<16xi32>], vector<16xf32>,
      %mul3A_271 = arith.mulf %gather3A_269, %gather3A_270 : vector<16xf32>
      %add3A_272 = arith.addf %add3A_266, %mul3A_271 : vector<16xf32>
      %broadcast_in_dim3A_273 = arith.constant 6 : i32
      %broadcast_in_dim3A_274 = vector.broadcast %broadcast_in_dim3A_273 : i32 to vector<16xi32>
      %gather3A_275 = tpu.vector_load_idx %arg9[%add3A_236, %broadcast_in_dim3A_274] : memref<256x32xf32, #tpu.memory_space<vmem>>[vector<16xi32>, vector<16xi32>], vector<16xf32>,
      %gather3A_276 = tpu.vector_load_idx %arg10[%add3A_236, %broadcast_in_dim3A_274] : memref<256x32xf32, #tpu.memory_space<vmem>>[vector<16xi32>, vector<16xi32>], vector<16xf32>,
      %mul3A_277 = arith.mulf %gather3A_275, %gather3A_276 : vector<16xf32>
      %add3A_278 = arith.addf %add3A_272, %mul3A_277 : vector<16xf32>
      %broadcast_in_dim3A_279 = arith.constant 7 : i32
      %broadcast_in_dim3A_280 = vector.broadcast %broadcast_in_dim3A_279 : i32 to vector<16xi32>
      %gather3A_281 = tpu.vector_load_idx %arg9[%add3A_236, %broadcast_in_dim3A_280] : memref<256x32xf32, #tpu.memory_space<vmem>>[vector<16xi32>, vector<16xi32>], vector<16xf32>,
      %gather3A_282 = tpu.vector_load_idx %arg10[%add3A_236, %broadcast_in_dim3A_280] : memref<256x32xf32, #tpu.memory_space<vmem>>[vector<16xi32>, vector<16xi32>], vector<16xf32>,
      %mul3A_283 = arith.mulf %gather3A_281, %gather3A_282 : vector<16xf32>
      %add3A_284 = arith.addf %add3A_278, %mul3A_283 : vector<16xf32>
      %broadcast_in_dim3A_285 = arith.constant 8 : i32
      %broadcast_in_dim3A_286 = vector.broadcast %broadcast_in_dim3A_285 : i32 to vector<16xi32>
      %gather3A_287 = tpu.vector_load_idx %arg9[%add3A_236, %broadcast_in_dim3A_286] : memref<256x32xf32, #tpu.memory_space<vmem>>[vector<16xi32>, vector<16xi32>], vector<16xf32>,
      %gather3A_288 = tpu.vector_load_idx %arg10[%add3A_236, %broadcast_in_dim3A_286] : memref<256x32xf32, #tpu.memory_space<vmem>>[vector<16xi32>, vector<16xi32>], vector<16xf32>,
      %mul3A_289 = arith.mulf %gather3A_287, %gather3A_288 : vector<16xf32>
      %add3A_290 = arith.addf %add3A_284, %mul3A_289 : vector<16xf32>
      %broadcast_in_dim3A_291 = arith.constant 9 : i32
      %broadcast_in_dim3A_292 = vector.broadcast %broadcast_in_dim3A_291 : i32 to vector<16xi32>
      %gather3A_293 = tpu.vector_load_idx %arg9[%add3A_236, %broadcast_in_dim3A_292] : memref<256x32xf32, #tpu.memory_space<vmem>>[vector<16xi32>, vector<16xi32>], vector<16xf32>,
      %gather3A_294 = tpu.vector_load_idx %arg10[%add3A_236, %broadcast_in_dim3A_292] : memref<256x32xf32, #tpu.memory_space<vmem>>[vector<16xi32>, vector<16xi32>], vector<16xf32>,
      %mul3A_295 = arith.mulf %gather3A_293, %gather3A_294 : vector<16xf32>
      %add3A_296 = arith.addf %add3A_290, %mul3A_295 : vector<16xf32>
      %broadcast_in_dim3A_297 = arith.constant 10 : i32
      %broadcast_in_dim3A_298 = vector.broadcast %broadcast_in_dim3A_297 : i32 to vector<16xi32>
      %gather3A_299 = tpu.vector_load_idx %arg9[%add3A_236, %broadcast_in_dim3A_298] : memref<256x32xf32, #tpu.memory_space<vmem>>[vector<16xi32>, vector<16xi32>], vector<16xf32>,
      %gather3A_300 = tpu.vector_load_idx %arg10[%add3A_236, %broadcast_in_dim3A_298] : memref<256x32xf32, #tpu.memory_space<vmem>>[vector<16xi32>, vector<16xi32>], vector<16xf32>,
      %mul3A_301 = arith.mulf %gather3A_299, %gather3A_300 : vector<16xf32>
      %add3A_302 = arith.addf %add3A_296, %mul3A_301 : vector<16xf32>
      %broadcast_in_dim3A_303 = arith.constant 11 : i32
      %broadcast_in_dim3A_304 = vector.broadcast %broadcast_in_dim3A_303 : i32 to vector<16xi32>
      %gather3A_305 = tpu.vector_load_idx %arg9[%add3A_236, %broadcast_in_dim3A_304] : memref<256x32xf32, #tpu.memory_space<vmem>>[vector<16xi32>, vector<16xi32>], vector<16xf32>,
      %gather3A_306 = tpu.vector_load_idx %arg10[%add3A_236, %broadcast_in_dim3A_304] : memref<256x32xf32, #tpu.memory_space<vmem>>[vector<16xi32>, vector<16xi32>], vector<16xf32>,
      %mul3A_307 = arith.mulf %gather3A_305, %gather3A_306 : vector<16xf32>
      %add3A_308 = arith.addf %add3A_302, %mul3A_307 : vector<16xf32>
      %broadcast_in_dim3A_309 = arith.constant 12 : i32
      %broadcast_in_dim3A_310 = vector.broadcast %broadcast_in_dim3A_309 : i32 to vector<16xi32>
      %gather3A_311 = tpu.vector_load_idx %arg9[%add3A_236, %broadcast_in_dim3A_310] : memref<256x32xf32, #tpu.memory_space<vmem>>[vector<16xi32>, vector<16xi32>], vector<16xf32>,
      %gather3A_312 = tpu.vector_load_idx %arg10[%add3A_236, %broadcast_in_dim3A_310] : memref<256x32xf32, #tpu.memory_space<vmem>>[vector<16xi32>, vector<16xi32>], vector<16xf32>,
      %mul3A_313 = arith.mulf %gather3A_311, %gather3A_312 : vector<16xf32>
      %add3A_314 = arith.addf %add3A_308, %mul3A_313 : vector<16xf32>
      %broadcast_in_dim3A_315 = arith.constant 13 : i32
      %broadcast_in_dim3A_316 = vector.broadcast %broadcast_in_dim3A_315 : i32 to vector<16xi32>
      %gather3A_317 = tpu.vector_load_idx %arg9[%add3A_236, %broadcast_in_dim3A_316] : memref<256x32xf32, #tpu.memory_space<vmem>>[vector<16xi32>, vector<16xi32>], vector<16xf32>,
      %gather3A_318 = tpu.vector_load_idx %arg10[%add3A_236, %broadcast_in_dim3A_316] : memref<256x32xf32, #tpu.memory_space<vmem>>[vector<16xi32>, vector<16xi32>], vector<16xf32>,
      %mul3A_319 = arith.mulf %gather3A_317, %gather3A_318 : vector<16xf32>
      %add3A_320 = arith.addf %add3A_314, %mul3A_319 : vector<16xf32>
      %broadcast_in_dim3A_321 = arith.constant 14 : i32
      %broadcast_in_dim3A_322 = vector.broadcast %broadcast_in_dim3A_321 : i32 to vector<16xi32>
      %gather3A_323 = tpu.vector_load_idx %arg9[%add3A_236, %broadcast_in_dim3A_322] : memref<256x32xf32, #tpu.memory_space<vmem>>[vector<16xi32>, vector<16xi32>], vector<16xf32>,
      %gather3A_324 = tpu.vector_load_idx %arg10[%add3A_236, %broadcast_in_dim3A_322] : memref<256x32xf32, #tpu.memory_space<vmem>>[vector<16xi32>, vector<16xi32>], vector<16xf32>,
      %mul3A_325 = arith.mulf %gather3A_323, %gather3A_324 : vector<16xf32>
      %add3A_326 = arith.addf %add3A_320, %mul3A_325 : vector<16xf32>
      %broadcast_in_dim3A_327 = arith.constant 15 : i32
      %broadcast_in_dim3A_328 = vector.broadcast %broadcast_in_dim3A_327 : i32 to vector<16xi32>
      %gather3A_329 = tpu.vector_load_idx %arg9[%add3A_236, %broadcast_in_dim3A_328] : memref<256x32xf32, #tpu.memory_space<vmem>>[vector<16xi32>, vector<16xi32>], vector<16xf32>,
      %gather3A_330 = tpu.vector_load_idx %arg10[%add3A_236, %broadcast_in_dim3A_328] : memref<256x32xf32, #tpu.memory_space<vmem>>[vector<16xi32>, vector<16xi32>], vector<16xf32>,
      %mul3A_331 = arith.mulf %gather3A_329, %gather3A_330 : vector<16xf32>
      %add3A_332 = arith.addf %add3A_326, %mul3A_331 : vector<16xf32>
      %broadcast_in_dim3A_333 = arith.constant 16 : i32
      %broadcast_in_dim3A_334 = vector.broadcast %broadcast_in_dim3A_333 : i32 to vector<16xi32>
      %gather3A_335 = tpu.vector_load_idx %arg9[%add3A_236, %broadcast_in_dim3A_334] : memref<256x32xf32, #tpu.memory_space<vmem>>[vector<16xi32>, vector<16xi32>], vector<16xf32>,
      %gather3A_336 = tpu.vector_load_idx %arg10[%add3A_236, %broadcast_in_dim3A_334] : memref<256x32xf32, #tpu.memory_space<vmem>>[vector<16xi32>, vector<16xi32>], vector<16xf32>,
      %mul3A_337 = arith.mulf %gather3A_335, %gather3A_336 : vector<16xf32>
      %add3A_338 = arith.addf %add3A_332, %mul3A_337 : vector<16xf32>
      %broadcast_in_dim3A_339 = arith.constant 17 : i32
      %broadcast_in_dim3A_340 = vector.broadcast %broadcast_in_dim3A_339 : i32 to vector<16xi32>
      %gather3A_341 = tpu.vector_load_idx %arg9[%add3A_236, %broadcast_in_dim3A_340] : memref<256x32xf32, #tpu.memory_space<vmem>>[vector<16xi32>, vector<16xi32>], vector<16xf32>,
      %gather3A_342 = tpu.vector_load_idx %arg10[%add3A_236, %broadcast_in_dim3A_340] : memref<256x32xf32, #tpu.memory_space<vmem>>[vector<16xi32>, vector<16xi32>], vector<16xf32>,
      %mul3A_343 = arith.mulf %gather3A_341, %gather3A_342 : vector<16xf32>
      %add3A_344 = arith.addf %add3A_338, %mul3A_343 : vector<16xf32>
      %broadcast_in_dim3A_345 = arith.constant 18 : i32
      %broadcast_in_dim3A_346 = vector.broadcast %broadcast_in_dim3A_345 : i32 to vector<16xi32>
      %gather3A_347 = tpu.vector_load_idx %arg9[%add3A_236, %broadcast_in_dim3A_346] : memref<256x32xf32, #tpu.memory_space<vmem>>[vector<16xi32>, vector<16xi32>], vector<16xf32>,
      %gather3A_348 = tpu.vector_load_idx %arg10[%add3A_236, %broadcast_in_dim3A_346] : memref<256x32xf32, #tpu.memory_space<vmem>>[vector<16xi32>, vector<16xi32>], vector<16xf32>,
      %mul3A_349 = arith.mulf %gather3A_347, %gather3A_348 : vector<16xf32>
      %add3A_350 = arith.addf %add3A_344, %mul3A_349 : vector<16xf32>
      %broadcast_in_dim3A_351 = arith.constant 19 : i32
      %broadcast_in_dim3A_352 = vector.broadcast %broadcast_in_dim3A_351 : i32 to vector<16xi32>
      %gather3A_353 = tpu.vector_load_idx %arg9[%add3A_236, %broadcast_in_dim3A_352] : memref<256x32xf32, #tpu.memory_space<vmem>>[vector<16xi32>, vector<16xi32>], vector<16xf32>,
      %gather3A_354 = tpu.vector_load_idx %arg10[%add3A_236, %broadcast_in_dim3A_352] : memref<256x32xf32, #tpu.memory_space<vmem>>[vector<16xi32>, vector<16xi32>], vector<16xf32>,
      %mul3A_355 = arith.mulf %gather3A_353, %gather3A_354 : vector<16xf32>
      %add3A_356 = arith.addf %add3A_350, %mul3A_355 : vector<16xf32>
      %broadcast_in_dim3A_357 = arith.constant 20 : i32
      %broadcast_in_dim3A_358 = vector.broadcast %broadcast_in_dim3A_357 : i32 to vector<16xi32>
      %gather3A_359 = tpu.vector_load_idx %arg9[%add3A_236, %broadcast_in_dim3A_358] : memref<256x32xf32, #tpu.memory_space<vmem>>[vector<16xi32>, vector<16xi32>], vector<16xf32>,
      %gather3A_360 = tpu.vector_load_idx %arg10[%add3A_236, %broadcast_in_dim3A_358] : memref<256x32xf32, #tpu.memory_space<vmem>>[vector<16xi32>, vector<16xi32>], vector<16xf32>,
      %mul3A_361 = arith.mulf %gather3A_359, %gather3A_360 : vector<16xf32>
      %add3A_362 = arith.addf %add3A_356, %mul3A_361 : vector<16xf32>
      %broadcast_in_dim3A_363 = arith.constant 21 : i32
      %broadcast_in_dim3A_364 = vector.broadcast %broadcast_in_dim3A_363 : i32 to vector<16xi32>
      %gather3A_365 = tpu.vector_load_idx %arg9[%add3A_236, %broadcast_in_dim3A_364] : memref<256x32xf32, #tpu.memory_space<vmem>>[vector<16xi32>, vector<16xi32>], vector<16xf32>,
      %gather3A_366 = tpu.vector_load_idx %arg10[%add3A_236, %broadcast_in_dim3A_364] : memref<256x32xf32, #tpu.memory_space<vmem>>[vector<16xi32>, vector<16xi32>], vector<16xf32>,
      %mul3A_367 = arith.mulf %gather3A_365, %gather3A_366 : vector<16xf32>
      %add3A_368 = arith.addf %add3A_362, %mul3A_367 : vector<16xf32>
      %broadcast_in_dim3A_369 = arith.constant 22 : i32
      %broadcast_in_dim3A_370 = vector.broadcast %broadcast_in_dim3A_369 : i32 to vector<16xi32>
      %gather3A_371 = tpu.vector_load_idx %arg9[%add3A_236, %broadcast_in_dim3A_370] : memref<256x32xf32, #tpu.memory_space<vmem>>[vector<16xi32>, vector<16xi32>], vector<16xf32>,
      %gather3A_372 = tpu.vector_load_idx %arg10[%add3A_236, %broadcast_in_dim3A_370] : memref<256x32xf32, #tpu.memory_space<vmem>>[vector<16xi32>, vector<16xi32>], vector<16xf32>,
      %mul3A_373 = arith.mulf %gather3A_371, %gather3A_372 : vector<16xf32>
      %add3A_374 = arith.addf %add3A_368, %mul3A_373 : vector<16xf32>
      %broadcast_in_dim3A_375 = arith.constant 23 : i32
      %broadcast_in_dim3A_376 = vector.broadcast %broadcast_in_dim3A_375 : i32 to vector<16xi32>
      %gather3A_377 = tpu.vector_load_idx %arg9[%add3A_236, %broadcast_in_dim3A_376] : memref<256x32xf32, #tpu.memory_space<vmem>>[vector<16xi32>, vector<16xi32>], vector<16xf32>,
      %gather3A_378 = tpu.vector_load_idx %arg10[%add3A_236, %broadcast_in_dim3A_376] : memref<256x32xf32, #tpu.memory_space<vmem>>[vector<16xi32>, vector<16xi32>], vector<16xf32>,
      %mul3A_379 = arith.mulf %gather3A_377, %gather3A_378 : vector<16xf32>
      %add3A_380 = arith.addf %add3A_374, %mul3A_379 : vector<16xf32>
      %broadcast_in_dim3A_381 = arith.constant 24 : i32
      %broadcast_in_dim3A_382 = vector.broadcast %broadcast_in_dim3A_381 : i32 to vector<16xi32>
      %gather3A_383 = tpu.vector_load_idx %arg9[%add3A_236, %broadcast_in_dim3A_382] : memref<256x32xf32, #tpu.memory_space<vmem>>[vector<16xi32>, vector<16xi32>], vector<16xf32>,
      %gather3A_384 = tpu.vector_load_idx %arg10[%add3A_236, %broadcast_in_dim3A_382] : memref<256x32xf32, #tpu.memory_space<vmem>>[vector<16xi32>, vector<16xi32>], vector<16xf32>,
      %mul3A_385 = arith.mulf %gather3A_383, %gather3A_384 : vector<16xf32>
      %add3A_386 = arith.addf %add3A_380, %mul3A_385 : vector<16xf32>
      %broadcast_in_dim3A_387 = arith.constant 25 : i32
      %broadcast_in_dim3A_388 = vector.broadcast %broadcast_in_dim3A_387 : i32 to vector<16xi32>
      %gather3A_389 = tpu.vector_load_idx %arg9[%add3A_236, %broadcast_in_dim3A_388] : memref<256x32xf32, #tpu.memory_space<vmem>>[vector<16xi32>, vector<16xi32>], vector<16xf32>,
      %gather3A_390 = tpu.vector_load_idx %arg10[%add3A_236, %broadcast_in_dim3A_388] : memref<256x32xf32, #tpu.memory_space<vmem>>[vector<16xi32>, vector<16xi32>], vector<16xf32>,
      %mul3A_391 = arith.mulf %gather3A_389, %gather3A_390 : vector<16xf32>
      %add3A_392 = arith.addf %add3A_386, %mul3A_391 : vector<16xf32>
      %broadcast_in_dim3A_393 = arith.constant 26 : i32
      %broadcast_in_dim3A_394 = vector.broadcast %broadcast_in_dim3A_393 : i32 to vector<16xi32>
      %gather3A_395 = tpu.vector_load_idx %arg9[%add3A_236, %broadcast_in_dim3A_394] : memref<256x32xf32, #tpu.memory_space<vmem>>[vector<16xi32>, vector<16xi32>], vector<16xf32>,
      %gather3A_396 = tpu.vector_load_idx %arg10[%add3A_236, %broadcast_in_dim3A_394] : memref<256x32xf32, #tpu.memory_space<vmem>>[vector<16xi32>, vector<16xi32>], vector<16xf32>,
      %mul3A_397 = arith.mulf %gather3A_395, %gather3A_396 : vector<16xf32>
      %add3A_398 = arith.addf %add3A_392, %mul3A_397 : vector<16xf32>
      %broadcast_in_dim3A_399 = arith.constant 27 : i32
      %broadcast_in_dim3A_400 = vector.broadcast %broadcast_in_dim3A_399 : i32 to vector<16xi32>
      %gather3A_401 = tpu.vector_load_idx %arg9[%add3A_236, %broadcast_in_dim3A_400] : memref<256x32xf32, #tpu.memory_space<vmem>>[vector<16xi32>, vector<16xi32>], vector<16xf32>,
      %gather3A_402 = tpu.vector_load_idx %arg10[%add3A_236, %broadcast_in_dim3A_400] : memref<256x32xf32, #tpu.memory_space<vmem>>[vector<16xi32>, vector<16xi32>], vector<16xf32>,
      %mul3A_403 = arith.mulf %gather3A_401, %gather3A_402 : vector<16xf32>
      %add3A_404 = arith.addf %add3A_398, %mul3A_403 : vector<16xf32>
      %broadcast_in_dim3A_405 = arith.constant 28 : i32
      %broadcast_in_dim3A_406 = vector.broadcast %broadcast_in_dim3A_405 : i32 to vector<16xi32>
      %gather3A_407 = tpu.vector_load_idx %arg9[%add3A_236, %broadcast_in_dim3A_406] : memref<256x32xf32, #tpu.memory_space<vmem>>[vector<16xi32>, vector<16xi32>], vector<16xf32>,
      %gather3A_408 = tpu.vector_load_idx %arg10[%add3A_236, %broadcast_in_dim3A_406] : memref<256x32xf32, #tpu.memory_space<vmem>>[vector<16xi32>, vector<16xi32>], vector<16xf32>,
      %mul3A_409 = arith.mulf %gather3A_407, %gather3A_408 : vector<16xf32>
      %add3A_410 = arith.addf %add3A_404, %mul3A_409 : vector<16xf32>
      %broadcast_in_dim3A_411 = arith.constant 29 : i32
      %broadcast_in_dim3A_412 = vector.broadcast %broadcast_in_dim3A_411 : i32 to vector<16xi32>
      %gather3A_413 = tpu.vector_load_idx %arg9[%add3A_236, %broadcast_in_dim3A_412] : memref<256x32xf32, #tpu.memory_space<vmem>>[vector<16xi32>, vector<16xi32>], vector<16xf32>,
      %gather3A_414 = tpu.vector_load_idx %arg10[%add3A_236, %broadcast_in_dim3A_412] : memref<256x32xf32, #tpu.memory_space<vmem>>[vector<16xi32>, vector<16xi32>], vector<16xf32>,
      %mul3A_415 = arith.mulf %gather3A_413, %gather3A_414 : vector<16xf32>
      %add3A_416 = arith.addf %add3A_410, %mul3A_415 : vector<16xf32>
      %broadcast_in_dim3A_417 = arith.constant 30 : i32
      %broadcast_in_dim3A_418 = vector.broadcast %broadcast_in_dim3A_417 : i32 to vector<16xi32>
      %gather3A_419 = tpu.vector_load_idx %arg9[%add3A_236, %broadcast_in_dim3A_418] : memref<256x32xf32, #tpu.memory_space<vmem>>[vector<16xi32>, vector<16xi32>], vector<16xf32>,
      %gather3A_420 = tpu.vector_load_idx %arg10[%add3A_236, %broadcast_in_dim3A_418] : memref<256x32xf32, #tpu.memory_space<vmem>>[vector<16xi32>, vector<16xi32>], vector<16xf32>,
      %mul3A_421 = arith.mulf %gather3A_419, %gather3A_420 : vector<16xf32>
      %add3A_422 = arith.addf %add3A_416, %mul3A_421 : vector<16xf32>
      %broadcast_in_dim3A_423 = arith.constant 31 : i32
      %broadcast_in_dim3A_424 = vector.broadcast %broadcast_in_dim3A_423 : i32 to vector<16xi32>
      %gather3A_425 = tpu.vector_load_idx %arg9[%add3A_236, %broadcast_in_dim3A_424] : memref<256x32xf32, #tpu.memory_space<vmem>>[vector<16xi32>, vector<16xi32>], vector<16xf32>,
      %gather3A_426 = tpu.vector_load_idx %arg10[%add3A_236, %broadcast_in_dim3A_424] : memref<256x32xf32, #tpu.memory_space<vmem>>[vector<16xi32>, vector<16xi32>], vector<16xf32>,
      %mul3A_427 = arith.mulf %gather3A_425, %gather3A_426 : vector<16xf32>
      %add3A_428 = arith.addf %add3A_422, %mul3A_427 : vector<16xf32>
      %add3A_429 = arith.constant 0 : i32
      %add3A_430 = arith.addi %scan3A_232, %add3A_429 : i32
      %mul3A_431 = arith.constant 16 : i32
      %mul3A_432 = arith.muli %add3A_430, %mul3A_431 : i32
      %swap3A = arith.index_cast %mul3A_432 : i32 to index
      %swap3A_433 = tpu.vector_load %arg11[%swap3A] {strides = array<i32>} : memref<512xf32, #tpu.memory_space<vmem>>, vector<16xf32>,
      tpu.vector_store %arg11[%swap3A], %add3A_428 {strides = array<i32>} : memref<512xf32, #tpu.memory_space<vmem>>, vector<16xf32>,
    }
    %scan3A_123 = arith.constant 16 : i32
    %scan3A_124 = arith.constant 0 : i32
    %scan3A_125 = arith.constant 0 : i32
    %scan3A_126 = arith.constant 16 : i32
    %scan3A_127 = arith.addi %scan3A_125, %scan3A_126 : i32
    %scan3A_128 = arith.constant 1 : i32
    scf.for %scan3A_232 = %scan3A_125 to %scan3A_127 step %scan3A_128  : i32 {
      %add3A_233 = arith.constant 16 : i32
      %add3A_234 = arith.addi %scan3A_232, %add3A_233 : i32
      %and3A = arith.constant 7 : i32
      %and3A_235 = arith.andi %add3A_234, %and3A : i32
      %mul3A_236 = arith.constant 16 : i32
      %mul3A_237 = arith.muli %and3A_235, %mul3A_236 : i32
      %shift_right_arithmetic3A = arith.constant 3 : i32
      %shift_right_arithmetic3A_238 = arith.shrsi %add3A_234, %shift_right_arithmetic3A : i32
      %get3A = arith.constant 0 : i32
      %get3A_239 = tpu.memref_slice %arg7[%shift_right_arithmetic3A_238, %get3A] : memref<4x128xi32, #tpu.memory_space<vmem>> -> memref<1x128xi32, #tpu.memory_space<vmem>>
      %get3A_240 = tpu.memref_squeeze %get3A_239 : memref<1x128xi32, #tpu.memory_space<vmem>> -> memref<128xi32, #tpu.memory_space<vmem>>
      %get3A_241 = arith.index_cast %mul3A_237 : i32 to index
      %get3A_242 = tpu.vector_load %get3A_240[%get3A_241] {strides = array<i32>} : memref<128xi32, #tpu.memory_space<vmem>>, vector<16xi32>,
      %shift_right_arithmetic3A_243 = arith.constant 3 : i32
      %shift_right_arithmetic3A_244 = arith.shrsi %add3A_234, %shift_right_arithmetic3A_243 : i32
      %get3A_245 = arith.constant 0 : i32
      %get3A_246 = tpu.memref_slice %arg8[%shift_right_arithmetic3A_244, %get3A_245] : memref<4x128xi32, #tpu.memory_space<vmem>> -> memref<1x128xi32, #tpu.memory_space<vmem>>
      %get3A_247 = tpu.memref_squeeze %get3A_246 : memref<1x128xi32, #tpu.memory_space<vmem>> -> memref<128xi32, #tpu.memory_space<vmem>>
      %get3A_248 = arith.index_cast %mul3A_237 : i32 to index
      %get3A_249 = tpu.vector_load %get3A_247[%get3A_248] {strides = array<i32>} : memref<128xi32, #tpu.memory_space<vmem>>, vector<16xi32>,
      %mul3A_250 = arith.constant 16 : i32
      %mul3A_251 = arith.muli %scan3A_232, %mul3A_250 : i32
      %add3A_252 = arith.constant 0 : i32
      %add3A_253 = arith.addi %mul3A_251, %add3A_252 : i32
      %slice3A = vector.extract_strided_slice %get3A_242 {offsets = [0], sizes = [1], strides = [1]} : vector<16xi32> to vector<1xi32>
      %squeeze3A = vector.extract %slice3A[0] : i32 from vector<1xi32>
      %dma_start3A = arith.constant 0 : i32
      %dma_start3A_254 = tpu.memref_slice %arg9[%add3A_253, %dma_start3A] : memref<256x32xf32, #tpu.memory_space<vmem>> -> memref<1x32xf32, #tpu.memory_space<vmem>>
      %dma_start3A_255 = arith.constant 0 : i32
      %dma_start3A_256 = tpu.memref_slice %arg2[%squeeze3A, %dma_start3A_255] : memref<1000000x32xf32, #tpu.memory_space<hbm>> -> memref<1x32xf32, #tpu.memory_space<hbm>>
      %dma_start3A_257 = arith.constant 0 : i32
      %dma_start3A_258 = tpu.memref_slice %arg9[%add3A_253, %dma_start3A_257] : memref<256x32xf32, #tpu.memory_space<vmem>> -> memref<1x32xf32, #tpu.memory_space<vmem>>
      %dma_start3A_259 = arith.constant 0 : i32
      %dma_start3A_260 = tpu.memref_slice %arg2[%squeeze3A, %dma_start3A_259] : memref<1000000x32xf32, #tpu.memory_space<hbm>> -> memref<1x32xf32, #tpu.memory_space<hbm>>
      tpu.enqueue_dma source(%dma_start3A_260 : memref<1x32xf32, #tpu.memory_space<hbm>>) target(%dma_start3A_258 : memref<1x32xf32, #tpu.memory_space<vmem>>) target_semaphore(%arg12 : memref<!tpu.dma_semaphore, #tpu.memory_space<semaphore_mem>>)
      %slice3A_261 = vector.extract_strided_slice %get3A_249 {offsets = [0], sizes = [1], strides = [1]} : vector<16xi32> to vector<1xi32>
      %squeeze3A_262 = vector.extract %slice3A_261[0] : i32 from vector<1xi32>
      %dma_start3A_263 = arith.constant 0 : i32
      %dma_start3A_264 = tpu.memref_slice %arg10[%add3A_253, %dma_start3A_263] : memref<256x32xf32, #tpu.memory_space<vmem>> -> memref<1x32xf32, #tpu.memory_space<vmem>>
      %dma_start3A_265 = arith.constant 0 : i32
      %dma_start3A_266 = tpu.memref_slice %arg3[%squeeze3A_262, %dma_start3A_265] : memref<1000000x32xf32, #tpu.memory_space<hbm>> -> memref<1x32xf32, #tpu.memory_space<hbm>>
      %dma_start3A_267 = arith.constant 0 : i32
      %dma_start3A_268 = tpu.memref_slice %arg10[%add3A_253, %dma_start3A_267] : memref<256x32xf32, #tpu.memory_space<vmem>> -> memref<1x32xf32, #tpu.memory_space<vmem>>
      %dma_start3A_269 = arith.constant 0 : i32
      %dma_start3A_270 = tpu.memref_slice %arg3[%squeeze3A_262, %dma_start3A_269] : memref<1000000x32xf32, #tpu.memory_space<hbm>> -> memref<1x32xf32, #tpu.memory_space<hbm>>
      tpu.enqueue_dma source(%dma_start3A_270 : memref<1x32xf32, #tpu.memory_space<hbm>>) target(%dma_start3A_268 : memref<1x32xf32, #tpu.memory_space<vmem>>) target_semaphore(%arg12 : memref<!tpu.dma_semaphore, #tpu.memory_space<semaphore_mem>>)
      %mul3A_271 = arith.constant 16 : i32
      %mul3A_272 = arith.muli %scan3A_232, %mul3A_271 : i32
      %add3A_273 = arith.constant 1 : i32
      %add3A_274 = arith.addi %mul3A_272, %add3A_273 : i32
      %slice3A_275 = vector.extract_strided_slice %get3A_242 {offsets = [1], sizes = [1], strides = [1]} : vector<16xi32> to vector<1xi32>
      %squeeze3A_276 = vector.extract %slice3A_275[0] : i32 from vector<1xi32>
      %dma_start3A_277 = arith.constant 0 : i32
      %dma_start3A_278 = tpu.memref_slice %arg9[%add3A_274, %dma_start3A_277] : memref<256x32xf32, #tpu.memory_space<vmem>> -> memref<1x32xf32, #tpu.memory_space<vmem>>
      %dma_start3A_279 = arith.constant 0 : i32
      %dma_start3A_280 = tpu.memref_slice %arg2[%squeeze3A_276, %dma_start3A_279] : memref<1000000x32xf32, #tpu.memory_space<hbm>> -> memref<1x32xf32, #tpu.memory_space<hbm>>
      %dma_start3A_281 = arith.constant 0 : i32
      %dma_start3A_282 = tpu.memref_slice %arg9[%add3A_274, %dma_start3A_281] : memref<256x32xf32, #tpu.memory_space<vmem>> -> memref<1x32xf32, #tpu.memory_space<vmem>>
      %dma_start3A_283 = arith.constant 0 : i32
      %dma_start3A_284 = tpu.memref_slice %arg2[%squeeze3A_276, %dma_start3A_283] : memref<1000000x32xf32, #tpu.memory_space<hbm>> -> memref<1x32xf32, #tpu.memory_space<hbm>>
      tpu.enqueue_dma source(%dma_start3A_284 : memref<1x32xf32, #tpu.memory_space<hbm>>) target(%dma_start3A_282 : memref<1x32xf32, #tpu.memory_space<vmem>>) target_semaphore(%arg13 : memref<!tpu.dma_semaphore, #tpu.memory_space<semaphore_mem>>)
      %slice3A_285 = vector.extract_strided_slice %get3A_249 {offsets = [1], sizes = [1], strides = [1]} : vector<16xi32> to vector<1xi32>
      %squeeze3A_286 = vector.extract %slice3A_285[0] : i32 from vector<1xi32>
      %dma_start3A_287 = arith.constant 0 : i32
      %dma_start3A_288 = tpu.memref_slice %arg10[%add3A_274, %dma_start3A_287] : memref<256x32xf32, #tpu.memory_space<vmem>> -> memref<1x32xf32, #tpu.memory_space<vmem>>
      %dma_start3A_289 = arith.constant 0 : i32
      %dma_start3A_290 = tpu.memref_slice %arg3[%squeeze3A_286, %dma_start3A_289] : memref<1000000x32xf32, #tpu.memory_space<hbm>> -> memref<1x32xf32, #tpu.memory_space<hbm>>
      %dma_start3A_291 = arith.constant 0 : i32
      %dma_start3A_292 = tpu.memref_slice %arg10[%add3A_274, %dma_start3A_291] : memref<256x32xf32, #tpu.memory_space<vmem>> -> memref<1x32xf32, #tpu.memory_space<vmem>>
      %dma_start3A_293 = arith.constant 0 : i32
      %dma_start3A_294 = tpu.memref_slice %arg3[%squeeze3A_286, %dma_start3A_293] : memref<1000000x32xf32, #tpu.memory_space<hbm>> -> memref<1x32xf32, #tpu.memory_space<hbm>>
      tpu.enqueue_dma source(%dma_start3A_294 : memref<1x32xf32, #tpu.memory_space<hbm>>) target(%dma_start3A_292 : memref<1x32xf32, #tpu.memory_space<vmem>>) target_semaphore(%arg13 : memref<!tpu.dma_semaphore, #tpu.memory_space<semaphore_mem>>)
      %mul3A_295 = arith.constant 16 : i32
      %mul3A_296 = arith.muli %scan3A_232, %mul3A_295 : i32
      %add3A_297 = arith.constant 2 : i32
      %add3A_298 = arith.addi %mul3A_296, %add3A_297 : i32
      %slice3A_299 = vector.extract_strided_slice %get3A_242 {offsets = [2], sizes = [1], strides = [1]} : vector<16xi32> to vector<1xi32>
      %squeeze3A_300 = vector.extract %slice3A_299[0] : i32 from vector<1xi32>
      %dma_start3A_301 = arith.constant 0 : i32
      %dma_start3A_302 = tpu.memref_slice %arg9[%add3A_298, %dma_start3A_301] : memref<256x32xf32, #tpu.memory_space<vmem>> -> memref<1x32xf32, #tpu.memory_space<vmem>>
      %dma_start3A_303 = arith.constant 0 : i32
      %dma_start3A_304 = tpu.memref_slice %arg2[%squeeze3A_300, %dma_start3A_303] : memref<1000000x32xf32, #tpu.memory_space<hbm>> -> memref<1x32xf32, #tpu.memory_space<hbm>>
      %dma_start3A_305 = arith.constant 0 : i32
      %dma_start3A_306 = tpu.memref_slice %arg9[%add3A_298, %dma_start3A_305] : memref<256x32xf32, #tpu.memory_space<vmem>> -> memref<1x32xf32, #tpu.memory_space<vmem>>
      %dma_start3A_307 = arith.constant 0 : i32
      %dma_start3A_308 = tpu.memref_slice %arg2[%squeeze3A_300, %dma_start3A_307] : memref<1000000x32xf32, #tpu.memory_space<hbm>> -> memref<1x32xf32, #tpu.memory_space<hbm>>
      tpu.enqueue_dma source(%dma_start3A_308 : memref<1x32xf32, #tpu.memory_space<hbm>>) target(%dma_start3A_306 : memref<1x32xf32, #tpu.memory_space<vmem>>) target_semaphore(%arg14 : memref<!tpu.dma_semaphore, #tpu.memory_space<semaphore_mem>>)
      %slice3A_309 = vector.extract_strided_slice %get3A_249 {offsets = [2], sizes = [1], strides = [1]} : vector<16xi32> to vector<1xi32>
      %squeeze3A_310 = vector.extract %slice3A_309[0] : i32 from vector<1xi32>
      %dma_start3A_311 = arith.constant 0 : i32
      %dma_start3A_312 = tpu.memref_slice %arg10[%add3A_298, %dma_start3A_311] : memref<256x32xf32, #tpu.memory_space<vmem>> -> memref<1x32xf32, #tpu.memory_space<vmem>>
      %dma_start3A_313 = arith.constant 0 : i32
      %dma_start3A_314 = tpu.memref_slice %arg3[%squeeze3A_310, %dma_start3A_313] : memref<1000000x32xf32, #tpu.memory_space<hbm>> -> memref<1x32xf32, #tpu.memory_space<hbm>>
      %dma_start3A_315 = arith.constant 0 : i32
      %dma_start3A_316 = tpu.memref_slice %arg10[%add3A_298, %dma_start3A_315] : memref<256x32xf32, #tpu.memory_space<vmem>> -> memref<1x32xf32, #tpu.memory_space<vmem>>
      %dma_start3A_317 = arith.constant 0 : i32
      %dma_start3A_318 = tpu.memref_slice %arg3[%squeeze3A_310, %dma_start3A_317] : memref<1000000x32xf32, #tpu.memory_space<hbm>> -> memref<1x32xf32, #tpu.memory_space<hbm>>
      tpu.enqueue_dma source(%dma_start3A_318 : memref<1x32xf32, #tpu.memory_space<hbm>>) target(%dma_start3A_316 : memref<1x32xf32, #tpu.memory_space<vmem>>) target_semaphore(%arg14 : memref<!tpu.dma_semaphore, #tpu.memory_space<semaphore_mem>>)
      %mul3A_319 = arith.constant 16 : i32
      %mul3A_320 = arith.muli %scan3A_232, %mul3A_319 : i32
      %add3A_321 = arith.constant 3 : i32
      %add3A_322 = arith.addi %mul3A_320, %add3A_321 : i32
      %slice3A_323 = vector.extract_strided_slice %get3A_242 {offsets = [3], sizes = [1], strides = [1]} : vector<16xi32> to vector<1xi32>
      %squeeze3A_324 = vector.extract %slice3A_323[0] : i32 from vector<1xi32>
      %dma_start3A_325 = arith.constant 0 : i32
      %dma_start3A_326 = tpu.memref_slice %arg9[%add3A_322, %dma_start3A_325] : memref<256x32xf32, #tpu.memory_space<vmem>> -> memref<1x32xf32, #tpu.memory_space<vmem>>
      %dma_start3A_327 = arith.constant 0 : i32
      %dma_start3A_328 = tpu.memref_slice %arg2[%squeeze3A_324, %dma_start3A_327] : memref<1000000x32xf32, #tpu.memory_space<hbm>> -> memref<1x32xf32, #tpu.memory_space<hbm>>
      %dma_start3A_329 = arith.constant 0 : i32
      %dma_start3A_330 = tpu.memref_slice %arg9[%add3A_322, %dma_start3A_329] : memref<256x32xf32, #tpu.memory_space<vmem>> -> memref<1x32xf32, #tpu.memory_space<vmem>>
      %dma_start3A_331 = arith.constant 0 : i32
      %dma_start3A_332 = tpu.memref_slice %arg2[%squeeze3A_324, %dma_start3A_331] : memref<1000000x32xf32, #tpu.memory_space<hbm>> -> memref<1x32xf32, #tpu.memory_space<hbm>>
      tpu.enqueue_dma source(%dma_start3A_332 : memref<1x32xf32, #tpu.memory_space<hbm>>) target(%dma_start3A_330 : memref<1x32xf32, #tpu.memory_space<vmem>>) target_semaphore(%arg15 : memref<!tpu.dma_semaphore, #tpu.memory_space<semaphore_mem>>)
      %slice3A_333 = vector.extract_strided_slice %get3A_249 {offsets = [3], sizes = [1], strides = [1]} : vector<16xi32> to vector<1xi32>
      %squeeze3A_334 = vector.extract %slice3A_333[0] : i32 from vector<1xi32>
      %dma_start3A_335 = arith.constant 0 : i32
      %dma_start3A_336 = tpu.memref_slice %arg10[%add3A_322, %dma_start3A_335] : memref<256x32xf32, #tpu.memory_space<vmem>> -> memref<1x32xf32, #tpu.memory_space<vmem>>
      %dma_start3A_337 = arith.constant 0 : i32
      %dma_start3A_338 = tpu.memref_slice %arg3[%squeeze3A_334, %dma_start3A_337] : memref<1000000x32xf32, #tpu.memory_space<hbm>> -> memref<1x32xf32, #tpu.memory_space<hbm>>
      %dma_start3A_339 = arith.constant 0 : i32
      %dma_start3A_340 = tpu.memref_slice %arg10[%add3A_322, %dma_start3A_339] : memref<256x32xf32, #tpu.memory_space<vmem>> -> memref<1x32xf32, #tpu.memory_space<vmem>>
      %dma_start3A_341 = arith.constant 0 : i32
      %dma_start3A_342 = tpu.memref_slice %arg3[%squeeze3A_334, %dma_start3A_341] : memref<1000000x32xf32, #tpu.memory_space<hbm>> -> memref<1x32xf32, #tpu.memory_space<hbm>>
      tpu.enqueue_dma source(%dma_start3A_342 : memref<1x32xf32, #tpu.memory_space<hbm>>) target(%dma_start3A_340 : memref<1x32xf32, #tpu.memory_space<vmem>>) target_semaphore(%arg15 : memref<!tpu.dma_semaphore, #tpu.memory_space<semaphore_mem>>)
      %mul3A_343 = arith.constant 16 : i32
      %mul3A_344 = arith.muli %scan3A_232, %mul3A_343 : i32
      %add3A_345 = arith.constant 4 : i32
      %add3A_346 = arith.addi %mul3A_344, %add3A_345 : i32
      %slice3A_347 = vector.extract_strided_slice %get3A_242 {offsets = [4], sizes = [1], strides = [1]} : vector<16xi32> to vector<1xi32>
      %squeeze3A_348 = vector.extract %slice3A_347[0] : i32 from vector<1xi32>
      %dma_start3A_349 = arith.constant 0 : i32
      %dma_start3A_350 = tpu.memref_slice %arg9[%add3A_346, %dma_start3A_349] : memref<256x32xf32, #tpu.memory_space<vmem>> -> memref<1x32xf32, #tpu.memory_space<vmem>>
      %dma_start3A_351 = arith.constant 0 : i32
      %dma_start3A_352 = tpu.memref_slice %arg2[%squeeze3A_348, %dma_start3A_351] : memref<1000000x32xf32, #tpu.memory_space<hbm>> -> memref<1x32xf32, #tpu.memory_space<hbm>>
      %dma_start3A_353 = arith.constant 0 : i32
      %dma_start3A_354 = tpu.memref_slice %arg9[%add3A_346, %dma_start3A_353] : memref<256x32xf32, #tpu.memory_space<vmem>> -> memref<1x32xf32, #tpu.memory_space<vmem>>
      %dma_start3A_355 = arith.constant 0 : i32
      %dma_start3A_356 = tpu.memref_slice %arg2[%squeeze3A_348, %dma_start3A_355] : memref<1000000x32xf32, #tpu.memory_space<hbm>> -> memref<1x32xf32, #tpu.memory_space<hbm>>
      tpu.enqueue_dma source(%dma_start3A_356 : memref<1x32xf32, #tpu.memory_space<hbm>>) target(%dma_start3A_354 : memref<1x32xf32, #tpu.memory_space<vmem>>) target_semaphore(%arg12 : memref<!tpu.dma_semaphore, #tpu.memory_space<semaphore_mem>>)
      %slice3A_357 = vector.extract_strided_slice %get3A_249 {offsets = [4], sizes = [1], strides = [1]} : vector<16xi32> to vector<1xi32>
      %squeeze3A_358 = vector.extract %slice3A_357[0] : i32 from vector<1xi32>
      %dma_start3A_359 = arith.constant 0 : i32
      %dma_start3A_360 = tpu.memref_slice %arg10[%add3A_346, %dma_start3A_359] : memref<256x32xf32, #tpu.memory_space<vmem>> -> memref<1x32xf32, #tpu.memory_space<vmem>>
      %dma_start3A_361 = arith.constant 0 : i32
      %dma_start3A_362 = tpu.memref_slice %arg3[%squeeze3A_358, %dma_start3A_361] : memref<1000000x32xf32, #tpu.memory_space<hbm>> -> memref<1x32xf32, #tpu.memory_space<hbm>>
      %dma_start3A_363 = arith.constant 0 : i32
      %dma_start3A_364 = tpu.memref_slice %arg10[%add3A_346, %dma_start3A_363] : memref<256x32xf32, #tpu.memory_space<vmem>> -> memref<1x32xf32, #tpu.memory_space<vmem>>
      %dma_start3A_365 = arith.constant 0 : i32
      %dma_start3A_366 = tpu.memref_slice %arg3[%squeeze3A_358, %dma_start3A_365] : memref<1000000x32xf32, #tpu.memory_space<hbm>> -> memref<1x32xf32, #tpu.memory_space<hbm>>
      tpu.enqueue_dma source(%dma_start3A_366 : memref<1x32xf32, #tpu.memory_space<hbm>>) target(%dma_start3A_364 : memref<1x32xf32, #tpu.memory_space<vmem>>) target_semaphore(%arg12 : memref<!tpu.dma_semaphore, #tpu.memory_space<semaphore_mem>>)
      %mul3A_367 = arith.constant 16 : i32
      %mul3A_368 = arith.muli %scan3A_232, %mul3A_367 : i32
      %add3A_369 = arith.constant 5 : i32
      %add3A_370 = arith.addi %mul3A_368, %add3A_369 : i32
      %slice3A_371 = vector.extract_strided_slice %get3A_242 {offsets = [5], sizes = [1], strides = [1]} : vector<16xi32> to vector<1xi32>
      %squeeze3A_372 = vector.extract %slice3A_371[0] : i32 from vector<1xi32>
      %dma_start3A_373 = arith.constant 0 : i32
      %dma_start3A_374 = tpu.memref_slice %arg9[%add3A_370, %dma_start3A_373] : memref<256x32xf32, #tpu.memory_space<vmem>> -> memref<1x32xf32, #tpu.memory_space<vmem>>
      %dma_start3A_375 = arith.constant 0 : i32
      %dma_start3A_376 = tpu.memref_slice %arg2[%squeeze3A_372, %dma_start3A_375] : memref<1000000x32xf32, #tpu.memory_space<hbm>> -> memref<1x32xf32, #tpu.memory_space<hbm>>
      %dma_start3A_377 = arith.constant 0 : i32
      %dma_start3A_378 = tpu.memref_slice %arg9[%add3A_370, %dma_start3A_377] : memref<256x32xf32, #tpu.memory_space<vmem>> -> memref<1x32xf32, #tpu.memory_space<vmem>>
      %dma_start3A_379 = arith.constant 0 : i32
      %dma_start3A_380 = tpu.memref_slice %arg2[%squeeze3A_372, %dma_start3A_379] : memref<1000000x32xf32, #tpu.memory_space<hbm>> -> memref<1x32xf32, #tpu.memory_space<hbm>>
      tpu.enqueue_dma source(%dma_start3A_380 : memref<1x32xf32, #tpu.memory_space<hbm>>) target(%dma_start3A_378 : memref<1x32xf32, #tpu.memory_space<vmem>>) target_semaphore(%arg13 : memref<!tpu.dma_semaphore, #tpu.memory_space<semaphore_mem>>)
      %slice3A_381 = vector.extract_strided_slice %get3A_249 {offsets = [5], sizes = [1], strides = [1]} : vector<16xi32> to vector<1xi32>
      %squeeze3A_382 = vector.extract %slice3A_381[0] : i32 from vector<1xi32>
      %dma_start3A_383 = arith.constant 0 : i32
      %dma_start3A_384 = tpu.memref_slice %arg10[%add3A_370, %dma_start3A_383] : memref<256x32xf32, #tpu.memory_space<vmem>> -> memref<1x32xf32, #tpu.memory_space<vmem>>
      %dma_start3A_385 = arith.constant 0 : i32
      %dma_start3A_386 = tpu.memref_slice %arg3[%squeeze3A_382, %dma_start3A_385] : memref<1000000x32xf32, #tpu.memory_space<hbm>> -> memref<1x32xf32, #tpu.memory_space<hbm>>
      %dma_start3A_387 = arith.constant 0 : i32
      %dma_start3A_388 = tpu.memref_slice %arg10[%add3A_370, %dma_start3A_387] : memref<256x32xf32, #tpu.memory_space<vmem>> -> memref<1x32xf32, #tpu.memory_space<vmem>>
      %dma_start3A_389 = arith.constant 0 : i32
      %dma_start3A_390 = tpu.memref_slice %arg3[%squeeze3A_382, %dma_start3A_389] : memref<1000000x32xf32, #tpu.memory_space<hbm>> -> memref<1x32xf32, #tpu.memory_space<hbm>>
      tpu.enqueue_dma source(%dma_start3A_390 : memref<1x32xf32, #tpu.memory_space<hbm>>) target(%dma_start3A_388 : memref<1x32xf32, #tpu.memory_space<vmem>>) target_semaphore(%arg13 : memref<!tpu.dma_semaphore, #tpu.memory_space<semaphore_mem>>)
      %mul3A_391 = arith.constant 16 : i32
      %mul3A_392 = arith.muli %scan3A_232, %mul3A_391 : i32
      %add3A_393 = arith.constant 6 : i32
      %add3A_394 = arith.addi %mul3A_392, %add3A_393 : i32
      %slice3A_395 = vector.extract_strided_slice %get3A_242 {offsets = [6], sizes = [1], strides = [1]} : vector<16xi32> to vector<1xi32>
      %squeeze3A_396 = vector.extract %slice3A_395[0] : i32 from vector<1xi32>
      %dma_start3A_397 = arith.constant 0 : i32
      %dma_start3A_398 = tpu.memref_slice %arg9[%add3A_394, %dma_start3A_397] : memref<256x32xf32, #tpu.memory_space<vmem>> -> memref<1x32xf32, #tpu.memory_space<vmem>>
      %dma_start3A_399 = arith.constant 0 : i32
      %dma_start3A_400 = tpu.memref_slice %arg2[%squeeze3A_396, %dma_start3A_399] : memref<1000000x32xf32, #tpu.memory_space<hbm>> -> memref<1x32xf32, #tpu.memory_space<hbm>>
      %dma_start3A_401 = arith.constant 0 : i32
      %dma_start3A_402 = tpu.memref_slice %arg9[%add3A_394, %dma_start3A_401] : memref<256x32xf32, #tpu.memory_space<vmem>> -> memref<1x32xf32, #tpu.memory_space<vmem>>
      %dma_start3A_403 = arith.constant 0 : i32
      %dma_start3A_404 = tpu.memref_slice %arg2[%squeeze3A_396, %dma_start3A_403] : memref<1000000x32xf32, #tpu.memory_space<hbm>> -> memref<1x32xf32, #tpu.memory_space<hbm>>
      tpu.enqueue_dma source(%dma_start3A_404 : memref<1x32xf32, #tpu.memory_space<hbm>>) target(%dma_start3A_402 : memref<1x32xf32, #tpu.memory_space<vmem>>) target_semaphore(%arg14 : memref<!tpu.dma_semaphore, #tpu.memory_space<semaphore_mem>>)
      %slice3A_405 = vector.extract_strided_slice %get3A_249 {offsets = [6], sizes = [1], strides = [1]} : vector<16xi32> to vector<1xi32>
      %squeeze3A_406 = vector.extract %slice3A_405[0] : i32 from vector<1xi32>
      %dma_start3A_407 = arith.constant 0 : i32
      %dma_start3A_408 = tpu.memref_slice %arg10[%add3A_394, %dma_start3A_407] : memref<256x32xf32, #tpu.memory_space<vmem>> -> memref<1x32xf32, #tpu.memory_space<vmem>>
      %dma_start3A_409 = arith.constant 0 : i32
      %dma_start3A_410 = tpu.memref_slice %arg3[%squeeze3A_406, %dma_start3A_409] : memref<1000000x32xf32, #tpu.memory_space<hbm>> -> memref<1x32xf32, #tpu.memory_space<hbm>>
      %dma_start3A_411 = arith.constant 0 : i32
      %dma_start3A_412 = tpu.memref_slice %arg10[%add3A_394, %dma_start3A_411] : memref<256x32xf32, #tpu.memory_space<vmem>> -> memref<1x32xf32, #tpu.memory_space<vmem>>
      %dma_start3A_413 = arith.constant 0 : i32
      %dma_start3A_414 = tpu.memref_slice %arg3[%squeeze3A_406, %dma_start3A_413] : memref<1000000x32xf32, #tpu.memory_space<hbm>> -> memref<1x32xf32, #tpu.memory_space<hbm>>
      tpu.enqueue_dma source(%dma_start3A_414 : memref<1x32xf32, #tpu.memory_space<hbm>>) target(%dma_start3A_412 : memref<1x32xf32, #tpu.memory_space<vmem>>) target_semaphore(%arg14 : memref<!tpu.dma_semaphore, #tpu.memory_space<semaphore_mem>>)
      %mul3A_415 = arith.constant 16 : i32
      %mul3A_416 = arith.muli %scan3A_232, %mul3A_415 : i32
      %add3A_417 = arith.constant 7 : i32
      %add3A_418 = arith.addi %mul3A_416, %add3A_417 : i32
      %slice3A_419 = vector.extract_strided_slice %get3A_242 {offsets = [7], sizes = [1], strides = [1]} : vector<16xi32> to vector<1xi32>
      %squeeze3A_420 = vector.extract %slice3A_419[0] : i32 from vector<1xi32>
      %dma_start3A_421 = arith.constant 0 : i32
      %dma_start3A_422 = tpu.memref_slice %arg9[%add3A_418, %dma_start3A_421] : memref<256x32xf32, #tpu.memory_space<vmem>> -> memref<1x32xf32, #tpu.memory_space<vmem>>
      %dma_start3A_423 = arith.constant 0 : i32
      %dma_start3A_424 = tpu.memref_slice %arg2[%squeeze3A_420, %dma_start3A_423] : memref<1000000x32xf32, #tpu.memory_space<hbm>> -> memref<1x32xf32, #tpu.memory_space<hbm>>
      %dma_start3A_425 = arith.constant 0 : i32
      %dma_start3A_426 = tpu.memref_slice %arg9[%add3A_418, %dma_start3A_425] : memref<256x32xf32, #tpu.memory_space<vmem>> -> memref<1x32xf32, #tpu.memory_space<vmem>>
      %dma_start3A_427 = arith.constant 0 : i32
      %dma_start3A_428 = tpu.memref_slice %arg2[%squeeze3A_420, %dma_start3A_427] : memref<1000000x32xf32, #tpu.memory_space<hbm>> -> memref<1x32xf32, #tpu.memory_space<hbm>>
      tpu.enqueue_dma source(%dma_start3A_428 : memref<1x32xf32, #tpu.memory_space<hbm>>) target(%dma_start3A_426 : memref<1x32xf32, #tpu.memory_space<vmem>>) target_semaphore(%arg15 : memref<!tpu.dma_semaphore, #tpu.memory_space<semaphore_mem>>)
      %slice3A_429 = vector.extract_strided_slice %get3A_249 {offsets = [7], sizes = [1], strides = [1]} : vector<16xi32> to vector<1xi32>
      %squeeze3A_430 = vector.extract %slice3A_429[0] : i32 from vector<1xi32>
      %dma_start3A_431 = arith.constant 0 : i32
      %dma_start3A_432 = tpu.memref_slice %arg10[%add3A_418, %dma_start3A_431] : memref<256x32xf32, #tpu.memory_space<vmem>> -> memref<1x32xf32, #tpu.memory_space<vmem>>
      %dma_start3A_433 = arith.constant 0 : i32
      %dma_start3A_434 = tpu.memref_slice %arg3[%squeeze3A_430, %dma_start3A_433] : memref<1000000x32xf32, #tpu.memory_space<hbm>> -> memref<1x32xf32, #tpu.memory_space<hbm>>
      %dma_start3A_435 = arith.constant 0 : i32
      %dma_start3A_436 = tpu.memref_slice %arg10[%add3A_418, %dma_start3A_435] : memref<256x32xf32, #tpu.memory_space<vmem>> -> memref<1x32xf32, #tpu.memory_space<vmem>>
      %dma_start3A_437 = arith.constant 0 : i32
      %dma_start3A_438 = tpu.memref_slice %arg3[%squeeze3A_430, %dma_start3A_437] : memref<1000000x32xf32, #tpu.memory_space<hbm>> -> memref<1x32xf32, #tpu.memory_space<hbm>>
      tpu.enqueue_dma source(%dma_start3A_438 : memref<1x32xf32, #tpu.memory_space<hbm>>) target(%dma_start3A_436 : memref<1x32xf32, #tpu.memory_space<vmem>>) target_semaphore(%arg15 : memref<!tpu.dma_semaphore, #tpu.memory_space<semaphore_mem>>)
      %mul3A_439 = arith.constant 16 : i32
      %mul3A_440 = arith.muli %scan3A_232, %mul3A_439 : i32
      %add3A_441 = arith.constant 8 : i32
      %add3A_442 = arith.addi %mul3A_440, %add3A_441 : i32
      %slice3A_443 = vector.extract_strided_slice %get3A_242 {offsets = [8], sizes = [1], strides = [1]} : vector<16xi32> to vector<1xi32>
      %squeeze3A_444 = vector.extract %slice3A_443[0] : i32 from vector<1xi32>
      %dma_start3A_445 = arith.constant 0 : i32
      %dma_start3A_446 = tpu.memref_slice %arg9[%add3A_442, %dma_start3A_445] : memref<256x32xf32, #tpu.memory_space<vmem>> -> memref<1x32xf32, #tpu.memory_space<vmem>>
      %dma_start3A_447 = arith.constant 0 : i32
      %dma_start3A_448 = tpu.memref_slice %arg2[%squeeze3A_444, %dma_start3A_447] : memref<1000000x32xf32, #tpu.memory_space<hbm>> -> memref<1x32xf32, #tpu.memory_space<hbm>>
      %dma_start3A_449 = arith.constant 0 : i32
      %dma_start3A_450 = tpu.memref_slice %arg9[%add3A_442, %dma_start3A_449] : memref<256x32xf32, #tpu.memory_space<vmem>> -> memref<1x32xf32, #tpu.memory_space<vmem>>
      %dma_start3A_451 = arith.constant 0 : i32
      %dma_start3A_452 = tpu.memref_slice %arg2[%squeeze3A_444, %dma_start3A_451] : memref<1000000x32xf32, #tpu.memory_space<hbm>> -> memref<1x32xf32, #tpu.memory_space<hbm>>
      tpu.enqueue_dma source(%dma_start3A_452 : memref<1x32xf32, #tpu.memory_space<hbm>>) target(%dma_start3A_450 : memref<1x32xf32, #tpu.memory_space<vmem>>) target_semaphore(%arg12 : memref<!tpu.dma_semaphore, #tpu.memory_space<semaphore_mem>>)
      %slice3A_453 = vector.extract_strided_slice %get3A_249 {offsets = [8], sizes = [1], strides = [1]} : vector<16xi32> to vector<1xi32>
      %squeeze3A_454 = vector.extract %slice3A_453[0] : i32 from vector<1xi32>
      %dma_start3A_455 = arith.constant 0 : i32
      %dma_start3A_456 = tpu.memref_slice %arg10[%add3A_442, %dma_start3A_455] : memref<256x32xf32, #tpu.memory_space<vmem>> -> memref<1x32xf32, #tpu.memory_space<vmem>>
      %dma_start3A_457 = arith.constant 0 : i32
      %dma_start3A_458 = tpu.memref_slice %arg3[%squeeze3A_454, %dma_start3A_457] : memref<1000000x32xf32, #tpu.memory_space<hbm>> -> memref<1x32xf32, #tpu.memory_space<hbm>>
      %dma_start3A_459 = arith.constant 0 : i32
      %dma_start3A_460 = tpu.memref_slice %arg10[%add3A_442, %dma_start3A_459] : memref<256x32xf32, #tpu.memory_space<vmem>> -> memref<1x32xf32, #tpu.memory_space<vmem>>
      %dma_start3A_461 = arith.constant 0 : i32
      %dma_start3A_462 = tpu.memref_slice %arg3[%squeeze3A_454, %dma_start3A_461] : memref<1000000x32xf32, #tpu.memory_space<hbm>> -> memref<1x32xf32, #tpu.memory_space<hbm>>
      tpu.enqueue_dma source(%dma_start3A_462 : memref<1x32xf32, #tpu.memory_space<hbm>>) target(%dma_start3A_460 : memref<1x32xf32, #tpu.memory_space<vmem>>) target_semaphore(%arg12 : memref<!tpu.dma_semaphore, #tpu.memory_space<semaphore_mem>>)
      %mul3A_463 = arith.constant 16 : i32
      %mul3A_464 = arith.muli %scan3A_232, %mul3A_463 : i32
      %add3A_465 = arith.constant 9 : i32
      %add3A_466 = arith.addi %mul3A_464, %add3A_465 : i32
      %slice3A_467 = vector.extract_strided_slice %get3A_242 {offsets = [9], sizes = [1], strides = [1]} : vector<16xi32> to vector<1xi32>
      %squeeze3A_468 = vector.extract %slice3A_467[0] : i32 from vector<1xi32>
      %dma_start3A_469 = arith.constant 0 : i32
      %dma_start3A_470 = tpu.memref_slice %arg9[%add3A_466, %dma_start3A_469] : memref<256x32xf32, #tpu.memory_space<vmem>> -> memref<1x32xf32, #tpu.memory_space<vmem>>
      %dma_start3A_471 = arith.constant 0 : i32
      %dma_start3A_472 = tpu.memref_slice %arg2[%squeeze3A_468, %dma_start3A_471] : memref<1000000x32xf32, #tpu.memory_space<hbm>> -> memref<1x32xf32, #tpu.memory_space<hbm>>
      %dma_start3A_473 = arith.constant 0 : i32
      %dma_start3A_474 = tpu.memref_slice %arg9[%add3A_466, %dma_start3A_473] : memref<256x32xf32, #tpu.memory_space<vmem>> -> memref<1x32xf32, #tpu.memory_space<vmem>>
      %dma_start3A_475 = arith.constant 0 : i32
      %dma_start3A_476 = tpu.memref_slice %arg2[%squeeze3A_468, %dma_start3A_475] : memref<1000000x32xf32, #tpu.memory_space<hbm>> -> memref<1x32xf32, #tpu.memory_space<hbm>>
      tpu.enqueue_dma source(%dma_start3A_476 : memref<1x32xf32, #tpu.memory_space<hbm>>) target(%dma_start3A_474 : memref<1x32xf32, #tpu.memory_space<vmem>>) target_semaphore(%arg13 : memref<!tpu.dma_semaphore, #tpu.memory_space<semaphore_mem>>)
      %slice3A_477 = vector.extract_strided_slice %get3A_249 {offsets = [9], sizes = [1], strides = [1]} : vector<16xi32> to vector<1xi32>
      %squeeze3A_478 = vector.extract %slice3A_477[0] : i32 from vector<1xi32>
      %dma_start3A_479 = arith.constant 0 : i32
      %dma_start3A_480 = tpu.memref_slice %arg10[%add3A_466, %dma_start3A_479] : memref<256x32xf32, #tpu.memory_space<vmem>> -> memref<1x32xf32, #tpu.memory_space<vmem>>
      %dma_start3A_481 = arith.constant 0 : i32
      %dma_start3A_482 = tpu.memref_slice %arg3[%squeeze3A_478, %dma_start3A_481] : memref<1000000x32xf32, #tpu.memory_space<hbm>> -> memref<1x32xf32, #tpu.memory_space<hbm>>
      %dma_start3A_483 = arith.constant 0 : i32
      %dma_start3A_484 = tpu.memref_slice %arg10[%add3A_466, %dma_start3A_483] : memref<256x32xf32, #tpu.memory_space<vmem>> -> memref<1x32xf32, #tpu.memory_space<vmem>>
      %dma_start3A_485 = arith.constant 0 : i32
      %dma_start3A_486 = tpu.memref_slice %arg3[%squeeze3A_478, %dma_start3A_485] : memref<1000000x32xf32, #tpu.memory_space<hbm>> -> memref<1x32xf32, #tpu.memory_space<hbm>>
      tpu.enqueue_dma source(%dma_start3A_486 : memref<1x32xf32, #tpu.memory_space<hbm>>) target(%dma_start3A_484 : memref<1x32xf32, #tpu.memory_space<vmem>>) target_semaphore(%arg13 : memref<!tpu.dma_semaphore, #tpu.memory_space<semaphore_mem>>)
      %mul3A_487 = arith.constant 16 : i32
      %mul3A_488 = arith.muli %scan3A_232, %mul3A_487 : i32
      %add3A_489 = arith.constant 10 : i32
      %add3A_490 = arith.addi %mul3A_488, %add3A_489 : i32
      %slice3A_491 = vector.extract_strided_slice %get3A_242 {offsets = [10], sizes = [1], strides = [1]} : vector<16xi32> to vector<1xi32>
      %squeeze3A_492 = vector.extract %slice3A_491[0] : i32 from vector<1xi32>
      %dma_start3A_493 = arith.constant 0 : i32
      %dma_start3A_494 = tpu.memref_slice %arg9[%add3A_490, %dma_start3A_493] : memref<256x32xf32, #tpu.memory_space<vmem>> -> memref<1x32xf32, #tpu.memory_space<vmem>>
      %dma_start3A_495 = arith.constant 0 : i32
      %dma_start3A_496 = tpu.memref_slice %arg2[%squeeze3A_492, %dma_start3A_495] : memref<1000000x32xf32, #tpu.memory_space<hbm>> -> memref<1x32xf32, #tpu.memory_space<hbm>>
      %dma_start3A_497 = arith.constant 0 : i32
      %dma_start3A_498 = tpu.memref_slice %arg9[%add3A_490, %dma_start3A_497] : memref<256x32xf32, #tpu.memory_space<vmem>> -> memref<1x32xf32, #tpu.memory_space<vmem>>
      %dma_start3A_499 = arith.constant 0 : i32
      %dma_start3A_500 = tpu.memref_slice %arg2[%squeeze3A_492, %dma_start3A_499] : memref<1000000x32xf32, #tpu.memory_space<hbm>> -> memref<1x32xf32, #tpu.memory_space<hbm>>
      tpu.enqueue_dma source(%dma_start3A_500 : memref<1x32xf32, #tpu.memory_space<hbm>>) target(%dma_start3A_498 : memref<1x32xf32, #tpu.memory_space<vmem>>) target_semaphore(%arg14 : memref<!tpu.dma_semaphore, #tpu.memory_space<semaphore_mem>>)
      %slice3A_501 = vector.extract_strided_slice %get3A_249 {offsets = [10], sizes = [1], strides = [1]} : vector<16xi32> to vector<1xi32>
      %squeeze3A_502 = vector.extract %slice3A_501[0] : i32 from vector<1xi32>
      %dma_start3A_503 = arith.constant 0 : i32
      %dma_start3A_504 = tpu.memref_slice %arg10[%add3A_490, %dma_start3A_503] : memref<256x32xf32, #tpu.memory_space<vmem>> -> memref<1x32xf32, #tpu.memory_space<vmem>>
      %dma_start3A_505 = arith.constant 0 : i32
      %dma_start3A_506 = tpu.memref_slice %arg3[%squeeze3A_502, %dma_start3A_505] : memref<1000000x32xf32, #tpu.memory_space<hbm>> -> memref<1x32xf32, #tpu.memory_space<hbm>>
      %dma_start3A_507 = arith.constant 0 : i32
      %dma_start3A_508 = tpu.memref_slice %arg10[%add3A_490, %dma_start3A_507] : memref<256x32xf32, #tpu.memory_space<vmem>> -> memref<1x32xf32, #tpu.memory_space<vmem>>
      %dma_start3A_509 = arith.constant 0 : i32
      %dma_start3A_510 = tpu.memref_slice %arg3[%squeeze3A_502, %dma_start3A_509] : memref<1000000x32xf32, #tpu.memory_space<hbm>> -> memref<1x32xf32, #tpu.memory_space<hbm>>
      tpu.enqueue_dma source(%dma_start3A_510 : memref<1x32xf32, #tpu.memory_space<hbm>>) target(%dma_start3A_508 : memref<1x32xf32, #tpu.memory_space<vmem>>) target_semaphore(%arg14 : memref<!tpu.dma_semaphore, #tpu.memory_space<semaphore_mem>>)
      %mul3A_511 = arith.constant 16 : i32
      %mul3A_512 = arith.muli %scan3A_232, %mul3A_511 : i32
      %add3A_513 = arith.constant 11 : i32
      %add3A_514 = arith.addi %mul3A_512, %add3A_513 : i32
      %slice3A_515 = vector.extract_strided_slice %get3A_242 {offsets = [11], sizes = [1], strides = [1]} : vector<16xi32> to vector<1xi32>
      %squeeze3A_516 = vector.extract %slice3A_515[0] : i32 from vector<1xi32>
      %dma_start3A_517 = arith.constant 0 : i32
      %dma_start3A_518 = tpu.memref_slice %arg9[%add3A_514, %dma_start3A_517] : memref<256x32xf32, #tpu.memory_space<vmem>> -> memref<1x32xf32, #tpu.memory_space<vmem>>
      %dma_start3A_519 = arith.constant 0 : i32
      %dma_start3A_520 = tpu.memref_slice %arg2[%squeeze3A_516, %dma_start3A_519] : memref<1000000x32xf32, #tpu.memory_space<hbm>> -> memref<1x32xf32, #tpu.memory_space<hbm>>
      %dma_start3A_521 = arith.constant 0 : i32
      %dma_start3A_522 = tpu.memref_slice %arg9[%add3A_514, %dma_start3A_521] : memref<256x32xf32, #tpu.memory_space<vmem>> -> memref<1x32xf32, #tpu.memory_space<vmem>>
      %dma_start3A_523 = arith.constant 0 : i32
      %dma_start3A_524 = tpu.memref_slice %arg2[%squeeze3A_516, %dma_start3A_523] : memref<1000000x32xf32, #tpu.memory_space<hbm>> -> memref<1x32xf32, #tpu.memory_space<hbm>>
      tpu.enqueue_dma source(%dma_start3A_524 : memref<1x32xf32, #tpu.memory_space<hbm>>) target(%dma_start3A_522 : memref<1x32xf32, #tpu.memory_space<vmem>>) target_semaphore(%arg15 : memref<!tpu.dma_semaphore, #tpu.memory_space<semaphore_mem>>)
      %slice3A_525 = vector.extract_strided_slice %get3A_249 {offsets = [11], sizes = [1], strides = [1]} : vector<16xi32> to vector<1xi32>
      %squeeze3A_526 = vector.extract %slice3A_525[0] : i32 from vector<1xi32>
      %dma_start3A_527 = arith.constant 0 : i32
      %dma_start3A_528 = tpu.memref_slice %arg10[%add3A_514, %dma_start3A_527] : memref<256x32xf32, #tpu.memory_space<vmem>> -> memref<1x32xf32, #tpu.memory_space<vmem>>
      %dma_start3A_529 = arith.constant 0 : i32
      %dma_start3A_530 = tpu.memref_slice %arg3[%squeeze3A_526, %dma_start3A_529] : memref<1000000x32xf32, #tpu.memory_space<hbm>> -> memref<1x32xf32, #tpu.memory_space<hbm>>
      %dma_start3A_531 = arith.constant 0 : i32
      %dma_start3A_532 = tpu.memref_slice %arg10[%add3A_514, %dma_start3A_531] : memref<256x32xf32, #tpu.memory_space<vmem>> -> memref<1x32xf32, #tpu.memory_space<vmem>>
      %dma_start3A_533 = arith.constant 0 : i32
      %dma_start3A_534 = tpu.memref_slice %arg3[%squeeze3A_526, %dma_start3A_533] : memref<1000000x32xf32, #tpu.memory_space<hbm>> -> memref<1x32xf32, #tpu.memory_space<hbm>>
      tpu.enqueue_dma source(%dma_start3A_534 : memref<1x32xf32, #tpu.memory_space<hbm>>) target(%dma_start3A_532 : memref<1x32xf32, #tpu.memory_space<vmem>>) target_semaphore(%arg15 : memref<!tpu.dma_semaphore, #tpu.memory_space<semaphore_mem>>)
      %mul3A_535 = arith.constant 16 : i32
      %mul3A_536 = arith.muli %scan3A_232, %mul3A_535 : i32
      %add3A_537 = arith.constant 12 : i32
      %add3A_538 = arith.addi %mul3A_536, %add3A_537 : i32
      %slice3A_539 = vector.extract_strided_slice %get3A_242 {offsets = [12], sizes = [1], strides = [1]} : vector<16xi32> to vector<1xi32>
      %squeeze3A_540 = vector.extract %slice3A_539[0] : i32 from vector<1xi32>
      %dma_start3A_541 = arith.constant 0 : i32
      %dma_start3A_542 = tpu.memref_slice %arg9[%add3A_538, %dma_start3A_541] : memref<256x32xf32, #tpu.memory_space<vmem>> -> memref<1x32xf32, #tpu.memory_space<vmem>>
      %dma_start3A_543 = arith.constant 0 : i32
      %dma_start3A_544 = tpu.memref_slice %arg2[%squeeze3A_540, %dma_start3A_543] : memref<1000000x32xf32, #tpu.memory_space<hbm>> -> memref<1x32xf32, #tpu.memory_space<hbm>>
      %dma_start3A_545 = arith.constant 0 : i32
      %dma_start3A_546 = tpu.memref_slice %arg9[%add3A_538, %dma_start3A_545] : memref<256x32xf32, #tpu.memory_space<vmem>> -> memref<1x32xf32, #tpu.memory_space<vmem>>
      %dma_start3A_547 = arith.constant 0 : i32
      %dma_start3A_548 = tpu.memref_slice %arg2[%squeeze3A_540, %dma_start3A_547] : memref<1000000x32xf32, #tpu.memory_space<hbm>> -> memref<1x32xf32, #tpu.memory_space<hbm>>
      tpu.enqueue_dma source(%dma_start3A_548 : memref<1x32xf32, #tpu.memory_space<hbm>>) target(%dma_start3A_546 : memref<1x32xf32, #tpu.memory_space<vmem>>) target_semaphore(%arg12 : memref<!tpu.dma_semaphore, #tpu.memory_space<semaphore_mem>>)
      %slice3A_549 = vector.extract_strided_slice %get3A_249 {offsets = [12], sizes = [1], strides = [1]} : vector<16xi32> to vector<1xi32>
      %squeeze3A_550 = vector.extract %slice3A_549[0] : i32 from vector<1xi32>
      %dma_start3A_551 = arith.constant 0 : i32
      %dma_start3A_552 = tpu.memref_slice %arg10[%add3A_538, %dma_start3A_551] : memref<256x32xf32, #tpu.memory_space<vmem>> -> memref<1x32xf32, #tpu.memory_space<vmem>>
      %dma_start3A_553 = arith.constant 0 : i32
      %dma_start3A_554 = tpu.memref_slice %arg3[%squeeze3A_550, %dma_start3A_553] : memref<1000000x32xf32, #tpu.memory_space<hbm>> -> memref<1x32xf32, #tpu.memory_space<hbm>>
      %dma_start3A_555 = arith.constant 0 : i32
      %dma_start3A_556 = tpu.memref_slice %arg10[%add3A_538, %dma_start3A_555] : memref<256x32xf32, #tpu.memory_space<vmem>> -> memref<1x32xf32, #tpu.memory_space<vmem>>
      %dma_start3A_557 = arith.constant 0 : i32
      %dma_start3A_558 = tpu.memref_slice %arg3[%squeeze3A_550, %dma_start3A_557] : memref<1000000x32xf32, #tpu.memory_space<hbm>> -> memref<1x32xf32, #tpu.memory_space<hbm>>
      tpu.enqueue_dma source(%dma_start3A_558 : memref<1x32xf32, #tpu.memory_space<hbm>>) target(%dma_start3A_556 : memref<1x32xf32, #tpu.memory_space<vmem>>) target_semaphore(%arg12 : memref<!tpu.dma_semaphore, #tpu.memory_space<semaphore_mem>>)
      %mul3A_559 = arith.constant 16 : i32
      %mul3A_560 = arith.muli %scan3A_232, %mul3A_559 : i32
      %add3A_561 = arith.constant 13 : i32
      %add3A_562 = arith.addi %mul3A_560, %add3A_561 : i32
      %slice3A_563 = vector.extract_strided_slice %get3A_242 {offsets = [13], sizes = [1], strides = [1]} : vector<16xi32> to vector<1xi32>
      %squeeze3A_564 = vector.extract %slice3A_563[0] : i32 from vector<1xi32>
      %dma_start3A_565 = arith.constant 0 : i32
      %dma_start3A_566 = tpu.memref_slice %arg9[%add3A_562, %dma_start3A_565] : memref<256x32xf32, #tpu.memory_space<vmem>> -> memref<1x32xf32, #tpu.memory_space<vmem>>
      %dma_start3A_567 = arith.constant 0 : i32
      %dma_start3A_568 = tpu.memref_slice %arg2[%squeeze3A_564, %dma_start3A_567] : memref<1000000x32xf32, #tpu.memory_space<hbm>> -> memref<1x32xf32, #tpu.memory_space<hbm>>
      %dma_start3A_569 = arith.constant 0 : i32
      %dma_start3A_570 = tpu.memref_slice %arg9[%add3A_562, %dma_start3A_569] : memref<256x32xf32, #tpu.memory_space<vmem>> -> memref<1x32xf32, #tpu.memory_space<vmem>>
      %dma_start3A_571 = arith.constant 0 : i32
      %dma_start3A_572 = tpu.memref_slice %arg2[%squeeze3A_564, %dma_start3A_571] : memref<1000000x32xf32, #tpu.memory_space<hbm>> -> memref<1x32xf32, #tpu.memory_space<hbm>>
      tpu.enqueue_dma source(%dma_start3A_572 : memref<1x32xf32, #tpu.memory_space<hbm>>) target(%dma_start3A_570 : memref<1x32xf32, #tpu.memory_space<vmem>>) target_semaphore(%arg13 : memref<!tpu.dma_semaphore, #tpu.memory_space<semaphore_mem>>)
      %slice3A_573 = vector.extract_strided_slice %get3A_249 {offsets = [13], sizes = [1], strides = [1]} : vector<16xi32> to vector<1xi32>
      %squeeze3A_574 = vector.extract %slice3A_573[0] : i32 from vector<1xi32>
      %dma_start3A_575 = arith.constant 0 : i32
      %dma_start3A_576 = tpu.memref_slice %arg10[%add3A_562, %dma_start3A_575] : memref<256x32xf32, #tpu.memory_space<vmem>> -> memref<1x32xf32, #tpu.memory_space<vmem>>
      %dma_start3A_577 = arith.constant 0 : i32
      %dma_start3A_578 = tpu.memref_slice %arg3[%squeeze3A_574, %dma_start3A_577] : memref<1000000x32xf32, #tpu.memory_space<hbm>> -> memref<1x32xf32, #tpu.memory_space<hbm>>
      %dma_start3A_579 = arith.constant 0 : i32
      %dma_start3A_580 = tpu.memref_slice %arg10[%add3A_562, %dma_start3A_579] : memref<256x32xf32, #tpu.memory_space<vmem>> -> memref<1x32xf32, #tpu.memory_space<vmem>>
      %dma_start3A_581 = arith.constant 0 : i32
      %dma_start3A_582 = tpu.memref_slice %arg3[%squeeze3A_574, %dma_start3A_581] : memref<1000000x32xf32, #tpu.memory_space<hbm>> -> memref<1x32xf32, #tpu.memory_space<hbm>>
      tpu.enqueue_dma source(%dma_start3A_582 : memref<1x32xf32, #tpu.memory_space<hbm>>) target(%dma_start3A_580 : memref<1x32xf32, #tpu.memory_space<vmem>>) target_semaphore(%arg13 : memref<!tpu.dma_semaphore, #tpu.memory_space<semaphore_mem>>)
      %mul3A_583 = arith.constant 16 : i32
      %mul3A_584 = arith.muli %scan3A_232, %mul3A_583 : i32
      %add3A_585 = arith.constant 14 : i32
      %add3A_586 = arith.addi %mul3A_584, %add3A_585 : i32
      %slice3A_587 = vector.extract_strided_slice %get3A_242 {offsets = [14], sizes = [1], strides = [1]} : vector<16xi32> to vector<1xi32>
      %squeeze3A_588 = vector.extract %slice3A_587[0] : i32 from vector<1xi32>
      %dma_start3A_589 = arith.constant 0 : i32
      %dma_start3A_590 = tpu.memref_slice %arg9[%add3A_586, %dma_start3A_589] : memref<256x32xf32, #tpu.memory_space<vmem>> -> memref<1x32xf32, #tpu.memory_space<vmem>>
      %dma_start3A_591 = arith.constant 0 : i32
      %dma_start3A_592 = tpu.memref_slice %arg2[%squeeze3A_588, %dma_start3A_591] : memref<1000000x32xf32, #tpu.memory_space<hbm>> -> memref<1x32xf32, #tpu.memory_space<hbm>>
      %dma_start3A_593 = arith.constant 0 : i32
      %dma_start3A_594 = tpu.memref_slice %arg9[%add3A_586, %dma_start3A_593] : memref<256x32xf32, #tpu.memory_space<vmem>> -> memref<1x32xf32, #tpu.memory_space<vmem>>
      %dma_start3A_595 = arith.constant 0 : i32
      %dma_start3A_596 = tpu.memref_slice %arg2[%squeeze3A_588, %dma_start3A_595] : memref<1000000x32xf32, #tpu.memory_space<hbm>> -> memref<1x32xf32, #tpu.memory_space<hbm>>
      tpu.enqueue_dma source(%dma_start3A_596 : memref<1x32xf32, #tpu.memory_space<hbm>>) target(%dma_start3A_594 : memref<1x32xf32, #tpu.memory_space<vmem>>) target_semaphore(%arg14 : memref<!tpu.dma_semaphore, #tpu.memory_space<semaphore_mem>>)
      %slice3A_597 = vector.extract_strided_slice %get3A_249 {offsets = [14], sizes = [1], strides = [1]} : vector<16xi32> to vector<1xi32>
      %squeeze3A_598 = vector.extract %slice3A_597[0] : i32 from vector<1xi32>
      %dma_start3A_599 = arith.constant 0 : i32
      %dma_start3A_600 = tpu.memref_slice %arg10[%add3A_586, %dma_start3A_599] : memref<256x32xf32, #tpu.memory_space<vmem>> -> memref<1x32xf32, #tpu.memory_space<vmem>>
      %dma_start3A_601 = arith.constant 0 : i32
      %dma_start3A_602 = tpu.memref_slice %arg3[%squeeze3A_598, %dma_start3A_601] : memref<1000000x32xf32, #tpu.memory_space<hbm>> -> memref<1x32xf32, #tpu.memory_space<hbm>>
      %dma_start3A_603 = arith.constant 0 : i32
      %dma_start3A_604 = tpu.memref_slice %arg10[%add3A_586, %dma_start3A_603] : memref<256x32xf32, #tpu.memory_space<vmem>> -> memref<1x32xf32, #tpu.memory_space<vmem>>
      %dma_start3A_605 = arith.constant 0 : i32
      %dma_start3A_606 = tpu.memref_slice %arg3[%squeeze3A_598, %dma_start3A_605] : memref<1000000x32xf32, #tpu.memory_space<hbm>> -> memref<1x32xf32, #tpu.memory_space<hbm>>
      tpu.enqueue_dma source(%dma_start3A_606 : memref<1x32xf32, #tpu.memory_space<hbm>>) target(%dma_start3A_604 : memref<1x32xf32, #tpu.memory_space<vmem>>) target_semaphore(%arg14 : memref<!tpu.dma_semaphore, #tpu.memory_space<semaphore_mem>>)
      %mul3A_607 = arith.constant 16 : i32
      %mul3A_608 = arith.muli %scan3A_232, %mul3A_607 : i32
      %add3A_609 = arith.constant 15 : i32
      %add3A_610 = arith.addi %mul3A_608, %add3A_609 : i32
      %slice3A_611 = vector.extract_strided_slice %get3A_242 {offsets = [15], sizes = [1], strides = [1]} : vector<16xi32> to vector<1xi32>
      %squeeze3A_612 = vector.extract %slice3A_611[0] : i32 from vector<1xi32>
      %dma_start3A_613 = arith.constant 0 : i32
      %dma_start3A_614 = tpu.memref_slice %arg9[%add3A_610, %dma_start3A_613] : memref<256x32xf32, #tpu.memory_space<vmem>> -> memref<1x32xf32, #tpu.memory_space<vmem>>
      %dma_start3A_615 = arith.constant 0 : i32
      %dma_start3A_616 = tpu.memref_slice %arg2[%squeeze3A_612, %dma_start3A_615] : memref<1000000x32xf32, #tpu.memory_space<hbm>> -> memref<1x32xf32, #tpu.memory_space<hbm>>
      %dma_start3A_617 = arith.constant 0 : i32
      %dma_start3A_618 = tpu.memref_slice %arg9[%add3A_610, %dma_start3A_617] : memref<256x32xf32, #tpu.memory_space<vmem>> -> memref<1x32xf32, #tpu.memory_space<vmem>>
      %dma_start3A_619 = arith.constant 0 : i32
      %dma_start3A_620 = tpu.memref_slice %arg2[%squeeze3A_612, %dma_start3A_619] : memref<1000000x32xf32, #tpu.memory_space<hbm>> -> memref<1x32xf32, #tpu.memory_space<hbm>>
      tpu.enqueue_dma source(%dma_start3A_620 : memref<1x32xf32, #tpu.memory_space<hbm>>) target(%dma_start3A_618 : memref<1x32xf32, #tpu.memory_space<vmem>>) target_semaphore(%arg15 : memref<!tpu.dma_semaphore, #tpu.memory_space<semaphore_mem>>)
      %slice3A_621 = vector.extract_strided_slice %get3A_249 {offsets = [15], sizes = [1], strides = [1]} : vector<16xi32> to vector<1xi32>
      %squeeze3A_622 = vector.extract %slice3A_621[0] : i32 from vector<1xi32>
      %dma_start3A_623 = arith.constant 0 : i32
      %dma_start3A_624 = tpu.memref_slice %arg10[%add3A_610, %dma_start3A_623] : memref<256x32xf32, #tpu.memory_space<vmem>> -> memref<1x32xf32, #tpu.memory_space<vmem>>
      %dma_start3A_625 = arith.constant 0 : i32
      %dma_start3A_626 = tpu.memref_slice %arg3[%squeeze3A_622, %dma_start3A_625] : memref<1000000x32xf32, #tpu.memory_space<hbm>> -> memref<1x32xf32, #tpu.memory_space<hbm>>
      %dma_start3A_627 = arith.constant 0 : i32
      %dma_start3A_628 = tpu.memref_slice %arg10[%add3A_610, %dma_start3A_627] : memref<256x32xf32, #tpu.memory_space<vmem>> -> memref<1x32xf32, #tpu.memory_space<vmem>>
      %dma_start3A_629 = arith.constant 0 : i32
      %dma_start3A_630 = tpu.memref_slice %arg3[%squeeze3A_622, %dma_start3A_629] : memref<1000000x32xf32, #tpu.memory_space<hbm>> -> memref<1x32xf32, #tpu.memory_space<hbm>>
      tpu.enqueue_dma source(%dma_start3A_630 : memref<1x32xf32, #tpu.memory_space<hbm>>) target(%dma_start3A_628 : memref<1x32xf32, #tpu.memory_space<vmem>>) target_semaphore(%arg15 : memref<!tpu.dma_semaphore, #tpu.memory_space<semaphore_mem>>)
    }
    %scan3A_129 = arith.constant 16 : i32
    %dma_wait3A_130 = arith.constant 0 : i32
    %dma_wait3A_131 = arith.constant 0 : i32
    %dma_wait3A_132 = tpu.memref_slice %arg9[%dma_wait3A_130, %dma_wait3A_131] : memref<256x32xf32, #tpu.memory_space<vmem>> -> memref<64x32xf32, #tpu.memory_space<vmem>>
    %dma_wait3A_133 = arith.constant 0 : i32
    %dma_wait3A_134 = arith.constant 0 : i32
    %dma_wait3A_135 = tpu.memref_slice %arg2[%dma_wait3A_133, %dma_wait3A_134] : memref<1000000x32xf32, #tpu.memory_space<hbm>> -> memref<64x32xf32, #tpu.memory_space<hbm>>
    %dma_wait3A_136 = arith.constant 0 : i32
    %dma_wait3A_137 = arith.constant 0 : i32
    %dma_wait3A_138 = tpu.memref_slice %arg9[%dma_wait3A_136, %dma_wait3A_137] : memref<256x32xf32, #tpu.memory_space<vmem>> -> memref<64x32xf32, #tpu.memory_space<vmem>>
    %dma_wait3A_139 = arith.constant 0 : i32
    %dma_wait3A_140 = arith.constant 0 : i32
    %dma_wait3A_141 = tpu.memref_slice %arg2[%dma_wait3A_139, %dma_wait3A_140] : memref<1000000x32xf32, #tpu.memory_space<hbm>> -> memref<64x32xf32, #tpu.memory_space<hbm>>
    tpu.wait_dma2 semaphore(%arg12 : memref<!tpu.dma_semaphore, #tpu.memory_space<semaphore_mem>>) src(%dma_wait3A_141 : memref<64x32xf32, #tpu.memory_space<hbm>>) dst(%dma_wait3A_138 : memref<64x32xf32, #tpu.memory_space<vmem>>)
    %dma_wait3A_142 = arith.constant 0 : i32
    %dma_wait3A_143 = arith.constant 0 : i32
    %dma_wait3A_144 = tpu.memref_slice %arg10[%dma_wait3A_142, %dma_wait3A_143] : memref<256x32xf32, #tpu.memory_space<vmem>> -> memref<64x32xf32, #tpu.memory_space<vmem>>
    %dma_wait3A_145 = arith.constant 0 : i32
    %dma_wait3A_146 = arith.constant 0 : i32
    %dma_wait3A_147 = tpu.memref_slice %arg3[%dma_wait3A_145, %dma_wait3A_146] : memref<1000000x32xf32, #tpu.memory_space<hbm>> -> memref<64x32xf32, #tpu.memory_space<hbm>>
    %dma_wait3A_148 = arith.constant 0 : i32
    %dma_wait3A_149 = arith.constant 0 : i32
    %dma_wait3A_150 = tpu.memref_slice %arg10[%dma_wait3A_148, %dma_wait3A_149] : memref<256x32xf32, #tpu.memory_space<vmem>> -> memref<64x32xf32, #tpu.memory_space<vmem>>
    %dma_wait3A_151 = arith.constant 0 : i32
    %dma_wait3A_152 = arith.constant 0 : i32
    %dma_wait3A_153 = tpu.memref_slice %arg3[%dma_wait3A_151, %dma_wait3A_152] : memref<1000000x32xf32, #tpu.memory_space<hbm>> -> memref<64x32xf32, #tpu.memory_space<hbm>>
    tpu.wait_dma2 semaphore(%arg12 : memref<!tpu.dma_semaphore, #tpu.memory_space<semaphore_mem>>) src(%dma_wait3A_153 : memref<64x32xf32, #tpu.memory_space<hbm>>) dst(%dma_wait3A_150 : memref<64x32xf32, #tpu.memory_space<vmem>>)
    %dma_wait3A_154 = arith.constant 0 : i32
    %dma_wait3A_155 = arith.constant 0 : i32
    %dma_wait3A_156 = tpu.memref_slice %arg9[%dma_wait3A_154, %dma_wait3A_155] : memref<256x32xf32, #tpu.memory_space<vmem>> -> memref<64x32xf32, #tpu.memory_space<vmem>>
    %dma_wait3A_157 = arith.constant 0 : i32
    %dma_wait3A_158 = arith.constant 0 : i32
    %dma_wait3A_159 = tpu.memref_slice %arg2[%dma_wait3A_157, %dma_wait3A_158] : memref<1000000x32xf32, #tpu.memory_space<hbm>> -> memref<64x32xf32, #tpu.memory_space<hbm>>
    %dma_wait3A_160 = arith.constant 0 : i32
    %dma_wait3A_161 = arith.constant 0 : i32
    %dma_wait3A_162 = tpu.memref_slice %arg9[%dma_wait3A_160, %dma_wait3A_161] : memref<256x32xf32, #tpu.memory_space<vmem>> -> memref<64x32xf32, #tpu.memory_space<vmem>>
    %dma_wait3A_163 = arith.constant 0 : i32
    %dma_wait3A_164 = arith.constant 0 : i32
    %dma_wait3A_165 = tpu.memref_slice %arg2[%dma_wait3A_163, %dma_wait3A_164] : memref<1000000x32xf32, #tpu.memory_space<hbm>> -> memref<64x32xf32, #tpu.memory_space<hbm>>
    tpu.wait_dma2 semaphore(%arg13 : memref<!tpu.dma_semaphore, #tpu.memory_space<semaphore_mem>>) src(%dma_wait3A_165 : memref<64x32xf32, #tpu.memory_space<hbm>>) dst(%dma_wait3A_162 : memref<64x32xf32, #tpu.memory_space<vmem>>)
    %dma_wait3A_166 = arith.constant 0 : i32
    %dma_wait3A_167 = arith.constant 0 : i32
    %dma_wait3A_168 = tpu.memref_slice %arg10[%dma_wait3A_166, %dma_wait3A_167] : memref<256x32xf32, #tpu.memory_space<vmem>> -> memref<64x32xf32, #tpu.memory_space<vmem>>
    %dma_wait3A_169 = arith.constant 0 : i32
    %dma_wait3A_170 = arith.constant 0 : i32
    %dma_wait3A_171 = tpu.memref_slice %arg3[%dma_wait3A_169, %dma_wait3A_170] : memref<1000000x32xf32, #tpu.memory_space<hbm>> -> memref<64x32xf32, #tpu.memory_space<hbm>>
    %dma_wait3A_172 = arith.constant 0 : i32
    %dma_wait3A_173 = arith.constant 0 : i32
    %dma_wait3A_174 = tpu.memref_slice %arg10[%dma_wait3A_172, %dma_wait3A_173] : memref<256x32xf32, #tpu.memory_space<vmem>> -> memref<64x32xf32, #tpu.memory_space<vmem>>
    %dma_wait3A_175 = arith.constant 0 : i32
    %dma_wait3A_176 = arith.constant 0 : i32
    %dma_wait3A_177 = tpu.memref_slice %arg3[%dma_wait3A_175, %dma_wait3A_176] : memref<1000000x32xf32, #tpu.memory_space<hbm>> -> memref<64x32xf32, #tpu.memory_space<hbm>>
    tpu.wait_dma2 semaphore(%arg13 : memref<!tpu.dma_semaphore, #tpu.memory_space<semaphore_mem>>) src(%dma_wait3A_177 : memref<64x32xf32, #tpu.memory_space<hbm>>) dst(%dma_wait3A_174 : memref<64x32xf32, #tpu.memory_space<vmem>>)
    %dma_wait3A_178 = arith.constant 0 : i32
    %dma_wait3A_179 = arith.constant 0 : i32
    %dma_wait3A_180 = tpu.memref_slice %arg9[%dma_wait3A_178, %dma_wait3A_179] : memref<256x32xf32, #tpu.memory_space<vmem>> -> memref<64x32xf32, #tpu.memory_space<vmem>>
    %dma_wait3A_181 = arith.constant 0 : i32
    %dma_wait3A_182 = arith.constant 0 : i32
    %dma_wait3A_183 = tpu.memref_slice %arg2[%dma_wait3A_181, %dma_wait3A_182] : memref<1000000x32xf32, #tpu.memory_space<hbm>> -> memref<64x32xf32, #tpu.memory_space<hbm>>
    %dma_wait3A_184 = arith.constant 0 : i32
    %dma_wait3A_185 = arith.constant 0 : i32
    %dma_wait3A_186 = tpu.memref_slice %arg9[%dma_wait3A_184, %dma_wait3A_185] : memref<256x32xf32, #tpu.memory_space<vmem>> -> memref<64x32xf32, #tpu.memory_space<vmem>>
    %dma_wait3A_187 = arith.constant 0 : i32
    %dma_wait3A_188 = arith.constant 0 : i32
    %dma_wait3A_189 = tpu.memref_slice %arg2[%dma_wait3A_187, %dma_wait3A_188] : memref<1000000x32xf32, #tpu.memory_space<hbm>> -> memref<64x32xf32, #tpu.memory_space<hbm>>
    tpu.wait_dma2 semaphore(%arg14 : memref<!tpu.dma_semaphore, #tpu.memory_space<semaphore_mem>>) src(%dma_wait3A_189 : memref<64x32xf32, #tpu.memory_space<hbm>>) dst(%dma_wait3A_186 : memref<64x32xf32, #tpu.memory_space<vmem>>)
    %dma_wait3A_190 = arith.constant 0 : i32
    %dma_wait3A_191 = arith.constant 0 : i32
    %dma_wait3A_192 = tpu.memref_slice %arg10[%dma_wait3A_190, %dma_wait3A_191] : memref<256x32xf32, #tpu.memory_space<vmem>> -> memref<64x32xf32, #tpu.memory_space<vmem>>
    %dma_wait3A_193 = arith.constant 0 : i32
    %dma_wait3A_194 = arith.constant 0 : i32
    %dma_wait3A_195 = tpu.memref_slice %arg3[%dma_wait3A_193, %dma_wait3A_194] : memref<1000000x32xf32, #tpu.memory_space<hbm>> -> memref<64x32xf32, #tpu.memory_space<hbm>>
    %dma_wait3A_196 = arith.constant 0 : i32
    %dma_wait3A_197 = arith.constant 0 : i32
    %dma_wait3A_198 = tpu.memref_slice %arg10[%dma_wait3A_196, %dma_wait3A_197] : memref<256x32xf32, #tpu.memory_space<vmem>> -> memref<64x32xf32, #tpu.memory_space<vmem>>
    %dma_wait3A_199 = arith.constant 0 : i32
    %dma_wait3A_200 = arith.constant 0 : i32
    %dma_wait3A_201 = tpu.memref_slice %arg3[%dma_wait3A_199, %dma_wait3A_200] : memref<1000000x32xf32, #tpu.memory_space<hbm>> -> memref<64x32xf32, #tpu.memory_space<hbm>>
    tpu.wait_dma2 semaphore(%arg14 : memref<!tpu.dma_semaphore, #tpu.memory_space<semaphore_mem>>) src(%dma_wait3A_201 : memref<64x32xf32, #tpu.memory_space<hbm>>) dst(%dma_wait3A_198 : memref<64x32xf32, #tpu.memory_space<vmem>>)
    %dma_wait3A_202 = arith.constant 0 : i32
    %dma_wait3A_203 = arith.constant 0 : i32
    %dma_wait3A_204 = tpu.memref_slice %arg9[%dma_wait3A_202, %dma_wait3A_203] : memref<256x32xf32, #tpu.memory_space<vmem>> -> memref<64x32xf32, #tpu.memory_space<vmem>>
    %dma_wait3A_205 = arith.constant 0 : i32
    %dma_wait3A_206 = arith.constant 0 : i32
    %dma_wait3A_207 = tpu.memref_slice %arg2[%dma_wait3A_205, %dma_wait3A_206] : memref<1000000x32xf32, #tpu.memory_space<hbm>> -> memref<64x32xf32, #tpu.memory_space<hbm>>
    %dma_wait3A_208 = arith.constant 0 : i32
    %dma_wait3A_209 = arith.constant 0 : i32
    %dma_wait3A_210 = tpu.memref_slice %arg9[%dma_wait3A_208, %dma_wait3A_209] : memref<256x32xf32, #tpu.memory_space<vmem>> -> memref<64x32xf32, #tpu.memory_space<vmem>>
    %dma_wait3A_211 = arith.constant 0 : i32
    %dma_wait3A_212 = arith.constant 0 : i32
    %dma_wait3A_213 = tpu.memref_slice %arg2[%dma_wait3A_211, %dma_wait3A_212] : memref<1000000x32xf32, #tpu.memory_space<hbm>> -> memref<64x32xf32, #tpu.memory_space<hbm>>
    tpu.wait_dma2 semaphore(%arg15 : memref<!tpu.dma_semaphore, #tpu.memory_space<semaphore_mem>>) src(%dma_wait3A_213 : memref<64x32xf32, #tpu.memory_space<hbm>>) dst(%dma_wait3A_210 : memref<64x32xf32, #tpu.memory_space<vmem>>)
    %dma_wait3A_214 = arith.constant 0 : i32
    %dma_wait3A_215 = arith.constant 0 : i32
    %dma_wait3A_216 = tpu.memref_slice %arg10[%dma_wait3A_214, %dma_wait3A_215] : memref<256x32xf32, #tpu.memory_space<vmem>> -> memref<64x32xf32, #tpu.memory_space<vmem>>
    %dma_wait3A_217 = arith.constant 0 : i32
    %dma_wait3A_218 = arith.constant 0 : i32
    %dma_wait3A_219 = tpu.memref_slice %arg3[%dma_wait3A_217, %dma_wait3A_218] : memref<1000000x32xf32, #tpu.memory_space<hbm>> -> memref<64x32xf32, #tpu.memory_space<hbm>>
    %dma_wait3A_220 = arith.constant 0 : i32
    %dma_wait3A_221 = arith.constant 0 : i32
    %dma_wait3A_222 = tpu.memref_slice %arg10[%dma_wait3A_220, %dma_wait3A_221] : memref<256x32xf32, #tpu.memory_space<vmem>> -> memref<64x32xf32, #tpu.memory_space<vmem>>
    %dma_wait3A_223 = arith.constant 0 : i32
    %dma_wait3A_224 = arith.constant 0 : i32
    %dma_wait3A_225 = tpu.memref_slice %arg3[%dma_wait3A_223, %dma_wait3A_224] : memref<1000000x32xf32, #tpu.memory_space<hbm>> -> memref<64x32xf32, #tpu.memory_space<hbm>>
    tpu.wait_dma2 semaphore(%arg15 : memref<!tpu.dma_semaphore, #tpu.memory_space<semaphore_mem>>) src(%dma_wait3A_225 : memref<64x32xf32, #tpu.memory_space<hbm>>) dst(%dma_wait3A_222 : memref<64x32xf32, #tpu.memory_space<vmem>>)
    %scan3A_226 = arith.constant 0 : i32
    %scan3A_227 = arith.constant 0 : i32
    %scan3A_228 = arith.constant 16 : i32
    %scan3A_229 = arith.addi %scan3A_227, %scan3A_228 : i32
    %scan3A_230 = arith.constant 1 : i32
    scf.for %scan3A_232 = %scan3A_227 to %scan3A_229 step %scan3A_230  : i32 {
      %mul3A_233 = arith.constant 16 : i32
      %mul3A_234 = arith.muli %scan3A_232, %mul3A_233 : i32
      %add3A_235 = vector.broadcast %mul3A_234 : i32 to vector<16xi32>
      %add3A_236 = arith.addi %add3A_235, %iota3A : vector<16xi32>
      %broadcast_in_dim3A = arith.constant 0.000000e+00 : f32
      %broadcast_in_dim3A_237 = vector.broadcast %broadcast_in_dim3A : f32 to vector<16xf32>
      %broadcast_in_dim3A_238 = arith.constant 0 : i32
      %broadcast_in_dim3A_239 = vector.broadcast %broadcast_in_dim3A_238 : i32 to vector<16xi32>
      %gather3A = tpu.vector_load_idx %arg9[%add3A_236, %broadcast_in_dim3A_239] : memref<256x32xf32, #tpu.memory_space<vmem>>[vector<16xi32>, vector<16xi32>], vector<16xf32>,
      %gather3A_240 = tpu.vector_load_idx %arg10[%add3A_236, %broadcast_in_dim3A_239] : memref<256x32xf32, #tpu.memory_space<vmem>>[vector<16xi32>, vector<16xi32>], vector<16xf32>,
      %mul3A_241 = arith.mulf %gather3A, %gather3A_240 : vector<16xf32>
      %add3A_242 = arith.addf %broadcast_in_dim3A_237, %mul3A_241 : vector<16xf32>
      %broadcast_in_dim3A_243 = arith.constant 1 : i32
      %broadcast_in_dim3A_244 = vector.broadcast %broadcast_in_dim3A_243 : i32 to vector<16xi32>
      %gather3A_245 = tpu.vector_load_idx %arg9[%add3A_236, %broadcast_in_dim3A_244] : memref<256x32xf32, #tpu.memory_space<vmem>>[vector<16xi32>, vector<16xi32>], vector<16xf32>,
      %gather3A_246 = tpu.vector_load_idx %arg10[%add3A_236, %broadcast_in_dim3A_244] : memref<256x32xf32, #tpu.memory_space<vmem>>[vector<16xi32>, vector<16xi32>], vector<16xf32>,
      %mul3A_247 = arith.mulf %gather3A_245, %gather3A_246 : vector<16xf32>
      %add3A_248 = arith.addf %add3A_242, %mul3A_247 : vector<16xf32>
      %broadcast_in_dim3A_249 = arith.constant 2 : i32
      %broadcast_in_dim3A_250 = vector.broadcast %broadcast_in_dim3A_249 : i32 to vector<16xi32>
      %gather3A_251 = tpu.vector_load_idx %arg9[%add3A_236, %broadcast_in_dim3A_250] : memref<256x32xf32, #tpu.memory_space<vmem>>[vector<16xi32>, vector<16xi32>], vector<16xf32>,
      %gather3A_252 = tpu.vector_load_idx %arg10[%add3A_236, %broadcast_in_dim3A_250] : memref<256x32xf32, #tpu.memory_space<vmem>>[vector<16xi32>, vector<16xi32>], vector<16xf32>,
      %mul3A_253 = arith.mulf %gather3A_251, %gather3A_252 : vector<16xf32>
      %add3A_254 = arith.addf %add3A_248, %mul3A_253 : vector<16xf32>
      %broadcast_in_dim3A_255 = arith.constant 3 : i32
      %broadcast_in_dim3A_256 = vector.broadcast %broadcast_in_dim3A_255 : i32 to vector<16xi32>
      %gather3A_257 = tpu.vector_load_idx %arg9[%add3A_236, %broadcast_in_dim3A_256] : memref<256x32xf32, #tpu.memory_space<vmem>>[vector<16xi32>, vector<16xi32>], vector<16xf32>,
      %gather3A_258 = tpu.vector_load_idx %arg10[%add3A_236, %broadcast_in_dim3A_256] : memref<256x32xf32, #tpu.memory_space<vmem>>[vector<16xi32>, vector<16xi32>], vector<16xf32>,
      %mul3A_259 = arith.mulf %gather3A_257, %gather3A_258 : vector<16xf32>
      %add3A_260 = arith.addf %add3A_254, %mul3A_259 : vector<16xf32>
      %broadcast_in_dim3A_261 = arith.constant 4 : i32
      %broadcast_in_dim3A_262 = vector.broadcast %broadcast_in_dim3A_261 : i32 to vector<16xi32>
      %gather3A_263 = tpu.vector_load_idx %arg9[%add3A_236, %broadcast_in_dim3A_262] : memref<256x32xf32, #tpu.memory_space<vmem>>[vector<16xi32>, vector<16xi32>], vector<16xf32>,
      %gather3A_264 = tpu.vector_load_idx %arg10[%add3A_236, %broadcast_in_dim3A_262] : memref<256x32xf32, #tpu.memory_space<vmem>>[vector<16xi32>, vector<16xi32>], vector<16xf32>,
      %mul3A_265 = arith.mulf %gather3A_263, %gather3A_264 : vector<16xf32>
      %add3A_266 = arith.addf %add3A_260, %mul3A_265 : vector<16xf32>
      %broadcast_in_dim3A_267 = arith.constant 5 : i32
      %broadcast_in_dim3A_268 = vector.broadcast %broadcast_in_dim3A_267 : i32 to vector<16xi32>
      %gather3A_269 = tpu.vector_load_idx %arg9[%add3A_236, %broadcast_in_dim3A_268] : memref<256x32xf32, #tpu.memory_space<vmem>>[vector<16xi32>, vector<16xi32>], vector<16xf32>,
      %gather3A_270 = tpu.vector_load_idx %arg10[%add3A_236, %broadcast_in_dim3A_268] : memref<256x32xf32, #tpu.memory_space<vmem>>[vector<16xi32>, vector<16xi32>], vector<16xf32>,
      %mul3A_271 = arith.mulf %gather3A_269, %gather3A_270 : vector<16xf32>
      %add3A_272 = arith.addf %add3A_266, %mul3A_271 : vector<16xf32>
      %broadcast_in_dim3A_273 = arith.constant 6 : i32
      %broadcast_in_dim3A_274 = vector.broadcast %broadcast_in_dim3A_273 : i32 to vector<16xi32>
      %gather3A_275 = tpu.vector_load_idx %arg9[%add3A_236, %broadcast_in_dim3A_274] : memref<256x32xf32, #tpu.memory_space<vmem>>[vector<16xi32>, vector<16xi32>], vector<16xf32>,
      %gather3A_276 = tpu.vector_load_idx %arg10[%add3A_236, %broadcast_in_dim3A_274] : memref<256x32xf32, #tpu.memory_space<vmem>>[vector<16xi32>, vector<16xi32>], vector<16xf32>,
      %mul3A_277 = arith.mulf %gather3A_275, %gather3A_276 : vector<16xf32>
      %add3A_278 = arith.addf %add3A_272, %mul3A_277 : vector<16xf32>
      %broadcast_in_dim3A_279 = arith.constant 7 : i32
      %broadcast_in_dim3A_280 = vector.broadcast %broadcast_in_dim3A_279 : i32 to vector<16xi32>
      %gather3A_281 = tpu.vector_load_idx %arg9[%add3A_236, %broadcast_in_dim3A_280] : memref<256x32xf32, #tpu.memory_space<vmem>>[vector<16xi32>, vector<16xi32>], vector<16xf32>,
      %gather3A_282 = tpu.vector_load_idx %arg10[%add3A_236, %broadcast_in_dim3A_280] : memref<256x32xf32, #tpu.memory_space<vmem>>[vector<16xi32>, vector<16xi32>], vector<16xf32>,
      %mul3A_283 = arith.mulf %gather3A_281, %gather3A_282 : vector<16xf32>
      %add3A_284 = arith.addf %add3A_278, %mul3A_283 : vector<16xf32>
      %broadcast_in_dim3A_285 = arith.constant 8 : i32
      %broadcast_in_dim3A_286 = vector.broadcast %broadcast_in_dim3A_285 : i32 to vector<16xi32>
      %gather3A_287 = tpu.vector_load_idx %arg9[%add3A_236, %broadcast_in_dim3A_286] : memref<256x32xf32, #tpu.memory_space<vmem>>[vector<16xi32>, vector<16xi32>], vector<16xf32>,
      %gather3A_288 = tpu.vector_load_idx %arg10[%add3A_236, %broadcast_in_dim3A_286] : memref<256x32xf32, #tpu.memory_space<vmem>>[vector<16xi32>, vector<16xi32>], vector<16xf32>,
      %mul3A_289 = arith.mulf %gather3A_287, %gather3A_288 : vector<16xf32>
      %add3A_290 = arith.addf %add3A_284, %mul3A_289 : vector<16xf32>
      %broadcast_in_dim3A_291 = arith.constant 9 : i32
      %broadcast_in_dim3A_292 = vector.broadcast %broadcast_in_dim3A_291 : i32 to vector<16xi32>
      %gather3A_293 = tpu.vector_load_idx %arg9[%add3A_236, %broadcast_in_dim3A_292] : memref<256x32xf32, #tpu.memory_space<vmem>>[vector<16xi32>, vector<16xi32>], vector<16xf32>,
      %gather3A_294 = tpu.vector_load_idx %arg10[%add3A_236, %broadcast_in_dim3A_292] : memref<256x32xf32, #tpu.memory_space<vmem>>[vector<16xi32>, vector<16xi32>], vector<16xf32>,
      %mul3A_295 = arith.mulf %gather3A_293, %gather3A_294 : vector<16xf32>
      %add3A_296 = arith.addf %add3A_290, %mul3A_295 : vector<16xf32>
      %broadcast_in_dim3A_297 = arith.constant 10 : i32
      %broadcast_in_dim3A_298 = vector.broadcast %broadcast_in_dim3A_297 : i32 to vector<16xi32>
      %gather3A_299 = tpu.vector_load_idx %arg9[%add3A_236, %broadcast_in_dim3A_298] : memref<256x32xf32, #tpu.memory_space<vmem>>[vector<16xi32>, vector<16xi32>], vector<16xf32>,
      %gather3A_300 = tpu.vector_load_idx %arg10[%add3A_236, %broadcast_in_dim3A_298] : memref<256x32xf32, #tpu.memory_space<vmem>>[vector<16xi32>, vector<16xi32>], vector<16xf32>,
      %mul3A_301 = arith.mulf %gather3A_299, %gather3A_300 : vector<16xf32>
      %add3A_302 = arith.addf %add3A_296, %mul3A_301 : vector<16xf32>
      %broadcast_in_dim3A_303 = arith.constant 11 : i32
      %broadcast_in_dim3A_304 = vector.broadcast %broadcast_in_dim3A_303 : i32 to vector<16xi32>
      %gather3A_305 = tpu.vector_load_idx %arg9[%add3A_236, %broadcast_in_dim3A_304] : memref<256x32xf32, #tpu.memory_space<vmem>>[vector<16xi32>, vector<16xi32>], vector<16xf32>,
      %gather3A_306 = tpu.vector_load_idx %arg10[%add3A_236, %broadcast_in_dim3A_304] : memref<256x32xf32, #tpu.memory_space<vmem>>[vector<16xi32>, vector<16xi32>], vector<16xf32>,
      %mul3A_307 = arith.mulf %gather3A_305, %gather3A_306 : vector<16xf32>
      %add3A_308 = arith.addf %add3A_302, %mul3A_307 : vector<16xf32>
      %broadcast_in_dim3A_309 = arith.constant 12 : i32
      %broadcast_in_dim3A_310 = vector.broadcast %broadcast_in_dim3A_309 : i32 to vector<16xi32>
      %gather3A_311 = tpu.vector_load_idx %arg9[%add3A_236, %broadcast_in_dim3A_310] : memref<256x32xf32, #tpu.memory_space<vmem>>[vector<16xi32>, vector<16xi32>], vector<16xf32>,
      %gather3A_312 = tpu.vector_load_idx %arg10[%add3A_236, %broadcast_in_dim3A_310] : memref<256x32xf32, #tpu.memory_space<vmem>>[vector<16xi32>, vector<16xi32>], vector<16xf32>,
      %mul3A_313 = arith.mulf %gather3A_311, %gather3A_312 : vector<16xf32>
      %add3A_314 = arith.addf %add3A_308, %mul3A_313 : vector<16xf32>
      %broadcast_in_dim3A_315 = arith.constant 13 : i32
      %broadcast_in_dim3A_316 = vector.broadcast %broadcast_in_dim3A_315 : i32 to vector<16xi32>
      %gather3A_317 = tpu.vector_load_idx %arg9[%add3A_236, %broadcast_in_dim3A_316] : memref<256x32xf32, #tpu.memory_space<vmem>>[vector<16xi32>, vector<16xi32>], vector<16xf32>,
      %gather3A_318 = tpu.vector_load_idx %arg10[%add3A_236, %broadcast_in_dim3A_316] : memref<256x32xf32, #tpu.memory_space<vmem>>[vector<16xi32>, vector<16xi32>], vector<16xf32>,
      %mul3A_319 = arith.mulf %gather3A_317, %gather3A_318 : vector<16xf32>
      %add3A_320 = arith.addf %add3A_314, %mul3A_319 : vector<16xf32>
      %broadcast_in_dim3A_321 = arith.constant 14 : i32
      %broadcast_in_dim3A_322 = vector.broadcast %broadcast_in_dim3A_321 : i32 to vector<16xi32>
      %gather3A_323 = tpu.vector_load_idx %arg9[%add3A_236, %broadcast_in_dim3A_322] : memref<256x32xf32, #tpu.memory_space<vmem>>[vector<16xi32>, vector<16xi32>], vector<16xf32>,
      %gather3A_324 = tpu.vector_load_idx %arg10[%add3A_236, %broadcast_in_dim3A_322] : memref<256x32xf32, #tpu.memory_space<vmem>>[vector<16xi32>, vector<16xi32>], vector<16xf32>,
      %mul3A_325 = arith.mulf %gather3A_323, %gather3A_324 : vector<16xf32>
      %add3A_326 = arith.addf %add3A_320, %mul3A_325 : vector<16xf32>
      %broadcast_in_dim3A_327 = arith.constant 15 : i32
      %broadcast_in_dim3A_328 = vector.broadcast %broadcast_in_dim3A_327 : i32 to vector<16xi32>
      %gather3A_329 = tpu.vector_load_idx %arg9[%add3A_236, %broadcast_in_dim3A_328] : memref<256x32xf32, #tpu.memory_space<vmem>>[vector<16xi32>, vector<16xi32>], vector<16xf32>,
      %gather3A_330 = tpu.vector_load_idx %arg10[%add3A_236, %broadcast_in_dim3A_328] : memref<256x32xf32, #tpu.memory_space<vmem>>[vector<16xi32>, vector<16xi32>], vector<16xf32>,
      %mul3A_331 = arith.mulf %gather3A_329, %gather3A_330 : vector<16xf32>
      %add3A_332 = arith.addf %add3A_326, %mul3A_331 : vector<16xf32>
      %broadcast_in_dim3A_333 = arith.constant 16 : i32
      %broadcast_in_dim3A_334 = vector.broadcast %broadcast_in_dim3A_333 : i32 to vector<16xi32>
      %gather3A_335 = tpu.vector_load_idx %arg9[%add3A_236, %broadcast_in_dim3A_334] : memref<256x32xf32, #tpu.memory_space<vmem>>[vector<16xi32>, vector<16xi32>], vector<16xf32>,
      %gather3A_336 = tpu.vector_load_idx %arg10[%add3A_236, %broadcast_in_dim3A_334] : memref<256x32xf32, #tpu.memory_space<vmem>>[vector<16xi32>, vector<16xi32>], vector<16xf32>,
      %mul3A_337 = arith.mulf %gather3A_335, %gather3A_336 : vector<16xf32>
      %add3A_338 = arith.addf %add3A_332, %mul3A_337 : vector<16xf32>
      %broadcast_in_dim3A_339 = arith.constant 17 : i32
      %broadcast_in_dim3A_340 = vector.broadcast %broadcast_in_dim3A_339 : i32 to vector<16xi32>
      %gather3A_341 = tpu.vector_load_idx %arg9[%add3A_236, %broadcast_in_dim3A_340] : memref<256x32xf32, #tpu.memory_space<vmem>>[vector<16xi32>, vector<16xi32>], vector<16xf32>,
      %gather3A_342 = tpu.vector_load_idx %arg10[%add3A_236, %broadcast_in_dim3A_340] : memref<256x32xf32, #tpu.memory_space<vmem>>[vector<16xi32>, vector<16xi32>], vector<16xf32>,
      %mul3A_343 = arith.mulf %gather3A_341, %gather3A_342 : vector<16xf32>
      %add3A_344 = arith.addf %add3A_338, %mul3A_343 : vector<16xf32>
      %broadcast_in_dim3A_345 = arith.constant 18 : i32
      %broadcast_in_dim3A_346 = vector.broadcast %broadcast_in_dim3A_345 : i32 to vector<16xi32>
      %gather3A_347 = tpu.vector_load_idx %arg9[%add3A_236, %broadcast_in_dim3A_346] : memref<256x32xf32, #tpu.memory_space<vmem>>[vector<16xi32>, vector<16xi32>], vector<16xf32>,
      %gather3A_348 = tpu.vector_load_idx %arg10[%add3A_236, %broadcast_in_dim3A_346] : memref<256x32xf32, #tpu.memory_space<vmem>>[vector<16xi32>, vector<16xi32>], vector<16xf32>,
      %mul3A_349 = arith.mulf %gather3A_347, %gather3A_348 : vector<16xf32>
      %add3A_350 = arith.addf %add3A_344, %mul3A_349 : vector<16xf32>
      %broadcast_in_dim3A_351 = arith.constant 19 : i32
      %broadcast_in_dim3A_352 = vector.broadcast %broadcast_in_dim3A_351 : i32 to vector<16xi32>
      %gather3A_353 = tpu.vector_load_idx %arg9[%add3A_236, %broadcast_in_dim3A_352] : memref<256x32xf32, #tpu.memory_space<vmem>>[vector<16xi32>, vector<16xi32>], vector<16xf32>,
      %gather3A_354 = tpu.vector_load_idx %arg10[%add3A_236, %broadcast_in_dim3A_352] : memref<256x32xf32, #tpu.memory_space<vmem>>[vector<16xi32>, vector<16xi32>], vector<16xf32>,
      %mul3A_355 = arith.mulf %gather3A_353, %gather3A_354 : vector<16xf32>
      %add3A_356 = arith.addf %add3A_350, %mul3A_355 : vector<16xf32>
      %broadcast_in_dim3A_357 = arith.constant 20 : i32
      %broadcast_in_dim3A_358 = vector.broadcast %broadcast_in_dim3A_357 : i32 to vector<16xi32>
      %gather3A_359 = tpu.vector_load_idx %arg9[%add3A_236, %broadcast_in_dim3A_358] : memref<256x32xf32, #tpu.memory_space<vmem>>[vector<16xi32>, vector<16xi32>], vector<16xf32>,
      %gather3A_360 = tpu.vector_load_idx %arg10[%add3A_236, %broadcast_in_dim3A_358] : memref<256x32xf32, #tpu.memory_space<vmem>>[vector<16xi32>, vector<16xi32>], vector<16xf32>,
      %mul3A_361 = arith.mulf %gather3A_359, %gather3A_360 : vector<16xf32>
      %add3A_362 = arith.addf %add3A_356, %mul3A_361 : vector<16xf32>
      %broadcast_in_dim3A_363 = arith.constant 21 : i32
      %broadcast_in_dim3A_364 = vector.broadcast %broadcast_in_dim3A_363 : i32 to vector<16xi32>
      %gather3A_365 = tpu.vector_load_idx %arg9[%add3A_236, %broadcast_in_dim3A_364] : memref<256x32xf32, #tpu.memory_space<vmem>>[vector<16xi32>, vector<16xi32>], vector<16xf32>,
      %gather3A_366 = tpu.vector_load_idx %arg10[%add3A_236, %broadcast_in_dim3A_364] : memref<256x32xf32, #tpu.memory_space<vmem>>[vector<16xi32>, vector<16xi32>], vector<16xf32>,
      %mul3A_367 = arith.mulf %gather3A_365, %gather3A_366 : vector<16xf32>
      %add3A_368 = arith.addf %add3A_362, %mul3A_367 : vector<16xf32>
      %broadcast_in_dim3A_369 = arith.constant 22 : i32
      %broadcast_in_dim3A_370 = vector.broadcast %broadcast_in_dim3A_369 : i32 to vector<16xi32>
      %gather3A_371 = tpu.vector_load_idx %arg9[%add3A_236, %broadcast_in_dim3A_370] : memref<256x32xf32, #tpu.memory_space<vmem>>[vector<16xi32>, vector<16xi32>], vector<16xf32>,
      %gather3A_372 = tpu.vector_load_idx %arg10[%add3A_236, %broadcast_in_dim3A_370] : memref<256x32xf32, #tpu.memory_space<vmem>>[vector<16xi32>, vector<16xi32>], vector<16xf32>,
      %mul3A_373 = arith.mulf %gather3A_371, %gather3A_372 : vector<16xf32>
      %add3A_374 = arith.addf %add3A_368, %mul3A_373 : vector<16xf32>
      %broadcast_in_dim3A_375 = arith.constant 23 : i32
      %broadcast_in_dim3A_376 = vector.broadcast %broadcast_in_dim3A_375 : i32 to vector<16xi32>
      %gather3A_377 = tpu.vector_load_idx %arg9[%add3A_236, %broadcast_in_dim3A_376] : memref<256x32xf32, #tpu.memory_space<vmem>>[vector<16xi32>, vector<16xi32>], vector<16xf32>,
      %gather3A_378 = tpu.vector_load_idx %arg10[%add3A_236, %broadcast_in_dim3A_376] : memref<256x32xf32, #tpu.memory_space<vmem>>[vector<16xi32>, vector<16xi32>], vector<16xf32>,
      %mul3A_379 = arith.mulf %gather3A_377, %gather3A_378 : vector<16xf32>
      %add3A_380 = arith.addf %add3A_374, %mul3A_379 : vector<16xf32>
      %broadcast_in_dim3A_381 = arith.constant 24 : i32
      %broadcast_in_dim3A_382 = vector.broadcast %broadcast_in_dim3A_381 : i32 to vector<16xi32>
      %gather3A_383 = tpu.vector_load_idx %arg9[%add3A_236, %broadcast_in_dim3A_382] : memref<256x32xf32, #tpu.memory_space<vmem>>[vector<16xi32>, vector<16xi32>], vector<16xf32>,
      %gather3A_384 = tpu.vector_load_idx %arg10[%add3A_236, %broadcast_in_dim3A_382] : memref<256x32xf32, #tpu.memory_space<vmem>>[vector<16xi32>, vector<16xi32>], vector<16xf32>,
      %mul3A_385 = arith.mulf %gather3A_383, %gather3A_384 : vector<16xf32>
      %add3A_386 = arith.addf %add3A_380, %mul3A_385 : vector<16xf32>
      %broadcast_in_dim3A_387 = arith.constant 25 : i32
      %broadcast_in_dim3A_388 = vector.broadcast %broadcast_in_dim3A_387 : i32 to vector<16xi32>
      %gather3A_389 = tpu.vector_load_idx %arg9[%add3A_236, %broadcast_in_dim3A_388] : memref<256x32xf32, #tpu.memory_space<vmem>>[vector<16xi32>, vector<16xi32>], vector<16xf32>,
      %gather3A_390 = tpu.vector_load_idx %arg10[%add3A_236, %broadcast_in_dim3A_388] : memref<256x32xf32, #tpu.memory_space<vmem>>[vector<16xi32>, vector<16xi32>], vector<16xf32>,
      %mul3A_391 = arith.mulf %gather3A_389, %gather3A_390 : vector<16xf32>
      %add3A_392 = arith.addf %add3A_386, %mul3A_391 : vector<16xf32>
      %broadcast_in_dim3A_393 = arith.constant 26 : i32
      %broadcast_in_dim3A_394 = vector.broadcast %broadcast_in_dim3A_393 : i32 to vector<16xi32>
      %gather3A_395 = tpu.vector_load_idx %arg9[%add3A_236, %broadcast_in_dim3A_394] : memref<256x32xf32, #tpu.memory_space<vmem>>[vector<16xi32>, vector<16xi32>], vector<16xf32>,
      %gather3A_396 = tpu.vector_load_idx %arg10[%add3A_236, %broadcast_in_dim3A_394] : memref<256x32xf32, #tpu.memory_space<vmem>>[vector<16xi32>, vector<16xi32>], vector<16xf32>,
      %mul3A_397 = arith.mulf %gather3A_395, %gather3A_396 : vector<16xf32>
      %add3A_398 = arith.addf %add3A_392, %mul3A_397 : vector<16xf32>
      %broadcast_in_dim3A_399 = arith.constant 27 : i32
      %broadcast_in_dim3A_400 = vector.broadcast %broadcast_in_dim3A_399 : i32 to vector<16xi32>
      %gather3A_401 = tpu.vector_load_idx %arg9[%add3A_236, %broadcast_in_dim3A_400] : memref<256x32xf32, #tpu.memory_space<vmem>>[vector<16xi32>, vector<16xi32>], vector<16xf32>,
      %gather3A_402 = tpu.vector_load_idx %arg10[%add3A_236, %broadcast_in_dim3A_400] : memref<256x32xf32, #tpu.memory_space<vmem>>[vector<16xi32>, vector<16xi32>], vector<16xf32>,
      %mul3A_403 = arith.mulf %gather3A_401, %gather3A_402 : vector<16xf32>
      %add3A_404 = arith.addf %add3A_398, %mul3A_403 : vector<16xf32>
      %broadcast_in_dim3A_405 = arith.constant 28 : i32
      %broadcast_in_dim3A_406 = vector.broadcast %broadcast_in_dim3A_405 : i32 to vector<16xi32>
      %gather3A_407 = tpu.vector_load_idx %arg9[%add3A_236, %broadcast_in_dim3A_406] : memref<256x32xf32, #tpu.memory_space<vmem>>[vector<16xi32>, vector<16xi32>], vector<16xf32>,
      %gather3A_408 = tpu.vector_load_idx %arg10[%add3A_236, %broadcast_in_dim3A_406] : memref<256x32xf32, #tpu.memory_space<vmem>>[vector<16xi32>, vector<16xi32>], vector<16xf32>,
      %mul3A_409 = arith.mulf %gather3A_407, %gather3A_408 : vector<16xf32>
      %add3A_410 = arith.addf %add3A_404, %mul3A_409 : vector<16xf32>
      %broadcast_in_dim3A_411 = arith.constant 29 : i32
      %broadcast_in_dim3A_412 = vector.broadcast %broadcast_in_dim3A_411 : i32 to vector<16xi32>
      %gather3A_413 = tpu.vector_load_idx %arg9[%add3A_236, %broadcast_in_dim3A_412] : memref<256x32xf32, #tpu.memory_space<vmem>>[vector<16xi32>, vector<16xi32>], vector<16xf32>,
      %gather3A_414 = tpu.vector_load_idx %arg10[%add3A_236, %broadcast_in_dim3A_412] : memref<256x32xf32, #tpu.memory_space<vmem>>[vector<16xi32>, vector<16xi32>], vector<16xf32>,
      %mul3A_415 = arith.mulf %gather3A_413, %gather3A_414 : vector<16xf32>
      %add3A_416 = arith.addf %add3A_410, %mul3A_415 : vector<16xf32>
      %broadcast_in_dim3A_417 = arith.constant 30 : i32
      %broadcast_in_dim3A_418 = vector.broadcast %broadcast_in_dim3A_417 : i32 to vector<16xi32>
      %gather3A_419 = tpu.vector_load_idx %arg9[%add3A_236, %broadcast_in_dim3A_418] : memref<256x32xf32, #tpu.memory_space<vmem>>[vector<16xi32>, vector<16xi32>], vector<16xf32>,
      %gather3A_420 = tpu.vector_load_idx %arg10[%add3A_236, %broadcast_in_dim3A_418] : memref<256x32xf32, #tpu.memory_space<vmem>>[vector<16xi32>, vector<16xi32>], vector<16xf32>,
      %mul3A_421 = arith.mulf %gather3A_419, %gather3A_420 : vector<16xf32>
      %add3A_422 = arith.addf %add3A_416, %mul3A_421 : vector<16xf32>
      %broadcast_in_dim3A_423 = arith.constant 31 : i32
      %broadcast_in_dim3A_424 = vector.broadcast %broadcast_in_dim3A_423 : i32 to vector<16xi32>
      %gather3A_425 = tpu.vector_load_idx %arg9[%add3A_236, %broadcast_in_dim3A_424] : memref<256x32xf32, #tpu.memory_space<vmem>>[vector<16xi32>, vector<16xi32>], vector<16xf32>,
      %gather3A_426 = tpu.vector_load_idx %arg10[%add3A_236, %broadcast_in_dim3A_424] : memref<256x32xf32, #tpu.memory_space<vmem>>[vector<16xi32>, vector<16xi32>], vector<16xf32>,
      %mul3A_427 = arith.mulf %gather3A_425, %gather3A_426 : vector<16xf32>
      %add3A_428 = arith.addf %add3A_422, %mul3A_427 : vector<16xf32>
      %add3A_429 = arith.constant 16 : i32
      %add3A_430 = arith.addi %scan3A_232, %add3A_429 : i32
      %mul3A_431 = arith.constant 16 : i32
      %mul3A_432 = arith.muli %add3A_430, %mul3A_431 : i32
      %swap3A = arith.index_cast %mul3A_432 : i32 to index
      %swap3A_433 = tpu.vector_load %arg11[%swap3A] {strides = array<i32>} : memref<512xf32, #tpu.memory_space<vmem>>, vector<16xf32>,
      tpu.vector_store %arg11[%swap3A], %add3A_428 {strides = array<i32>} : memref<512xf32, #tpu.memory_space<vmem>>, vector<16xf32>,
    }
    %scan3A_231 = arith.constant 16 : i32
    "tpu.region"() ({
      %run_scoped3A_232 = tpu.sem_alloc : memref<!tpu.dma_semaphore, #tpu.memory_space<semaphore_mem>>
      %dma_start3A = tpu.memref_slice %arg6[%mul3A_2] : memref<16384xf32, #tpu.memory_space<hbm>> -> memref<512xf32, #tpu.memory_space<hbm>>
      %dma_start3A_233 = tpu.memref_slice %arg6[%mul3A_2] : memref<16384xf32, #tpu.memory_space<hbm>> -> memref<512xf32, #tpu.memory_space<hbm>>
      tpu.enqueue_dma source(%arg11 : memref<512xf32, #tpu.memory_space<vmem>>) target(%dma_start3A_233 : memref<512xf32, #tpu.memory_space<hbm>>) target_semaphore(%run_scoped3A_232 : memref<!tpu.dma_semaphore, #tpu.memory_space<semaphore_mem>>)
      %dma_wait3A_234 = tpu.memref_slice %arg6[%mul3A_2] : memref<16384xf32, #tpu.memory_space<hbm>> -> memref<512xf32, #tpu.memory_space<hbm>>
      %dma_wait3A_235 = tpu.memref_slice %arg6[%mul3A_2] : memref<16384xf32, #tpu.memory_space<hbm>> -> memref<512xf32, #tpu.memory_space<hbm>>
      tpu.wait_dma2 semaphore(%run_scoped3A_232 : memref<!tpu.dma_semaphore, #tpu.memory_space<semaphore_mem>>) src(%arg11 : memref<512xf32, #tpu.memory_space<vmem>>) dst(%dma_wait3A_235 : memref<512xf32, #tpu.memory_space<hbm>>)
      tpu.yield
    }) : () -> ()
    return
  }
}

</mosaic_0001>

<sc_bundles>
// kernel: gather_offload_async_start.1
scs
__scs_entry_jumppad:
0x0: {  	(pc) =	sbr.rel $0x88, $3  }
0x1: {  	(tag) =	ssettag $0x0;
	lr =	simm.s32 $0x1  }
0x2: {  	[smem:$0x3F9B] =	sst lr;
	_ =	strace $0xD0000000  }
0x3: {  	_ = 	snop  }
0x4: {  	_ = 	snop  }
0x5: {  	_ = 	snop  }
0x6: {  	_ = 	snop  }
0x7: {  	_ = 	snop  }
__scs_overlays_trampoline_lowered:
0x8: {  	[smem:$0x3FAA] =	sst s0  }
0x9: {  	[smem:$0x3FAB] =	sst s1  }
0xa: {  	[smem:$0x3FAC] =	sst s2  }
0xb: {  	[smem:$0x3FAD] =	sst s3  }
0xc: {  	[smem:$0x3FAE] =	sst s4  }
0xd: {  	[smem:$0x3FAF] =	sst s5  }
0xe: {  	[smem:$0x3FB0] =	sst s6  }
0xf: {  	[smem:$0x3FB1] =	sst s7  }
0x10: {  	[smem:$0x3FB2] =	sst s8  }
0x11: {  	[smem:$0x3FB3] =	sst s9;
	s0 =	simm.s32 @!p0 $0x0  }
0x12: {  	s1 =	sld [smem:$0x3F99];
	s0 =	simm.s32 @p0 $0x1  }
0x13: {  	[smem:$0x3FB4] =	sst s0;
	s0 =	simm.s32 @!p1 $0x0  }
0x14: {  	s2 =	sld [smem:$0x3F98];
	s0 =	simm.s32 @p1 $0x1  }
0x15: {  	[smem:$0x3FB5] =	sst s0;
	s0 =	simm.s32 @!p2 $0x0  }
0x16: {  	s3 =	sld [smem:$0x3FDB];
	s0 =	simm.s32 @p2 $0x1  }
0x17: {  	s4 =	simm.s32 $0x1BF5;
	[smem:$0x3FB7] =	sst s0  }
0x18: {  	s0 =	sld [smem:$0x3F9A];
	_ =	swait.ge [sflag:s4], $0x0  }
0x19: {  	s7 =	sld [smem:$0x3F9B]  }
0x1a: {  	s8 =	sadd.s32 $0xFFFFE003, lr  }
0x1b: {  	s9 =	sadd.s32 $0xFFFFFEF7, lr;
	s5 =	simm.s32 $0xFFFFFFFF;
	p2 =	slt.u32 s8, $0xFFFFF086  }
0x1c: {  	p1 =	slt.u32 s9, $0xF7A;
	s5 =	simm.s32 @!p2 $0x0  }
0x1d: {  	s5 =	simm.s32 @p1 $0x1;
	p0 =	seq.s32 s7, s2  }
0x1e: {  	s7 =	smul.u32 @!p0 $0xF7A, s2;
	p2 =	seq.s32 @!p0 s5, $0x0  }
0x1f: {  	s9 =	smul.u32 $0xF7A, s1;
	s8 =	simm.s32 @!p0 $0x1BF5;
	p2 =	por !p2, p0  }
0x20: {  	[sflag:s8] =	ssyncset.s32 @!p0 $0xFFFFF086;
	s6 =	sadd.s32 @!p0 s3, s7;
	s7 =	simm.s32 @!p0 $0x108  }
0x21: {  	s3 =	sadd.s32 s3, s9;
	s6 =	sadd.s32 @!p0 $0x88, s6;
	s7 =	simm.s32 @p2 $0x1082  }
0x22: {  	[simem:s7], [sflag:s8] =	dma.local @!p0 [hbm:s6], $0xF7A  }
0x23: {  	s9 =	sor.u32 $0xD0000000, s2;
	s6 =	simm.s32 $0x108;
	_ =	swait.ge @!p0 [sflag:s8], $0x0  }
0x24: {  	s3 =	sadd.s32 $0x88, s3;
	s6 =	simm.s32 @!p1 $0x1082;
	[sflag:s4] =	ssyncset.s32 $0xFFFFF086  }
0x25: {  	[simem:s6], [sflag:s4] =	dma.local [hbm:s3], $0xF7A  }
0x26: {  	[smem:$0x3F9B] =	sst s1;
	(tag) =	ssettag s2;
	_ =	strace s9  }
0x27: {  	s1 =	sld [smem:$0x3FAB]  }
0x28: {  	s2 =	sld [smem:$0x3FAC]  }
0x29: {  	s4 =	sld [smem:$0x3FAE]  }
0x2a: {  	p0 =	seq.s32 s5, $0x0;
	s5 =	sld [smem:$0x3FAF]  }
0x2b: {  	s6 =	sld [smem:$0x3FB0]  }
0x2c: {  	s7 =	sld [smem:$0x3FB1]  }
0x2d: {  	s3 =	simm.s32 $0x108;
	s8 =	sld [smem:$0x3FB2]  }
0x2e: {  	s3 =	simm.s32 @!p0 $0x1082;
	s9 =	sld [smem:$0x3FB3]  }
0x2f: {  	lr =	sadd.s32 s0, s3;
	s0 =	sld [smem:$0x3FAA]  }
0x30: {  	s3 =	sld [smem:$0x3FAD]  }
0x31: {  	[smem:$0x3FB6] =	sst s10  }
0x32: {  	s10 =	sld [smem:$0x3FB4];
	_ =	sdelay $0x3  }
0x33: {  	p0 =	seq.s32 s10, $0x1;
	s10 =	sld [smem:$0x3FB6];
	_ =	sdelay $0x3  }
0x34: {  	[smem:$0x3FB6] =	sst s10  }
0x35: {  	s10 =	sld [smem:$0x3FB5];
	_ =	sdelay $0x3  }
0x36: {  	p1 =	seq.s32 s10, $0x1;
	s10 =	sld [smem:$0x3FB6];
	_ =	sdelay $0x3  }
0x37: {  	[smem:$0x3FB6] =	sst s10  }
0x38: {  	s10 =	sld [smem:$0x3FB7]  }
0x39: {  	_ = 	snop;
	(pc) =	sbr.ind lr, $3  }
0x3a: {  	_ = 	snop  }
0x3b: {  	_ = 	snop  }
0x3c: {  	p2 =	seq.s32 s10, $0x1;
	s10 =	sld [smem:$0x3FB6]  }
0x3d: {  	_ =	shalt  }
0x3e: {  	_ =	shalt  }
0x3f: {  	_ =	shalt  }
0x40: {  	_ =	shalt  }
0x41: {  	_ =	shalt  }
0x42: {  	_ =	shalt  }
0x43: {  	_ =	shalt  }
0x44: {  	_ =	shalt  }
0x45: {  	_ =	shalt  }
0x46: {  	_ =	shalt  }
0x47: {  	_ =	shalt  }
0x48: {  	_ =	shalt  }
0x49: {  	_ =	shalt  }
0x4a: {  	_ =	shalt  }
0x4b: {  	_ =	shalt  }
0x4c: {  	_ =	shalt  }
0x4d: {  	_ =	shalt  }
0x4e: {  	_ =	shalt  }
0x4f: {  	_ =	shalt  }
0x50: {  	_ =	shalt  }
0x51: {  	_ =	shalt  }
0x52: {  	_ =	shalt  }
0x53: {  	_ =	shalt  }
0x54: {  	_ =	shalt  }
0x55: {  	_ =	shalt  }
0x56: {  	_ =	shalt  }
0x57: {  	_ =	shalt  }
0x58: {  	_ =	shalt  }
0x59: {  	_ =	shalt  }
0x5a: {  	_ =	shalt  }
0x5b: {  	_ =	shalt  }
0x5c: {  	_ =	shalt  }
0x5d: {  	_ =	shalt  }
0x5e: {  	_ =	shalt  }
0x5f: {  	_ =	shalt  }
0x60: {  	_ =	shalt  }
0x61: {  	_ =	shalt  }
0x62: {  	_ =	shalt  }
0x63: {  	_ =	shalt  }
0x64: {  	_ =	shalt  }
0x65: {  	_ =	shalt  }
0x66: {  	_ =	shalt  }
0x67: {  	_ =	shalt  }
0x68: {  	_ =	shalt  }
0x69: {  	_ =	shalt  }
0x6a: {  	_ =	shalt  }
0x6b: {  	_ =	shalt  }
0x6c: {  	_ =	shalt  }
0x6d: {  	_ =	shalt  }
0x6e: {  	_ =	shalt  }
0x6f: {  	_ =	shalt  }
0x70: {  	_ =	shalt  }
0x71: {  	_ =	shalt  }
0x72: {  	_ =	shalt  }
0x73: {  	_ =	shalt  }
0x74: {  	_ =	shalt  }
0x75: {  	_ =	shalt  }
0x76: {  	_ =	shalt  }
0x77: {  	_ =	shalt  }
0x78: {  	_ =	shalt  }
0x79: {  	_ =	shalt  }
0x7a: {  	_ =	shalt  }
0x7b: {  	_ =	shalt  }
0x7c: {  	_ =	shalt  }
0x7d: {  	_ =	shalt  }
0x7e: {  	_ =	shalt  }
0x7f: {  	_ =	shalt  }
0x80: {  	_ =	shalt  }
0x81: {  	_ =	shalt  }
0x82: {  	_ =	shalt  }
0x83: {  	_ =	shalt  }
0x84: {  	_ =	shalt  }
0x85: {  	_ =	shalt  }
0x86: {  	_ =	shalt  }
0x87: {  	_ =	shalt  }
.Lfunc_end0:
.L_simem_size_0:
called_computation.1_lowered:
.L_overlay_start_0:
0x88: {  	s2 =	sld [smem:$0x3FD9]  }
0x89: {  	s3 =	sld [smem:$0x3FFE];
	_ =	sdelay $0x1  }
0x8a: {  	s1 =	srdreg.scid  }
0x8b: {  	s0 =	sand.u32 $0x1, s1  }
0x8c: {  	s17 =	sshll.u32 s0, $0xA;
	s2 =	sadd.s32 s3, s2  }
0x8d: {  	s2 =	sadd.s32 s2, s17  }
0x8e: {  	[smem:$0x3FC2] =	sst s2  }
0x8f: {  	_ = 	snop  }
0x90: {  	s18 =	sld [smem:$0x3FC6];
	(tm) =	ssettm $0x1  }
0x91: {  	s19 =	sld [smem:$0x3FFB];
	_ =	sdelay $0x3  }
0x92: {  	_ =	strace s19  }
0x93: {  	s2 =	sld [smem:$0x3FFC];
	_ =	sdelay $0x3  }
0x94: {  	_ =	strace s2  }
0x95: {  	s2 =	sld [smem:$0x3FFD];
	_ =	sdelay $0x3  }
0x96: {  	_ =	strace s2  }
0x97: {  	_ =	strace $0x8FFFFFFF  }
0x98: {  	s20 =	sld [smem:$0x3FDB];
	_ =	sdelay $0x1  }
0x99: {  	s4 =	simm.s32 $_scs_section_size  }
0x9a: {  	s5 =	simm.s32 $_size__tile_overlayer_lowered;
	s6 =	simm.s32 $_tile_overlayer_lowered  }
0x9b: {  	s7 =	simm.s32 $0x1BFF;
	s21 =	sshll.u32 s6, $0x1;
	s4 =	sadd.s32 s4, s20  }
0x9c: {  	s22 =	simm.s32 $0x0;
	s5 =	sshll.u32 s5, $0x1;
	s6 =	sadd.s32 s21, s4  }
0x9d: {  	[timem:s22], [sflag:s7] =	dma.local [hbm:s6], s5  }
0x9e: {  	_ =	swait.ge [sflag:s7], s5  }
0x9f: {  	s5 =	ssub.s32 $0x0, s5;
	[sflag:s7] =	ssyncset.done $0x0  }
0xa0: {  	[sflag:s7] =	ssyncadd.s32 s5;
	_ =	sdelay $0x1  }
0xa1: {  	s23 =	simm.s32 $0x1B8B  }
0xa2: {  	_ =	swait.ge [sflag:s23], $0x1  }
0xa3: {  	[sflag:s23] =	ssyncset.done $0x0  }
0xa4: {  	[sflag:s23] =	ssyncadd.s32 $0xFFFFFFFF  }
0xa5: {  	s5 =	sld [smem:$0x0]  }
0xa6: {  	s6 =	sand.u32 $0xFFFFFFFE, s1  }
0xa7: {  	p0 =	sne.s32 s1, s6  }
0xa8: {  	s6 =	sshll.u32 @p0 s6, $0xE  }
0xa9: {  	s6 =	sadd.s32 @p0 $0x11B8D, s6;
	s7 =	sshll.u32 @p0 s5, $0x11  }
0xaa: {  	s6 =	sor.u32 @p0 s7, s6  }
0xab: {  	[sflag:s6] =	ssyncadd.remote.s32 @p0 $0x1;
	_ =	sdelay $0x1  }
0xac: {  	s6 =	simm.s32 @p0 $0x1B8D  }
0xad: {  	_ =	swait.eq @p0 [sflag:s6], $0x1  }
0xae: {  	[sflag:s6] =	ssyncadd.s32 @p0 $0xFFFFFFFF  }
0xaf: {  	s7 =	sshll.u32 @!p0 s1, $0xE  }
0xb0: {  	s7 =	sor.u32 @!p0 $0x4000, s7;
	s6 =	simm.s32 @!p0 $0x1B8D  }
0xb1: {  	s5 =	sshll.u32 @!p0 s5, $0x11;
	s7 =	sadd.s32 @!p0 $0x11B8D, s7;
	_ =	swait.eq @!p0 [sflag:s6], $0x1  }
0xb2: {  	s5 =	sor.u32 @!p0 s5, s7;
	[sflag:s6] =	ssyncadd.s32 @!p0 $0xFFFFFFFF  }
0xb3: {  	s25 =	simm.s32 $0x1B8E;
	s24 =	sld [smem:$0x3FFE];
	[sflag:s5] =	ssyncadd.remote.s32 @!p0 $0x1  }
0xb4: {  	s26 =	simm.s32 $execute0_lowered;
	[smem:$0x3FD2] =	sst s25  }
0xb5: {  	s6 =	sshll.u32 s26, $0x1;
	_ =	strace $0x80000049;
	[dreg:$0x1] =	wrdreg $0xFFFFFFFF  }
0xb6: {  	s28 =	simm.s32 $_size_execute0_lowered;
	s4 =	sadd.s32 s4, s6;
	[dreg:$0x0] =	wrdreg $0x0  }
0xb7: {  	s6 =	sshll.u32 s28, $0x1;
	[dreg:$0x2] =	wrdreg s4  }
0xb8: {  	[dreg:$0x3] =	wrdreg s6  }
0xb9: {  	[dreg:$0x4] =	wrdreg $0xC0  }
0xba: {  	_ =	task [dreg:s22], $0x5FFFF  }
0xbb: {  	[dreg:$0x1] =	wrdreg $0xFFFFFFFF  }
0xbc: {  	[dreg:$0x0] =	wrdreg $0x60  }
0xbd: {  	[dreg:$0x2] =	wrdreg s18  }
0xbe: {  	[dreg:$0x3] =	wrdreg s24  }
0xbf: {  	[dreg:$0x4] =	wrdreg $0xA  }
0xc0: {  	_ =	task.clear_ibuf [dreg:s22], $0x5FFFF;
	_ =	strace $0x90000049  }
0xc1: {  	s29 =	simm.s32 $0xA;
	_ =	strace $0x8000004B  }
0xc2: {  	_ =	swait.ge [sflag:s29], $0x1  }
0xc3: {  	[sflag:s29] =	ssyncadd.s32 $0xFFFFFFFF  }
0xc4: {  	_ =	strace $0x9000004B  }
0xc5: {  	_ =	sfence  }
0xc6: {  	s30 =	sld [smem:$0x0];
	_ =	sdelay $0x2  }
0xc7: {  	s31 =	sshll.u32 s1, $0xD;
	s1 =	sshrl.u32 s1, $0x2  }
0xc8: {  	s4 =	sand.u32 $0x4000, s31;
	s1 =	sadd.s32 s1, s30  }
0xc9: {  	s0 =	sor.u32 s4, s0;
	s1 =	sshll.u32 s1, $0x11  }
0xca: {  	s0 =	sor.u32 s1, s0  }
0xcb: {  	s0 =	sadd.s32 $0x8F2B, s0  }
0xcc: {  	[sflag:s0] =	ssyncadd.remote.s32 $0x1  }
0xcd: {  	_ =	sfence.sel $0xFFFF  }
0xce: {  	[dreg:$0x0] =	wrdreg $0xFFFFFFFF;
	(pc) =	sbr.abs _section_cstart, $3  }
0xcf: {  	[dreg:$0x1] =	wrdreg $0xFFFFFFFF  }
0xd0: {  	_ =	task.clear_ibuf [dreg:s22], $0x2FFFF;
	_ =	strace $0x9FFFFFFF  }
0xd1: {  	(tm) =	ssettm $0x7FFFFFFF  }
tec
execute0_lowered:
.L_overlay_start_1:
0x0: {  	(tag) =	ssettag $0x1  }
0x1: {  	s2 =	rddreg [dreg:$0x0];
	s0 =	srdreg.scid  }
0x2: {  	s5 =	rddreg [dreg:$0x1];
	s1 =	stileid.u32;
	s6 =	simm.s32 $0x1  }
0x3: {  	s9 =	simm.s32 $0x1;
	s10 =	simm.s32 $0x3;
	s3 =	sshll.u32 s0, $0x8  }
0x4: {  	s13 =	simm.s32 $0x0;
	s4 =	sshll.u32 s1, $0x9;
	s3 =	sand.u32 $0x100, s3  }
0x5: {  	s0 =	rddreg [dreg:$0x2];
	_ =	strace $0x8000004A;
	s3 =	sor.u32 s4, s3  }
0x6: {  	s12 =	simm.s32 $0x0;
	[sflag:s6] =	ssyncpa.u1 $0x0;
	s8 =	ssub.s32 $0x4000, s3  }
.Ltmp0:
0x7: {  	s4 =	sadd.s32 $0x1E85800, s5;
	s7 =	sand.u32 $0x1F00, s8;
	(pc) =	sbr.rel .LBB2_1-.Ltmp0, $4  }
0x8: {  	s5 =	sadd.s32 $0x1E86800, s5;
	s11 =	smov.u32 s3;
	p0 =	sne.s32 s7, $0x0  }
0x9: {  	s8 =	sshrl.u32 s8, $0xD;
	s7 =	simm.s32 $0x2;
	s9 =	simm.s32 @!p0 $0x0  }
0xa: {  	[sflag:s7] =	ssyncpa.u1 $0x0;
	p0 =	por $0x0, $0x0;
	s8 =	sadd.s32 s9, s8  }
0xb: {  	vm0 =	vmmov $0xffff;
	v0 =	vimm.s32 $0x0;
	[sflag:s10] =	ssyncpa.u1 $0x0;
	s10 =	simm.s32 $0x0;
	s9 =	sadd.s32 $0x1, s8  }
.LBB2_4:
0xc: {  	vm1 =	veq.s32 v2, $0x80000000;
	v2 =	vand.u32 $0xFFFFF, v2  }
0xd: {  	v4 =	vadd.s32 v5, v4;
	v2 =	vsel vm1, $0xFFFFFFFF, v2  }
0xe: {  	v3 =	vor.u32 v3, v4;
	v63 =	vsel vm1, $0xFFF0BD80, v0;
	v62 =	vand.u32 $0xFFFFFF80, v2  }
0xf: {  	v2 =	vand.u32 $0x7F, v2;
	v4 =	vadd.s32 v63, v62  }
0x10: {  	v2 =	vor.u32 v2, v4  }
0x11: {  	[tilespmem:s15], [sflag:$0x1] =	stream.indirect_vreg.gather [hbm4b:s2+s10], $0x1, v1, vm0, $0x4038;
	[tilespmem:$0x400] =	vst v63  }
0x12: {  	(ifvalue) =	ssetifvalue $0x7FFFFFFF  }
0x13: {  	[tilespmem:s16], [sflag:$0x1] =	stream.indirect_vreg.gather [hbm4b:s2+s10], $0x1, v3, vm0, $0x4038;
	[tilespmem:$0x400] =	vst v63  }
0x14: {  	s29 =	sadd.s32 $0x10, s16;
	(ifvalue) =	ssetifvalue $0x7FFFFFFF  }
0x15: {  	[tilespmem:s29], [sflag:$0x1] =	stream.indirect_vreg.gather [hbm4b:s2+s10], $0x1, v2, vm0, $0x4038;
	[tilespmem:$0x400] =	vst v63  }
0x16: {  	_ =	swait.ge [sflag:s6], $0x100  }
0x17: {  	s30 =	sshrl.u32 s13, $0x3;
	[sflag:s6] =	ssyncset.done $0x0  }
0x18: {  	s31 =	sand.u32 $0x7, s13;
	s15 =	sadd.s32 s5, s30;
	[sflag:s6] =	ssyncadd.s32 $0xFFFFFF00  }
0x19: {  	[hbm4b:s15+s31] =	stream.linear.scatter [tilespmem:s14], [sflag:$0x3], $0x100, $0x38;
	[tilespmem:$0x400] =	vst v63  }
.LBB2_5:
0x1a: {  	s15 =	sadd.s32 $0x2000, s11  }
0x1b: {  	p2 =	sgt.s32 s15, $0x3FFF  }
0x1c: {  	s15 =	smov.u32 @p2 s3;
	p2 =	sne.s32 s12, s9  }
.Ltmp1:
0x1d: {  	p1 =	slt.u32 s12, $0x2;
	(pc) =	sbr.rel @!p2 .LBB2_6-.Ltmp1, $4  }
0x1e: {  	s14 =	simm.s32 @!p1 $0x3  }
0x1f: {  	s16 =	sadd.s32 $0x1, s12;
	_ =	swait.ge @!p1 [sflag:s14], $0x100  }
0x20: {  	s13 =	smov.u32 s11;
	p0 =	por !p0, !p0;
	[sflag:s14] =	ssyncset.done @!p1 $0x0  }
0x21: {  	s12 =	smov.u32 s16;
	s11 =	smov.u32 s15;
	[sflag:s14] =	ssyncadd.s32 @!p1 $0xFFFFFF00  }
.LBB2_1:
0x22: {  	p1 =	sge.u32 s12, s8  }
0x23: {  	s14 =	sxor.u32 @!p1 $0xFFFFFFFF, s12  }
0x24: {  	s31 =	sadd.s32 $0xFFFFFFFF, s12;
	s15 =	sshrl.u32 @!p1 s11, $0x3;
	s14 =	sshll.u32 @!p1 s14, $0x8  }
0x25: {  	s16 =	sand.u32 @!p1 $0x7, s11;
	s15 =	sadd.s32 @!p1 s4, s15;
	s14 =	sand.u32 @!p1 $0x100, s14  }
0x26: {  	[tilespmem:s14], [sflag:$0x2] =	stream.linear.gather @!p1 [hbm4b:s15+s16], $0x100, $0x38;
	[tilespmem:$0x400] =	vst v63  }
0x27: {  	p1 =	sge.u32 s31, s8  }
.Ltmp2:
0x28: {  	_ = 	snop;
	(pc) =	sbr.rel @p1 .LBB2_5-.Ltmp2, $1  }
0x29: {  	_ =	sdelay $0x3  }
0x2a: {  	s14 =	simm.s32 $0x1  }
0x2b: {  	_ =	swait.ge [sflag:s7], $0x100;
	s14 =	simm.s32 @!p0 $0x0  }
0x2c: {  	[sflag:s7] =	ssyncset.done $0x0;
	s14 =	sshll.u32 s14, $0x8  }
0x2d: {  	[sflag:s7] =	ssyncadd.s32 $0xFFFFFF00;
	(ifvalue) =	ssetifvalue $0x7FFFFFFF;
	v1 =	vld.msk [tilespmem:s14+$0x0 ss:$0x1], $0xffff;
	_ =	sdelay $0x4  }
0x2e: {  	s15 =	sadd.s32 $0x10, s14;
	vm1 =	veq.s32 v1, $0x80000000;
	v1 =	vand.u32 $0xFFFFF, v1  }
0x2f: {  	v2 =	vld.msk [tilespmem:s15+$0x0 ss:$0x1], $0xffff;
	v1 =	vsel vm1, $0xFFFFFFFF, v1  }
0x30: {  	v4 =	vsel vm1, $0xFFF0BD80, v0;
	v3 =	vand.u32 $0xFFFFFF80, v1  }
0x31: {  	v1 =	vand.u32 $0x7F, v1;
	v3 =	vadd.s32 v4, v3  }
0x32: {  	v1 =	vor.u32 v1, v3;
	_ =	sdelay $0x1  }
0x33: {  	s16 =	sshll.u32 s12, $0x8;
	s18 =	simm.s32 $0x20;
	vm1 =	veq.s32 v2, $0x80000000;
	v4 =	vand.u32 $0xFFFFF, v2  }
0x34: {  	s16 =	sand.u32 $0x100, s16;
	s17 =	sadd.s32 $0x10, s15;
	s15 =	sor.u32 $0x200, s14;
	v3 =	vsel vm1, $0xFFFFFFFF, v4  }
0x35: {  	s14 =	sor.u32 $0x200, s16;
	s16 =	sadd.s32 $0x10, s15;
	v5 =	vsel vm1, $0xFFF0BD80, v0;
	v2 =	vld.msk [tilespmem:s17+$0x0 ss:$0x1], $0xffff;
	(ifvalue) =	ssetifvalue $0x7FFFFFFF;
	v4 =	vand.u32 $0xFFFFFF80, v3;
	v3 =	vand.u32 $0x7F, v3  }
.LBB2_3:
0x36: {  	[tilespmem:s15], [sflag:$0x1] =	stream.indirect_vreg.gather [hbm4b:s2+s10], $0x1, v1, vm0, $0x4038;
	[tilespmem:$0x400] =	vst v63  }
0x37: {  	s18 =	sadd.s32 $0x10, s18  }
0x38: {  	v4 =	vadd.s32 v5, v4;
	p1 =	slt.u32 s18, $0xF0  }
.Ltmp3:
0x39: {  	s15 =	smov.u32 s16;
	v1 =	vor.u32 v3, v4;
	(pc) =	sbr.rel @p1 .LBB2_3-.Ltmp3, $4  }
0x3a: {  	s17 =	sadd.s32 $0x10, s17  }
0x3b: {  	vm1 =	veq.s32 v2, $0x80000000;
	v3 =	vand.u32 $0xFFFFF, v2;
	v2 =	vld.msk [tilespmem:s17+$0x0 ss:$0x1], $0xffff  }
0x3c: {  	v3 =	vsel vm1, $0xFFFFFFFF, v3  }
0x3d: {  	s16 =	sadd.s32 $0x10, s16;
	v5 =	vsel vm1, $0xFFF0BD80, v0;
	v4 =	vand.u32 $0xFFFFFF80, v3;
	v3 =	vand.u32 $0x7F, v3;
	(ifvalue) =	ssetifvalue $0x7FFFFFFF  }
.Ltmp4:
0x3e: {  	_ = 	snop;
	(pc) =	sbr.rel .LBB2_4-.Ltmp4, $1  }
0x3f: {  	_ =	sdelay $0x3  }
.LBB2_6:
0x40: {  	_ =	sfence.sel $0x180000  }
0x41: {  	s2 =	simm.s32 $0x2;
	[bflag:$0x0] =	sbarrier.arrive $0xFFFF  }
0x42: {  	s30 =	simm.s32 $0x3;
	[sflag:s2] =	ssyncpa.u1 $0x1  }
0x43: {  	s31 =	simm.s32 $0x1;
	[sflag:s30] =	ssyncpa.u1 $0x1  }
0x44: {  	[sflag:s31] =	ssyncpa.u1 $0x1  }
0x45: {  	p0 =	sne.s32 s1, $0x0;
	_ =	strace $0x9000004A  }
0x46: {  	s0 =	sadd.s32 @!p0 $0x100000, s0;
	[bflag:$0x2] =	sbarrier.arrive $0xFFFF  }
0x47: {  	[sflag:s0] =	ssyncadd.tile.s32 @!p0 $0x1;
	_ =	shalt  }
.Lfunc_end2:
_tile_overlayer_lowered:
.L_overlay_start_2:
0x48: {  	(tag) =	ssettag $0x2  }
0x49: {  	s0 =	rddreg [dreg:$0x0];
	s2 =	stileid.u32  }
0x4a: {  	s1 =	rddreg [dreg:$0x1];
	p0 =	sne.s32 s2, $0x0  }
0x4b: {  	s3 =	rddreg [dreg:$0x2];
	[bflag:$0x3] =	sbarrier.arrive $0xFFFF;
	s2 =	simm.s32 @!p0 $0x1C01  }
0x4c: {  	[timem:s3], [sflag:s2] =	dma.local @!p0 [hbm:s0], s1  }
0x4d: {  	s0 =	simm.s32 @!p0 $0x1  }
0x4e: {  	_ =	swait.ge @!p0 [sflag:s0], s1  }
0x4f: {  	s1 =	ssub.s32 @!p0 $0x0, s1;
	[sflag:s0] =	ssyncset.done @!p0 $0x0  }
0x50: {  	[sflag:s0] =	ssyncadd.s32 @!p0 s1  }
0x51: {  	[bflag:$0x3] =	sbarrier.arrive $0xFFFF  }
0x52: {  	_ =	shalt  }

// kernel: gather_offload_async_start
scs
__scs_entry_jumppad:
0x0: {  	(pc) =	sbr.rel $0x88, $3  }
0x1: {  	(tag) =	ssettag $0x0;
	lr =	simm.s32 $0x1  }
0x2: {  	[smem:$0x3F9B] =	sst lr;
	_ =	strace $0xD0000000  }
0x3: {  	_ = 	snop  }
0x4: {  	_ = 	snop  }
0x5: {  	_ = 	snop  }
0x6: {  	_ = 	snop  }
0x7: {  	_ = 	snop  }
__scs_overlays_trampoline_lowered:
0x8: {  	[smem:$0x3FAA] =	sst s0  }
0x9: {  	[smem:$0x3FAB] =	sst s1  }
0xa: {  	[smem:$0x3FAC] =	sst s2  }
0xb: {  	[smem:$0x3FAD] =	sst s3  }
0xc: {  	[smem:$0x3FAE] =	sst s4  }
0xd: {  	[smem:$0x3FAF] =	sst s5  }
0xe: {  	[smem:$0x3FB0] =	sst s6  }
0xf: {  	[smem:$0x3FB1] =	sst s7  }
0x10: {  	[smem:$0x3FB2] =	sst s8  }
0x11: {  	[smem:$0x3FB3] =	sst s9;
	s0 =	simm.s32 @!p0 $0x0  }
0x12: {  	s1 =	sld [smem:$0x3F99];
	s0 =	simm.s32 @p0 $0x1  }
0x13: {  	[smem:$0x3FB4] =	sst s0;
	s0 =	simm.s32 @!p1 $0x0  }
0x14: {  	s2 =	sld [smem:$0x3F98];
	s0 =	simm.s32 @p1 $0x1  }
0x15: {  	[smem:$0x3FB5] =	sst s0;
	s0 =	simm.s32 @!p2 $0x0  }
0x16: {  	s3 =	sld [smem:$0x3FDB];
	s0 =	simm.s32 @p2 $0x1  }
0x17: {  	s4 =	simm.s32 $0x1BF5;
	[smem:$0x3FB7] =	sst s0  }
0x18: {  	s0 =	sld [smem:$0x3F9A];
	_ =	swait.ge [sflag:s4], $0x0  }
0x19: {  	s7 =	sld [smem:$0x3F9B]  }
0x1a: {  	s8 =	sadd.s32 $0xFFFFE003, lr  }
0x1b: {  	s9 =	sadd.s32 $0xFFFFFEF7, lr;
	s5 =	simm.s32 $0xFFFFFFFF;
	p2 =	slt.u32 s8, $0xFFFFF086  }
0x1c: {  	p1 =	slt.u32 s9, $0xF7A;
	s5 =	simm.s32 @!p2 $0x0  }
0x1d: {  	s5 =	simm.s32 @p1 $0x1;
	p0 =	seq.s32 s7, s2  }
0x1e: {  	s7 =	smul.u32 @!p0 $0xF7A, s2;
	p2 =	seq.s32 @!p0 s5, $0x0  }
0x1f: {  	s9 =	smul.u32 $0xF7A, s1;
	s8 =	simm.s32 @!p0 $0x1BF5;
	p2 =	por !p2, p0  }
0x20: {  	[sflag:s8] =	ssyncset.s32 @!p0 $0xFFFFF086;
	s6 =	sadd.s32 @!p0 s3, s7;
	s7 =	simm.s32 @!p0 $0x108  }
0x21: {  	s3 =	sadd.s32 s3, s9;
	s6 =	sadd.s32 @!p0 $0x88, s6;
	s7 =	simm.s32 @p2 $0x1082  }
0x22: {  	[simem:s7], [sflag:s8] =	dma.local @!p0 [hbm:s6], $0xF7A  }
0x23: {  	s9 =	sor.u32 $0xD0000000, s2;
	s6 =	simm.s32 $0x108;
	_ =	swait.ge @!p0 [sflag:s8], $0x0  }
0x24: {  	s3 =	sadd.s32 $0x88, s3;
	s6 =	simm.s32 @!p1 $0x1082;
	[sflag:s4] =	ssyncset.s32 $0xFFFFF086  }
0x25: {  	[simem:s6], [sflag:s4] =	dma.local [hbm:s3], $0xF7A  }
0x26: {  	[smem:$0x3F9B] =	sst s1;
	(tag) =	ssettag s2;
	_ =	strace s9  }
0x27: {  	s1 =	sld [smem:$0x3FAB]  }
0x28: {  	s2 =	sld [smem:$0x3FAC]  }
0x29: {  	s4 =	sld [smem:$0x3FAE]  }
0x2a: {  	p0 =	seq.s32 s5, $0x0;
	s5 =	sld [smem:$0x3FAF]  }
0x2b: {  	s6 =	sld [smem:$0x3FB0]  }
0x2c: {  	s7 =	sld [smem:$0x3FB1]  }
0x2d: {  	s3 =	simm.s32 $0x108;
	s8 =	sld [smem:$0x3FB2]  }
0x2e: {  	s3 =	simm.s32 @!p0 $0x1082;
	s9 =	sld [smem:$0x3FB3]  }
0x2f: {  	lr =	sadd.s32 s0, s3;
	s0 =	sld [smem:$0x3FAA]  }
0x30: {  	s3 =	sld [smem:$0x3FAD]  }
0x31: {  	[smem:$0x3FB6] =	sst s10  }
0x32: {  	s10 =	sld [smem:$0x3FB4];
	_ =	sdelay $0x3  }
0x33: {  	p0 =	seq.s32 s10, $0x1;
	s10 =	sld [smem:$0x3FB6];
	_ =	sdelay $0x3  }
0x34: {  	[smem:$0x3FB6] =	sst s10  }
0x35: {  	s10 =	sld [smem:$0x3FB5];
	_ =	sdelay $0x3  }
0x36: {  	p1 =	seq.s32 s10, $0x1;
	s10 =	sld [smem:$0x3FB6];
	_ =	sdelay $0x3  }
0x37: {  	[smem:$0x3FB6] =	sst s10  }
0x38: {  	s10 =	sld [smem:$0x3FB7]  }
0x39: {  	_ = 	snop;
	(pc) =	sbr.ind lr, $3  }
0x3a: {  	_ = 	snop  }
0x3b: {  	_ = 	snop  }
0x3c: {  	p2 =	seq.s32 s10, $0x1;
	s10 =	sld [smem:$0x3FB6]  }
0x3d: {  	_ =	shalt  }
0x3e: {  	_ =	shalt  }
0x3f: {  	_ =	shalt  }
0x40: {  	_ =	shalt  }
0x41: {  	_ =	shalt  }
0x42: {  	_ =	shalt  }
0x43: {  	_ =	shalt  }
0x44: {  	_ =	shalt  }
0x45: {  	_ =	shalt  }
0x46: {  	_ =	shalt  }
0x47: {  	_ =	shalt  }
0x48: {  	_ =	shalt  }
0x49: {  	_ =	shalt  }
0x4a: {  	_ =	shalt  }
0x4b: {  	_ =	shalt  }
0x4c: {  	_ =	shalt  }
0x4d: {  	_ =	shalt  }
0x4e: {  	_ =	shalt  }
0x4f: {  	_ =	shalt  }
0x50: {  	_ =	shalt  }
0x51: {  	_ =	shalt  }
0x52: {  	_ =	shalt  }
0x53: {  	_ =	shalt  }
0x54: {  	_ =	shalt  }
0x55: {  	_ =	shalt  }
0x56: {  	_ =	shalt  }
0x57: {  	_ =	shalt  }
0x58: {  	_ =	shalt  }
0x59: {  	_ =	shalt  }
0x5a: {  	_ =	shalt  }
0x5b: {  	_ =	shalt  }
0x5c: {  	_ =	shalt  }
0x5d: {  	_ =	shalt  }
0x5e: {  	_ =	shalt  }
0x5f: {  	_ =	shalt  }
0x60: {  	_ =	shalt  }
0x61: {  	_ =	shalt  }
0x62: {  	_ =	shalt  }
0x63: {  	_ =	shalt  }
0x64: {  	_ =	shalt  }
0x65: {  	_ =	shalt  }
0x66: {  	_ =	shalt  }
0x67: {  	_ =	shalt  }
0x68: {  	_ =	shalt  }
0x69: {  	_ =	shalt  }
0x6a: {  	_ =	shalt  }
0x6b: {  	_ =	shalt  }
0x6c: {  	_ =	shalt  }
0x6d: {  	_ =	shalt  }
0x6e: {  	_ =	shalt  }
0x6f: {  	_ =	shalt  }
0x70: {  	_ =	shalt  }
0x71: {  	_ =	shalt  }
0x72: {  	_ =	shalt  }
0x73: {  	_ =	shalt  }
0x74: {  	_ =	shalt  }
0x75: {  	_ =	shalt  }
0x76: {  	_ =	shalt  }
0x77: {  	_ =	shalt  }
0x78: {  	_ =	shalt  }
0x79: {  	_ =	shalt  }
0x7a: {  	_ =	shalt  }
0x7b: {  	_ =	shalt  }
0x7c: {  	_ =	shalt  }
0x7d: {  	_ =	shalt  }
0x7e: {  	_ =	shalt  }
0x7f: {  	_ =	shalt  }
0x80: {  	_ =	shalt  }
0x81: {  	_ =	shalt  }
0x82: {  	_ =	shalt  }
0x83: {  	_ =	shalt  }
0x84: {  	_ =	shalt  }
0x85: {  	_ =	shalt  }
0x86: {  	_ =	shalt  }
0x87: {  	_ =	shalt  }
.Lfunc_end0:
.L_simem_size_0:
called_computation_lowered:
.L_overlay_start_0:
0x88: {  	s2 =	sld [smem:$0x3FD9]  }
0x89: {  	s3 =	sld [smem:$0x3FFE];
	_ =	sdelay $0x1  }
0x8a: {  	s1 =	srdreg.scid  }
0x8b: {  	s0 =	sand.u32 $0x1, s1  }
0x8c: {  	s17 =	sshll.u32 s0, $0xA;
	s2 =	sadd.s32 s3, s2  }
0x8d: {  	s2 =	sadd.s32 s2, s17  }
0x8e: {  	[smem:$0x3FC2] =	sst s2  }
0x8f: {  	_ = 	snop  }
0x90: {  	s2 =	sld [smem:$0x3FC7]  }
0x91: {  	s18 =	sld [smem:$0x3FD0];
	(tm) =	ssettm $0x1  }
0x92: {  	s4 =	sld [smem:$0x3FFB];
	_ =	sdelay $0x3  }
0x93: {  	_ =	strace s4  }
0x94: {  	s4 =	sld [smem:$0x3FFC];
	_ =	sdelay $0x3  }
0x95: {  	_ =	strace s4  }
0x96: {  	s4 =	sld [smem:$0x3FFD];
	_ =	sdelay $0x3  }
0x97: {  	_ =	strace s4  }
0x98: {  	_ =	strace $0x8FFFFFFF  }
0x99: {  	s19 =	sld [smem:$0x3FDB];
	_ =	sdelay $0x1  }
0x9a: {  	s5 =	simm.s32 $_scs_section_size  }
0x9b: {  	s6 =	simm.s32 $_size__tile_overlayer_lowered;
	s7 =	simm.s32 $_tile_overlayer_lowered  }
0x9c: {  	s22 =	simm.s32 $0x1BFF;
	s21 =	sshll.u32 s7, $0x1;
	s4 =	sadd.s32 s5, s19  }
0x9d: {  	s8 =	simm.s32 $0x0;
	s20 =	sshll.u32 s6, $0x1;
	s6 =	sadd.s32 s21, s4  }
0x9e: {  	[timem:s8], [sflag:s22] =	dma.local [hbm:s6], s20  }
0x9f: {  	_ =	swait.ge [sflag:s22], s20  }
0xa0: {  	s5 =	ssub.s32 $0x0, s20;
	[sflag:s22] =	ssyncset.done $0x0  }
0xa1: {  	[sflag:s22] =	ssyncadd.s32 s5;
	_ =	sdelay $0x1  }
0xa2: {  	s23 =	simm.s32 $0x1B8B  }
0xa3: {  	_ =	swait.ge [sflag:s23], $0x1  }
0xa4: {  	[sflag:s23] =	ssyncset.done $0x0  }
0xa5: {  	s25 =	simm.s32 $0x1B8E;
	s24 =	sld [smem:$0x3FFE];
	[sflag:s23] =	ssyncadd.s32 $0xFFFFFFFF  }
0xa6: {  	s26 =	simm.s32 $execute0_lowered;
	[smem:$0x3FD2] =	sst s25  }
0xa7: {  	s6 =	sshll.u32 s26, $0x1;
	_ =	strace $0x80000046;
	[dreg:$0x1] =	wrdreg $0xFFFFFFFF  }
0xa8: {  	s28 =	simm.s32 $_size_execute0_lowered;
	s4 =	sadd.s32 s4, s6;
	[dreg:$0x0] =	wrdreg $0x0  }
0xa9: {  	s6 =	sshll.u32 s28, $0x1;
	[dreg:$0x2] =	wrdreg s4  }
0xaa: {  	[dreg:$0x3] =	wrdreg s6  }
0xab: {  	[dreg:$0x4] =	wrdreg $0xC0  }
0xac: {  	_ =	task [dreg:s8], $0x5FFFF  }
0xad: {  	[dreg:$0x1] =	wrdreg $0xFFFFFFFF  }
0xae: {  	[dreg:$0x0] =	wrdreg $0x60  }
0xaf: {  	[dreg:$0x2] =	wrdreg s2  }
0xb0: {  	[dreg:$0x3] =	wrdreg s18  }
0xb1: {  	[dreg:$0x4] =	wrdreg s24  }
0xb2: {  	[dreg:$0x5] =	wrdreg $0x9  }
0xb3: {  	_ =	task.clear_ibuf [dreg:s8], $0x6FFFF;
	_ =	strace $0x90000046  }
0xb4: {  	s29 =	simm.s32 $0x9;
	_ =	strace $0x80000048  }
0xb5: {  	_ =	swait.ge [sflag:s29], $0x1  }
0xb6: {  	[sflag:s29] =	ssyncadd.s32 $0xFFFFFFFF  }
0xb7: {  	_ =	strace $0x90000048  }
0xb8: {  	_ =	sfence  }
0xb9: {  	s30 =	sld [smem:$0x0];
	_ =	sdelay $0x2  }
0xba: {  	s31 =	sshll.u32 s1, $0xD;
	s1 =	sshrl.u32 s1, $0x2  }
0xbb: {  	s3 =	sand.u32 $0x4000, s31;
	s1 =	sadd.s32 s1, s30  }
0xbc: {  	s0 =	sor.u32 s3, s0;
	s1 =	sshll.u32 s1, $0x11  }
0xbd: {  	s0 =	sor.u32 s1, s0  }
0xbe: {  	s0 =	sadd.s32 $0x8F2B, s0  }
0xbf: {  	[sflag:s0] =	ssyncadd.remote.s32 $0x1  }
0xc0: {  	_ =	sfence.sel $0xFFFF  }
0xc1: {  	[dreg:$0x0] =	wrdreg $0xFFFFFFFF;
	(pc) =	sbr.abs _section_cstart, $3  }
0xc2: {  	[dreg:$0x1] =	wrdreg $0xFFFFFFFF  }
0xc3: {  	_ =	task.clear_ibuf [dreg:s8], $0x2FFFF;
	_ =	strace $0x9FFFFFFF  }
0xc4: {  	(tm) =	ssettm $0x7FFFFFFF  }
0xc5: {  	_ =	shalt  }
tec
execute0_lowered:
.L_overlay_start_1:
0x0: {  	(tag) =	ssettag $0x1  }
0x1: {  	s2 =	rddreg [dreg:$0x0]  }
0x2: {  	s1 =	srdreg.scid;
	s3 =	rddreg [dreg:$0x1]  }
0x3: {  	s0 =	stileid.u32;
	s5 =	rddreg [dreg:$0x2]  }
0x4: {  	s9 =	simm.s32 $0x1;
	s10 =	simm.s32 $0x3;
	s1 =	sshll.u32 s1, $0x8  }
0x5: {  	s13 =	simm.s32 $0x0;
	s4 =	sshll.u32 s0, $0x9;
	s6 =	sand.u32 $0x100, s1  }
0x6: {  	s12 =	simm.s32 $0x0;
	s5 =	sadd.s32 $0x1E86000, s5;
	s4 =	sor.u32 s4, s6  }
0x7: {  	s1 =	rddreg [dreg:$0x3];
	_ =	strace $0x80000047;
	s8 =	ssub.s32 $0x4000, s4  }
.Ltmp0:
0x8: {  	s6 =	simm.s32 $0x1;
	s7 =	sand.u32 $0x1F00, s8;
	(pc) =	sbr.rel .LBB2_1-.Ltmp0, $4  }
0x9: {  	[sflag:s6] =	ssyncpa.u1 $0x0;
	s11 =	smov.u32 s4;
	p0 =	sne.s32 s7, $0x0  }
0xa: {  	s8 =	sshrl.u32 s8, $0xD;
	s7 =	simm.s32 $0x2;
	s9 =	simm.s32 @!p0 $0x0  }
0xb: {  	[sflag:s7] =	ssyncpa.u1 $0x0;
	p0 =	por $0x0, $0x0;
	s8 =	sadd.s32 s9, s8  }
0xc: {  	vm0 =	vmmov $0xffff;
	v0 =	vimm.s32 $0x0;
	[sflag:s10] =	ssyncpa.u1 $0x0;
	s10 =	simm.s32 $0x0;
	s9 =	sadd.s32 $0x1, s8  }
.LBB2_4:
0xd: {  	vm1 =	veq.s32 v2, $0x80000000;
	v2 =	vand.u32 $0xFFFFF, v2  }
0xe: {  	v4 =	vadd.s32 v5, v4;
	v2 =	vsel vm1, $0xFFFFFFFF, v2  }
0xf: {  	v3 =	vor.u32 v3, v4;
	v63 =	vsel vm1, $0xFFF0BD80, v0;
	v62 =	vand.u32 $0xFFFFFF80, v2  }
0x10: {  	v2 =	vand.u32 $0x7F, v2;
	v4 =	vadd.s32 v63, v62  }
0x11: {  	v2 =	vor.u32 v2, v4  }
0x12: {  	[tilespmem:s15], [sflag:$0x1] =	stream.indirect_vreg.gather [hbm4b:s2+s10], $0x1, v1, vm0, $0x4038;
	[tilespmem:$0x400] =	vst v63  }
0x13: {  	(ifvalue) =	ssetifvalue $0x7FFFFFFF  }
0x14: {  	[tilespmem:s16], [sflag:$0x1] =	stream.indirect_vreg.gather [hbm4b:s2+s10], $0x1, v3, vm0, $0x4038;
	[tilespmem:$0x400] =	vst v63  }
0x15: {  	s29 =	sadd.s32 $0x10, s16;
	(ifvalue) =	ssetifvalue $0x7FFFFFFF  }
0x16: {  	[tilespmem:s29], [sflag:$0x1] =	stream.indirect_vreg.gather [hbm4b:s2+s10], $0x1, v2, vm0, $0x4038;
	[tilespmem:$0x400] =	vst v63  }
0x17: {  	_ =	swait.ge [sflag:s6], $0x100  }
0x18: {  	s30 =	sshrl.u32 s13, $0x3;
	[sflag:s6] =	ssyncset.done $0x0  }
0x19: {  	s31 =	sand.u32 $0x7, s13;
	s15 =	sadd.s32 s5, s30;
	[sflag:s6] =	ssyncadd.s32 $0xFFFFFF00  }
0x1a: {  	[hbm4b:s15+s31] =	stream.linear.scatter [tilespmem:s14], [sflag:$0x3], $0x100, $0x38;
	[tilespmem:$0x400] =	vst v63  }
.LBB2_5:
0x1b: {  	s15 =	sadd.s32 $0x2000, s11  }
0x1c: {  	p2 =	sgt.s32 s15, $0x3FFF  }
0x1d: {  	s15 =	smov.u32 @p2 s4;
	p2 =	sne.s32 s12, s9  }
.Ltmp1:
0x1e: {  	p1 =	slt.u32 s12, $0x2;
	(pc) =	sbr.rel @!p2 .LBB2_6-.Ltmp1, $4  }
0x1f: {  	s14 =	simm.s32 @!p1 $0x3  }
0x20: {  	s16 =	sadd.s32 $0x1, s12;
	_ =	swait.ge @!p1 [sflag:s14], $0x100  }
0x21: {  	s13 =	smov.u32 s11;
	p0 =	por !p0, !p0;
	[sflag:s14] =	ssyncset.done @!p1 $0x0  }
0x22: {  	s12 =	smov.u32 s16;
	s11 =	smov.u32 s15;
	[sflag:s14] =	ssyncadd.s32 @!p1 $0xFFFFFF00  }
.LBB2_1:
0x23: {  	p1 =	sge.u32 s12, s8  }
0x24: {  	s14 =	sxor.u32 @!p1 $0xFFFFFFFF, s12  }
0x25: {  	s31 =	sadd.s32 $0xFFFFFFFF, s12;
	s15 =	sshrl.u32 @!p1 s11, $0x3;
	s14 =	sshll.u32 @!p1 s14, $0x8  }
0x26: {  	s16 =	sand.u32 @!p1 $0x7, s11;
	s15 =	sadd.s32 @!p1 s3, s15;
	s14 =	sand.u32 @!p1 $0x100, s14  }
0x27: {  	[tilespmem:s14], [sflag:$0x2] =	stream.linear.gather @!p1 [hbm4b:s15+s16], $0x100, $0x38;
	[tilespmem:$0x400] =	vst v63  }
0x28: {  	p1 =	sge.u32 s31, s8  }
.Ltmp2:
0x29: {  	_ = 	snop;
	(pc) =	sbr.rel @p1 .LBB2_5-.Ltmp2, $1  }
0x2a: {  	_ =	sdelay $0x3  }
0x2b: {  	s14 =	simm.s32 $0x1  }
0x2c: {  	_ =	swait.ge [sflag:s7], $0x100;
	s14 =	simm.s32 @!p0 $0x0  }
0x2d: {  	[sflag:s7] =	ssyncset.done $0x0;
	s14 =	sshll.u32 s14, $0x8  }
0x2e: {  	[sflag:s7] =	ssyncadd.s32 $0xFFFFFF00;
	(ifvalue) =	ssetifvalue $0x7FFFFFFF;
	v1 =	vld.msk [tilespmem:s14+$0x0 ss:$0x1], $0xffff;
	_ =	sdelay $0x4  }
0x2f: {  	s15 =	sadd.s32 $0x10, s14;
	vm1 =	veq.s32 v1, $0x80000000;
	v1 =	vand.u32 $0xFFFFF, v1  }
0x30: {  	v2 =	vld.msk [tilespmem:s15+$0x0 ss:$0x1], $0xffff;
	v1 =	vsel vm1, $0xFFFFFFFF, v1  }
0x31: {  	v4 =	vsel vm1, $0xFFF0BD80, v0;
	v3 =	vand.u32 $0xFFFFFF80, v1  }
0x32: {  	v1 =	vand.u32 $0x7F, v1;
	v3 =	vadd.s32 v4, v3  }
0x33: {  	v1 =	vor.u32 v1, v3;
	_ =	sdelay $0x1  }
0x34: {  	s16 =	sshll.u32 s12, $0x8;
	s18 =	simm.s32 $0x20;
	vm1 =	veq.s32 v2, $0x80000000;
	v4 =	vand.u32 $0xFFFFF, v2  }
0x35: {  	s16 =	sand.u32 $0x100, s16;
	s17 =	sadd.s32 $0x10, s15;
	s15 =	sor.u32 $0x200, s14;
	v3 =	vsel vm1, $0xFFFFFFFF, v4  }
0x36: {  	s14 =	sor.u32 $0x200, s16;
	s16 =	sadd.s32 $0x10, s15;
	v5 =	vsel vm1, $0xFFF0BD80, v0;
	v2 =	vld.msk [tilespmem:s17+$0x0 ss:$0x1], $0xffff;
	(ifvalue) =	ssetifvalue $0x7FFFFFFF;
	v4 =	vand.u32 $0xFFFFFF80, v3;
	v3 =	vand.u32 $0x7F, v3  }
.LBB2_3:
0x37: {  	[tilespmem:s15], [sflag:$0x1] =	stream.indirect_vreg.gather [hbm4b:s2+s10], $0x1, v1, vm0, $0x4038;
	[tilespmem:$0x400] =	vst v63  }
0x38: {  	s18 =	sadd.s32 $0x10, s18  }
0x39: {  	v4 =	vadd.s32 v5, v4;
	p1 =	slt.u32 s18, $0xF0  }
.Ltmp3:
0x3a: {  	s15 =	smov.u32 s16;
	v1 =	vor.u32 v3, v4;
	(pc) =	sbr.rel @p1 .LBB2_3-.Ltmp3, $4  }
0x3b: {  	s17 =	sadd.s32 $0x10, s17  }
0x3c: {  	vm1 =	veq.s32 v2, $0x80000000;
	v3 =	vand.u32 $0xFFFFF, v2;
	v2 =	vld.msk [tilespmem:s17+$0x0 ss:$0x1], $0xffff  }
0x3d: {  	v3 =	vsel vm1, $0xFFFFFFFF, v3  }
0x3e: {  	s16 =	sadd.s32 $0x10, s16;
	v5 =	vsel vm1, $0xFFF0BD80, v0;
	v4 =	vand.u32 $0xFFFFFF80, v3;
	v3 =	vand.u32 $0x7F, v3;
	(ifvalue) =	ssetifvalue $0x7FFFFFFF  }
.Ltmp4:
0x3f: {  	_ = 	snop;
	(pc) =	sbr.rel .LBB2_4-.Ltmp4, $1  }
0x40: {  	_ =	sdelay $0x3  }
.LBB2_6:
0x41: {  	_ =	sfence.sel $0x180000  }
0x42: {  	s2 =	simm.s32 $0x2;
	[bflag:$0x0] =	sbarrier.arrive $0xFFFF  }
0x43: {  	s30 =	simm.s32 $0x3;
	[sflag:s2] =	ssyncpa.u1 $0x1  }
0x44: {  	s31 =	simm.s32 $0x1;
	[sflag:s30] =	ssyncpa.u1 $0x1  }
0x45: {  	[sflag:s31] =	ssyncpa.u1 $0x1  }
0x46: {  	p0 =	sne.s32 s0, $0x0;
	_ =	strace $0x90000047  }
0x47: {  	s0 =	sadd.s32 @!p0 $0x100000, s1;
	[bflag:$0x2] =	sbarrier.arrive $0xFFFF  }
0x48: {  	[sflag:s0] =	ssyncadd.tile.s32 @!p0 $0x1;
	_ =	shalt  }
.Lfunc_end2:
_tile_overlayer_lowered:
.L_overlay_start_2:
0x49: {  	(tag) =	ssettag $0x2  }
0x4a: {  	s0 =	rddreg [dreg:$0x0];
	s2 =	stileid.u32  }
0x4b: {  	s1 =	rddreg [dreg:$0x1];
	p0 =	sne.s32 s2, $0x0  }
0x4c: {  	s3 =	rddreg [dreg:$0x2];
	[bflag:$0x3] =	sbarrier.arrive $0xFFFF;
	s2 =	simm.s32 @!p0 $0x1C01  }
0x4d: {  	[timem:s3], [sflag:s2] =	dma.local @!p0 [hbm:s0], s1  }
0x4e: {  	s0 =	simm.s32 @!p0 $0x1  }
0x4f: {  	_ =	swait.ge @!p0 [sflag:s0], s1  }
0x50: {  	s1 =	ssub.s32 @!p0 $0x0, s1;
	[sflag:s0] =	ssyncset.done @!p0 $0x0  }
0x51: {  	[sflag:s0] =	ssyncadd.s32 @!p0 s1  }
0x52: {  	[bflag:$0x3] =	sbarrier.arrive $0xFFFF  }
0x53: {  	_ =	shalt  }

// kernel: kernel.3.cloned.1.call-start
scs
__scs_entry_jumppad:
0x0: {  	(pc) =	sbr.rel $0x88, $3  }
0x1: {  	(tag) =	ssettag $0x0;
	lr =	simm.s32 $0x1  }
0x2: {  	[smem:$0x3F9B] =	sst lr;
	_ =	strace $0xD0000000  }
0x3: {  	_ = 	snop  }
0x4: {  	_ = 	snop  }
0x5: {  	_ = 	snop  }
0x6: {  	_ = 	snop  }
0x7: {  	_ = 	snop  }
__scs_overlays_trampoline_lowered:
0x8: {  	[smem:$0x3FAA] =	sst s0  }
0x9: {  	[smem:$0x3FAB] =	sst s1  }
0xa: {  	[smem:$0x3FAC] =	sst s2  }
0xb: {  	[smem:$0x3FAD] =	sst s3  }
0xc: {  	[smem:$0x3FAE] =	sst s4  }
0xd: {  	[smem:$0x3FAF] =	sst s5  }
0xe: {  	[smem:$0x3FB0] =	sst s6  }
0xf: {  	[smem:$0x3FB1] =	sst s7  }
0x10: {  	[smem:$0x3FB2] =	sst s8  }
0x11: {  	[smem:$0x3FB3] =	sst s9;
	s0 =	simm.s32 @!p0 $0x0  }
0x12: {  	s1 =	sld [smem:$0x3F99];
	s0 =	simm.s32 @p0 $0x1  }
0x13: {  	[smem:$0x3FB4] =	sst s0;
	s0 =	simm.s32 @!p1 $0x0  }
0x14: {  	s2 =	sld [smem:$0x3F98];
	s0 =	simm.s32 @p1 $0x1  }
0x15: {  	[smem:$0x3FB5] =	sst s0;
	s0 =	simm.s32 @!p2 $0x0  }
0x16: {  	s3 =	sld [smem:$0x3FDB];
	s0 =	simm.s32 @p2 $0x1  }
0x17: {  	s4 =	simm.s32 $0x1BF5;
	[smem:$0x3FB7] =	sst s0  }
0x18: {  	s0 =	sld [smem:$0x3F9A];
	_ =	swait.ge [sflag:s4], $0x0  }
0x19: {  	s7 =	sld [smem:$0x3F9B]  }
0x1a: {  	s8 =	sadd.s32 $0xFFFFE003, lr  }
0x1b: {  	s9 =	sadd.s32 $0xFFFFFEF7, lr;
	s5 =	simm.s32 $0xFFFFFFFF;
	p2 =	slt.u32 s8, $0xFFFFF086  }
0x1c: {  	p1 =	slt.u32 s9, $0xF7A;
	s5 =	simm.s32 @!p2 $0x0  }
0x1d: {  	s5 =	simm.s32 @p1 $0x1;
	p0 =	seq.s32 s7, s2  }
0x1e: {  	s7 =	smul.u32 @!p0 $0xF7A, s2;
	p2 =	seq.s32 @!p0 s5, $0x0  }
0x1f: {  	s9 =	smul.u32 $0xF7A, s1;
	s8 =	simm.s32 @!p0 $0x1BF5;
	p2 =	por !p2, p0  }
0x20: {  	[sflag:s8] =	ssyncset.s32 @!p0 $0xFFFFF086;
	s6 =	sadd.s32 @!p0 s3, s7;
	s7 =	simm.s32 @!p0 $0x108  }
0x21: {  	s3 =	sadd.s32 s3, s9;
	s6 =	sadd.s32 @!p0 $0x88, s6;
	s7 =	simm.s32 @p2 $0x1082  }
0x22: {  	[simem:s7], [sflag:s8] =	dma.local @!p0 [hbm:s6], $0xF7A  }
0x23: {  	s9 =	sor.u32 $0xD0000000, s2;
	s6 =	simm.s32 $0x108;
	_ =	swait.ge @!p0 [sflag:s8], $0x0  }
0x24: {  	s3 =	sadd.s32 $0x88, s3;
	s6 =	simm.s32 @!p1 $0x1082;
	[sflag:s4] =	ssyncset.s32 $0xFFFFF086  }
0x25: {  	[simem:s6], [sflag:s4] =	dma.local [hbm:s3], $0xF7A  }
0x26: {  	[smem:$0x3F9B] =	sst s1;
	(tag) =	ssettag s2;
	_ =	strace s9  }
0x27: {  	s1 =	sld [smem:$0x3FAB]  }
0x28: {  	s2 =	sld [smem:$0x3FAC]  }
0x29: {  	s4 =	sld [smem:$0x3FAE]  }
0x2a: {  	p0 =	seq.s32 s5, $0x0;
	s5 =	sld [smem:$0x3FAF]  }
0x2b: {  	s6 =	sld [smem:$0x3FB0]  }
0x2c: {  	s7 =	sld [smem:$0x3FB1]  }
0x2d: {  	s3 =	simm.s32 $0x108;
	s8 =	sld [smem:$0x3FB2]  }
0x2e: {  	s3 =	simm.s32 @!p0 $0x1082;
	s9 =	sld [smem:$0x3FB3]  }
0x2f: {  	lr =	sadd.s32 s0, s3;
	s0 =	sld [smem:$0x3FAA]  }
0x30: {  	s3 =	sld [smem:$0x3FAD]  }
0x31: {  	[smem:$0x3FB6] =	sst s10  }
0x32: {  	s10 =	sld [smem:$0x3FB4];
	_ =	sdelay $0x3  }
0x33: {  	p0 =	seq.s32 s10, $0x1;
	s10 =	sld [smem:$0x3FB6];
	_ =	sdelay $0x3  }
0x34: {  	[smem:$0x3FB6] =	sst s10  }
0x35: {  	s10 =	sld [smem:$0x3FB5];
	_ =	sdelay $0x3  }
0x36: {  	p1 =	seq.s32 s10, $0x1;
	s10 =	sld [smem:$0x3FB6];
	_ =	sdelay $0x3  }
0x37: {  	[smem:$0x3FB6] =	sst s10  }
0x38: {  	s10 =	sld [smem:$0x3FB7]  }
0x39: {  	_ = 	snop;
	(pc) =	sbr.ind lr, $3  }
0x3a: {  	_ = 	snop  }
0x3b: {  	_ = 	snop  }
0x3c: {  	p2 =	seq.s32 s10, $0x1;
	s10 =	sld [smem:$0x3FB6]  }
0x3d: {  	_ =	shalt  }
0x3e: {  	_ =	shalt  }
0x3f: {  	_ =	shalt  }
0x40: {  	_ =	shalt  }
0x41: {  	_ =	shalt  }
0x42: {  	_ =	shalt  }
0x43: {  	_ =	shalt  }
0x44: {  	_ =	shalt  }
0x45: {  	_ =	shalt  }
0x46: {  	_ =	shalt  }
0x47: {  	_ =	shalt  }
0x48: {  	_ =	shalt  }
0x49: {  	_ =	shalt  }
0x4a: {  	_ =	shalt  }
0x4b: {  	_ =	shalt  }
0x4c: {  	_ =	shalt  }
0x4d: {  	_ =	shalt  }
0x4e: {  	_ =	shalt  }
0x4f: {  	_ =	shalt  }
0x50: {  	_ =	shalt  }
0x51: {  	_ =	shalt  }
0x52: {  	_ =	shalt  }
0x53: {  	_ =	shalt  }
0x54: {  	_ =	shalt  }
0x55: {  	_ =	shalt  }
0x56: {  	_ =	shalt  }
0x57: {  	_ =	shalt  }
0x58: {  	_ =	shalt  }
0x59: {  	_ =	shalt  }
0x5a: {  	_ =	shalt  }
0x5b: {  	_ =	shalt  }
0x5c: {  	_ =	shalt  }
0x5d: {  	_ =	shalt  }
0x5e: {  	_ =	shalt  }
0x5f: {  	_ =	shalt  }
0x60: {  	_ =	shalt  }
0x61: {  	_ =	shalt  }
0x62: {  	_ =	shalt  }
0x63: {  	_ =	shalt  }
0x64: {  	_ =	shalt  }
0x65: {  	_ =	shalt  }
0x66: {  	_ =	shalt  }
0x67: {  	_ =	shalt  }
0x68: {  	_ =	shalt  }
0x69: {  	_ =	shalt  }
0x6a: {  	_ =	shalt  }
0x6b: {  	_ =	shalt  }
0x6c: {  	_ =	shalt  }
0x6d: {  	_ =	shalt  }
0x6e: {  	_ =	shalt  }
0x6f: {  	_ =	shalt  }
0x70: {  	_ =	shalt  }
0x71: {  	_ =	shalt  }
0x72: {  	_ =	shalt  }
0x73: {  	_ =	shalt  }
0x74: {  	_ =	shalt  }
0x75: {  	_ =	shalt  }
0x76: {  	_ =	shalt  }
0x77: {  	_ =	shalt  }
0x78: {  	_ =	shalt  }
0x79: {  	_ =	shalt  }
0x7a: {  	_ =	shalt  }
0x7b: {  	_ =	shalt  }
0x7c: {  	_ =	shalt  }
0x7d: {  	_ =	shalt  }
0x7e: {  	_ =	shalt  }
0x7f: {  	_ =	shalt  }
0x80: {  	_ =	shalt  }
0x81: {  	_ =	shalt  }
0x82: {  	_ =	shalt  }
0x83: {  	_ =	shalt  }
0x84: {  	_ =	shalt  }
0x85: {  	_ =	shalt  }
0x86: {  	_ =	shalt  }
0x87: {  	_ =	shalt  }
.Lfunc_end0:
.L_simem_size_0:
called_computation.2_lowered:
.L_overlay_start_0:
0x88: {  	s2 =	sld [smem:$0x3FD9]  }
0x89: {  	s3 =	sld [smem:$0x3FFE];
	_ =	sdelay $0x1  }
0x8a: {  	s1 =	srdreg.scid  }
0x8b: {  	s0 =	sand.u32 $0x1, s1  }
0x8c: {  	s17 =	sshll.u32 s0, $0xA;
	s2 =	sadd.s32 s3, s2  }
0x8d: {  	s2 =	sadd.s32 s2, s17  }
0x8e: {  	[smem:$0x3FC2] =	sst s2  }
0x8f: {  	_ = 	snop  }
0x90: {  	s18 =	sld [smem:$0x3FC5]  }
0x91: {  	s4 =	sld [smem:$0x3FC4];
	(tm) =	ssettm $0x1  }
0x92: {  	s19 =	sld [smem:$0x3FFB];
	_ =	sdelay $0x3  }
0x93: {  	_ =	strace s19  }
0x94: {  	s2 =	sld [smem:$0x3FFC];
	_ =	sdelay $0x3  }
0x95: {  	_ =	strace s2  }
0x96: {  	s2 =	sld [smem:$0x3FFD];
	_ =	sdelay $0x3  }
0x97: {  	_ =	strace s2  }
0x98: {  	_ =	strace $0x8FFFFFFF  }
0x99: {  	s20 =	sld [smem:$0x3FDB];
	_ =	sdelay $0x1  }
0x9a: {  	s5 =	simm.s32 $_scs_section_size  }
0x9b: {  	s6 =	simm.s32 $_size__tile_overlayer_lowered;
	s7 =	simm.s32 $_tile_overlayer_lowered  }
0x9c: {  	s8 =	simm.s32 $0x1BFF;
	s21 =	sshll.u32 s7, $0x1;
	s5 =	sadd.s32 s5, s20  }
0x9d: {  	s22 =	simm.s32 $0x0;
	s6 =	sshll.u32 s6, $0x1;
	s7 =	sadd.s32 s21, s5  }
0x9e: {  	[timem:s22], [sflag:s8] =	dma.local [hbm:s7], s6  }
0x9f: {  	_ =	swait.ge [sflag:s8], s6  }
0xa0: {  	s6 =	ssub.s32 $0x0, s6;
	[sflag:s8] =	ssyncset.done $0x0  }
0xa1: {  	[sflag:s8] =	ssyncadd.s32 s6;
	_ =	sdelay $0x1  }
0xa2: {  	s23 =	simm.s32 $0x1B8B  }
0xa3: {  	_ =	swait.ge [sflag:s23], $0x1  }
0xa4: {  	[sflag:s23] =	ssyncset.done $0x0  }
0xa5: {  	[sflag:s23] =	ssyncadd.s32 $0xFFFFFFFF  }
0xa6: {  	s6 =	sld [smem:$0x0]  }
0xa7: {  	s7 =	sand.u32 $0xFFFFFFFE, s1  }
0xa8: {  	p0 =	sne.s32 s1, s7  }
0xa9: {  	s7 =	sshll.u32 @p0 s7, $0xE  }
0xaa: {  	s7 =	sadd.s32 @p0 $0x11B8D, s7;
	s8 =	sshll.u32 @p0 s6, $0x11  }
0xab: {  	s7 =	sor.u32 @p0 s8, s7  }
0xac: {  	[sflag:s7] =	ssyncadd.remote.s32 @p0 $0x1;
	_ =	sdelay $0x1  }
0xad: {  	s7 =	simm.s32 @p0 $0x1B8D  }
0xae: {  	_ =	swait.eq @p0 [sflag:s7], $0x1  }
0xaf: {  	[sflag:s7] =	ssyncadd.s32 @p0 $0xFFFFFFFF  }
0xb0: {  	s8 =	sshll.u32 @!p0 s1, $0xE  }
0xb1: {  	s8 =	sor.u32 @!p0 $0x4000, s8;
	s7 =	simm.s32 @!p0 $0x1B8D  }
0xb2: {  	s6 =	sshll.u32 @!p0 s6, $0x11;
	s8 =	sadd.s32 @!p0 $0x11B8D, s8;
	_ =	swait.eq @!p0 [sflag:s7], $0x1  }
0xb3: {  	s6 =	sor.u32 @!p0 s6, s8;
	[sflag:s7] =	ssyncadd.s32 @!p0 $0xFFFFFFFF  }
0xb4: {  	s25 =	simm.s32 $0x1B8E;
	s24 =	sld [smem:$0x3FFE];
	[sflag:s6] =	ssyncadd.remote.s32 @!p0 $0x1  }
0xb5: {  	s26 =	simm.s32 $execute0_lowered;
	[smem:$0x3FD2] =	sst s25  }
0xb6: {  	s7 =	sshll.u32 s26, $0x1;
	_ =	strace $0x8000004C;
	[dreg:$0x1] =	wrdreg $0xFFFFFFFF  }
0xb7: {  	s28 =	simm.s32 $_size_execute0_lowered;
	s5 =	sadd.s32 s5, s7;
	[dreg:$0x0] =	wrdreg $0x0  }
0xb8: {  	s7 =	sshll.u32 s28, $0x1;
	[dreg:$0x2] =	wrdreg s5  }
0xb9: {  	[dreg:$0x3] =	wrdreg s7  }
0xba: {  	[dreg:$0x4] =	wrdreg $0xC0  }
0xbb: {  	_ =	task [dreg:s22], $0x5FFFF  }
0xbc: {  	[dreg:$0x1] =	wrdreg $0xFFFFFFFF  }
0xbd: {  	[dreg:$0x0] =	wrdreg $0x60  }
0xbe: {  	[dreg:$0x2] =	wrdreg s24  }
0xbf: {  	[dreg:$0x3] =	wrdreg s18  }
0xc0: {  	[dreg:$0x4] =	wrdreg s4  }
0xc1: {  	[dreg:$0x5] =	wrdreg $0xB  }
0xc2: {  	_ =	task.clear_ibuf [dreg:s22], $0x6FFFF;
	_ =	strace $0x9000004C  }
0xc3: {  	s29 =	simm.s32 $0xB;
	_ =	strace $0x8000004E  }
0xc4: {  	_ =	swait.ge [sflag:s29], $0x1  }
0xc5: {  	[sflag:s29] =	ssyncadd.s32 $0xFFFFFFFF  }
0xc6: {  	_ =	strace $0x9000004E  }
0xc7: {  	_ =	sfence  }
0xc8: {  	s30 =	sld [smem:$0x0];
	_ =	sdelay $0x2  }
0xc9: {  	s31 =	sshll.u32 s1, $0xD;
	s1 =	sshrl.u32 s1, $0x2  }
0xca: {  	s4 =	sand.u32 $0x4000, s31;
	s1 =	sadd.s32 s1, s30  }
0xcb: {  	s0 =	sor.u32 s4, s0;
	s1 =	sshll.u32 s1, $0x11  }
0xcc: {  	s0 =	sor.u32 s1, s0  }
0xcd: {  	s0 =	sadd.s32 $0x8F2B, s0  }
0xce: {  	[sflag:s0] =	ssyncadd.remote.s32 $0x1  }
0xcf: {  	_ =	sfence.sel $0xFFFF  }
0xd0: {  	[dreg:$0x0] =	wrdreg $0xFFFFFFFF;
	(pc) =	sbr.abs _section_cstart, $3  }
0xd1: {  	[dreg:$0x1] =	wrdreg $0xFFFFFFFF  }
0xd2: {  	_ =	task.clear_ibuf [dreg:s22], $0x2FFFF;
	_ =	strace $0x9FFFFFFF  }
0xd3: {  	(tm) =	ssettm $0x7FFFFFFF  }
tec
execute0_lowered:
.L_overlay_start_1:
0x0: {  	(tag) =	ssettag $0x1  }
0x1: {  	s0 =	rddreg [dreg:$0x0]  }
0x2: {  	s1 =	rddreg [dreg:$0x1];
	s3 =	srdreg.scid  }
0x3: {  	s2 =	rddreg [dreg:$0x2];
	s5 =	stileid.u32;
	s4 =	sand.u32 $0x1, s3  }
0x4: {  	s29 =	simm.s32 $0x0;
	s5 =	sshll.u32 s5, $0x7;
	s6 =	sshll.u32 s4, $0x6  }
0x5: {  	[smem:$0x7FF] =	sst s29;
	s13 =	sadd.s32 $0xF43400, s0;
	s5 =	sor.u32 s6, s5  }
0x6: {  	_ =	strace $0x8000004D;
	[dreg:$0x4] =	wrdreg s13;
	s21 =	sadd.s32 s1, s5  }
0x7: {  	s22 =	sor.u32 $0x10, s5;
	s23 =	sadd.s32 s2, s5;
	[dreg:$0x11] =	wrdreg s21  }
0x8: {  	s11 =	sadd.s32 $0x1000, s0;
	[dreg:$0x12] =	wrdreg s23;
	s24 =	sadd.s32 s1, s22  }
0x9: {  	s8 =	sor.u32 $0x20, s5;
	s25 =	sadd.s32 s2, s22;
	[dreg:$0x13] =	wrdreg s24  }
0xa: {  	s0 =	sadd.s32 s5, s0;
	s26 =	sadd.s32 s1, s8;
	[dreg:$0x14] =	wrdreg s25  }
0xb: {  	s5 =	sor.u32 $0x30, s5;
	s28 =	sadd.s32 s2, s8;
	[dreg:$0x15] =	wrdreg s26  }
0xc: {  	s20 =	ssub.s32 $0x2, s4;
	s1 =	sadd.s32 s1, s5;
	[dreg:$0x16] =	wrdreg s28  }
0xd: {  	s7 =	sshrl.u32 s20, $0x1;
	s30 =	sadd.s32 s2, s5;
	[dreg:$0x17] =	wrdreg s1  }
0xe: {  	v0 =	vlaneseq.u32;
	s6 =	ssub.s32 s20, s7;
	s0 =	sadd.s32 $0x1E87000, s0;
	[dreg:$0x18] =	wrdreg s30  }
0xf: {  	v0 =	vmul.u32 $0x80, v0;
	s31 =	smax.u32 s6, $0x1;
	[dreg:$0x19] =	wrdreg s0  }
0x10: {  	s2 =	simm.s32 $0x0;
	[dreg:$0x1a] =	wrdreg s31;
	s1 =	simm.s32 $0x5  }
.LBB2_1:
0x11: {  	[dreg:$0x1b] =	wrdreg s2  }
0x12: {  	s0 =	rddreg [dreg:$0x11]  }
0x13: {  	[tilespmem:s29], [sflag:$0x5] =	stream.linear.gather [hbm4b:s0+s29], $0x80, $0x38;
	[tilespmem:$0x10600] =	vst v63  }
0x14: {  	_ =	swait.ge [sflag:s1], $0x80  }
0x15: {  	[sflag:s1] =	ssyncset.done $0x0  }
0x16: {  	s9 =	simm.s32 $0x200;
	s8 =	rddreg [dreg:$0x12];
	[sflag:s1] =	ssyncadd.s32 $0xFFFFFF80  }
0x17: {  	[tilespmem:s9], [sflag:$0x5] =	stream.linear.gather [hbm4b:s8+s29], $0x80, $0x38;
	[tilespmem:$0x10600] =	vst v63  }
0x18: {  	_ =	swait.ge [sflag:s1], $0x80  }
0x19: {  	[sflag:s1] =	ssyncset.done $0x0  }
0x1a: {  	s12 =	simm.s32 $0x80;
	s10 =	rddreg [dreg:$0x13];
	[sflag:s1] =	ssyncadd.s32 $0xFFFFFF80  }
0x1b: {  	[tilespmem:s12], [sflag:$0x5] =	stream.linear.gather [hbm4b:s10+s29], $0x80, $0x38;
	[tilespmem:$0x10600] =	vst v63  }
0x1c: {  	_ =	swait.ge [sflag:s1], $0x80  }
0x1d: {  	[sflag:s1] =	ssyncset.done $0x0  }
0x1e: {  	s15 =	simm.s32 $0x280;
	s14 =	rddreg [dreg:$0x14];
	[sflag:s1] =	ssyncadd.s32 $0xFFFFFF80  }
0x1f: {  	[tilespmem:s15], [sflag:$0x5] =	stream.linear.gather [hbm4b:s14+s29], $0x80, $0x38;
	[tilespmem:$0x10600] =	vst v63  }
0x20: {  	_ =	swait.ge [sflag:s1], $0x80  }
0x21: {  	[sflag:s1] =	ssyncset.done $0x0  }
0x22: {  	s17 =	simm.s32 $0x100;
	s16 =	rddreg [dreg:$0x15];
	[sflag:s1] =	ssyncadd.s32 $0xFFFFFF80  }
0x23: {  	[tilespmem:s17], [sflag:$0x5] =	stream.linear.gather [hbm4b:s16+s29], $0x80, $0x38;
	[tilespmem:$0x10600] =	vst v63  }
0x24: {  	_ =	swait.ge [sflag:s1], $0x80  }
0x25: {  	[sflag:s1] =	ssyncset.done $0x0  }
0x26: {  	s19 =	simm.s32 $0x300;
	s18 =	rddreg [dreg:$0x16];
	[sflag:s1] =	ssyncadd.s32 $0xFFFFFF80  }
0x27: {  	[tilespmem:s19], [sflag:$0x5] =	stream.linear.gather [hbm4b:s18+s29], $0x80, $0x38;
	[tilespmem:$0x10600] =	vst v63  }
0x28: {  	_ =	swait.ge [sflag:s1], $0x80  }
0x29: {  	[sflag:s1] =	ssyncset.done $0x0  }
0x2a: {  	s21 =	simm.s32 $0x180;
	s20 =	rddreg [dreg:$0x17];
	[sflag:s1] =	ssyncadd.s32 $0xFFFFFF80  }
0x2b: {  	[tilespmem:s21], [sflag:$0x5] =	stream.linear.gather [hbm4b:s20+s29], $0x80, $0x38;
	[tilespmem:$0x10600] =	vst v63  }
0x2c: {  	_ =	swait.ge [sflag:s1], $0x80  }
0x2d: {  	[sflag:s1] =	ssyncset.done $0x0  }
0x2e: {  	s23 =	simm.s32 $0x380;
	s22 =	rddreg [dreg:$0x18];
	[sflag:s1] =	ssyncadd.s32 $0xFFFFFF80  }
0x2f: {  	[tilespmem:s23], [sflag:$0x5] =	stream.linear.gather [hbm4b:s22+s29], $0x80, $0x38;
	[tilespmem:$0x10600] =	vst v63  }
0x30: {  	_ =	swait.ge [sflag:s1], $0x80  }
0x31: {  	[sflag:s1] =	ssyncset.done $0x0  }
0x32: {  	s24 =	sand.u32 $0xF0, s29;
	[sflag:s1] =	ssyncadd.s32 $0xFFFFFF80  }
0x33: {  	v1 =	vld [tilespmem:s24+$0x200]  }
0x34: {  	v2 =	vld [tilespmem:s24+$0x0];
	_ =	sdelay $0x3  }
0x35: {  	v1 =	vshll.u32 v1, $0x4  }
0x36: {  	v2 =	vshll.u32 v2, $0x4;
	(v2sf) =	vpush v1, $0x0  }
0x37: {  	(v2sf) =	vpush v2, $0x0  }
0x38: {  	(v2sf) =	vpush v2, $0x1  }
0x39: {  	(v2sf) =	vpush v1, $0x1;
	_ =	sdelay $0x1  }
0x3a: {  	(v2sf) =	vpush v2, $0x2;
	_ =	sdelay $0x2  }
0x3b: {  	(v2sf) =	vpush v1, $0x2;
	_ =	sdelay $0x1  }
0x3c: {  	(v2sf) =	vpush v2, $0x3;
	_ =	sdelay $0x1  }
0x3d: {  	s7 =	simm.s32 $0x8400;
	s6 =	simm.s32 $0x8800;
	s28 =	simm.s32 $0x480;
	(v2sf) =	vpush v1, $0x3  }
0x3e: {  	s3 =	simm.s32 $0x8480;
	s0 =	simm.s32 $0x2000;
	s9 =	simm.s32 $0x680  }
0x3f: {  	s8 =	simm.s32 $0x400;
	s10 =	simm.s32 $0x600;
	s15 =	simm.s32 $0x8500  }
0x40: {  	s19 =	simm.s32 $0x580;
	s21 =	simm.s32 $0x8580;
	s25 =	spop (v2sf)  }
0x41: {  	s1 =	simm.s32 $0x0;
	(v2sf) =	vpush v2, $0x4;
	s5 =	spop (v2sf);
	s2 =	sand.u32 $0x1FFFFFF0, s25  }
0x42: {  	s5 =	sand.u32 $0x1FFFFFF0, s5;
	s26 =	spop (v2sf);
	s2 =	sadd.s32 s13, s2  }
0x43: {  	(v2sf) =	vpush v1, $0x4;
	s5 =	sadd.s32 s11, s5;
	s30 =	sand.u32 $0x1FFFFFF0, s26;
	s31 =	spop (v2sf)  }
0x44: {  	[tilespmem:s8], [sflag:$0x1] =	stream.linear.gather [hbm4b:s5+s29], $0x80, $0x38;
	[tilespmem:$0x10600] =	vst v63  }
0x45: {  	s26 =	simm.s32 $0x8600;
	s5 =	simm.s32 $0x8880;
	s12 =	spop (v2sf)  }
0x46: {  	(v2sf) =	vpush v2, $0x5;
	s8 =	sand.u32 $0x1FFFFFF0, s31;
	s31 =	simm.s32 $0x8680;
	s4 =	sand.u32 $0x1FFFFFF0, s12  }
0x47: {  	[tilespmem:s7], [sflag:$0x1] =	stream.linear.gather [hbm4b:s2+s29], $0x80, $0x38;
	[tilespmem:$0x10600] =	vst v63  }
0x48: {  	(v2sf) =	vpush v1, $0x5;
	s8 =	sadd.s32 s13, s8;
	s14 =	spop (v2sf);
	s7 =	sadd.s32 s11, s30  }
0x49: {  	[tilespmem:s28], [sflag:$0x2] =	stream.linear.gather [hbm4b:s7+s29], $0x80, $0x38;
	[tilespmem:$0x10600] =	vst v63  }
0x4a: {  	(v2sf) =	vpush v2, $0x6;
	s12 =	simm.s32 $0x500;
	s16 =	sand.u32 $0x1FFFFFF0, s14;
	s17 =	spop (v2sf)  }
0x4b: {  	[tilespmem:s3], [sflag:$0x2] =	stream.linear.gather [hbm4b:s8+s29], $0x80, $0x38;
	[tilespmem:$0x10600] =	vst v63  }
0x4c: {  	(v2sf) =	vpush v1, $0x6;
	s14 =	simm.s32 $0x700;
	s18 =	spop (v2sf);
	s7 =	sadd.s32 s11, s4  }
0x4d: {  	[tilespmem:s12], [sflag:$0x3] =	stream.linear.gather [hbm4b:s7+s29], $0x80, $0x38;
	[tilespmem:$0x10600] =	vst v63  }
0x4e: {  	s20 =	sand.u32 $0x1FFFFFF0, s18;
	s8 =	sand.u32 $0x1FFFFFF0, s17;
	s7 =	sadd.s32 s13, s16  }
0x4f: {  	[tilespmem:s15], [sflag:$0x3] =	stream.linear.gather [hbm4b:s7+s29], $0x80, $0x38;
	[tilespmem:$0x10600] =	vst v63  }
0x50: {  	(v2sf) =	vpush v2, $0x7;
	s18 =	simm.s32 $0x780;
	s8 =	sadd.s32 s11, s8;
	s22 =	spop (v2sf)  }
0x51: {  	[tilespmem:s19], [sflag:$0x4] =	stream.linear.gather [hbm4b:s8+s29], $0x80, $0x38;
	[tilespmem:$0x10600] =	vst v63  }
0x52: {  	s16 =	simm.s32 $0x8700;
	s7 =	sadd.s32 s13, s20;
	(v2sf) =	vpush v1, $0x7;
	s24 =	spop (v2sf)  }
0x53: {  	(v2sf) =	vpush v2, $0x8;
	s23 =	sand.u32 $0x1FFFFFF0, s22;
	s22 =	simm.s32 $0x8780;
	s8 =	sand.u32 $0x1FFFFFF0, s24  }
0x54: {  	[tilespmem:s21], [sflag:$0x4] =	stream.linear.gather [hbm4b:s7+s29], $0x80, $0x38;
	[tilespmem:$0x10600] =	vst v63  }
0x55: {  	s25 =	spop (v2sf);
	s2 =	sadd.s32 s11, s23;
	(v2sf) =	vpush v1, $0x8;
	s24 =	simm.s32 $0x800  }
0x56: {  	[tilespmem:s10], [sflag:$0x1] =	stream.linear.gather [hbm4b:s2+s29], $0x80, $0x38;
	[tilespmem:$0x10600] =	vst v63  }
0x57: {  	s28 =	sand.u32 $0x1FFFFFF0, s25;
	s8 =	sadd.s32 s13, s8;
	s30 =	spop (v2sf);
	(v2sf) =	vpush v2, $0x9  }
0x58: {  	[tilespmem:s26], [sflag:$0x1] =	stream.linear.gather [hbm4b:s8+s29], $0x80, $0x38;
	[tilespmem:$0x10600] =	vst v63  }
0x59: {  	s3 =	spop (v2sf);
	s10 =	sadd.s32 s11, s28;
	s2 =	sand.u32 $0x1FFFFFF0, s30  }
0x5a: {  	[tilespmem:s9], [sflag:$0x2] =	stream.linear.gather [hbm4b:s10+s29], $0x80, $0x38;
	[tilespmem:$0x10600] =	vst v63  }
0x5b: {  	(v2sf) =	vpush v1, $0x9;
	s4 =	spop (v2sf);
	s2 =	sadd.s32 s13, s2;
	s10 =	sand.u32 $0x1FFFFFF0, s3  }
0x5c: {  	[tilespmem:s31], [sflag:$0x2] =	stream.linear.gather [hbm4b:s2+s29], $0x80, $0x38;
	[tilespmem:$0x10600] =	vst v63  }
0x5d: {  	s7 =	simm.s32 $0x900;
	(v2sf) =	vpush v2, $0xA;
	s15 =	sand.u32 $0x1FFFFFF0, s4;
	s10 =	sadd.s32 s11, s10  }
0x5e: {  	[tilespmem:s14], [sflag:$0x3] =	stream.linear.gather [hbm4b:s10+s29], $0x80, $0x38;
	[tilespmem:$0x10600] =	vst v63  }
0x5f: {  	s17 =	spop (v2sf);
	(v2sf) =	vpush v1, $0xA;
	s8 =	simm.s32 $0x8900;
	s9 =	sadd.s32 s13, s15  }
0x60: {  	[tilespmem:s16], [sflag:$0x3] =	stream.linear.gather [hbm4b:s9+s29], $0x80, $0x38;
	[tilespmem:$0x10600] =	vst v63  }
0x61: {  	(v2sf) =	vpush v2, $0xB;
	s19 =	sand.u32 $0x1FFFFFF0, s17;
	s26 =	simm.s32 $0x980;
	s20 =	spop (v2sf)  }
0x62: {  	s9 =	sadd.s32 s11, s19;
	s10 =	sand.u32 $0x1FFFFFF0, s20;
	s21 =	spop (v2sf)  }
0x63: {  	(v2sf) =	vpush v1, $0xB;
	[tilespmem:s18], [sflag:$0x4] =	stream.linear.gather [hbm4b:s9+s29], $0x80, $0x38;
	[tilespmem:$0x10600] =	vst v63  }
0x64: {  	s23 =	sand.u32 $0x1FFFFFF0, s21;
	s10 =	sadd.s32 s13, s10;
	s25 =	spop (v2sf)  }
0x65: {  	(v2sf) =	vpush v2, $0xC;
	[tilespmem:s22], [sflag:$0x4] =	stream.linear.gather [hbm4b:s10+s29], $0x80, $0x38;
	[tilespmem:$0x10600] =	vst v63  }
0x66: {  	s9 =	sadd.s32 s11, s23;
	s28 =	sand.u32 $0x1FFFFFF0, s25;
	s30 =	spop (v2sf)  }
0x67: {  	(v2sf) =	vpush v1, $0xC;
	[tilespmem:s24], [sflag:$0x1] =	stream.linear.gather [hbm4b:s9+s29], $0x80, $0x38;
	[tilespmem:$0x10600] =	vst v63  }
0x68: {  	s17 =	simm.s32 $0x8B00;
	s10 =	sand.u32 $0x1FFFFFF0, s30;
	(v2sf) =	vpush v2, $0xD;
	s9 =	sadd.s32 s13, s28  }
0x69: {  	[tilespmem:s6], [sflag:$0x1] =	stream.linear.gather [hbm4b:s9+s29], $0x80, $0x38;
	[tilespmem:$0x10600] =	vst v63  }
0x6a: {  	s3 =	simm.s32 $0x880;
	s31 =	spop (v2sf);
	s10 =	sadd.s32 s11, s10;
	(v2sf) =	vpush v1, $0xD  }
0x6b: {  	[tilespmem:s3], [sflag:$0x2] =	stream.linear.gather [hbm4b:s10+s29], $0x80, $0x38;
	[tilespmem:$0x10600] =	vst v63  }
0x6c: {  	s16 =	simm.s32 $0x10;
	s20 =	simm.s32 $0xA00;
	s10 =	spop (v2sf);
	(v2sf) =	vpush v2, $0xE  }
0x6d: {  	s18 =	simm.s32 $0x8A80;
	s22 =	simm.s32 $0x8980;
	s4 =	sand.u32 $0x1FFFFFF0, s31  }
0x6e: {  	s9 =	sadd.s32 s13, s4;
	s12 =	sand.u32 $0x1FFFFFF0, s10;
	s14 =	spop (v2sf)  }
0x6f: {  	[tilespmem:s5], [sflag:$0x2] =	stream.linear.gather [hbm4b:s9+s29], $0x80, $0x38;
	[tilespmem:$0x10600] =	vst v63  }
0x70: {  	s6 =	sand.u32 $0x1FFFFFF0, s14;
	s15 =	spop (v2sf);
	s5 =	sadd.s32 s11, s12  }
0x71: {  	[tilespmem:s7], [sflag:$0x3] =	stream.linear.gather [hbm4b:s5+s29], $0x80, $0x38;
	[tilespmem:$0x10600] =	vst v63  }
0x72: {  	s19 =	sand.u32 $0x1FFFFFF0, s15;
	s6 =	sadd.s32 s13, s6;
	s21 =	spop (v2sf)  }
0x73: {  	[tilespmem:s8], [sflag:$0x3] =	stream.linear.gather [hbm4b:s6+s29], $0x80, $0x38;
	[tilespmem:$0x10600] =	vst v63  }
0x74: {  	s5 =	sadd.s32 s11, s19;
	s19 =	simm.s32 $0x8A00;
	s24 =	spop (v2sf)  }
0x75: {  	[tilespmem:s26], [sflag:$0x4] =	stream.linear.gather [hbm4b:s5+s29], $0x80, $0x38;
	[tilespmem:$0x10600] =	vst v63  }
0x76: {  	s23 =	sand.u32 $0x1FFFFFF0, s21;
	s7 =	sand.u32 $0x1FFFFFF0, s24;
	s25 =	spop (v2sf)  }
0x77: {  	s5 =	sadd.s32 s13, s23;
	s26 =	spop (v2sf);
	s28 =	sadd.s32 s11, s7  }
0x78: {  	[tilespmem:s22], [sflag:$0x4] =	stream.linear.gather [hbm4b:s5+s29], $0x80, $0x38;
	[tilespmem:$0x10600] =	vst v63  }
0x79: {  	(v2sf) =	vpush v1, $0xE;
	s30 =	sand.u32 $0x1FFFFFF0, s25;
	s2 =	sand.u32 $0x1FFFFFF0, s26;
	s31 =	spop (v2sf)  }
0x7a: {  	(v2sf) =	vpush v2, $0xF;
	[tilespmem:s20], [sflag:$0x1] =	stream.linear.gather [hbm4b:s28+s29], $0x80, $0x38;
	[tilespmem:$0x10600] =	vst v63  }
0x7b: {  	s7 =	sadd.s32 s13, s30;
	(v2sf) =	vpush v1, $0xF;
	s5 =	sand.u32 $0x1FFFFFF0, s31;
	s6 =	spop (v2sf)  }
.LBB2_2:
0x7c: {  	_ =	sdelay $0x6  }
0x7d: {  	[tilespmem:s19], [sflag:$0x1] =	stream.linear.gather [hbm4b:s7+s29], $0x80, $0x38;
	[tilespmem:$0x10600] =	vst v63  }
0x7e: {  	s4 =	sadd.s32 $0xA80, s1;
	s2 =	sadd.s32 s11, s2  }
0x7f: {  	[tilespmem:s4], [sflag:$0x2] =	stream.linear.gather [hbm4b:s2+s29], $0x80, $0x38;
	[tilespmem:$0x10600] =	vst v63  }
0x80: {  	s5 =	sadd.s32 s13, s5;
	s6 =	sand.u32 $0x1FFFFFF0, s6  }
0x81: {  	[tilespmem:s18], [sflag:$0x2] =	stream.linear.gather [hbm4b:s5+s29], $0x80, $0x38;
	[tilespmem:$0x10600] =	vst v63  }
0x82: {  	s5 =	sadd.s32 s11, s6;
	s8 =	spop (v2sf)  }
0x83: {  	s7 =	sand.u32 $0x1FFFFFF0, s8;
	s8 =	sadd.s32 $0xB00, s1;
	s9 =	spop (v2sf)  }
0x84: {  	[tilespmem:s8], [sflag:$0x3] =	stream.linear.gather [hbm4b:s5+s29], $0x80, $0x38;
	[tilespmem:$0x10600] =	vst v63  }
0x85: {  	s10 =	sadd.s32 s13, s7;
	s12 =	sand.u32 $0x1FFFFFF0, s9;
	s14 =	spop (v2sf)  }
0x86: {  	[tilespmem:s17], [sflag:$0x3] =	stream.linear.gather [hbm4b:s10+s29], $0x80, $0x38;
	[tilespmem:$0x10600] =	vst v63  }
0x87: {  	s15 =	sadd.s32 $0xB80, s1;
	s5 =	sadd.s32 s11, s12;
	s6 =	sand.u32 $0x1FFFFFF0, s14  }
0x88: {  	[tilespmem:s15], [sflag:$0x4] =	stream.linear.gather [hbm4b:s5+s29], $0x80, $0x38;
	[tilespmem:$0x10600] =	vst v63  }
0x89: {  	s18 =	sadd.s32 $0x8B80, s1;
	s17 =	sand.u32 $0xF0, s16;
	s19 =	sadd.s32 s13, s6  }
0x8a: {  	[tilespmem:s18], [sflag:$0x4] =	stream.linear.gather [hbm4b:s19+s29], $0x80, $0x38;
	[tilespmem:$0x10600] =	vst v63  }
0x8b: {  	v1 =	vld [tilespmem:s17+$0x200]  }
0x8c: {  	v2 =	vld [tilespmem:s17+$0x0];
	_ =	sdelay $0x3  }
0x8d: {  	v1 =	vshll.u32 v1, $0x4  }
0x8e: {  	v2 =	vshll.u32 v2, $0x4;
	(v2sf) =	vpush v1, $0x0  }
0x8f: {  	(v2sf) =	vpush v2, $0x0;
	_ =	sdelay $0x1  }
0x90: {  	s20 =	smov.u32 s0;
	(v2sf) =	vpush v2, $0x1  }
0x91: {  	p0 =	sne.s32 s0, $0x1E000;
	s1 =	sshra.s32 s20, $0x2  }
0x92: {  	s0 =	sadd.s32 $0x2000, s0;
	s2 =	sadd.s32 $0x8400, s1;
	s3 =	sadd.s32 $0x8800, s1;
	(v2sf) =	vpush v1, $0x1  }
0x93: {  	s20 =	sadd.s32 $0x400, s1;
	s24 =	sadd.s32 $0x600, s1;
	s21 =	sadd.s32 $0x8880, s1;
	(v2sf) =	vpush v2, $0x2  }
0x94: {  	s31 =	sadd.s32 $0x580, s1;
	s26 =	sadd.s32 $0x8580, s1;
	s22 =	sadd.s32 $0x900, s1  }
0x95: {  	s25 =	sadd.s32 $0x8600, s1;
	s23 =	sadd.s32 $0x8900, s1;
	[dreg:$0xf] =	wrdreg s3;
	(v2sf) =	vpush v1, $0x2  }
0x96: {  	s28 =	sadd.s32 $0x980, s1;
	s8 =	sadd.s32 $0x880, s1;
	[dreg:$0xb] =	wrdreg s21  }
0x97: {  	s9 =	sadd.s32 $0x800, s1;
	s30 =	sadd.s32 $0xA00, s1;
	[dreg:$0x9] =	wrdreg s22;
	(v2sf) =	vpush v2, $0x3  }
0x98: {  	s7 =	sadd.s32 $0x8980, s1;
	[dreg:$0x7] =	wrdreg s23;
	s14 =	sadd.s32 $0x8680, s1  }
0x99: {  	[dreg:$0x5] =	wrdreg s28;
	s21 =	sadd.s32 $0x480, s1;
	s22 =	sadd.s32 $0x8480, s1  }
0x9a: {  	s23 =	sadd.s32 $0x8700, s1;
	[dreg:$0xc] =	wrdreg s30;
	s12 =	smov.u32 s11;
	(v2sf) =	vpush v1, $0x3  }
0x9b: {  	s11 =	sadd.s32 $0x8500, s1;
	s6 =	sadd.s32 $0x780, s1;
	s13 =	sadd.s32 $0x700, s1  }
0x9c: {  	s10 =	sadd.s32 $0x8780, s1;
	s16 =	sadd.s32 $0x10, s16;
	(v2sf) =	vpush v2, $0x4;
	s3 =	spop (v2sf)  }
0x9d: {  	s5 =	sadd.s32 $0x680, s1;
	s15 =	sadd.s32 $0x500, s1;
	s4 =	spop (v2sf)  }
0x9e: {  	s18 =	sadd.s32 $0x8A80, s1;
	s19 =	sadd.s32 $0x8A00, s1;
	s28 =	sand.u32 $0x1FFFFFF0, s4  }
0x9f: {  	(v2sf) =	vpush v1, $0x4;
	s30 =	sand.u32 $0x1FFFFFF0, s3;
	s4 =	spop (v2sf);
	s3 =	sadd.s32 s12, s28  }
0xa0: {  	[tilespmem:s20], [sflag:$0x1] =	stream.linear.gather [hbm4b:s3+s29], $0x80, $0x38;
	[tilespmem:$0x10600] =	vst v63  }
0xa1: {  	s17 =	sadd.s32 $0x8B00, s1;
	(v2sf) =	vpush v2, $0x5;
	s28 =	spop (v2sf);
	s20 =	rddreg [dreg:$0x4]  }
0xa2: {  	s4 =	sand.u32 $0x1FFFFFF0, s4;
	s3 =	sadd.s32 s20, s30;
	s30 =	spop (v2sf)  }
0xa3: {  	(v2sf) =	vpush v1, $0x5;
	[tilespmem:s2], [sflag:$0x1] =	stream.linear.gather [hbm4b:s3+s29], $0x80, $0x38;
	[tilespmem:$0x10600] =	vst v63  }
0xa4: {  	s4 =	sadd.s32 s12, s4;
	s3 =	sand.u32 $0x1FFFFFF0, s30;
	s30 =	spop (v2sf)  }
0xa5: {  	(v2sf) =	vpush v2, $0x6;
	[tilespmem:s21], [sflag:$0x2] =	stream.linear.gather [hbm4b:s4+s29], $0x80, $0x38;
	[tilespmem:$0x10600] =	vst v63  }
0xa6: {  	s20 =	sand.u32 $0x1FFFFFF0, s28;
	s28 =	spop (v2sf);
	s21 =	rddreg [dreg:$0x4]  }
0xa7: {  	(v2sf) =	vpush v1, $0x6;
	s4 =	sand.u32 $0x1FFFFFF0, s30;
	s30 =	sadd.s32 s12, s3;
	s2 =	sadd.s32 s21, s20  }
0xa8: {  	[tilespmem:s22], [sflag:$0x2] =	stream.linear.gather [hbm4b:s2+s29], $0x80, $0x38;
	[tilespmem:$0x10600] =	vst v63  }
0xa9: {  	(v2sf) =	vpush v2, $0x7;
	s3 =	sand.u32 $0x1FFFFFF0, s28;
	s21 =	spop (v2sf);
	s22 =	rddreg [dreg:$0x4]  }
0xaa: {  	[tilespmem:s15], [sflag:$0x3] =	stream.linear.gather [hbm4b:s30+s29], $0x80, $0x38;
	[tilespmem:$0x10600] =	vst v63  }
0xab: {  	s28 =	sand.u32 $0x1FFFFFF0, s21;
	s2 =	sadd.s32 s22, s4;
	s30 =	spop (v2sf)  }
0xac: {  	[tilespmem:s11], [sflag:$0x3] =	stream.linear.gather [hbm4b:s2+s29], $0x80, $0x38;
	[tilespmem:$0x10600] =	vst v63  }
0xad: {  	(v2sf) =	vpush v1, $0x7;
	s21 =	rddreg [dreg:$0x4];
	s15 =	sand.u32 $0x1FFFFFF0, s30;
	s11 =	sadd.s32 s12, s3  }
0xae: {  	(v2sf) =	vpush v2, $0x8;
	s2 =	sadd.s32 s21, s28;
	s30 =	sadd.s32 s12, s15;
	s20 =	spop (v2sf)  }
0xaf: {  	[tilespmem:s31], [sflag:$0x4] =	stream.linear.gather [hbm4b:s11+s29], $0x80, $0x38;
	[tilespmem:$0x10600] =	vst v63  }
0xb0: {  	(v2sf) =	vpush v1, $0x8;
	s22 =	sand.u32 $0x1FFFFFF0, s20;
	s20 =	rddreg [dreg:$0x4];
	s28 =	spop (v2sf)  }
0xb1: {  	[tilespmem:s26], [sflag:$0x4] =	stream.linear.gather [hbm4b:s2+s29], $0x80, $0x38;
	[tilespmem:$0x10600] =	vst v63  }
0xb2: {  	s11 =	smov.u32 s12;
	(v2sf) =	vpush v2, $0x9;
	s31 =	sand.u32 $0x1FFFFFF0, s28;
	s15 =	spop (v2sf)  }
0xb3: {  	(v2sf) =	vpush v1, $0x9;
	[tilespmem:s24], [sflag:$0x1] =	stream.linear.gather [hbm4b:s30+s29], $0x80, $0x38;
	[tilespmem:$0x10600] =	vst v63  }
0xb4: {  	s2 =	sadd.s32 s20, s22;
	s28 =	rddreg [dreg:$0x4];
	s22 =	spop (v2sf)  }
0xb5: {  	[tilespmem:s25], [sflag:$0x1] =	stream.linear.gather [hbm4b:s2+s29], $0x80, $0x38;
	[tilespmem:$0x10600] =	vst v63  }
0xb6: {  	s21 =	sand.u32 $0x1FFFFFF0, s15;
	(v2sf) =	vpush v2, $0xA;
	s24 =	sadd.s32 s12, s31;
	s26 =	spop (v2sf)  }
0xb7: {  	[tilespmem:s5], [sflag:$0x2] =	stream.linear.gather [hbm4b:s24+s29], $0x80, $0x38;
	[tilespmem:$0x10600] =	vst v63  }
0xb8: {  	(v2sf) =	vpush v1, $0xA;
	s25 =	sand.u32 $0x1FFFFFF0, s22;
	s2 =	sadd.s32 s28, s21;
	s31 =	spop (v2sf)  }
0xb9: {  	[tilespmem:s14], [sflag:$0x2] =	stream.linear.gather [hbm4b:s2+s29], $0x80, $0x38;
	[tilespmem:$0x10600] =	vst v63  }
0xba: {  	s30 =	sand.u32 $0x1FFFFFF0, s26;
	(v2sf) =	vpush v2, $0xB;
	s3 =	sadd.s32 s12, s25;
	s5 =	sand.u32 $0x1FFFFFF0, s31  }
0xbb: {  	[tilespmem:s13], [sflag:$0x3] =	stream.linear.gather [hbm4b:s3+s29], $0x80, $0x38;
	[tilespmem:$0x10600] =	vst v63  }
0xbc: {  	s22 =	sadd.s32 s12, s5;
	s14 =	spop (v2sf);
	s13 =	rddreg [dreg:$0x4]  }
0xbd: {  	s20 =	sand.u32 $0x1FFFFFF0, s14;
	s21 =	spop (v2sf);
	s15 =	sadd.s32 s13, s30  }
0xbe: {  	(v2sf) =	vpush v1, $0xB;
	[tilespmem:s23], [sflag:$0x3] =	stream.linear.gather [hbm4b:s15+s29], $0x80, $0x38;
	[tilespmem:$0x10600] =	vst v63  }
0xbf: {  	s25 =	sadd.s32 s13, s20;
	s20 =	rddreg [dreg:$0xf];
	s24 =	spop (v2sf)  }
0xc0: {  	(v2sf) =	vpush v2, $0xC;
	[tilespmem:s6], [sflag:$0x4] =	stream.linear.gather [hbm4b:s22+s29], $0x80, $0x38;
	[tilespmem:$0x10600] =	vst v63  }
0xc1: {  	s23 =	sand.u32 $0x1FFFFFF0, s21;
	s26 =	sand.u32 $0x1FFFFFF0, s24;
	s28 =	spop (v2sf)  }
0xc2: {  	(v2sf) =	vpush v1, $0xC;
	s30 =	sadd.s32 s12, s23;
	s31 =	sand.u32 $0x1FFFFFF0, s28;
	s6 =	spop (v2sf)  }
0xc3: {  	[tilespmem:s10], [sflag:$0x4] =	stream.linear.gather [hbm4b:s25+s29], $0x80, $0x38;
	[tilespmem:$0x10600] =	vst v63  }
0xc4: {  	(v2sf) =	vpush v2, $0xD;
	s28 =	rddreg [dreg:$0xb];
	s10 =	sadd.s32 s13, s26;
	s14 =	sand.u32 $0x1FFFFFF0, s6  }
0xc5: {  	(v2sf) =	vpush v1, $0xD;
	s21 =	sadd.s32 s12, s31;
	s15 =	spop (v2sf);
	s24 =	sadd.s32 s13, s14  }
0xc6: {  	[tilespmem:s9], [sflag:$0x1] =	stream.linear.gather [hbm4b:s30+s29], $0x80, $0x38;
	[tilespmem:$0x10600] =	vst v63  }
0xc7: {  	(v2sf) =	vpush v2, $0xE;
	s22 =	sand.u32 $0x1FFFFFF0, s15;
	s23 =	spop (v2sf);
	s9 =	rddreg [dreg:$0x9]  }
0xc8: {  	[tilespmem:s20], [sflag:$0x1] =	stream.linear.gather [hbm4b:s10+s29], $0x80, $0x38;
	[tilespmem:$0x10600] =	vst v63  }
0xc9: {  	s25 =	sand.u32 $0x1FFFFFF0, s23;
	s26 =	spop (v2sf);
	s30 =	sadd.s32 s12, s22  }
0xca: {  	[tilespmem:s8], [sflag:$0x2] =	stream.linear.gather [hbm4b:s21+s29], $0x80, $0x38;
	[tilespmem:$0x10600] =	vst v63  }
0xcb: {  	s31 =	sand.u32 $0x1FFFFFF0, s26;
	s10 =	sadd.s32 s13, s25;
	s20 =	rddreg [dreg:$0x7]  }
0xcc: {  	[tilespmem:s28], [sflag:$0x2] =	stream.linear.gather [hbm4b:s24+s29], $0x80, $0x38;
	[tilespmem:$0x10600] =	vst v63  }
0xcd: {  	s21 =	sadd.s32 s12, s31;
	s31 =	rddreg [dreg:$0xc];
	s8 =	spop (v2sf)  }
0xce: {  	[tilespmem:s9], [sflag:$0x3] =	stream.linear.gather [hbm4b:s30+s29], $0x80, $0x38;
	[tilespmem:$0x10600] =	vst v63  }
0xcf: {  	s14 =	sand.u32 $0x1FFFFFF0, s8;
	s15 =	spop (v2sf);
	s24 =	rddreg [dreg:$0x5]  }
0xd0: {  	[tilespmem:s20], [sflag:$0x3] =	stream.linear.gather [hbm4b:s10+s29], $0x80, $0x38;
	[tilespmem:$0x10600] =	vst v63  }
0xd1: {  	s22 =	sand.u32 $0x1FFFFFF0, s15;
	s25 =	sadd.s32 s13, s14;
	s23 =	spop (v2sf)  }
0xd2: {  	[tilespmem:s24], [sflag:$0x4] =	stream.linear.gather [hbm4b:s21+s29], $0x80, $0x38;
	[tilespmem:$0x10600] =	vst v63  }
.Ltmp0:
0xd3: {  	s3 =	sadd.s32 s12, s22;
	s28 =	spop (v2sf);
	(pc) =	sbr.rel @p0 .LBB2_2-.Ltmp0, $4  }
0xd4: {  	s26 =	sand.u32 $0x1FFFFFF0, s23;
	s2 =	sand.u32 $0x1FFFFFF0, s28;
	s30 =	spop (v2sf)  }
0xd5: {  	(v2sf) =	vpush v1, $0xE;
	[tilespmem:s7], [sflag:$0x4] =	stream.linear.gather [hbm4b:s25+s29], $0x80, $0x38;
	[tilespmem:$0x10600] =	vst v63  }
0xd6: {  	(v2sf) =	vpush v2, $0xF;
	s5 =	sand.u32 $0x1FFFFFF0, s30;
	s7 =	sadd.s32 s13, s26;
	s6 =	spop (v2sf)  }
0xd7: {  	(v2sf) =	vpush v1, $0xF;
	[tilespmem:s31], [sflag:$0x1] =	stream.linear.gather [hbm4b:s3+s29], $0x80, $0x38;
	[tilespmem:$0x10600] =	vst v63  }
0xd8: {  	_ =	sdelay $0x4  }
0xd9: {  	[tilespmem:s19], [sflag:$0x1] =	stream.linear.gather [hbm4b:s7+s29], $0x80, $0x38;
	[tilespmem:$0x10600] =	vst v63  }
0xda: {  	s0 =	sadd.s32 $0xA80, s1;
	s2 =	sadd.s32 s11, s2  }
0xdb: {  	[tilespmem:s0], [sflag:$0x2] =	stream.linear.gather [hbm4b:s2+s29], $0x80, $0x38;
	[tilespmem:$0x10600] =	vst v63  }
0xdc: {  	s15 =	sadd.s32 s13, s5;
	s16 =	sand.u32 $0x1FFFFFF0, s6  }
0xdd: {  	[tilespmem:s18], [sflag:$0x2] =	stream.linear.gather [hbm4b:s15+s29], $0x80, $0x38;
	[tilespmem:$0x10600] =	vst v63  }
0xde: {  	s2 =	sadd.s32 s11, s16;
	s18 =	sadd.s32 $0xB00, s1  }
0xdf: {  	[tilespmem:s18], [sflag:$0x3] =	stream.linear.gather [hbm4b:s2+s29], $0x80, $0x38;
	[tilespmem:$0x10600] =	vst v63  }
0xe0: {  	s3 =	spop (v2sf)  }
0xe1: {  	s3 =	sand.u32 $0x1FFFFFF0, s3;
	s4 =	spop (v2sf)  }
0xe2: {  	s19 =	sadd.s32 s13, s3;
	s20 =	sand.u32 $0x1FFFFFF0, s4;
	s21 =	spop (v2sf)  }
0xe3: {  	[tilespmem:s17], [sflag:$0x3] =	stream.linear.gather [hbm4b:s19+s29], $0x80, $0x38;
	[tilespmem:$0x10600] =	vst v63  }
0xe4: {  	s22 =	sadd.s32 $0xB80, s1;
	s2 =	sadd.s32 s11, s20;
	s3 =	sand.u32 $0x1FFFFFF0, s21  }
0xe5: {  	[tilespmem:s22], [sflag:$0x4] =	stream.linear.gather [hbm4b:s2+s29], $0x80, $0x38;
	[tilespmem:$0x10600] =	vst v63  }
0xe6: {  	s23 =	sadd.s32 $0x8B80, s1;
	s25 =	simm.s32 $0x1;
	s24 =	sadd.s32 s13, s3  }
0xe7: {  	[tilespmem:s23], [sflag:$0x4] =	stream.linear.gather [hbm4b:s24+s29], $0x80, $0x38;
	[tilespmem:$0x10600] =	vst v63  }
0xe8: {  	_ =	swait.ge [sflag:s25], $0x2000  }
0xe9: {  	[sflag:s25] =	ssyncset.done $0x0  }
0xea: {  	[sflag:s25] =	ssyncadd.s32 $0xFFFFE000  }
0xeb: {  	_ =	swait.ge [sflag:s25], $0x2000  }
0xec: {  	[sflag:s25] =	ssyncset.done $0x0  }
0xed: {  	s26 =	simm.s32 $0x2;
	[sflag:s25] =	ssyncadd.s32 $0xFFFFE000  }
0xee: {  	_ =	swait.ge [sflag:s26], $0x2000  }
0xef: {  	[sflag:s26] =	ssyncset.done $0x0  }
0xf0: {  	[sflag:s26] =	ssyncadd.s32 $0xFFFFE000  }
0xf1: {  	_ =	swait.ge [sflag:s26], $0x2000  }
0xf2: {  	[sflag:s26] =	ssyncset.done $0x0  }
0xf3: {  	s28 =	simm.s32 $0x3;
	[sflag:s26] =	ssyncadd.s32 $0xFFFFE000  }
0xf4: {  	_ =	swait.ge [sflag:s28], $0x2000  }
0xf5: {  	[sflag:s28] =	ssyncset.done $0x0  }
0xf6: {  	[sflag:s28] =	ssyncadd.s32 $0xFFFFE000  }
0xf7: {  	_ =	swait.ge [sflag:s28], $0x2000  }
0xf8: {  	s1 =	simm.s32 $0x0;
	[sflag:s28] =	ssyncset.done $0x0  }
0xf9: {  	s30 =	simm.s32 $0x4;
	v1 =	vmov s1;
	[sflag:s28] =	ssyncadd.s32 $0xFFFFE000  }
0xfa: {  	v1 =	vshll.u32 v1, $0x7;
	_ =	swait.ge [sflag:s30], $0x2000  }
0xfb: {  	v1 =	vor.u32 v0, v1;
	[sflag:s30] =	ssyncset.done $0x0  }
0xfc: {  	[sflag:s30] =	ssyncadd.s32 $0xFFFFE000  }
0xfd: {  	v2 =	vor.u32 $0x1, v1;
	_ =	swait.ge [sflag:s30], $0x2000  }
0xfe: {  	[sflag:s30] =	ssyncset.done $0x0  }
0xff: {  	v3 =	vor.u32 $0x2, v1;
	s3 =	simm.s32 $0x8400;
	[sflag:s30] =	ssyncadd.s32 $0xFFFFE000  }
0x100: {  	s2 =	simm.s32 $0x400;
	v4 =	vld.idx.msk [tilespmem:v1+s3+$0x0], $0xffff  }
0x101: {  	v6 =	vor.u32 $0x3, v1;
	v5 =	vld.idx.msk [tilespmem:v1+s2+$0x0], $0xffff  }
0x102: {  	v7 =	vld.idx.msk [tilespmem:v2+s2+$0x0], $0xffff  }
0x103: {  	v8 =	vor.u32 $0x4, v1;
	v2 =	vld.idx.msk [tilespmem:v2+s3+$0x0], $0xffff  }
0x104: {  	v9 =	vld.idx.msk [tilespmem:v3+s2+$0x0], $0xffff  }
0x105: {  	v10 =	vor.u32 $0x5, v1;
	v3 =	vld.idx.msk [tilespmem:v3+s3+$0x0], $0xffff  }
0x106: {  	v11 =	vld.idx.msk [tilespmem:v6+s2+$0x0], $0xffff;
	v4 =	vmul.f32 v4, v5  }
0x107: {  	v5 =	vld.idx.msk [tilespmem:v6+s3+$0x0], $0xffff;
	v6 =	vor.u32 $0x6, v1  }
0x108: {  	v12 =	vld.idx.msk [tilespmem:v8+s2+$0x0], $0xffff;
	v2 =	vmul.f32 v2, v7;
	v4 =	vadd.f32 $0.0e+00, v4  }
0x109: {  	v25 =	vor.u32 $0x7, v1;
	v7 =	vld.idx.msk [tilespmem:v8+s3+$0x0], $0xffff  }
0x10a: {  	v13 =	vld.idx.msk [tilespmem:v10+s2+$0x0], $0xffff;
	v3 =	vmul.f32 v3, v9;
	v2 =	vadd.f32 v2, v4  }
0x10b: {  	v26 =	vor.u32 $0x8, v1;
	v4 =	vld.idx.msk [tilespmem:v10+s3+$0x0], $0xffff  }
0x10c: {  	v27 =	vld.idx.msk [tilespmem:v6+s2+$0x0], $0xffff;
	v2 =	vadd.f32 v3, v2;
	v3 =	vmul.f32 v5, v11  }
0x10d: {  	v5 =	vld.idx.msk [tilespmem:v6+s3+$0x0], $0xffff;
	v6 =	vor.u32 $0x9, v1  }
0x10e: {  	v28 =	vld.idx.msk [tilespmem:v25+s2+$0x0], $0xffff;
	v2 =	vadd.f32 v3, v2;
	v3 =	vmul.f32 v7, v12  }
0x10f: {  	v29 =	vor.u32 $0xA, v1;
	v7 =	vld.idx.msk [tilespmem:v25+s3+$0x0], $0xffff  }
0x110: {  	v30 =	vld.idx.msk [tilespmem:v26+s2+$0x0], $0xffff;
	v2 =	vadd.f32 v3, v2;
	v3 =	vmul.f32 v4, v13  }
0x111: {  	v31 =	vor.u32 $0xB, v1;
	v4 =	vld.idx.msk [tilespmem:v26+s3+$0x0], $0xffff  }
0x112: {  	v32 =	vld.idx.msk [tilespmem:v6+s2+$0x0], $0xffff;
	v2 =	vadd.f32 v3, v2;
	v3 =	vmul.f32 v5, v27  }
0x113: {  	v5 =	vld.idx.msk [tilespmem:v6+s3+$0x0], $0xffff;
	v6 =	vor.u32 $0xC, v1  }
0x114: {  	v33 =	vld.idx.msk [tilespmem:v29+s2+$0x0], $0xffff;
	v2 =	vadd.f32 v3, v2;
	v3 =	vmul.f32 v7, v28  }
0x115: {  	v34 =	vor.u32 $0xD, v1;
	v7 =	vld.idx.msk [tilespmem:v29+s3+$0x0], $0xffff  }
0x116: {  	v35 =	vld.idx.msk [tilespmem:v31+s2+$0x0], $0xffff;
	v2 =	vadd.f32 v3, v2;
	v3 =	vmul.f32 v4, v30  }
0x117: {  	v36 =	vor.u32 $0xE, v1;
	v4 =	vld.idx.msk [tilespmem:v31+s3+$0x0], $0xffff  }
0x118: {  	v37 =	vld.idx.msk [tilespmem:v6+s2+$0x0], $0xffff;
	v2 =	vadd.f32 v3, v2;
	v3 =	vmul.f32 v5, v32  }
0x119: {  	v5 =	vld.idx.msk [tilespmem:v6+s3+$0x0], $0xffff;
	v6 =	vor.u32 $0xF, v1  }
0x11a: {  	v38 =	vld.idx.msk [tilespmem:v34+s2+$0x0], $0xffff;
	v2 =	vadd.f32 v3, v2;
	v3 =	vmul.f32 v7, v33  }
0x11b: {  	v39 =	vor.u32 $0x10, v1;
	v7 =	vld.idx.msk [tilespmem:v34+s3+$0x0], $0xffff  }
0x11c: {  	v40 =	vld.idx.msk [tilespmem:v36+s2+$0x0], $0xffff;
	v2 =	vadd.f32 v3, v2;
	v3 =	vmul.f32 v4, v35  }
0x11d: {  	v41 =	vor.u32 $0x11, v1;
	v4 =	vld.idx.msk [tilespmem:v36+s3+$0x0], $0xffff  }
0x11e: {  	v42 =	vld.idx.msk [tilespmem:v6+s2+$0x0], $0xffff;
	v2 =	vadd.f32 v3, v2;
	v3 =	vmul.f32 v5, v37  }
0x11f: {  	v5 =	vld.idx.msk [tilespmem:v6+s3+$0x0], $0xffff;
	v6 =	vor.u32 $0x12, v1  }
0x120: {  	v43 =	vld.idx.msk [tilespmem:v39+s2+$0x0], $0xffff;
	v2 =	vadd.f32 v3, v2;
	v3 =	vmul.f32 v7, v38  }
0x121: {  	v44 =	vor.u32 $0x13, v1;
	v7 =	vld.idx.msk [tilespmem:v39+s3+$0x0], $0xffff  }
0x122: {  	v45 =	vld.idx.msk [tilespmem:v41+s2+$0x0], $0xffff;
	v2 =	vadd.f32 v3, v2;
	v3 =	vmul.f32 v4, v40  }
0x123: {  	v46 =	vor.u32 $0x14, v1;
	v4 =	vld.idx.msk [tilespmem:v41+s3+$0x0], $0xffff  }
0x124: {  	v47 =	vld.idx.msk [tilespmem:v6+s2+$0x0], $0xffff;
	v2 =	vadd.f32 v3, v2;
	v3 =	vmul.f32 v5, v42  }
0x125: {  	v5 =	vld.idx.msk [tilespmem:v6+s3+$0x0], $0xffff;
	v6 =	vor.u32 $0x15, v1  }
0x126: {  	v48 =	vld.idx.msk [tilespmem:v44+s2+$0x0], $0xffff;
	v2 =	vadd.f32 v3, v2;
	v3 =	vmul.f32 v7, v43  }
0x127: {  	v49 =	vor.u32 $0x16, v1;
	v7 =	vld.idx.msk [tilespmem:v44+s3+$0x0], $0xffff  }
0x128: {  	v50 =	vld.idx.msk [tilespmem:v46+s2+$0x0], $0xffff;
	v2 =	vadd.f32 v3, v2;
	v3 =	vmul.f32 v4, v45  }
0x129: {  	v51 =	vor.u32 $0x17, v1;
	v4 =	vld.idx.msk [tilespmem:v46+s3+$0x0], $0xffff  }
0x12a: {  	v52 =	vld.idx.msk [tilespmem:v6+s2+$0x0], $0xffff;
	v2 =	vadd.f32 v3, v2;
	v3 =	vmul.f32 v5, v47  }
0x12b: {  	v5 =	vld.idx.msk [tilespmem:v6+s3+$0x0], $0xffff;
	v6 =	vor.u32 $0x18, v1  }
0x12c: {  	v53 =	vld.idx.msk [tilespmem:v49+s2+$0x0], $0xffff;
	v2 =	vadd.f32 v3, v2;
	v3 =	vmul.f32 v7, v48  }
0x12d: {  	v54 =	vor.u32 $0x19, v1;
	v7 =	vld.idx.msk [tilespmem:v49+s3+$0x0], $0xffff  }
0x12e: {  	v55 =	vld.idx.msk [tilespmem:v51+s2+$0x0], $0xffff;
	v2 =	vadd.f32 v3, v2;
	v3 =	vmul.f32 v4, v50  }
0x12f: {  	v56 =	vor.u32 $0x1A, v1;
	v4 =	vld.idx.msk [tilespmem:v51+s3+$0x0], $0xffff  }
0x130: {  	v57 =	vld.idx.msk [tilespmem:v6+s2+$0x0], $0xffff;
	v2 =	vadd.f32 v3, v2;
	v3 =	vmul.f32 v5, v52  }
0x131: {  	v5 =	vld.idx.msk [tilespmem:v6+s3+$0x0], $0xffff;
	v6 =	vor.u32 $0x1B, v1  }
0x132: {  	v58 =	vld.idx.msk [tilespmem:v54+s2+$0x0], $0xffff;
	v2 =	vadd.f32 v3, v2;
	v3 =	vmul.f32 v7, v53  }
0x133: {  	v59 =	vor.u32 $0x1C, v1;
	v7 =	vld.idx.msk [tilespmem:v54+s3+$0x0], $0xffff  }
0x134: {  	v60 =	vld.idx.msk [tilespmem:v56+s2+$0x0], $0xffff;
	v2 =	vadd.f32 v3, v2;
	v3 =	vmul.f32 v4, v55  }
0x135: {  	v61 =	vor.u32 $0x1D, v1;
	v4 =	vld.idx.msk [tilespmem:v56+s3+$0x0], $0xffff  }
0x136: {  	v62 =	vld.idx.msk [tilespmem:v6+s2+$0x0], $0xffff;
	v2 =	vadd.f32 v3, v2;
	v3 =	vmul.f32 v5, v57  }
0x137: {  	v5 =	vld.idx.msk [tilespmem:v6+s3+$0x0], $0xffff;
	v6 =	vor.u32 $0x1E, v1  }
0x138: {  	v63 =	vld.idx.msk [tilespmem:v59+s2+$0x0], $0xffff;
	v2 =	vadd.f32 v3, v2;
	v3 =	vmul.f32 v7, v58  }
0x139: {  	v1 =	vor.u32 $0x1F, v1;
	v7 =	vld.idx.msk [tilespmem:v59+s3+$0x0], $0xffff  }
0x13a: {  	v15 =	vld.idx.msk [tilespmem:v61+s2+$0x0], $0xffff;
	v2 =	vadd.f32 v3, v2;
	v3 =	vmul.f32 v4, v60  }
0x13b: {  	v4 =	vld.idx.msk [tilespmem:v61+s3+$0x0], $0xffff  }
0x13c: {  	v16 =	vld.idx.msk [tilespmem:v6+s2+$0x0], $0xffff;
	v2 =	vadd.f32 v3, v2;
	v3 =	vmul.f32 v5, v62  }
0x13d: {  	v5 =	vld.idx.msk [tilespmem:v6+s3+$0x0], $0xffff  }
0x13e: {  	v6 =	vld.idx.msk [tilespmem:v1+s2+$0x0], $0xffff;
	v2 =	vadd.f32 v3, v2;
	v3 =	vmul.f32 v7, v63  }
0x13f: {  	v7 =	vld.idx.msk [tilespmem:v1+s3+$0x0], $0xffff  }
0x140: {  	v1 =	vadd.f32 v3, v2;
	v2 =	vmul.f32 v4, v15  }
0x141: {  	s20 =	simm.s32 $0x10  }
0x142: {  	v3 =	vmov s20;
	v4 =	vmul.f32 v5, v16;
	v2 =	vadd.f32 v2, v1  }
0x143: {  	v1 =	vshll.u32 v3, $0x7  }
0x144: {  	v1 =	vor.u32 v0, v1;
	v3 =	vmul.f32 v7, v6;
	v2 =	vadd.f32 v4, v2;
	_ =	sdelay $0x1  }
0x145: {  	v4 =	vor.u32 $0x1, v1;
	v2 =	vadd.f32 v3, v2  }
0x146: {  	s16 =	simm.s32 $0x10400  }
0x147: {  	v3 =	vor.u32 $0x2, v1;
	[tilespmem:s16+$0x0] =	vst v2  }
0x148: {  	v2 =	vld.idx.msk [tilespmem:v1+s3+$0x0], $0xffff  }
0x149: {  	v6 =	vor.u32 $0x3, v1;
	v5 =	vld.idx.msk [tilespmem:v1+s2+$0x0], $0xffff  }
0x14a: {  	v7 =	vld.idx.msk [tilespmem:v4+s2+$0x0], $0xffff  }
0x14b: {  	v17 =	vor.u32 $0x4, v1;
	v4 =	vld.idx.msk [tilespmem:v4+s3+$0x0], $0xffff  }
0x14c: {  	v18 =	vld.idx.msk [tilespmem:v3+s2+$0x0], $0xffff  }
0x14d: {  	v19 =	vor.u32 $0x5, v1;
	v3 =	vld.idx.msk [tilespmem:v3+s3+$0x0], $0xffff  }
0x14e: {  	v20 =	vld.idx.msk [tilespmem:v6+s2+$0x0], $0xffff;
	v2 =	vmul.f32 v2, v5  }
0x14f: {  	v5 =	vld.idx.msk [tilespmem:v6+s3+$0x0], $0xffff;
	v6 =	vor.u32 $0x6, v1  }
0x150: {  	v21 =	vld.idx.msk [tilespmem:v17+s2+$0x0], $0xffff;
	v4 =	vmul.f32 v4, v7;
	v2 =	vadd.f32 $0.0e+00, v2  }
0x151: {  	v22 =	vor.u32 $0x7, v1;
	v7 =	vld.idx.msk [tilespmem:v17+s3+$0x0], $0xffff  }
0x152: {  	v23 =	vld.idx.msk [tilespmem:v19+s2+$0x0], $0xffff;
	v3 =	vmul.f32 v3, v18;
	v2 =	vadd.f32 v4, v2  }
0x153: {  	v24 =	vor.u32 $0x8, v1;
	v4 =	vld.idx.msk [tilespmem:v19+s3+$0x0], $0xffff  }
0x154: {  	v25 =	vld.idx.msk [tilespmem:v6+s2+$0x0], $0xffff;
	v2 =	vadd.f32 v3, v2;
	v3 =	vmul.f32 v5, v20  }
0x155: {  	v5 =	vld.idx.msk [tilespmem:v6+s3+$0x0], $0xffff;
	v6 =	vor.u32 $0x9, v1  }
0x156: {  	v26 =	vld.idx.msk [tilespmem:v22+s2+$0x0], $0xffff;
	v2 =	vadd.f32 v3, v2;
	v3 =	vmul.f32 v7, v21  }
0x157: {  	v27 =	vor.u32 $0xA, v1;
	v7 =	vld.idx.msk [tilespmem:v22+s3+$0x0], $0xffff  }
0x158: {  	v28 =	vld.idx.msk [tilespmem:v24+s2+$0x0], $0xffff;
	v2 =	vadd.f32 v3, v2;
	v3 =	vmul.f32 v4, v23  }
0x159: {  	v29 =	vor.u32 $0xB, v1;
	v4 =	vld.idx.msk [tilespmem:v24+s3+$0x0], $0xffff  }
0x15a: {  	v30 =	vld.idx.msk [tilespmem:v6+s2+$0x0], $0xffff;
	v2 =	vadd.f32 v3, v2;
	v3 =	vmul.f32 v5, v25  }
0x15b: {  	v5 =	vld.idx.msk [tilespmem:v6+s3+$0x0], $0xffff;
	v6 =	vor.u32 $0xC, v1  }
0x15c: {  	v31 =	vld.idx.msk [tilespmem:v27+s2+$0x0], $0xffff;
	v2 =	vadd.f32 v3, v2;
	v3 =	vmul.f32 v7, v26  }
0x15d: {  	v32 =	vor.u32 $0xD, v1;
	v7 =	vld.idx.msk [tilespmem:v27+s3+$0x0], $0xffff  }
0x15e: {  	v33 =	vld.idx.msk [tilespmem:v29+s2+$0x0], $0xffff;
	v2 =	vadd.f32 v3, v2;
	v3 =	vmul.f32 v4, v28  }
0x15f: {  	v34 =	vor.u32 $0xE, v1;
	v4 =	vld.idx.msk [tilespmem:v29+s3+$0x0], $0xffff  }
0x160: {  	v35 =	vld.idx.msk [tilespmem:v6+s2+$0x0], $0xffff;
	v2 =	vadd.f32 v3, v2;
	v3 =	vmul.f32 v5, v30  }
0x161: {  	v5 =	vld.idx.msk [tilespmem:v6+s3+$0x0], $0xffff;
	v6 =	vor.u32 $0xF, v1  }
0x162: {  	v36 =	vld.idx.msk [tilespmem:v32+s2+$0x0], $0xffff;
	v2 =	vadd.f32 v3, v2;
	v3 =	vmul.f32 v7, v31  }
0x163: {  	v37 =	vor.u32 $0x10, v1;
	v7 =	vld.idx.msk [tilespmem:v32+s3+$0x0], $0xffff  }
0x164: {  	v38 =	vld.idx.msk [tilespmem:v34+s2+$0x0], $0xffff;
	v2 =	vadd.f32 v3, v2;
	v3 =	vmul.f32 v4, v33  }
0x165: {  	v39 =	vor.u32 $0x11, v1;
	v4 =	vld.idx.msk [tilespmem:v34+s3+$0x0], $0xffff  }
0x166: {  	v40 =	vld.idx.msk [tilespmem:v6+s2+$0x0], $0xffff;
	v2 =	vadd.f32 v3, v2;
	v3 =	vmul.f32 v5, v35  }
0x167: {  	v5 =	vld.idx.msk [tilespmem:v6+s3+$0x0], $0xffff;
	v6 =	vor.u32 $0x12, v1  }
0x168: {  	v41 =	vld.idx.msk [tilespmem:v37+s2+$0x0], $0xffff;
	v2 =	vadd.f32 v3, v2;
	v3 =	vmul.f32 v7, v36  }
0x169: {  	v42 =	vor.u32 $0x13, v1;
	v7 =	vld.idx.msk [tilespmem:v37+s3+$0x0], $0xffff  }
0x16a: {  	v43 =	vld.idx.msk [tilespmem:v39+s2+$0x0], $0xffff;
	v2 =	vadd.f32 v3, v2;
	v3 =	vmul.f32 v4, v38  }
0x16b: {  	v44 =	vor.u32 $0x14, v1;
	v4 =	vld.idx.msk [tilespmem:v39+s3+$0x0], $0xffff  }
0x16c: {  	v45 =	vld.idx.msk [tilespmem:v6+s2+$0x0], $0xffff;
	v2 =	vadd.f32 v3, v2;
	v3 =	vmul.f32 v5, v40  }
0x16d: {  	v5 =	vld.idx.msk [tilespmem:v6+s3+$0x0], $0xffff;
	v6 =	vor.u32 $0x15, v1  }
0x16e: {  	v46 =	vld.idx.msk [tilespmem:v42+s2+$0x0], $0xffff;
	v2 =	vadd.f32 v3, v2;
	v3 =	vmul.f32 v7, v41  }
0x16f: {  	v47 =	vor.u32 $0x16, v1;
	v7 =	vld.idx.msk [tilespmem:v42+s3+$0x0], $0xffff  }
0x170: {  	v48 =	vld.idx.msk [tilespmem:v44+s2+$0x0], $0xffff;
	v2 =	vadd.f32 v3, v2;
	v3 =	vmul.f32 v4, v43  }
0x171: {  	v49 =	vor.u32 $0x17, v1;
	v4 =	vld.idx.msk [tilespmem:v44+s3+$0x0], $0xffff  }
0x172: {  	v50 =	vld.idx.msk [tilespmem:v6+s2+$0x0], $0xffff;
	v2 =	vadd.f32 v3, v2;
	v3 =	vmul.f32 v5, v45  }
0x173: {  	v5 =	vld.idx.msk [tilespmem:v6+s3+$0x0], $0xffff;
	v6 =	vor.u32 $0x18, v1  }
0x174: {  	v51 =	vld.idx.msk [tilespmem:v47+s2+$0x0], $0xffff;
	v2 =	vadd.f32 v3, v2;
	v3 =	vmul.f32 v7, v46  }
0x175: {  	v52 =	vor.u32 $0x19, v1;
	v7 =	vld.idx.msk [tilespmem:v47+s3+$0x0], $0xffff  }
0x176: {  	v53 =	vld.idx.msk [tilespmem:v49+s2+$0x0], $0xffff;
	v2 =	vadd.f32 v3, v2;
	v3 =	vmul.f32 v4, v48  }
0x177: {  	v54 =	vor.u32 $0x1A, v1;
	v4 =	vld.idx.msk [tilespmem:v49+s3+$0x0], $0xffff  }
0x178: {  	v55 =	vld.idx.msk [tilespmem:v6+s2+$0x0], $0xffff;
	v2 =	vadd.f32 v3, v2;
	v3 =	vmul.f32 v5, v50  }
0x179: {  	v5 =	vld.idx.msk [tilespmem:v6+s3+$0x0], $0xffff;
	v6 =	vor.u32 $0x1B, v1  }
0x17a: {  	v56 =	vld.idx.msk [tilespmem:v52+s2+$0x0], $0xffff;
	v2 =	vadd.f32 v3, v2;
	v3 =	vmul.f32 v7, v51  }
0x17b: {  	v57 =	vor.u32 $0x1C, v1;
	v7 =	vld.idx.msk [tilespmem:v52+s3+$0x0], $0xffff  }
0x17c: {  	v58 =	vld.idx.msk [tilespmem:v54+s2+$0x0], $0xffff;
	v2 =	vadd.f32 v3, v2;
	v3 =	vmul.f32 v4, v53  }
0x17d: {  	v4 =	vld.idx.msk [tilespmem:v54+s3+$0x0], $0xffff  }
0x17e: {  	v60 =	vld.idx.msk [tilespmem:v6+s2+$0x0], $0xffff;
	v2 =	vadd.f32 v3, v2;
	v3 =	vmul.f32 v5, v55  }
0x17f: {  	v59 =	vor.u32 $0x1D, v1;
	v5 =	vld.idx.msk [tilespmem:v6+s3+$0x0], $0xffff  }
0x180: {  	v61 =	vld.idx.msk [tilespmem:v57+s2+$0x0], $0xffff;
	v2 =	vadd.f32 v3, v2;
	v3 =	vmul.f32 v7, v56  }
0x181: {  	v6 =	vor.u32 $0x1E, v1;
	v7 =	vld.idx.msk [tilespmem:v57+s3+$0x0], $0xffff  }
0x182: {  	v2 =	vadd.f32 v3, v2;
	v3 =	vmul.f32 v4, v58  }
0x183: {  	v1 =	vor.u32 $0x1F, v1  }
0x184: {  	v62 =	vld.idx.msk [tilespmem:v59+s2+$0x0], $0xffff;
	v2 =	vadd.f32 v3, v2;
	v3 =	vmul.f32 v5, v60  }
0x185: {  	v4 =	vld.idx.msk [tilespmem:v59+s3+$0x0], $0xffff  }
0x186: {  	v63 =	vld.idx.msk [tilespmem:v6+s2+$0x0], $0xffff;
	v2 =	vadd.f32 v3, v2;
	v3 =	vmul.f32 v7, v61  }
0x187: {  	v5 =	vld.idx.msk [tilespmem:v6+s3+$0x0], $0xffff  }
0x188: {  	v6 =	vadd.f32 v3, v2;
	v2 =	vld.idx.msk [tilespmem:v1+s2+$0x0], $0xffff  }
0x189: {  	v3 =	vld.idx.msk [tilespmem:v1+s3+$0x0], $0xffff  }
0x18a: {  	v4 =	vmul.f32 v4, v62  }
0x18b: {  	s31 =	simm.s32 $0x20  }
0x18c: {  	v7 =	vmov s31;
	v5 =	vmul.f32 v5, v63;
	v4 =	vadd.f32 v4, v6  }
0x18d: {  	s17 =	simm.s32 $0x30;
	v1 =	vshll.u32 v7, $0x7  }
.LBB2_4:
0x18e: {  	p0 =	sne.s32 s17, $0xF0;
	v1 =	vor.u32 v0, v1;
	v4 =	vadd.f32 v5, v4;
	v2 =	vmul.f32 v3, v2;
	_ =	sdelay $0x1  }
0x18f: {  	v3 =	vor.u32 $0x1, v1;
	v2 =	vadd.f32 v2, v4  }
0x190: {  	s16 =	sadd.s32 $0x10, s16  }
0x191: {  	v4 =	vor.u32 $0x2, v1;
	[tilespmem:s16+$0x0] =	vst v2  }
0x192: {  	v2 =	vld.idx.msk [tilespmem:v1+s3+$0x0], $0xffff  }
0x193: {  	v6 =	vor.u32 $0x3, v1;
	v5 =	vld.idx.msk [tilespmem:v1+s2+$0x0], $0xffff  }
0x194: {  	v7 =	vld.idx.msk [tilespmem:v3+s2+$0x0], $0xffff  }
0x195: {  	v8 =	vor.u32 $0x4, v1;
	v3 =	vld.idx.msk [tilespmem:v3+s3+$0x0], $0xffff  }
0x196: {  	v9 =	vld.idx.msk [tilespmem:v4+s2+$0x0], $0xffff  }
0x197: {  	v10 =	vor.u32 $0x5, v1;
	v4 =	vld.idx.msk [tilespmem:v4+s3+$0x0], $0xffff  }
0x198: {  	v11 =	vld.idx.msk [tilespmem:v6+s2+$0x0], $0xffff  }
0x199: {  	v2 =	vmul.f32 v2, v5;
	v5 =	vld.idx.msk [tilespmem:v6+s3+$0x0], $0xffff;
	v6 =	vor.u32 $0x6, v1  }
0x19a: {  	v12 =	vld.idx.msk [tilespmem:v8+s2+$0x0], $0xffff  }
0x19b: {  	v2 =	vadd.f32 $0.0e+00, v2;
	v3 =	vmul.f32 v3, v7;
	v7 =	vld.idx.msk [tilespmem:v8+s3+$0x0], $0xffff;
	v8 =	vor.u32 $0x7, v1  }
0x19c: {  	v13 =	vld.idx.msk [tilespmem:v10+s2+$0x0], $0xffff  }
0x19d: {  	v2 =	vadd.f32 v3, v2;
	v3 =	vmul.f32 v4, v9;
	v9 =	vor.u32 $0x8, v1;
	v4 =	vld.idx.msk [tilespmem:v10+s3+$0x0], $0xffff  }
0x19e: {  	v10 =	vld.idx.msk [tilespmem:v6+s2+$0x0], $0xffff  }
0x19f: {  	v2 =	vadd.f32 v3, v2;
	v3 =	vmul.f32 v5, v11;
	v5 =	vld.idx.msk [tilespmem:v6+s3+$0x0], $0xffff;
	v6 =	vor.u32 $0x9, v1  }
0x1a0: {  	v11 =	vld.idx.msk [tilespmem:v8+s2+$0x0], $0xffff  }
0x1a1: {  	v2 =	vadd.f32 v3, v2;
	v3 =	vmul.f32 v7, v12;
	v7 =	vld.idx.msk [tilespmem:v8+s3+$0x0], $0xffff;
	v8 =	vor.u32 $0xA, v1  }
0x1a2: {  	v12 =	vld.idx.msk [tilespmem:v9+s2+$0x0], $0xffff  }
0x1a3: {  	v2 =	vadd.f32 v3, v2;
	v3 =	vmul.f32 v4, v13;
	v4 =	vld.idx.msk [tilespmem:v9+s3+$0x0], $0xffff;
	v9 =	vor.u32 $0xB, v1  }
0x1a4: {  	v13 =	vld.idx.msk [tilespmem:v6+s2+$0x0], $0xffff  }
0x1a5: {  	v2 =	vadd.f32 v3, v2;
	v3 =	vmul.f32 v5, v10;
	v5 =	vld.idx.msk [tilespmem:v6+s3+$0x0], $0xffff;
	v6 =	vor.u32 $0xC, v1  }
0x1a6: {  	v10 =	vld.idx.msk [tilespmem:v8+s2+$0x0], $0xffff  }
0x1a7: {  	v2 =	vadd.f32 v3, v2;
	v3 =	vmul.f32 v7, v11;
	v7 =	vld.idx.msk [tilespmem:v8+s3+$0x0], $0xffff;
	v8 =	vor.u32 $0xD, v1  }
0x1a8: {  	v11 =	vld.idx.msk [tilespmem:v9+s2+$0x0], $0xffff  }
0x1a9: {  	v2 =	vadd.f32 v3, v2;
	v3 =	vmul.f32 v4, v12;
	v4 =	vld.idx.msk [tilespmem:v9+s3+$0x0], $0xffff;
	v9 =	vor.u32 $0xE, v1  }
0x1aa: {  	v12 =	vld.idx.msk [tilespmem:v6+s2+$0x0], $0xffff  }
0x1ab: {  	v2 =	vadd.f32 v3, v2;
	v3 =	vmul.f32 v5, v13;
	v5 =	vld.idx.msk [tilespmem:v6+s3+$0x0], $0xffff;
	v6 =	vor.u32 $0xF, v1  }
0x1ac: {  	v13 =	vld.idx.msk [tilespmem:v8+s2+$0x0], $0xffff  }
0x1ad: {  	v2 =	vadd.f32 v3, v2;
	v3 =	vmul.f32 v7, v10;
	v7 =	vld.idx.msk [tilespmem:v8+s3+$0x0], $0xffff;
	v8 =	vor.u32 $0x10, v1  }
0x1ae: {  	v10 =	vld.idx.msk [tilespmem:v9+s2+$0x0], $0xffff  }
0x1af: {  	v2 =	vadd.f32 v3, v2;
	v3 =	vmul.f32 v4, v11;
	v4 =	vld.idx.msk [tilespmem:v9+s3+$0x0], $0xffff;
	v9 =	vor.u32 $0x11, v1  }
0x1b0: {  	v11 =	vld.idx.msk [tilespmem:v6+s2+$0x0], $0xffff  }
0x1b1: {  	v2 =	vadd.f32 v3, v2;
	v3 =	vmul.f32 v5, v12;
	v5 =	vld.idx.msk [tilespmem:v6+s3+$0x0], $0xffff;
	v6 =	vor.u32 $0x12, v1  }
0x1b2: {  	v12 =	vld.idx.msk [tilespmem:v8+s2+$0x0], $0xffff  }
0x1b3: {  	v2 =	vadd.f32 v3, v2;
	v3 =	vmul.f32 v7, v13;
	v7 =	vld.idx.msk [tilespmem:v8+s3+$0x0], $0xffff;
	v8 =	vor.u32 $0x13, v1  }
0x1b4: {  	v13 =	vld.idx.msk [tilespmem:v9+s2+$0x0], $0xffff  }
0x1b5: {  	v2 =	vadd.f32 v3, v2;
	v3 =	vmul.f32 v4, v10;
	v4 =	vld.idx.msk [tilespmem:v9+s3+$0x0], $0xffff;
	v9 =	vor.u32 $0x14, v1  }
0x1b6: {  	v10 =	vld.idx.msk [tilespmem:v6+s2+$0x0], $0xffff  }
0x1b7: {  	v2 =	vadd.f32 v3, v2;
	v3 =	vmul.f32 v5, v11;
	v5 =	vld.idx.msk [tilespmem:v6+s3+$0x0], $0xffff;
	v6 =	vor.u32 $0x15, v1  }
0x1b8: {  	v11 =	vld.idx.msk [tilespmem:v8+s2+$0x0], $0xffff  }
0x1b9: {  	v2 =	vadd.f32 v3, v2;
	v3 =	vmul.f32 v7, v12;
	v7 =	vld.idx.msk [tilespmem:v8+s3+$0x0], $0xffff;
	v8 =	vor.u32 $0x16, v1  }
0x1ba: {  	v12 =	vld.idx.msk [tilespmem:v9+s2+$0x0], $0xffff  }
0x1bb: {  	v2 =	vadd.f32 v3, v2;
	v3 =	vmul.f32 v4, v13;
	v4 =	vld.idx.msk [tilespmem:v9+s3+$0x0], $0xffff;
	v9 =	vor.u32 $0x17, v1  }
0x1bc: {  	v13 =	vld.idx.msk [tilespmem:v6+s2+$0x0], $0xffff  }
0x1bd: {  	v2 =	vadd.f32 v3, v2;
	v3 =	vmul.f32 v5, v10;
	v5 =	vld.idx.msk [tilespmem:v6+s3+$0x0], $0xffff;
	v6 =	vor.u32 $0x18, v1  }
0x1be: {  	v10 =	vld.idx.msk [tilespmem:v8+s2+$0x0], $0xffff  }
0x1bf: {  	v2 =	vadd.f32 v3, v2;
	v3 =	vmul.f32 v7, v11;
	v7 =	vld.idx.msk [tilespmem:v8+s3+$0x0], $0xffff;
	v8 =	vor.u32 $0x19, v1  }
0x1c0: {  	v11 =	vld.idx.msk [tilespmem:v9+s2+$0x0], $0xffff  }
0x1c1: {  	v2 =	vadd.f32 v3, v2;
	v3 =	vmul.f32 v4, v12;
	v4 =	vld.idx.msk [tilespmem:v9+s3+$0x0], $0xffff;
	v9 =	vor.u32 $0x1A, v1  }
0x1c2: {  	v12 =	vld.idx.msk [tilespmem:v6+s2+$0x0], $0xffff  }
0x1c3: {  	v2 =	vadd.f32 v3, v2;
	v3 =	vmul.f32 v5, v13;
	v5 =	vld.idx.msk [tilespmem:v6+s3+$0x0], $0xffff;
	v6 =	vor.u32 $0x1B, v1  }
0x1c4: {  	v13 =	vld.idx.msk [tilespmem:v8+s2+$0x0], $0xffff  }
0x1c5: {  	v2 =	vadd.f32 v3, v2;
	v3 =	vmul.f32 v7, v10;
	v7 =	vld.idx.msk [tilespmem:v8+s3+$0x0], $0xffff;
	v8 =	vor.u32 $0x1C, v1  }
0x1c6: {  	v10 =	vld.idx.msk [tilespmem:v9+s2+$0x0], $0xffff  }
0x1c7: {  	v2 =	vadd.f32 v3, v2;
	v3 =	vmul.f32 v4, v11;
	v4 =	vld.idx.msk [tilespmem:v9+s3+$0x0], $0xffff;
	v9 =	vor.u32 $0x1D, v1  }
0x1c8: {  	v11 =	vld.idx.msk [tilespmem:v6+s2+$0x0], $0xffff  }
0x1c9: {  	v2 =	vadd.f32 v3, v2;
	v3 =	vmul.f32 v5, v12;
	v5 =	vld.idx.msk [tilespmem:v6+s3+$0x0], $0xffff;
	v6 =	vor.u32 $0x1E, v1  }
0x1ca: {  	v12 =	vld.idx.msk [tilespmem:v8+s2+$0x0], $0xffff  }
0x1cb: {  	v1 =	vor.u32 $0x1F, v1;
	v2 =	vadd.f32 v3, v2;
	v3 =	vmul.f32 v7, v13;
	v7 =	vld.idx.msk [tilespmem:v8+s3+$0x0], $0xffff  }
0x1cc: {  	v8 =	vld.idx.msk [tilespmem:v9+s2+$0x0], $0xffff  }
0x1cd: {  	v2 =	vadd.f32 v3, v2;
	v3 =	vmul.f32 v4, v10;
	v4 =	vld.idx.msk [tilespmem:v9+s3+$0x0], $0xffff  }
0x1ce: {  	v9 =	vld.idx.msk [tilespmem:v6+s2+$0x0], $0xffff  }
0x1cf: {  	v3 =	vadd.f32 v3, v2;
	v5 =	vmul.f32 v5, v11;
	v6 =	vld.idx.msk [tilespmem:v6+s3+$0x0], $0xffff  }
0x1d0: {  	v2 =	vld.idx.msk [tilespmem:v1+s2+$0x0], $0xffff  }
0x1d1: {  	v5 =	vadd.f32 v5, v3;
	v7 =	vmul.f32 v7, v12;
	v3 =	vld.idx.msk [tilespmem:v1+s3+$0x0], $0xffff  }
.Ltmp1:
0x1d2: {  	(pc) =	sbr.rel @p0 .LBB2_4-.Ltmp1, $3  }
0x1d3: {  	v1 =	vadd.f32 v7, v5;
	v4 =	vmul.f32 v4, v8;
	_ =	sdelay $0x1  }
0x1d4: {  	v7 =	vmov s17;
	v4 =	vadd.f32 v4, v1;
	v5 =	vmul.f32 v6, v9  }
0x1d5: {  	s17 =	sadd.s32 $0x10, s17;
	v1 =	vshll.u32 v7, $0x7  }
0x1d6: {  	v1 =	vor.u32 v0, v1;
	v4 =	vadd.f32 v5, v4;
	v2 =	vmul.f32 v3, v2;
	_ =	sdelay $0x1  }
0x1d7: {  	v3 =	vor.u32 $0x1, v1;
	v2 =	vadd.f32 v2, v4  }
0x1d8: {  	s5 =	sadd.s32 $0x10, s16  }
0x1d9: {  	v31 =	vor.u32 $0x2, v1;
	[tilespmem:s5+$0x0] =	vst v2  }
0x1da: {  	v2 =	vld.idx.msk [tilespmem:v1+s3+$0x0], $0xffff  }
0x1db: {  	v6 =	vor.u32 $0x3, v1;
	v32 =	vld.idx.msk [tilespmem:v1+s2+$0x0], $0xffff  }
0x1dc: {  	v7 =	vld.idx.msk [tilespmem:v3+s2+$0x0], $0xffff  }
0x1dd: {  	v8 =	vor.u32 $0x4, v1;
	v3 =	vld.idx.msk [tilespmem:v3+s3+$0x0], $0xffff  }
0x1de: {  	v9 =	vld.idx.msk [tilespmem:v31+s2+$0x0], $0xffff  }
0x1df: {  	v10 =	vor.u32 $0x5, v1;
	v4 =	vld.idx.msk [tilespmem:v31+s3+$0x0], $0xffff  }
0x1e0: {  	v11 =	vld.idx.msk [tilespmem:v6+s2+$0x0], $0xffff;
	v2 =	vmul.f32 v2, v32  }
0x1e1: {  	v34 =	vor.u32 $0x6, v1;
	v33 =	vld.idx.msk [tilespmem:v6+s3+$0x0], $0xffff  }
0x1e2: {  	v12 =	vld.idx.msk [tilespmem:v8+s2+$0x0], $0xffff;
	v3 =	vmul.f32 v3, v7;
	v2 =	vadd.f32 $0.0e+00, v2  }
0x1e3: {  	v36 =	vor.u32 $0x7, v1;
	v35 =	vld.idx.msk [tilespmem:v8+s3+$0x0], $0xffff  }
0x1e4: {  	v13 =	vld.idx.msk [tilespmem:v10+s2+$0x0], $0xffff;
	v2 =	vadd.f32 v3, v2;
	v3 =	vmul.f32 v4, v9  }
0x1e5: {  	v38 =	vor.u32 $0x8, v1;
	v37 =	vld.idx.msk [tilespmem:v10+s3+$0x0], $0xffff  }
0x1e6: {  	v39 =	vld.idx.msk [tilespmem:v34+s2+$0x0], $0xffff;
	v2 =	vadd.f32 v3, v2;
	v3 =	vmul.f32 v33, v11  }
0x1e7: {  	v41 =	vor.u32 $0x9, v1;
	v40 =	vld.idx.msk [tilespmem:v34+s3+$0x0], $0xffff  }
0x1e8: {  	v42 =	vld.idx.msk [tilespmem:v36+s2+$0x0], $0xffff;
	v2 =	vadd.f32 v3, v2;
	v3 =	vmul.f32 v35, v12  }
0x1e9: {  	v44 =	vor.u32 $0xA, v1;
	v43 =	vld.idx.msk [tilespmem:v36+s3+$0x0], $0xffff  }
0x1ea: {  	v45 =	vld.idx.msk [tilespmem:v38+s2+$0x0], $0xffff;
	v2 =	vadd.f32 v3, v2;
	v3 =	vmul.f32 v37, v13  }
0x1eb: {  	v47 =	vor.u32 $0xB, v1;
	v46 =	vld.idx.msk [tilespmem:v38+s3+$0x0], $0xffff  }
0x1ec: {  	v48 =	vld.idx.msk [tilespmem:v41+s2+$0x0], $0xffff;
	v2 =	vadd.f32 v3, v2;
	v3 =	vmul.f32 v40, v39  }
0x1ed: {  	v50 =	vor.u32 $0xC, v1;
	v49 =	vld.idx.msk [tilespmem:v41+s3+$0x0], $0xffff  }
0x1ee: {  	v51 =	vld.idx.msk [tilespmem:v44+s2+$0x0], $0xffff;
	v2 =	vadd.f32 v3, v2;
	v3 =	vmul.f32 v43, v42  }
0x1ef: {  	v53 =	vor.u32 $0xD, v1;
	v52 =	vld.idx.msk [tilespmem:v44+s3+$0x0], $0xffff  }
0x1f0: {  	v54 =	vld.idx.msk [tilespmem:v47+s2+$0x0], $0xffff;
	v2 =	vadd.f32 v3, v2;
	v3 =	vmul.f32 v46, v45  }
0x1f1: {  	v56 =	vor.u32 $0xE, v1;
	v55 =	vld.idx.msk [tilespmem:v47+s3+$0x0], $0xffff  }
0x1f2: {  	v57 =	vld.idx.msk [tilespmem:v50+s2+$0x0], $0xffff;
	v2 =	vadd.f32 v3, v2;
	v3 =	vmul.f32 v49, v48  }
0x1f3: {  	v59 =	vor.u32 $0xF, v1;
	v58 =	vld.idx.msk [tilespmem:v50+s3+$0x0], $0xffff  }
0x1f4: {  	v60 =	vld.idx.msk [tilespmem:v53+s2+$0x0], $0xffff;
	v2 =	vadd.f32 v3, v2;
	v3 =	vmul.f32 v52, v51  }
0x1f5: {  	v62 =	vor.u32 $0x10, v1;
	v61 =	vld.idx.msk [tilespmem:v53+s3+$0x0], $0xffff  }
0x1f6: {  	v63 =	vld.idx.msk [tilespmem:v56+s2+$0x0], $0xffff;
	v2 =	vadd.f32 v3, v2;
	v3 =	vmul.f32 v55, v54  }
0x1f7: {  	v17 =	vor.u32 $0x11, v1;
	v16 =	vld.idx.msk [tilespmem:v56+s3+$0x0], $0xffff  }
0x1f8: {  	v18 =	vld.idx.msk [tilespmem:v59+s2+$0x0], $0xffff;
	v2 =	vadd.f32 v3, v2;
	v3 =	vmul.f32 v58, v57  }
0x1f9: {  	v20 =	vor.u32 $0x12, v1;
	v19 =	vld.idx.msk [tilespmem:v59+s3+$0x0], $0xffff  }
0x1fa: {  	v21 =	vld.idx.msk [tilespmem:v62+s2+$0x0], $0xffff;
	v2 =	vadd.f32 v3, v2;
	v3 =	vmul.f32 v61, v60  }
0x1fb: {  	v23 =	vor.u32 $0x13, v1;
	v22 =	vld.idx.msk [tilespmem:v62+s3+$0x0], $0xffff  }
0x1fc: {  	v24 =	vld.idx.msk [tilespmem:v17+s2+$0x0], $0xffff;
	v2 =	vadd.f32 v3, v2;
	v3 =	vmul.f32 v16, v63  }
0x1fd: {  	v26 =	vor.u32 $0x14, v1;
	v25 =	vld.idx.msk [tilespmem:v17+s3+$0x0], $0xffff  }
0x1fe: {  	v27 =	vld.idx.msk [tilespmem:v20+s2+$0x0], $0xffff;
	v2 =	vadd.f32 v3, v2;
	v3 =	vmul.f32 v19, v18  }
0x1ff: {  	v29 =	vor.u32 $0x15, v1;
	v28 =	vld.idx.msk [tilespmem:v20+s3+$0x0], $0xffff  }
0x200: {  	v30 =	vld.idx.msk [tilespmem:v23+s2+$0x0], $0xffff;
	v2 =	vadd.f32 v3, v2;
	v3 =	vmul.f32 v22, v21  }
0x201: {  	v31 =	vld.idx.msk [tilespmem:v23+s3+$0x0], $0xffff;
	v32 =	vor.u32 $0x16, v1  }
0x202: {  	v34 =	vld.idx.msk [tilespmem:v26+s3+$0x0], $0xffff;
	v2 =	vadd.f32 v3, v2;
	v3 =	vmul.f32 v25, v24  }
0x203: {  	v33 =	vld.idx.msk [tilespmem:v26+s2+$0x0], $0xffff;
	v35 =	vor.u32 $0x17, v1  }
0x204: {  	v36 =	vld.idx.msk [tilespmem:v29+s2+$0x0], $0xffff;
	v2 =	vadd.f32 v3, v2;
	v3 =	vmul.f32 v28, v27  }
0x205: {  	v38 =	vor.u32 $0x18, v1;
	v37 =	vld.idx.msk [tilespmem:v29+s3+$0x0], $0xffff  }
0x206: {  	v39 =	vld.idx.msk [tilespmem:v32+s2+$0x0], $0xffff;
	v2 =	vadd.f32 v3, v2;
	v3 =	vmul.f32 v31, v30  }
0x207: {  	v41 =	vor.u32 $0x19, v1;
	v40 =	vld.idx.msk [tilespmem:v32+s3+$0x0], $0xffff  }
0x208: {  	v42 =	vld.idx.msk [tilespmem:v35+s2+$0x0], $0xffff;
	v2 =	vadd.f32 v3, v2;
	v3 =	vmul.f32 v34, v33  }
0x209: {  	v44 =	vor.u32 $0x1A, v1;
	v43 =	vld.idx.msk [tilespmem:v35+s3+$0x0], $0xffff  }
0x20a: {  	v45 =	vld.idx.msk [tilespmem:v38+s2+$0x0], $0xffff;
	v2 =	vadd.f32 v3, v2;
	v3 =	vmul.f32 v37, v36  }
0x20b: {  	v47 =	vor.u32 $0x1B, v1;
	v46 =	vld.idx.msk [tilespmem:v38+s3+$0x0], $0xffff  }
0x20c: {  	v48 =	vld.idx.msk [tilespmem:v41+s2+$0x0], $0xffff;
	v2 =	vadd.f32 v3, v2;
	v3 =	vmul.f32 v40, v39  }
0x20d: {  	v50 =	vor.u32 $0x1C, v1;
	v49 =	vld.idx.msk [tilespmem:v41+s3+$0x0], $0xffff  }
0x20e: {  	v51 =	vld.idx.msk [tilespmem:v44+s2+$0x0], $0xffff;
	v2 =	vadd.f32 v3, v2;
	v3 =	vmul.f32 v43, v42  }
0x20f: {  	v53 =	vor.u32 $0x1D, v1;
	v52 =	vld.idx.msk [tilespmem:v44+s3+$0x0], $0xffff  }
0x210: {  	v54 =	vld.idx.msk [tilespmem:v47+s2+$0x0], $0xffff;
	v2 =	vadd.f32 v3, v2;
	v3 =	vmul.f32 v46, v45  }
0x211: {  	v56 =	vor.u32 $0x1E, v1;
	v55 =	vld.idx.msk [tilespmem:v47+s3+$0x0], $0xffff  }
0x212: {  	v57 =	vld.idx.msk [tilespmem:v50+s2+$0x0], $0xffff;
	v2 =	vadd.f32 v3, v2;
	v3 =	vmul.f32 v49, v48  }
0x213: {  	v1 =	vor.u32 $0x1F, v1;
	v58 =	vld.idx.msk [tilespmem:v50+s3+$0x0], $0xffff  }
0x214: {  	v59 =	vld.idx.msk [tilespmem:v53+s2+$0x0], $0xffff;
	v2 =	vadd.f32 v3, v2;
	v3 =	vmul.f32 v52, v51  }
0x215: {  	v60 =	vld.idx.msk [tilespmem:v53+s3+$0x0], $0xffff  }
0x216: {  	v62 =	vld.idx.msk [tilespmem:v56+s3+$0x0], $0xffff;
	v2 =	vadd.f32 v3, v2;
	v3 =	vmul.f32 v55, v54  }
0x217: {  	v61 =	vld.idx.msk [tilespmem:v56+s2+$0x0], $0xffff  }
0x218: {  	v63 =	vld.idx.msk [tilespmem:v1+s2+$0x0], $0xffff;
	v2 =	vadd.f32 v3, v2;
	v3 =	vmul.f32 v58, v57  }
0x219: {  	v1 =	vld.idx.msk [tilespmem:v1+s3+$0x0], $0xffff  }
0x21a: {  	v2 =	vadd.f32 v3, v2;
	v3 =	vmul.f32 v60, v59;
	_ =	sdelay $0x1  }
0x21b: {  	v2 =	vadd.f32 v3, v2;
	v3 =	vmul.f32 v62, v61;
	_ =	sdelay $0x1  }
0x21c: {  	v1 =	vmul.f32 v1, v63;
	v2 =	vadd.f32 v3, v2;
	_ =	sdelay $0x1  }
0x21d: {  	v1 =	vadd.f32 v1, v2  }
0x21e: {  	s0 =	sadd.s32 $0x10, s5  }
0x21f: {  	s14 =	sand.u32 $0xF0, s1;
	[tilespmem:s0+$0x0] =	vst v1  }
0x220: {  	v1 =	vld [tilespmem:s14+$0x300]  }
0x221: {  	v2 =	vld [tilespmem:s14+$0x100];
	_ =	sdelay $0x3  }
0x222: {  	v1 =	vshll.u32 v1, $0x4  }
0x223: {  	v2 =	vshll.u32 v2, $0x4;
	(v2sf) =	vpush v1, $0x0  }
0x224: {  	(v2sf) =	vpush v2, $0x0  }
0x225: {  	(v2sf) =	vpush v2, $0x1  }
0x226: {  	(v2sf) =	vpush v1, $0x1;
	_ =	sdelay $0x1  }
0x227: {  	(v2sf) =	vpush v2, $0x2  }
0x228: {  	(v2sf) =	vpush v1, $0x2;
	_ =	sdelay $0x1  }
0x229: {  	(v2sf) =	vpush v2, $0x3;
	_ =	sdelay $0x1  }
0x22a: {  	(v2sf) =	vpush v1, $0x3;
	_ =	sdelay $0x1  }
0x22b: {  	s1 =	simm.s32 $0x2000;
	s16 =	simm.s32 $0x0  }
0x22c: {  	s17 =	simm.s32 $0x8400;
	s7 =	simm.s32 $0x680;
	s4 =	simm.s32 $0x400  }
0x22d: {  	s21 =	simm.s32 $0x480;
	s24 =	simm.s32 $0x8480;
	s26 =	simm.s32 $0x500  }
0x22e: {  	s31 =	simm.s32 $0x8500;
	s10 =	simm.s32 $0x580;
	s15 =	spop (v2sf)  }
0x22f: {  	s30 =	simm.s32 $0x8B00;
	s5 =	simm.s32 $0x8800;
	(v2sf) =	vpush v2, $0x4;
	s18 =	spop (v2sf)  }
0x230: {  	s0 =	sand.u32 $0x1FFFFFF0, s15;
	s3 =	sand.u32 $0x1FFFFFF0, s18;
	s19 =	spop (v2sf)  }
0x231: {  	(v2sf) =	vpush v1, $0x4;
	s15 =	simm.s32 $0x8580;
	s3 =	sadd.s32 s11, s3;
	s23 =	spop (v2sf)  }
0x232: {  	(v2sf) =	vpush v2, $0x5;
	[tilespmem:s4], [sflag:$0x1] =	stream.linear.gather [hbm4b:s3+s29], $0x80, $0x38;
	[tilespmem:$0x10600] =	vst v63  }
0x233: {  	s0 =	sadd.s32 s13, s0;
	s22 =	sand.u32 $0x1FFFFFF0, s19;
	s6 =	spop (v2sf)  }
0x234: {  	s3 =	simm.s32 $0x600;
	s4 =	sand.u32 $0x1FFFFFF0, s23;
	s28 =	spop (v2sf)  }
0x235: {  	(v2sf) =	vpush v1, $0x5;
	[tilespmem:s17], [sflag:$0x1] =	stream.linear.gather [hbm4b:s0+s29], $0x80, $0x38;
	[tilespmem:$0x10600] =	vst v63  }
0x236: {  	s2 =	sadd.s32 s11, s22;
	s22 =	simm.s32 $0x8600;
	s8 =	spop (v2sf)  }
0x237: {  	(v2sf) =	vpush v2, $0x6;
	[tilespmem:s21], [sflag:$0x2] =	stream.linear.gather [hbm4b:s2+s29], $0x80, $0x38;
	[tilespmem:$0x10600] =	vst v63  }
0x238: {  	s25 =	sand.u32 $0x1FFFFFF0, s6;
	s4 =	sadd.s32 s13, s4;
	s9 =	spop (v2sf)  }
0x239: {  	(v2sf) =	vpush v1, $0x6;
	[tilespmem:s24], [sflag:$0x2] =	stream.linear.gather [hbm4b:s4+s29], $0x80, $0x38;
	[tilespmem:$0x10600] =	vst v63  }
0x23a: {  	s6 =	sand.u32 $0x1FFFFFF0, s28;
	s2 =	sadd.s32 s11, s25;
	s14 =	sand.u32 $0x1FFFFFF0, s9  }
0x23b: {  	[tilespmem:s26], [sflag:$0x3] =	stream.linear.gather [hbm4b:s2+s29], $0x80, $0x38;
	[tilespmem:$0x10600] =	vst v63  }
0x23c: {  	s4 =	sand.u32 $0x1FFFFFF0, s8;
	s8 =	simm.s32 $0x900;
	s2 =	sadd.s32 s13, s6  }
0x23d: {  	(v2sf) =	vpush v2, $0x7;
	[tilespmem:s31], [sflag:$0x3] =	stream.linear.gather [hbm4b:s2+s29], $0x80, $0x38;
	[tilespmem:$0x10600] =	vst v63  }
0x23e: {  	s4 =	sadd.s32 s11, s4;
	s6 =	simm.s32 $0x8880;
	s17 =	spop (v2sf)  }
0x23f: {  	[tilespmem:s10], [sflag:$0x4] =	stream.linear.gather [hbm4b:s4+s29], $0x80, $0x38;
	[tilespmem:$0x10600] =	vst v63  }
0x240: {  	s26 =	simm.s32 $0x8680;
	s2 =	sadd.s32 s13, s14;
	s19 =	spop (v2sf)  }
0x241: {  	(v2sf) =	vpush v1, $0x7;
	s18 =	sand.u32 $0x1FFFFFF0, s17;
	s10 =	simm.s32 $0x8700;
	s21 =	spop (v2sf)  }
0x242: {  	(v2sf) =	vpush v2, $0x8;
	[tilespmem:s15], [sflag:$0x4] =	stream.linear.gather [hbm4b:s2+s29], $0x80, $0x38;
	[tilespmem:$0x10600] =	vst v63  }
0x243: {  	s0 =	sadd.s32 s11, s18;
	s2 =	sand.u32 $0x1FFFFFF0, s19;
	s23 =	sand.u32 $0x1FFFFFF0, s21  }
0x244: {  	(v2sf) =	vpush v1, $0x8;
	s24 =	spop (v2sf);
	s15 =	simm.s32 $0x780;
	s21 =	simm.s32 $0x8780  }
0x245: {  	(v2sf) =	vpush v2, $0x9;
	[tilespmem:s3], [sflag:$0x1] =	stream.linear.gather [hbm4b:s0+s29], $0x80, $0x38;
	[tilespmem:$0x10600] =	vst v63  }
0x246: {  	s2 =	sadd.s32 s13, s2;
	s25 =	sadd.s32 s11, s23;
	s28 =	spop (v2sf)  }
0x247: {  	(v2sf) =	vpush v1, $0x9;
	[tilespmem:s22], [sflag:$0x1] =	stream.linear.gather [hbm4b:s2+s29], $0x80, $0x38;
	[tilespmem:$0x10600] =	vst v63  }
0x248: {  	s23 =	simm.s32 $0x800;
	s0 =	sand.u32 $0x1FFFFFF0, s24;
	s31 =	spop (v2sf)  }
0x249: {  	(v2sf) =	vpush v2, $0xA;
	[tilespmem:s7], [sflag:$0x2] =	stream.linear.gather [hbm4b:s25+s29], $0x80, $0x38;
	[tilespmem:$0x10600] =	vst v63  }
0x24a: {  	s3 =	sand.u32 $0x1FFFFFF0, s28;
	s0 =	sadd.s32 s13, s0;
	s9 =	sand.u32 $0x1FFFFFF0, s31  }
0x24b: {  	[tilespmem:s26], [sflag:$0x2] =	stream.linear.gather [hbm4b:s0+s29], $0x80, $0x38;
	[tilespmem:$0x10600] =	vst v63  }
0x24c: {  	s3 =	sadd.s32 s11, s3;
	s14 =	spop (v2sf);
	s7 =	simm.s32 $0x700  }
0x24d: {  	(v2sf) =	vpush v1, $0xA;
	[tilespmem:s7], [sflag:$0x3] =	stream.linear.gather [hbm4b:s3+s29], $0x80, $0x38;
	[tilespmem:$0x10600] =	vst v63  }
0x24e: {  	s2 =	sadd.s32 s13, s9;
	s17 =	sand.u32 $0x1FFFFFF0, s14;
	s25 =	simm.s32 $0x8900  }
0x24f: {  	(v2sf) =	vpush v2, $0xB;
	[tilespmem:s10], [sflag:$0x3] =	stream.linear.gather [hbm4b:s2+s29], $0x80, $0x38;
	[tilespmem:$0x10600] =	vst v63  }
0x250: {  	s7 =	simm.s32 $0x980;
	s18 =	spop (v2sf);
	s2 =	sadd.s32 s11, s17  }
0x251: {  	(v2sf) =	vpush v1, $0xB;
	s17 =	simm.s32 $0xA00;
	s3 =	sand.u32 $0x1FFFFFF0, s18;
	s19 =	spop (v2sf)  }
0x252: {  	[tilespmem:s15], [sflag:$0x4] =	stream.linear.gather [hbm4b:s2+s29], $0x80, $0x38;
	[tilespmem:$0x10600] =	vst v63  }
0x253: {  	s18 =	simm.s32 $0x8A80;
	s22 =	sand.u32 $0x1FFFFFF0, s19;
	s24 =	spop (v2sf);
	(v2sf) =	vpush v2, $0xC  }
0x254: {  	s3 =	sadd.s32 s13, s3;
	s2 =	sadd.s32 s11, s22;
	s28 =	spop (v2sf)  }
0x255: {  	(v2sf) =	vpush v1, $0xC;
	[tilespmem:s21], [sflag:$0x4] =	stream.linear.gather [hbm4b:s3+s29], $0x80, $0x38;
	[tilespmem:$0x10600] =	vst v63  }
0x256: {  	s26 =	sand.u32 $0x1FFFFFF0, s24;
	s3 =	sand.u32 $0x1FFFFFF0, s28;
	s31 =	spop (v2sf);
	(v2sf) =	vpush v2, $0xD  }
0x257: {  	[tilespmem:s23], [sflag:$0x1] =	stream.linear.gather [hbm4b:s2+s29], $0x80, $0x38;
	[tilespmem:$0x10600] =	vst v63  }
0x258: {  	s21 =	simm.s32 $0x8980;
	(v2sf) =	vpush v1, $0xD;
	s9 =	spop (v2sf);
	s2 =	sadd.s32 s13, s26  }
0x259: {  	(v2sf) =	vpush v2, $0xE;
	[tilespmem:s5], [sflag:$0x1] =	stream.linear.gather [hbm4b:s2+s29], $0x80, $0x38;
	[tilespmem:$0x10600] =	vst v63  }
0x25a: {  	s4 =	sand.u32 $0x1FFFFFF0, s31;
	s3 =	sadd.s32 s11, s3;
	s5 =	simm.s32 $0x880  }
0x25b: {  	[tilespmem:s5], [sflag:$0x2] =	stream.linear.gather [hbm4b:s3+s29], $0x80, $0x38;
	[tilespmem:$0x10600] =	vst v63  }
0x25c: {  	s4 =	sadd.s32 s13, s4;
	s10 =	spop (v2sf);
	s3 =	sand.u32 $0x1FFFFFF0, s9  }
0x25d: {  	[tilespmem:s6], [sflag:$0x2] =	stream.linear.gather [hbm4b:s4+s29], $0x80, $0x38;
	[tilespmem:$0x10600] =	vst v63  }
0x25e: {  	s14 =	spop (v2sf);
	s3 =	sadd.s32 s11, s3;
	s4 =	sand.u32 $0x1FFFFFF0, s10  }
0x25f: {  	[tilespmem:s8], [sflag:$0x3] =	stream.linear.gather [hbm4b:s3+s29], $0x80, $0x38;
	[tilespmem:$0x10600] =	vst v63  }
0x260: {  	s15 =	sand.u32 $0x1FFFFFF0, s14;
	s4 =	sadd.s32 s13, s4;
	s19 =	spop (v2sf)  }
0x261: {  	[tilespmem:s25], [sflag:$0x3] =	stream.linear.gather [hbm4b:s4+s29], $0x80, $0x38;
	[tilespmem:$0x10600] =	vst v63  }
0x262: {  	s3 =	sadd.s32 s11, s15;
	s22 =	sand.u32 $0x1FFFFFF0, s19;
	s23 =	spop (v2sf)  }
0x263: {  	[tilespmem:s7], [sflag:$0x4] =	stream.linear.gather [hbm4b:s3+s29], $0x80, $0x38;
	[tilespmem:$0x10600] =	vst v63  }
0x264: {  	s19 =	simm.s32 $0x8A00;
	s4 =	sand.u32 $0x1FFFFFF0, s23;
	s24 =	spop (v2sf)  }
0x265: {  	s3 =	sadd.s32 s13, s22;
	s25 =	spop (v2sf);
	s26 =	sadd.s32 s11, s4  }
0x266: {  	[tilespmem:s21], [sflag:$0x4] =	stream.linear.gather [hbm4b:s3+s29], $0x80, $0x38;
	[tilespmem:$0x10600] =	vst v63  }
0x267: {  	(v2sf) =	vpush v1, $0xE;
	s28 =	sand.u32 $0x1FFFFFF0, s24;
	s0 =	sand.u32 $0x1FFFFFF0, s25;
	s31 =	spop (v2sf)  }
0x268: {  	(v2sf) =	vpush v2, $0xF;
	s6 =	sadd.s32 s13, s28;
	s2 =	sand.u32 $0x1FFFFFF0, s31;
	s5 =	spop (v2sf)  }
0x269: {  	(v2sf) =	vpush v1, $0xF;
	[tilespmem:s17], [sflag:$0x1] =	stream.linear.gather [hbm4b:s26+s29], $0x80, $0x38;
	[tilespmem:$0x10600] =	vst v63  }
.LBB2_6:
0x26a: {  	_ =	sdelay $0x4  }
0x26b: {  	[tilespmem:s19], [sflag:$0x1] =	stream.linear.gather [hbm4b:s6+s29], $0x80, $0x38;
	[tilespmem:$0x10600] =	vst v63  }
0x26c: {  	s3 =	sadd.s32 $0xA80, s16;
	s0 =	sadd.s32 s11, s0  }
0x26d: {  	[tilespmem:s3], [sflag:$0x2] =	stream.linear.gather [hbm4b:s0+s29], $0x80, $0x38;
	[tilespmem:$0x10600] =	vst v63  }
0x26e: {  	s2 =	sadd.s32 s13, s2;
	s3 =	sand.u32 $0x1FFFFFF0, s5  }
0x26f: {  	[tilespmem:s18], [sflag:$0x2] =	stream.linear.gather [hbm4b:s2+s29], $0x80, $0x38;
	[tilespmem:$0x10600] =	vst v63  }
0x270: {  	s6 =	sadd.s32 $0xB00, s16;
	s2 =	sadd.s32 s11, s3  }
0x271: {  	[tilespmem:s6], [sflag:$0x3] =	stream.linear.gather [hbm4b:s2+s29], $0x80, $0x38;
	[tilespmem:$0x10600] =	vst v63  }
0x272: {  	s4 =	spop (v2sf)  }
0x273: {  	s5 =	sand.u32 $0x1FFFFFF0, s4;
	s7 =	spop (v2sf)  }
0x274: {  	s8 =	sadd.s32 s13, s5;
	s9 =	sand.u32 $0x1FFFFFF0, s7;
	s10 =	spop (v2sf)  }
0x275: {  	[tilespmem:s30], [sflag:$0x3] =	stream.linear.gather [hbm4b:s8+s29], $0x80, $0x38;
	[tilespmem:$0x10600] =	vst v63  }
0x276: {  	s14 =	sadd.s32 $0xB80, s16;
	s2 =	sadd.s32 s11, s9;
	s3 =	sand.u32 $0x1FFFFFF0, s10  }
0x277: {  	[tilespmem:s14], [sflag:$0x4] =	stream.linear.gather [hbm4b:s2+s29], $0x80, $0x38;
	[tilespmem:$0x10600] =	vst v63  }
0x278: {  	s15 =	sand.u32 $0xF0, s20;
	s17 =	sadd.s32 $0x8B80, s16;
	s3 =	sadd.s32 s13, s3  }
0x279: {  	[tilespmem:s17], [sflag:$0x4] =	stream.linear.gather [hbm4b:s3+s29], $0x80, $0x38;
	[tilespmem:$0x10600] =	vst v63  }
0x27a: {  	v1 =	vld [tilespmem:s15+$0x300]  }
0x27b: {  	v2 =	vld [tilespmem:s15+$0x100];
	_ =	sdelay $0x3  }
0x27c: {  	v1 =	vshll.u32 v1, $0x4  }
0x27d: {  	v2 =	vshll.u32 v2, $0x4;
	(v2sf) =	vpush v1, $0x0  }
0x27e: {  	(v2sf) =	vpush v2, $0x0  }
0x27f: {  	s18 =	smov.u32 s1;
	(v2sf) =	vpush v2, $0x1  }
0x280: {  	s16 =	sshra.s32 s18, $0x2  }
0x281: {  	p0 =	sne.s32 s1, $0x1E000;
	s1 =	sadd.s32 $0x2000, s1;
	s0 =	sadd.s32 $0x8400, s16  }
0x282: {  	s6 =	sadd.s32 $0x8800, s16;
	s24 =	sadd.s32 $0x600, s16;
	s19 =	sadd.s32 $0x8880, s16;
	(v2sf) =	vpush v1, $0x1  }
0x283: {  	s31 =	sadd.s32 $0x580, s16;
	s21 =	sadd.s32 $0x900, s16;
	[dreg:$0xd] =	wrdreg s19;
	(v2sf) =	vpush v2, $0x2  }
0x284: {  	s26 =	sadd.s32 $0x8580, s16;
	s22 =	sadd.s32 $0x8900, s16;
	[dreg:$0xa] =	wrdreg s21  }
0x285: {  	s25 =	sadd.s32 $0x8600, s16;
	s23 =	sadd.s32 $0x980, s16;
	[dreg:$0x8] =	wrdreg s22;
	(v2sf) =	vpush v1, $0x2  }
0x286: {  	s18 =	sadd.s32 $0x8A80, s16;
	s28 =	sadd.s32 $0xA00, s16;
	[dreg:$0x6] =	wrdreg s23  }
0x287: {  	s23 =	sadd.s32 $0x8700, s16;
	[dreg:$0xe] =	wrdreg s28;
	s19 =	sadd.s32 $0x8A00, s16;
	(v2sf) =	vpush v2, $0x3  }
0x288: {  	s22 =	simm.s32 $0x0;
	s4 =	sadd.s32 $0x480, s16;
	s5 =	sadd.s32 $0x780, s16;
	(v2sf) =	vpush v1, $0x3  }
0x289: {  	s7 =	sadd.s32 $0x880, s16;
	s10 =	sadd.s32 $0x8780, s16;
	s11 =	sadd.s32 $0x8480, s16  }
0x28a: {  	[dreg:$0x10] =	wrdreg s7;
	s9 =	sadd.s32 $0x800, s16;
	s8 =	sadd.s32 $0x10, s20;
	(v2sf) =	vpush v2, $0x4  }
0x28b: {  	s30 =	sadd.s32 $0x8B00, s16;
	s7 =	sadd.s32 $0x8980, s16;
	s13 =	sadd.s32 $0x700, s16  }
0x28c: {  	s2 =	sadd.s32 $0x680, s16;
	s14 =	sadd.s32 $0x8680, s16;
	s17 =	spop (v2sf)  }
0x28d: {  	s3 =	sadd.s32 $0x400, s16;
	s29 =	sadd.s32 $0x8500, s16;
	s20 =	spop (v2sf)  }
0x28e: {  	s28 =	sand.u32 $0x1FFFFFF0, s17;
	s17 =	sand.u32 $0x1FFFFFF0, s20;
	s21 =	spop (v2sf)  }
0x28f: {  	s15 =	sadd.s32 $0x500, s16;
	(v2sf) =	vpush v1, $0x4;
	s17 =	sadd.s32 s12, s17;
	s20 =	sand.u32 $0x1FFFFFF0, s21  }
0x290: {  	[tilespmem:s3], [sflag:$0x1] =	stream.linear.gather [hbm4b:s17+s22], $0x80, $0x38;
	[tilespmem:$0x10600] =	vst v63  }
0x291: {  	(v2sf) =	vpush v2, $0x5;
	s21 =	spop (v2sf);
	s17 =	rddreg [dreg:$0x4];
	s20 =	sadd.s32 s12, s20  }
0x292: {  	s3 =	sadd.s32 s17, s28;
	s17 =	sand.u32 $0x1FFFFFF0, s21;
	s28 =	spop (v2sf)  }
0x293: {  	(v2sf) =	vpush v1, $0x5;
	[tilespmem:s0], [sflag:$0x1] =	stream.linear.gather [hbm4b:s3+s22], $0x80, $0x38;
	[tilespmem:$0x10600] =	vst v63  }
0x294: {  	s21 =	rddreg [dreg:$0x4];
	s3 =	sand.u32 $0x1FFFFFF0, s28;
	s28 =	spop (v2sf)  }
0x295: {  	(v2sf) =	vpush v2, $0x6;
	[tilespmem:s4], [sflag:$0x2] =	stream.linear.gather [hbm4b:s20+s22], $0x80, $0x38;
	[tilespmem:$0x10600] =	vst v63  }
0x296: {  	s0 =	sadd.s32 s21, s17;
	s20 =	smov.u32 s8;
	s8 =	spop (v2sf)  }
0x297: {  	(v2sf) =	vpush v1, $0x6;
	s21 =	rddreg [dreg:$0x4];
	s28 =	sand.u32 $0x1FFFFFF0, s28;
	s17 =	spop (v2sf)  }
0x298: {  	[tilespmem:s11], [sflag:$0x2] =	stream.linear.gather [hbm4b:s0+s22], $0x80, $0x38;
	[tilespmem:$0x10600] =	vst v63  }
0x299: {  	(v2sf) =	vpush v2, $0x7;
	s11 =	sadd.s32 s12, s3;
	s3 =	sand.u32 $0x1FFFFFF0, s8;
	s8 =	spop (v2sf)  }
0x29a: {  	s0 =	sadd.s32 s21, s28;
	s28 =	sand.u32 $0x1FFFFFF0, s17;
	s17 =	sand.u32 $0x1FFFFFF0, s8  }
0x29b: {  	(v2sf) =	vpush v1, $0x7;
	[tilespmem:s15], [sflag:$0x3] =	stream.linear.gather [hbm4b:s11+s22], $0x80, $0x38;
	[tilespmem:$0x10600] =	vst v63  }
0x29c: {  	s15 =	sadd.s32 s12, s3;
	s3 =	sadd.s32 s12, s17;
	s17 =	rddreg [dreg:$0x4]  }
0x29d: {  	[tilespmem:s29], [sflag:$0x3] =	stream.linear.gather [hbm4b:s0+s22], $0x80, $0x38;
	[tilespmem:$0x10600] =	vst v63  }
0x29e: {  	(v2sf) =	vpush v2, $0x8;
	s29 =	simm.s32 $0x0;
	s22 =	rddreg [dreg:$0x4];
	s21 =	spop (v2sf)  }
0x29f: {  	[tilespmem:s31], [sflag:$0x4] =	stream.linear.gather [hbm4b:s15+s29], $0x80, $0x38;
	[tilespmem:$0x10600] =	vst v63  }
0x2a0: {  	s11 =	smov.u32 s12;
	(v2sf) =	vpush v1, $0x8;
	s0 =	sadd.s32 s22, s28;
	s31 =	spop (v2sf)  }
0x2a1: {  	[tilespmem:s26], [sflag:$0x4] =	stream.linear.gather [hbm4b:s0+s29], $0x80, $0x38;
	[tilespmem:$0x10600] =	vst v63  }
0x2a2: {  	s28 =	sand.u32 $0x1FFFFFF0, s21;
	(v2sf) =	vpush v2, $0x9;
	s8 =	sand.u32 $0x1FFFFFF0, s31;
	s15 =	spop (v2sf)  }
0x2a3: {  	(v2sf) =	vpush v1, $0x9;
	[tilespmem:s24], [sflag:$0x1] =	stream.linear.gather [hbm4b:s3+s29], $0x80, $0x38;
	[tilespmem:$0x10600] =	vst v63  }
0x2a4: {  	s0 =	sadd.s32 s17, s28;
	s28 =	rddreg [dreg:$0x4];
	s22 =	spop (v2sf)  }
0x2a5: {  	[tilespmem:s25], [sflag:$0x1] =	stream.linear.gather [hbm4b:s0+s29], $0x80, $0x38;
	[tilespmem:$0x10600] =	vst v63  }
0x2a6: {  	s21 =	sand.u32 $0x1FFFFFF0, s15;
	(v2sf) =	vpush v2, $0xA;
	s24 =	sadd.s32 s12, s8;
	s26 =	spop (v2sf)  }
0x2a7: {  	[tilespmem:s2], [sflag:$0x2] =	stream.linear.gather [hbm4b:s24+s29], $0x80, $0x38;
	[tilespmem:$0x10600] =	vst v63  }
0x2a8: {  	(v2sf) =	vpush v1, $0xA;
	s25 =	sand.u32 $0x1FFFFFF0, s22;
	s0 =	sadd.s32 s28, s21;
	s2 =	spop (v2sf)  }
0x2a9: {  	[tilespmem:s14], [sflag:$0x2] =	stream.linear.gather [hbm4b:s0+s29], $0x80, $0x38;
	[tilespmem:$0x10600] =	vst v63  }
0x2aa: {  	s31 =	sand.u32 $0x1FFFFFF0, s26;
	s8 =	sadd.s32 s12, s25;
	(v2sf) =	vpush v2, $0xB;
	s15 =	spop (v2sf)  }
0x2ab: {  	[tilespmem:s13], [sflag:$0x3] =	stream.linear.gather [hbm4b:s8+s29], $0x80, $0x38;
	[tilespmem:$0x10600] =	vst v63  }
0x2ac: {  	(v2sf) =	vpush v1, $0xB;
	s14 =	sand.u32 $0x1FFFFFF0, s2;
	s21 =	sand.u32 $0x1FFFFFF0, s15;
	s13 =	rddreg [dreg:$0x4]  }
0x2ad: {  	s22 =	spop (v2sf);
	s24 =	sadd.s32 s12, s14;
	s17 =	sadd.s32 s13, s31  }
0x2ae: {  	(v2sf) =	vpush v2, $0xC;
	[tilespmem:s23], [sflag:$0x3] =	stream.linear.gather [hbm4b:s17+s29], $0x80, $0x38;
	[tilespmem:$0x10600] =	vst v63  }
0x2af: {  	s25 =	sand.u32 $0x1FFFFFF0, s22;
	s22 =	rddreg [dreg:$0x10];
	s26 =	spop (v2sf)  }
0x2b0: {  	[tilespmem:s5], [sflag:$0x4] =	stream.linear.gather [hbm4b:s24+s29], $0x80, $0x38;
	[tilespmem:$0x10600] =	vst v63  }
0x2b1: {  	s3 =	sadd.s32 s12, s25;
	s28 =	sadd.s32 s13, s21;
	s2 =	spop (v2sf)  }
0x2b2: {  	(v2sf) =	vpush v1, $0xC;
	s31 =	sand.u32 $0x1FFFFFF0, s26;
	s5 =	sand.u32 $0x1FFFFFF0, s2;
	s8 =	spop (v2sf)  }
0x2b3: {  	[tilespmem:s10], [sflag:$0x4] =	stream.linear.gather [hbm4b:s28+s29], $0x80, $0x38;
	[tilespmem:$0x10600] =	vst v63  }
0x2b4: {  	s26 =	rddreg [dreg:$0xd];
	(v2sf) =	vpush v2, $0xD;
	s10 =	sand.u32 $0x1FFFFFF0, s8;
	s15 =	sadd.s32 s12, s5  }
0x2b5: {  	(v2sf) =	vpush v1, $0xD;
	s8 =	rddreg [dreg:$0xa];
	s14 =	spop (v2sf);
	s23 =	sadd.s32 s13, s10  }
0x2b6: {  	[tilespmem:s9], [sflag:$0x1] =	stream.linear.gather [hbm4b:s3+s29], $0x80, $0x38;
	[tilespmem:$0x10600] =	vst v63  }
0x2b7: {  	(v2sf) =	vpush v2, $0xE;
	s9 =	sadd.s32 s13, s31;
	s17 =	sand.u32 $0x1FFFFFF0, s14;
	s21 =	spop (v2sf)  }
0x2b8: {  	[tilespmem:s6], [sflag:$0x1] =	stream.linear.gather [hbm4b:s9+s29], $0x80, $0x38;
	[tilespmem:$0x10600] =	vst v63  }
0x2b9: {  	s24 =	sand.u32 $0x1FFFFFF0, s21;
	s28 =	sadd.s32 s12, s17;
	s25 =	spop (v2sf)  }
0x2ba: {  	[tilespmem:s22], [sflag:$0x2] =	stream.linear.gather [hbm4b:s15+s29], $0x80, $0x38;
	[tilespmem:$0x10600] =	vst v63  }
0x2bb: {  	s9 =	sadd.s32 s13, s24;
	s31 =	sand.u32 $0x1FFFFFF0, s25;
	s6 =	spop (v2sf)  }
0x2bc: {  	[tilespmem:s26], [sflag:$0x2] =	stream.linear.gather [hbm4b:s23+s29], $0x80, $0x38;
	[tilespmem:$0x10600] =	vst v63  }
0x2bd: {  	s15 =	rddreg [dreg:$0x8];
	s10 =	sand.u32 $0x1FFFFFF0, s6;
	s14 =	spop (v2sf)  }
0x2be: {  	[tilespmem:s8], [sflag:$0x3] =	stream.linear.gather [hbm4b:s28+s29], $0x80, $0x38;
	[tilespmem:$0x10600] =	vst v63  }
0x2bf: {  	s17 =	sadd.s32 s12, s31;
	s31 =	rddreg [dreg:$0xe];
	s21 =	sand.u32 $0x1FFFFFF0, s14  }
0x2c0: {  	[tilespmem:s15], [sflag:$0x3] =	stream.linear.gather [hbm4b:s9+s29], $0x80, $0x38;
	[tilespmem:$0x10600] =	vst v63  }
0x2c1: {  	s23 =	rddreg [dreg:$0x6];
	s24 =	sadd.s32 s13, s10;
	s22 =	spop (v2sf)  }
0x2c2: {  	[tilespmem:s23], [sflag:$0x4] =	stream.linear.gather [hbm4b:s17+s29], $0x80, $0x38;
	[tilespmem:$0x10600] =	vst v63  }
.Ltmp2:
0x2c3: {  	s25 =	sand.u32 $0x1FFFFFF0, s22;
	s26 =	spop (v2sf);
	(pc) =	sbr.rel @p0 .LBB2_6-.Ltmp2, $4  }
0x2c4: {  	s3 =	sadd.s32 s12, s21;
	s6 =	sadd.s32 s13, s25;
	s28 =	spop (v2sf)  }
0x2c5: {  	(v2sf) =	vpush v1, $0xE;
	[tilespmem:s7], [sflag:$0x4] =	stream.linear.gather [hbm4b:s24+s29], $0x80, $0x38;
	[tilespmem:$0x10600] =	vst v63  }
0x2c6: {  	(v2sf) =	vpush v2, $0xF;
	s0 =	sand.u32 $0x1FFFFFF0, s26;
	s2 =	sand.u32 $0x1FFFFFF0, s28;
	s5 =	spop (v2sf)  }
0x2c7: {  	(v2sf) =	vpush v1, $0xF;
	[tilespmem:s31], [sflag:$0x1] =	stream.linear.gather [hbm4b:s3+s29], $0x80, $0x38;
	[tilespmem:$0x10600] =	vst v63  }
0x2c8: {  	_ =	sdelay $0x4  }
0x2c9: {  	[tilespmem:s19], [sflag:$0x1] =	stream.linear.gather [hbm4b:s6+s29], $0x80, $0x38;
	[tilespmem:$0x10600] =	vst v63  }
0x2ca: {  	s1 =	sadd.s32 $0xA80, s16;
	s0 =	sadd.s32 s11, s0  }
0x2cb: {  	[tilespmem:s1], [sflag:$0x2] =	stream.linear.gather [hbm4b:s0+s29], $0x80, $0x38;
	[tilespmem:$0x10600] =	vst v63  }
0x2cc: {  	s14 =	sadd.s32 s13, s2;
	s15 =	sand.u32 $0x1FFFFFF0, s5  }
0x2cd: {  	[tilespmem:s18], [sflag:$0x2] =	stream.linear.gather [hbm4b:s14+s29], $0x80, $0x38;
	[tilespmem:$0x10600] =	vst v63  }
0x2ce: {  	s1 =	sadd.s32 s11, s15;
	s18 =	sadd.s32 $0xB00, s16  }
0x2cf: {  	[tilespmem:s18], [sflag:$0x3] =	stream.linear.gather [hbm4b:s1+s29], $0x80, $0x38;
	[tilespmem:$0x10600] =	vst v63  }
0x2d0: {  	s3 =	spop (v2sf)  }
0x2d1: {  	s17 =	sand.u32 $0x1FFFFFF0, s3;
	s19 =	spop (v2sf)  }
0x2d2: {  	s20 =	sadd.s32 s13, s17;
	s21 =	sand.u32 $0x1FFFFFF0, s19;
	s22 =	spop (v2sf)  }
0x2d3: {  	[tilespmem:s30], [sflag:$0x3] =	stream.linear.gather [hbm4b:s20+s29], $0x80, $0x38;
	[tilespmem:$0x10600] =	vst v63  }
0x2d4: {  	s23 =	sadd.s32 $0xB80, s16;
	s1 =	sadd.s32 s11, s21;
	s2 =	sand.u32 $0x1FFFFFF0, s22  }
0x2d5: {  	[tilespmem:s23], [sflag:$0x4] =	stream.linear.gather [hbm4b:s1+s29], $0x80, $0x38;
	[tilespmem:$0x10600] =	vst v63  }
0x2d6: {  	s24 =	sadd.s32 $0x8B80, s16;
	s26 =	simm.s32 $0x1;
	s25 =	sadd.s32 s13, s2  }
0x2d7: {  	[tilespmem:s24], [sflag:$0x4] =	stream.linear.gather [hbm4b:s25+s29], $0x80, $0x38;
	[tilespmem:$0x10600] =	vst v63  }
0x2d8: {  	_ =	swait.ge [sflag:s26], $0x2000  }
0x2d9: {  	[sflag:s26] =	ssyncset.done $0x0  }
0x2da: {  	[sflag:s26] =	ssyncadd.s32 $0xFFFFE000  }
0x2db: {  	_ =	swait.ge [sflag:s26], $0x2000  }
0x2dc: {  	[sflag:s26] =	ssyncset.done $0x0  }
0x2dd: {  	s28 =	simm.s32 $0x2;
	[sflag:s26] =	ssyncadd.s32 $0xFFFFE000  }
0x2de: {  	_ =	swait.ge [sflag:s28], $0x2000  }
0x2df: {  	[sflag:s28] =	ssyncset.done $0x0  }
0x2e0: {  	[sflag:s28] =	ssyncadd.s32 $0xFFFFE000  }
0x2e1: {  	_ =	swait.ge [sflag:s28], $0x2000  }
0x2e2: {  	[sflag:s28] =	ssyncset.done $0x0  }
0x2e3: {  	s30 =	simm.s32 $0x3;
	[sflag:s28] =	ssyncadd.s32 $0xFFFFE000  }
0x2e4: {  	_ =	swait.ge [sflag:s30], $0x2000  }
0x2e5: {  	[sflag:s30] =	ssyncset.done $0x0  }
0x2e6: {  	[sflag:s30] =	ssyncadd.s32 $0xFFFFE000  }
0x2e7: {  	_ =	swait.ge [sflag:s30], $0x2000  }
0x2e8: {  	s0 =	simm.s32 $0x0;
	[sflag:s30] =	ssyncset.done $0x0  }
0x2e9: {  	s31 =	simm.s32 $0x4;
	v1 =	vmov s0;
	[sflag:s30] =	ssyncadd.s32 $0xFFFFE000  }
0x2ea: {  	v1 =	vshll.u32 v1, $0x7;
	_ =	swait.ge [sflag:s31], $0x2000  }
0x2eb: {  	v1 =	vor.u32 v0, v1;
	[sflag:s31] =	ssyncset.done $0x0  }
0x2ec: {  	[sflag:s31] =	ssyncadd.s32 $0xFFFFE000  }
0x2ed: {  	v2 =	vor.u32 $0x1, v1;
	_ =	swait.ge [sflag:s31], $0x2000  }
0x2ee: {  	[sflag:s31] =	ssyncset.done $0x0  }
0x2ef: {  	s4 =	simm.s32 $0x8400;
	v3 =	vor.u32 $0x2, v1;
	[sflag:s31] =	ssyncadd.s32 $0xFFFFE000  }
0x2f0: {  	s3 =	simm.s32 $0x400;
	v4 =	vld.idx.msk [tilespmem:v1+s4+$0x0], $0xffff  }
0x2f1: {  	v6 =	vor.u32 $0x3, v1;
	v5 =	vld.idx.msk [tilespmem:v1+s3+$0x0], $0xffff  }
0x2f2: {  	v7 =	vld.idx.msk [tilespmem:v2+s3+$0x0], $0xffff  }
0x2f3: {  	v8 =	vor.u32 $0x4, v1;
	v2 =	vld.idx.msk [tilespmem:v2+s4+$0x0], $0xffff  }
0x2f4: {  	v9 =	vld.idx.msk [tilespmem:v3+s3+$0x0], $0xffff  }
0x2f5: {  	v10 =	vor.u32 $0x5, v1;
	v3 =	vld.idx.msk [tilespmem:v3+s4+$0x0], $0xffff  }
0x2f6: {  	v11 =	vld.idx.msk [tilespmem:v6+s3+$0x0], $0xffff;
	v4 =	vmul.f32 v4, v5  }
0x2f7: {  	v5 =	vld.idx.msk [tilespmem:v6+s4+$0x0], $0xffff;
	v6 =	vor.u32 $0x6, v1  }
0x2f8: {  	v12 =	vld.idx.msk [tilespmem:v8+s3+$0x0], $0xffff;
	v2 =	vmul.f32 v2, v7;
	v4 =	vadd.f32 $0.0e+00, v4  }
0x2f9: {  	v23 =	vor.u32 $0x7, v1;
	v7 =	vld.idx.msk [tilespmem:v8+s4+$0x0], $0xffff  }
0x2fa: {  	v13 =	vld.idx.msk [tilespmem:v10+s3+$0x0], $0xffff;
	v3 =	vmul.f32 v3, v9;
	v2 =	vadd.f32 v2, v4  }
0x2fb: {  	v24 =	vor.u32 $0x8, v1;
	v4 =	vld.idx.msk [tilespmem:v10+s4+$0x0], $0xffff  }
0x2fc: {  	v25 =	vld.idx.msk [tilespmem:v6+s3+$0x0], $0xffff;
	v2 =	vadd.f32 v3, v2;
	v3 =	vmul.f32 v5, v11  }
0x2fd: {  	v5 =	vld.idx.msk [tilespmem:v6+s4+$0x0], $0xffff;
	v6 =	vor.u32 $0x9, v1  }
0x2fe: {  	v26 =	vld.idx.msk [tilespmem:v23+s3+$0x0], $0xffff;
	v2 =	vadd.f32 v3, v2;
	v3 =	vmul.f32 v7, v12  }
0x2ff: {  	v27 =	vor.u32 $0xA, v1;
	v7 =	vld.idx.msk [tilespmem:v23+s4+$0x0], $0xffff  }
0x300: {  	v28 =	vld.idx.msk [tilespmem:v24+s3+$0x0], $0xffff;
	v2 =	vadd.f32 v3, v2;
	v3 =	vmul.f32 v4, v13  }
0x301: {  	v29 =	vor.u32 $0xB, v1;
	v4 =	vld.idx.msk [tilespmem:v24+s4+$0x0], $0xffff  }
0x302: {  	v30 =	vld.idx.msk [tilespmem:v6+s3+$0x0], $0xffff;
	v2 =	vadd.f32 v3, v2;
	v3 =	vmul.f32 v5, v25  }
0x303: {  	v5 =	vld.idx.msk [tilespmem:v6+s4+$0x0], $0xffff;
	v6 =	vor.u32 $0xC, v1  }
0x304: {  	v31 =	vld.idx.msk [tilespmem:v27+s3+$0x0], $0xffff;
	v2 =	vadd.f32 v3, v2;
	v3 =	vmul.f32 v7, v26  }
0x305: {  	v32 =	vor.u32 $0xD, v1;
	v7 =	vld.idx.msk [tilespmem:v27+s4+$0x0], $0xffff  }
0x306: {  	v33 =	vld.idx.msk [tilespmem:v29+s3+$0x0], $0xffff;
	v2 =	vadd.f32 v3, v2;
	v3 =	vmul.f32 v4, v28  }
0x307: {  	v34 =	vor.u32 $0xE, v1;
	v4 =	vld.idx.msk [tilespmem:v29+s4+$0x0], $0xffff  }
0x308: {  	v35 =	vld.idx.msk [tilespmem:v6+s3+$0x0], $0xffff;
	v2 =	vadd.f32 v3, v2;
	v3 =	vmul.f32 v5, v30  }
0x309: {  	v5 =	vld.idx.msk [tilespmem:v6+s4+$0x0], $0xffff;
	v6 =	vor.u32 $0xF, v1  }
0x30a: {  	v36 =	vld.idx.msk [tilespmem:v32+s3+$0x0], $0xffff;
	v2 =	vadd.f32 v3, v2;
	v3 =	vmul.f32 v7, v31  }
0x30b: {  	v37 =	vor.u32 $0x10, v1;
	v7 =	vld.idx.msk [tilespmem:v32+s4+$0x0], $0xffff  }
0x30c: {  	v38 =	vld.idx.msk [tilespmem:v34+s3+$0x0], $0xffff;
	v2 =	vadd.f32 v3, v2;
	v3 =	vmul.f32 v4, v33  }
0x30d: {  	v39 =	vor.u32 $0x11, v1;
	v4 =	vld.idx.msk [tilespmem:v34+s4+$0x0], $0xffff  }
0x30e: {  	v40 =	vld.idx.msk [tilespmem:v6+s3+$0x0], $0xffff;
	v2 =	vadd.f32 v3, v2;
	v3 =	vmul.f32 v5, v35  }
0x30f: {  	v5 =	vld.idx.msk [tilespmem:v6+s4+$0x0], $0xffff;
	v6 =	vor.u32 $0x12, v1  }
0x310: {  	v41 =	vld.idx.msk [tilespmem:v37+s3+$0x0], $0xffff;
	v2 =	vadd.f32 v3, v2;
	v3 =	vmul.f32 v7, v36  }
0x311: {  	v42 =	vor.u32 $0x13, v1;
	v7 =	vld.idx.msk [tilespmem:v37+s4+$0x0], $0xffff  }
0x312: {  	v43 =	vld.idx.msk [tilespmem:v39+s3+$0x0], $0xffff;
	v2 =	vadd.f32 v3, v2;
	v3 =	vmul.f32 v4, v38  }
0x313: {  	v44 =	vor.u32 $0x14, v1;
	v4 =	vld.idx.msk [tilespmem:v39+s4+$0x0], $0xffff  }
0x314: {  	v45 =	vld.idx.msk [tilespmem:v6+s3+$0x0], $0xffff;
	v2 =	vadd.f32 v3, v2;
	v3 =	vmul.f32 v5, v40  }
0x315: {  	v5 =	vld.idx.msk [tilespmem:v6+s4+$0x0], $0xffff;
	v6 =	vor.u32 $0x15, v1  }
0x316: {  	v46 =	vld.idx.msk [tilespmem:v42+s3+$0x0], $0xffff;
	v2 =	vadd.f32 v3, v2;
	v3 =	vmul.f32 v7, v41  }
0x317: {  	v47 =	vor.u32 $0x16, v1;
	v7 =	vld.idx.msk [tilespmem:v42+s4+$0x0], $0xffff  }
0x318: {  	v48 =	vld.idx.msk [tilespmem:v44+s3+$0x0], $0xffff;
	v2 =	vadd.f32 v3, v2;
	v3 =	vmul.f32 v4, v43  }
0x319: {  	v49 =	vor.u32 $0x17, v1;
	v4 =	vld.idx.msk [tilespmem:v44+s4+$0x0], $0xffff  }
0x31a: {  	v50 =	vld.idx.msk [tilespmem:v6+s3+$0x0], $0xffff;
	v2 =	vadd.f32 v3, v2;
	v3 =	vmul.f32 v5, v45  }
0x31b: {  	v5 =	vld.idx.msk [tilespmem:v6+s4+$0x0], $0xffff;
	v6 =	vor.u32 $0x18, v1  }
0x31c: {  	v51 =	vld.idx.msk [tilespmem:v47+s3+$0x0], $0xffff;
	v2 =	vadd.f32 v3, v2;
	v3 =	vmul.f32 v7, v46  }
0x31d: {  	v52 =	vor.u32 $0x19, v1;
	v7 =	vld.idx.msk [tilespmem:v47+s4+$0x0], $0xffff  }
0x31e: {  	v53 =	vld.idx.msk [tilespmem:v49+s3+$0x0], $0xffff;
	v2 =	vadd.f32 v3, v2;
	v3 =	vmul.f32 v4, v48  }
0x31f: {  	v54 =	vor.u32 $0x1A, v1;
	v4 =	vld.idx.msk [tilespmem:v49+s4+$0x0], $0xffff  }
0x320: {  	v55 =	vld.idx.msk [tilespmem:v6+s3+$0x0], $0xffff;
	v2 =	vadd.f32 v3, v2;
	v3 =	vmul.f32 v5, v50  }
0x321: {  	v5 =	vld.idx.msk [tilespmem:v6+s4+$0x0], $0xffff;
	v6 =	vor.u32 $0x1B, v1  }
0x322: {  	v56 =	vld.idx.msk [tilespmem:v52+s3+$0x0], $0xffff;
	v2 =	vadd.f32 v3, v2;
	v3 =	vmul.f32 v7, v51  }
0x323: {  	v57 =	vor.u32 $0x1C, v1;
	v7 =	vld.idx.msk [tilespmem:v52+s4+$0x0], $0xffff  }
0x324: {  	v58 =	vld.idx.msk [tilespmem:v54+s3+$0x0], $0xffff;
	v2 =	vadd.f32 v3, v2;
	v3 =	vmul.f32 v4, v53  }
0x325: {  	v4 =	vld.idx.msk [tilespmem:v54+s4+$0x0], $0xffff  }
0x326: {  	v60 =	vld.idx.msk [tilespmem:v6+s3+$0x0], $0xffff;
	v2 =	vadd.f32 v3, v2;
	v3 =	vmul.f32 v5, v55  }
0x327: {  	v59 =	vor.u32 $0x1D, v1;
	v5 =	vld.idx.msk [tilespmem:v6+s4+$0x0], $0xffff  }
0x328: {  	v61 =	vld.idx.msk [tilespmem:v57+s3+$0x0], $0xffff;
	v2 =	vadd.f32 v3, v2;
	v3 =	vmul.f32 v7, v56  }
0x329: {  	v6 =	vor.u32 $0x1E, v1;
	v7 =	vld.idx.msk [tilespmem:v57+s4+$0x0], $0xffff  }
0x32a: {  	v2 =	vadd.f32 v3, v2;
	v3 =	vmul.f32 v4, v58  }
0x32b: {  	v1 =	vor.u32 $0x1F, v1  }
0x32c: {  	v62 =	vld.idx.msk [tilespmem:v59+s3+$0x0], $0xffff;
	v2 =	vadd.f32 v3, v2;
	v3 =	vmul.f32 v5, v60  }
0x32d: {  	v4 =	vld.idx.msk [tilespmem:v59+s4+$0x0], $0xffff  }
0x32e: {  	v63 =	vld.idx.msk [tilespmem:v6+s3+$0x0], $0xffff;
	v2 =	vadd.f32 v3, v2;
	v3 =	vmul.f32 v7, v61  }
0x32f: {  	v5 =	vld.idx.msk [tilespmem:v6+s4+$0x0], $0xffff  }
0x330: {  	v6 =	vadd.f32 v3, v2;
	v2 =	vld.idx.msk [tilespmem:v1+s3+$0x0], $0xffff  }
0x331: {  	v3 =	vld.idx.msk [tilespmem:v1+s4+$0x0], $0xffff  }
0x332: {  	v4 =	vmul.f32 v4, v62  }
0x333: {  	s1 =	simm.s32 $0x10  }
0x334: {  	v7 =	vmov s1;
	v5 =	vmul.f32 v5, v63;
	v4 =	vadd.f32 v4, v6  }
0x335: {  	s16 =	simm.s32 $0x20;
	v1 =	vshll.u32 v7, $0x7  }
.LBB2_8:
0x336: {  	p0 =	sne.s32 s16, $0xF0;
	v1 =	vor.u32 v0, v1;
	v4 =	vadd.f32 v5, v4;
	v2 =	vmul.f32 v3, v2;
	_ =	sdelay $0x1  }
0x337: {  	v3 =	vor.u32 $0x1, v1;
	v2 =	vadd.f32 v2, v4  }
0x338: {  	s2 =	sand.u32 $0xF0, s0;
	s0 =	smov.u32 s1;
	s1 =	smov.u32 s16  }
0x339: {  	v4 =	vor.u32 $0x2, v1;
	[tilespmem:s2+$0x10500] =	vst v2  }
0x33a: {  	v2 =	vld.idx.msk [tilespmem:v1+s4+$0x0], $0xffff  }
0x33b: {  	v6 =	vor.u32 $0x3, v1;
	v5 =	vld.idx.msk [tilespmem:v1+s3+$0x0], $0xffff  }
0x33c: {  	v7 =	vld.idx.msk [tilespmem:v3+s3+$0x0], $0xffff  }
0x33d: {  	v8 =	vor.u32 $0x4, v1;
	v3 =	vld.idx.msk [tilespmem:v3+s4+$0x0], $0xffff  }
0x33e: {  	v9 =	vld.idx.msk [tilespmem:v4+s3+$0x0], $0xffff  }
0x33f: {  	v10 =	vor.u32 $0x5, v1;
	v4 =	vld.idx.msk [tilespmem:v4+s4+$0x0], $0xffff  }
0x340: {  	v11 =	vld.idx.msk [tilespmem:v6+s3+$0x0], $0xffff  }
0x341: {  	v2 =	vmul.f32 v2, v5;
	v5 =	vld.idx.msk [tilespmem:v6+s4+$0x0], $0xffff;
	v6 =	vor.u32 $0x6, v1  }
0x342: {  	v12 =	vld.idx.msk [tilespmem:v8+s3+$0x0], $0xffff  }
0x343: {  	v2 =	vadd.f32 $0.0e+00, v2;
	v3 =	vmul.f32 v3, v7;
	v7 =	vld.idx.msk [tilespmem:v8+s4+$0x0], $0xffff;
	v8 =	vor.u32 $0x7, v1  }
0x344: {  	v13 =	vld.idx.msk [tilespmem:v10+s3+$0x0], $0xffff  }
0x345: {  	v2 =	vadd.f32 v3, v2;
	v3 =	vmul.f32 v4, v9;
	v9 =	vor.u32 $0x8, v1;
	v4 =	vld.idx.msk [tilespmem:v10+s4+$0x0], $0xffff  }
0x346: {  	v10 =	vld.idx.msk [tilespmem:v6+s3+$0x0], $0xffff  }
0x347: {  	v2 =	vadd.f32 v3, v2;
	v3 =	vmul.f32 v5, v11;
	v5 =	vld.idx.msk [tilespmem:v6+s4+$0x0], $0xffff;
	v6 =	vor.u32 $0x9, v1  }
0x348: {  	v11 =	vld.idx.msk [tilespmem:v8+s3+$0x0], $0xffff  }
0x349: {  	v2 =	vadd.f32 v3, v2;
	v3 =	vmul.f32 v7, v12;
	v7 =	vld.idx.msk [tilespmem:v8+s4+$0x0], $0xffff;
	v8 =	vor.u32 $0xA, v1  }
0x34a: {  	v12 =	vld.idx.msk [tilespmem:v9+s3+$0x0], $0xffff  }
0x34b: {  	v2 =	vadd.f32 v3, v2;
	v3 =	vmul.f32 v4, v13;
	v4 =	vld.idx.msk [tilespmem:v9+s4+$0x0], $0xffff;
	v9 =	vor.u32 $0xB, v1  }
0x34c: {  	v13 =	vld.idx.msk [tilespmem:v6+s3+$0x0], $0xffff  }
0x34d: {  	v2 =	vadd.f32 v3, v2;
	v3 =	vmul.f32 v5, v10;
	v5 =	vld.idx.msk [tilespmem:v6+s4+$0x0], $0xffff;
	v6 =	vor.u32 $0xC, v1  }
0x34e: {  	v10 =	vld.idx.msk [tilespmem:v8+s3+$0x0], $0xffff  }
0x34f: {  	v2 =	vadd.f32 v3, v2;
	v3 =	vmul.f32 v7, v11;
	v7 =	vld.idx.msk [tilespmem:v8+s4+$0x0], $0xffff;
	v8 =	vor.u32 $0xD, v1  }
0x350: {  	v11 =	vld.idx.msk [tilespmem:v9+s3+$0x0], $0xffff  }
0x351: {  	v2 =	vadd.f32 v3, v2;
	v3 =	vmul.f32 v4, v12;
	v4 =	vld.idx.msk [tilespmem:v9+s4+$0x0], $0xffff;
	v9 =	vor.u32 $0xE, v1  }
0x352: {  	v12 =	vld.idx.msk [tilespmem:v6+s3+$0x0], $0xffff  }
0x353: {  	v2 =	vadd.f32 v3, v2;
	v3 =	vmul.f32 v5, v13;
	v5 =	vld.idx.msk [tilespmem:v6+s4+$0x0], $0xffff;
	v6 =	vor.u32 $0xF, v1  }
0x354: {  	v13 =	vld.idx.msk [tilespmem:v8+s3+$0x0], $0xffff  }
0x355: {  	v2 =	vadd.f32 v3, v2;
	v3 =	vmul.f32 v7, v10;
	v7 =	vld.idx.msk [tilespmem:v8+s4+$0x0], $0xffff;
	v8 =	vor.u32 $0x10, v1  }
0x356: {  	v10 =	vld.idx.msk [tilespmem:v9+s3+$0x0], $0xffff  }
0x357: {  	v2 =	vadd.f32 v3, v2;
	v3 =	vmul.f32 v4, v11;
	v4 =	vld.idx.msk [tilespmem:v9+s4+$0x0], $0xffff;
	v9 =	vor.u32 $0x11, v1  }
0x358: {  	v11 =	vld.idx.msk [tilespmem:v6+s3+$0x0], $0xffff  }
0x359: {  	v2 =	vadd.f32 v3, v2;
	v3 =	vmul.f32 v5, v12;
	v5 =	vld.idx.msk [tilespmem:v6+s4+$0x0], $0xffff;
	v6 =	vor.u32 $0x12, v1  }
0x35a: {  	v12 =	vld.idx.msk [tilespmem:v8+s3+$0x0], $0xffff  }
0x35b: {  	v2 =	vadd.f32 v3, v2;
	v3 =	vmul.f32 v7, v13;
	v7 =	vld.idx.msk [tilespmem:v8+s4+$0x0], $0xffff;
	v8 =	vor.u32 $0x13, v1  }
0x35c: {  	v13 =	vld.idx.msk [tilespmem:v9+s3+$0x0], $0xffff  }
0x35d: {  	v2 =	vadd.f32 v3, v2;
	v3 =	vmul.f32 v4, v10;
	v4 =	vld.idx.msk [tilespmem:v9+s4+$0x0], $0xffff;
	v9 =	vor.u32 $0x14, v1  }
0x35e: {  	v10 =	vld.idx.msk [tilespmem:v6+s3+$0x0], $0xffff  }
0x35f: {  	v2 =	vadd.f32 v3, v2;
	v3 =	vmul.f32 v5, v11;
	v5 =	vld.idx.msk [tilespmem:v6+s4+$0x0], $0xffff;
	v6 =	vor.u32 $0x15, v1  }
0x360: {  	v11 =	vld.idx.msk [tilespmem:v8+s3+$0x0], $0xffff  }
0x361: {  	v2 =	vadd.f32 v3, v2;
	v3 =	vmul.f32 v7, v12;
	v7 =	vld.idx.msk [tilespmem:v8+s4+$0x0], $0xffff;
	v8 =	vor.u32 $0x16, v1  }
0x362: {  	v12 =	vld.idx.msk [tilespmem:v9+s3+$0x0], $0xffff  }
0x363: {  	v2 =	vadd.f32 v3, v2;
	v3 =	vmul.f32 v4, v13;
	v4 =	vld.idx.msk [tilespmem:v9+s4+$0x0], $0xffff;
	v9 =	vor.u32 $0x17, v1  }
0x364: {  	v13 =	vld.idx.msk [tilespmem:v6+s3+$0x0], $0xffff  }
0x365: {  	v2 =	vadd.f32 v3, v2;
	v3 =	vmul.f32 v5, v10;
	v5 =	vld.idx.msk [tilespmem:v6+s4+$0x0], $0xffff;
	v6 =	vor.u32 $0x18, v1  }
0x366: {  	v10 =	vld.idx.msk [tilespmem:v8+s3+$0x0], $0xffff  }
0x367: {  	v2 =	vadd.f32 v3, v2;
	v3 =	vmul.f32 v7, v11;
	v7 =	vld.idx.msk [tilespmem:v8+s4+$0x0], $0xffff;
	v8 =	vor.u32 $0x19, v1  }
0x368: {  	v11 =	vld.idx.msk [tilespmem:v9+s3+$0x0], $0xffff  }
0x369: {  	v2 =	vadd.f32 v3, v2;
	v3 =	vmul.f32 v4, v12;
	v4 =	vld.idx.msk [tilespmem:v9+s4+$0x0], $0xffff;
	v9 =	vor.u32 $0x1A, v1  }
0x36a: {  	v12 =	vld.idx.msk [tilespmem:v6+s3+$0x0], $0xffff  }
0x36b: {  	v2 =	vadd.f32 v3, v2;
	v3 =	vmul.f32 v5, v13;
	v5 =	vld.idx.msk [tilespmem:v6+s4+$0x0], $0xffff;
	v6 =	vor.u32 $0x1B, v1  }
0x36c: {  	v13 =	vld.idx.msk [tilespmem:v8+s3+$0x0], $0xffff  }
0x36d: {  	v2 =	vadd.f32 v3, v2;
	v3 =	vmul.f32 v7, v10;
	v7 =	vld.idx.msk [tilespmem:v8+s4+$0x0], $0xffff;
	v8 =	vor.u32 $0x1C, v1  }
0x36e: {  	v10 =	vld.idx.msk [tilespmem:v9+s3+$0x0], $0xffff  }
0x36f: {  	v2 =	vadd.f32 v3, v2;
	v3 =	vmul.f32 v4, v11;
	v4 =	vld.idx.msk [tilespmem:v9+s4+$0x0], $0xffff;
	v9 =	vor.u32 $0x1D, v1  }
0x370: {  	v11 =	vld.idx.msk [tilespmem:v6+s3+$0x0], $0xffff  }
0x371: {  	v2 =	vadd.f32 v3, v2;
	v3 =	vmul.f32 v5, v12;
	v5 =	vld.idx.msk [tilespmem:v6+s4+$0x0], $0xffff;
	v6 =	vor.u32 $0x1E, v1  }
0x372: {  	v12 =	vld.idx.msk [tilespmem:v8+s3+$0x0], $0xffff  }
0x373: {  	v1 =	vor.u32 $0x1F, v1;
	v2 =	vadd.f32 v3, v2;
	v3 =	vmul.f32 v7, v13;
	v7 =	vld.idx.msk [tilespmem:v8+s4+$0x0], $0xffff  }
0x374: {  	v8 =	vld.idx.msk [tilespmem:v9+s3+$0x0], $0xffff  }
0x375: {  	v2 =	vadd.f32 v3, v2;
	v3 =	vmul.f32 v4, v10;
	v4 =	vld.idx.msk [tilespmem:v9+s4+$0x0], $0xffff  }
0x376: {  	v9 =	vld.idx.msk [tilespmem:v6+s3+$0x0], $0xffff  }
0x377: {  	v3 =	vadd.f32 v3, v2;
	v5 =	vmul.f32 v5, v11;
	v6 =	vld.idx.msk [tilespmem:v6+s4+$0x0], $0xffff  }
0x378: {  	v2 =	vld.idx.msk [tilespmem:v1+s3+$0x0], $0xffff  }
0x379: {  	v5 =	vadd.f32 v5, v3;
	v7 =	vmul.f32 v7, v12;
	v3 =	vld.idx.msk [tilespmem:v1+s4+$0x0], $0xffff  }
.Ltmp3:
0x37a: {  	(pc) =	sbr.rel @p0 .LBB2_8-.Ltmp3, $3  }
0x37b: {  	v1 =	vadd.f32 v7, v5;
	v4 =	vmul.f32 v4, v8;
	_ =	sdelay $0x1  }
0x37c: {  	v7 =	vmov s16;
	v4 =	vadd.f32 v4, v1;
	v5 =	vmul.f32 v6, v9  }
0x37d: {  	s16 =	sadd.s32 $0x10, s16;
	v1 =	vshll.u32 v7, $0x7  }
0x37e: {  	v1 =	vor.u32 v0, v1;
	v4 =	vadd.f32 v5, v4;
	v2 =	vmul.f32 v3, v2;
	_ =	sdelay $0x1  }
0x37f: {  	v3 =	vor.u32 $0x1, v1;
	v2 =	vadd.f32 v2, v4  }
0x380: {  	s0 =	sand.u32 $0xF0, s0  }
0x381: {  	v31 =	vor.u32 $0x2, v1;
	[tilespmem:s0+$0x10500] =	vst v2  }
0x382: {  	v2 =	vld.idx.msk [tilespmem:v1+s4+$0x0], $0xffff  }
0x383: {  	v6 =	vor.u32 $0x3, v1;
	v32 =	vld.idx.msk [tilespmem:v1+s3+$0x0], $0xffff  }
0x384: {  	v7 =	vld.idx.msk [tilespmem:v3+s3+$0x0], $0xffff  }
0x385: {  	v8 =	vor.u32 $0x4, v1;
	v3 =	vld.idx.msk [tilespmem:v3+s4+$0x0], $0xffff  }
0x386: {  	v9 =	vld.idx.msk [tilespmem:v31+s3+$0x0], $0xffff  }
0x387: {  	v10 =	vor.u32 $0x5, v1;
	v4 =	vld.idx.msk [tilespmem:v31+s4+$0x0], $0xffff  }
0x388: {  	v11 =	vld.idx.msk [tilespmem:v6+s3+$0x0], $0xffff;
	v2 =	vmul.f32 v2, v32  }
0x389: {  	v34 =	vor.u32 $0x6, v1;
	v33 =	vld.idx.msk [tilespmem:v6+s4+$0x0], $0xffff  }
0x38a: {  	v12 =	vld.idx.msk [tilespmem:v8+s3+$0x0], $0xffff;
	v3 =	vmul.f32 v3, v7;
	v2 =	vadd.f32 $0.0e+00, v2  }
0x38b: {  	v36 =	vor.u32 $0x7, v1;
	v35 =	vld.idx.msk [tilespmem:v8+s4+$0x0], $0xffff  }
0x38c: {  	v13 =	vld.idx.msk [tilespmem:v10+s3+$0x0], $0xffff;
	v2 =	vadd.f32 v3, v2;
	v3 =	vmul.f32 v4, v9  }
0x38d: {  	v38 =	vor.u32 $0x8, v1;
	v37 =	vld.idx.msk [tilespmem:v10+s4+$0x0], $0xffff  }
0x38e: {  	v39 =	vld.idx.msk [tilespmem:v34+s3+$0x0], $0xffff;
	v2 =	vadd.f32 v3, v2;
	v3 =	vmul.f32 v33, v11  }
0x38f: {  	v41 =	vor.u32 $0x9, v1;
	v40 =	vld.idx.msk [tilespmem:v34+s4+$0x0], $0xffff  }
0x390: {  	v42 =	vld.idx.msk [tilespmem:v36+s3+$0x0], $0xffff;
	v2 =	vadd.f32 v3, v2;
	v3 =	vmul.f32 v35, v12  }
0x391: {  	v44 =	vor.u32 $0xA, v1;
	v43 =	vld.idx.msk [tilespmem:v36+s4+$0x0], $0xffff  }
0x392: {  	v45 =	vld.idx.msk [tilespmem:v38+s3+$0x0], $0xffff;
	v2 =	vadd.f32 v3, v2;
	v3 =	vmul.f32 v37, v13  }
0x393: {  	v47 =	vor.u32 $0xB, v1;
	v46 =	vld.idx.msk [tilespmem:v38+s4+$0x0], $0xffff  }
0x394: {  	v48 =	vld.idx.msk [tilespmem:v41+s3+$0x0], $0xffff;
	v2 =	vadd.f32 v3, v2;
	v3 =	vmul.f32 v40, v39  }
0x395: {  	v50 =	vor.u32 $0xC, v1;
	v49 =	vld.idx.msk [tilespmem:v41+s4+$0x0], $0xffff  }
0x396: {  	v51 =	vld.idx.msk [tilespmem:v44+s3+$0x0], $0xffff;
	v2 =	vadd.f32 v3, v2;
	v3 =	vmul.f32 v43, v42  }
0x397: {  	v53 =	vor.u32 $0xD, v1;
	v52 =	vld.idx.msk [tilespmem:v44+s4+$0x0], $0xffff  }
0x398: {  	v54 =	vld.idx.msk [tilespmem:v47+s3+$0x0], $0xffff;
	v2 =	vadd.f32 v3, v2;
	v3 =	vmul.f32 v46, v45  }
0x399: {  	v56 =	vor.u32 $0xE, v1;
	v55 =	vld.idx.msk [tilespmem:v47+s4+$0x0], $0xffff  }
0x39a: {  	v57 =	vld.idx.msk [tilespmem:v50+s3+$0x0], $0xffff;
	v2 =	vadd.f32 v3, v2;
	v3 =	vmul.f32 v49, v48  }
0x39b: {  	v59 =	vor.u32 $0xF, v1;
	v58 =	vld.idx.msk [tilespmem:v50+s4+$0x0], $0xffff  }
0x39c: {  	v60 =	vld.idx.msk [tilespmem:v53+s3+$0x0], $0xffff;
	v2 =	vadd.f32 v3, v2;
	v3 =	vmul.f32 v52, v51  }
0x39d: {  	v62 =	vor.u32 $0x10, v1;
	v61 =	vld.idx.msk [tilespmem:v53+s4+$0x0], $0xffff  }
0x39e: {  	v63 =	vld.idx.msk [tilespmem:v56+s3+$0x0], $0xffff;
	v2 =	vadd.f32 v3, v2;
	v3 =	vmul.f32 v55, v54  }
0x39f: {  	v17 =	vor.u32 $0x11, v1;
	v16 =	vld.idx.msk [tilespmem:v56+s4+$0x0], $0xffff  }
0x3a0: {  	v18 =	vld.idx.msk [tilespmem:v59+s3+$0x0], $0xffff;
	v2 =	vadd.f32 v3, v2;
	v3 =	vmul.f32 v58, v57  }
0x3a1: {  	v20 =	vor.u32 $0x12, v1;
	v19 =	vld.idx.msk [tilespmem:v59+s4+$0x0], $0xffff  }
0x3a2: {  	v21 =	vld.idx.msk [tilespmem:v62+s3+$0x0], $0xffff;
	v2 =	vadd.f32 v3, v2;
	v3 =	vmul.f32 v61, v60  }
0x3a3: {  	v23 =	vor.u32 $0x13, v1;
	v22 =	vld.idx.msk [tilespmem:v62+s4+$0x0], $0xffff  }
0x3a4: {  	v24 =	vld.idx.msk [tilespmem:v17+s3+$0x0], $0xffff;
	v2 =	vadd.f32 v3, v2;
	v3 =	vmul.f32 v16, v63  }
0x3a5: {  	v26 =	vor.u32 $0x14, v1;
	v25 =	vld.idx.msk [tilespmem:v17+s4+$0x0], $0xffff  }
0x3a6: {  	v27 =	vld.idx.msk [tilespmem:v20+s3+$0x0], $0xffff;
	v2 =	vadd.f32 v3, v2;
	v3 =	vmul.f32 v19, v18  }
0x3a7: {  	v29 =	vor.u32 $0x15, v1;
	v28 =	vld.idx.msk [tilespmem:v20+s4+$0x0], $0xffff  }
0x3a8: {  	v30 =	vld.idx.msk [tilespmem:v23+s3+$0x0], $0xffff;
	v2 =	vadd.f32 v3, v2;
	v3 =	vmul.f32 v22, v21  }
0x3a9: {  	v31 =	vld.idx.msk [tilespmem:v23+s4+$0x0], $0xffff;
	v32 =	vor.u32 $0x16, v1  }
0x3aa: {  	v34 =	vld.idx.msk [tilespmem:v26+s4+$0x0], $0xffff;
	v2 =	vadd.f32 v3, v2;
	v3 =	vmul.f32 v25, v24  }
0x3ab: {  	v33 =	vld.idx.msk [tilespmem:v26+s3+$0x0], $0xffff;
	v35 =	vor.u32 $0x17, v1  }
0x3ac: {  	v36 =	vld.idx.msk [tilespmem:v29+s3+$0x0], $0xffff;
	v2 =	vadd.f32 v3, v2;
	v3 =	vmul.f32 v28, v27  }
0x3ad: {  	v38 =	vor.u32 $0x18, v1;
	v37 =	vld.idx.msk [tilespmem:v29+s4+$0x0], $0xffff  }
0x3ae: {  	v39 =	vld.idx.msk [tilespmem:v32+s3+$0x0], $0xffff;
	v2 =	vadd.f32 v3, v2;
	v3 =	vmul.f32 v31, v30  }
0x3af: {  	v41 =	vor.u32 $0x19, v1;
	v40 =	vld.idx.msk [tilespmem:v32+s4+$0x0], $0xffff  }
0x3b0: {  	v42 =	vld.idx.msk [tilespmem:v35+s3+$0x0], $0xffff;
	v2 =	vadd.f32 v3, v2;
	v3 =	vmul.f32 v34, v33  }
0x3b1: {  	v44 =	vor.u32 $0x1A, v1;
	v43 =	vld.idx.msk [tilespmem:v35+s4+$0x0], $0xffff  }
0x3b2: {  	v45 =	vld.idx.msk [tilespmem:v38+s3+$0x0], $0xffff;
	v2 =	vadd.f32 v3, v2;
	v3 =	vmul.f32 v37, v36  }
0x3b3: {  	v47 =	vor.u32 $0x1B, v1;
	v46 =	vld.idx.msk [tilespmem:v38+s4+$0x0], $0xffff  }
0x3b4: {  	v48 =	vld.idx.msk [tilespmem:v41+s3+$0x0], $0xffff;
	v2 =	vadd.f32 v3, v2;
	v3 =	vmul.f32 v40, v39  }
0x3b5: {  	v50 =	vor.u32 $0x1C, v1;
	v49 =	vld.idx.msk [tilespmem:v41+s4+$0x0], $0xffff  }
0x3b6: {  	v51 =	vld.idx.msk [tilespmem:v44+s3+$0x0], $0xffff;
	v2 =	vadd.f32 v3, v2;
	v3 =	vmul.f32 v43, v42  }
0x3b7: {  	v53 =	vor.u32 $0x1D, v1;
	v52 =	vld.idx.msk [tilespmem:v44+s4+$0x0], $0xffff  }
0x3b8: {  	v54 =	vld.idx.msk [tilespmem:v47+s3+$0x0], $0xffff;
	v2 =	vadd.f32 v3, v2;
	v3 =	vmul.f32 v46, v45  }
0x3b9: {  	v56 =	vor.u32 $0x1E, v1;
	v55 =	vld.idx.msk [tilespmem:v47+s4+$0x0], $0xffff  }
0x3ba: {  	v57 =	vld.idx.msk [tilespmem:v50+s3+$0x0], $0xffff;
	v2 =	vadd.f32 v3, v2;
	v3 =	vmul.f32 v49, v48  }
0x3bb: {  	v1 =	vor.u32 $0x1F, v1;
	v58 =	vld.idx.msk [tilespmem:v50+s4+$0x0], $0xffff  }
0x3bc: {  	v59 =	vld.idx.msk [tilespmem:v53+s3+$0x0], $0xffff;
	v2 =	vadd.f32 v3, v2;
	v3 =	vmul.f32 v52, v51  }
0x3bd: {  	v60 =	vld.idx.msk [tilespmem:v53+s4+$0x0], $0xffff  }
0x3be: {  	v62 =	vld.idx.msk [tilespmem:v56+s4+$0x0], $0xffff;
	v2 =	vadd.f32 v3, v2;
	v3 =	vmul.f32 v55, v54  }
0x3bf: {  	v61 =	vld.idx.msk [tilespmem:v56+s3+$0x0], $0xffff  }
0x3c0: {  	v63 =	vld.idx.msk [tilespmem:v1+s3+$0x0], $0xffff;
	v2 =	vadd.f32 v3, v2;
	v3 =	vmul.f32 v58, v57  }
0x3c1: {  	v1 =	vld.idx.msk [tilespmem:v1+s4+$0x0], $0xffff  }
0x3c2: {  	v2 =	vadd.f32 v3, v2;
	v3 =	vmul.f32 v60, v59;
	_ =	sdelay $0x1  }
0x3c3: {  	v2 =	vadd.f32 v3, v2;
	v3 =	vmul.f32 v62, v61;
	_ =	sdelay $0x1  }
0x3c4: {  	v1 =	vmul.f32 v1, v63;
	v2 =	vadd.f32 v3, v2;
	_ =	sdelay $0x1  }
0x3c5: {  	v1 =	vadd.f32 v1, v2  }
0x3c6: {  	s26 =	sand.u32 $0xF0, s1  }
0x3c7: {  	s28 =	rddreg [dreg:$0x19];
	s30 =	simm.s32 $0x10400;
	s1 =	simm.s32 $0x5;
	[tilespmem:s26+$0x10500] =	vst v1  }
0x3c8: {  	[hbm4b:s28+s29] =	stream.linear.scatter [tilespmem:s30], [sflag:$0x5], $0x200, $0x38;
	[tilespmem:$0x10600] =	vst v63  }
0x3c9: {  	_ =	swait.ge [sflag:s1], $0x200  }
0x3ca: {  	s2 =	rddreg [dreg:$0x1b]  }
0x3cb: {  	s31 =	rddreg [dreg:$0x1a];
	s2 =	sadd.s32 $0x1, s2  }
0x3cc: {  	p0 =	sne.s32 s2, s31  }
.Ltmp4:
0x3cd: {  	_ = 	snop;
	(pc) =	sbr.rel @p0 .LBB2_1-.Ltmp4, $3  }
0x3ce: {  	_ =	sdelay $0x1  }
0x3cf: {  	[sflag:s1] =	ssyncset.done $0x0  }
0x3d0: {  	[sflag:s1] =	ssyncadd.s32 $0xFFFFFE00  }
0x3d1: {  	_ =	sfence.sel $0x180000  }
0x3d2: {  	[bflag:$0x0] =	sbarrier.arrive $0xFFFF  }
0x3d3: {  	_ =	strace $0x9000004D  }
0x3d4: {  	s0 =	stileid.u32;
	[bflag:$0x2] =	sbarrier.arrive $0xFFFF  }
0x3d5: {  	p0 =	sne.s32 s0, $0x0;
	s0 =	rddreg [dreg:$0x3]  }
0x3d6: {  	s0 =	sadd.s32 @!p0 $0x100000, s0  }
0x3d7: {  	[sflag:s0] =	ssyncadd.tile.s32 @!p0 $0x1;
	_ =	shalt  }
.Lfunc_end2:
_tile_overlayer_lowered:
.L_overlay_start_2:
0x3d8: {  	(tag) =	ssettag $0x2  }
0x3d9: {  	s0 =	rddreg [dreg:$0x0];
	s2 =	stileid.u32  }
0x3da: {  	s1 =	rddreg [dreg:$0x1];
	p0 =	sne.s32 s2, $0x0  }
0x3db: {  	s3 =	rddreg [dreg:$0x2];
	[bflag:$0x3] =	sbarrier.arrive $0xFFFF;
	s2 =	simm.s32 @!p0 $0x1C05  }
0x3dc: {  	[timem:s3], [sflag:s2] =	dma.local @!p0 [hbm:s0], s1  }
0x3dd: {  	s0 =	simm.s32 @!p0 $0x5  }
0x3de: {  	_ =	swait.ge @!p0 [sflag:s0], s1  }
0x3df: {  	s1 =	ssub.s32 @!p0 $0x0, s1;
	[sflag:s0] =	ssyncset.done @!p0 $0x0  }
0x3e0: {  	[sflag:s0] =	ssyncadd.s32 @!p0 s1  }
0x3e1: {  	[bflag:$0x3] =	sbarrier.arrive $0xFFFF  }
0x3e2: {  	_ =	shalt  }

</sc_bundles>
